<compile_context>
chip_gen: v7x
topology: tpu7x:2x2x1
jax: 0.10.2.dev20260603
libtpu: 0.0.44.dev20260713+nightly
codegen_flags: <defaults>
</compile_context>

<pallas_src>
import functools

import jax
import jax.numpy as jnp
from jax import lax
from jax.experimental import pallas as pl
from jax.experimental.pallas import tpu as pltpu
from jax.experimental.pallas import tpu_sc as plsc

N = 10000
E = 320000
D_EMB = 128
D_H1 = 64
D_H2 = 32

NP = 10240
NR = NP // 128
NC = 2
NS = 16
NW = NC * NS
L = 128
RW = 80
E_PAD = NW * RW * L
SRPS = NP // NS

_SC_MESH = dict(core_axis_name="c", subcore_axis_name="s",
                num_cores=NC, num_subcores=NS)
_CP = pltpu.CompilerParams(needs_layout_passes=False)


@functools.cache
def _get_deg_kernel():
    @functools.partial(
        pl.kernel,
        out_type=jax.ShapeDtypeStruct((NW, NR, 128), jnp.float32),
        mesh=plsc.VectorSubcoreMesh(**_SC_MESH),
        compiler_params=_CP,
        scratch_types=[
            pltpu.VMEM((RW, L), jnp.int32),
            pltpu.VMEM((NR, 128), jnp.float32),
        ],
    )
    def deg(dst_hbm, out_hbm, didx, cnt):
        c = lax.axis_index("c")
        s = lax.axis_index("s")
        wid = c * NS + s
        pltpu.sync_copy(dst_hbm.at[pl.ds(wid * RW, RW)], didx)
        zero = jnp.zeros((16,), jnp.float32)

        def zb(r, carry):
            for k in range(8):
                cnt[r, pl.ds(k * 16, 16)] = zero
            return carry

        lax.fori_loop(0, NR, zb, 0)
        ones16 = jnp.ones((16,), jnp.float32)

        def body(j, carry):
            def inner(k, carry2):
                v = didx[j, pl.ds(k * 16, 16)]
                plsc.addupdate_scatter(cnt, [v >> 7, v & 127], ones16)
                return carry2

            lax.fori_loop(0, 8, inner, 0)
            return carry

        lax.fori_loop(0, RW, body, 0)
        plsc.subcore_barrier()
        pltpu.sync_copy(cnt, out_hbm.at[wid])

    return deg


@functools.cache
def _get_agg_kernel():
    @functools.partial(
        pl.kernel,
        out_type=jax.ShapeDtypeStruct((NC, NP, 128), jnp.float32),
        mesh=plsc.VectorSubcoreMesh(**_SC_MESH),
        compiler_params=_CP,
        scratch_types=[
            pltpu.VMEM((RW, L), jnp.int32),
            pltpu.VMEM((RW, L), jnp.int32),
            pltpu.VMEM((L, 128), jnp.float32),
            pltpu.VMEM_SHARED((NP, 128), jnp.float32),
        ],
    )
    def agg(g_hbm, src_hbm, dst_hbm, out_hbm, sidx, didx, rows, acc):
        c = lax.axis_index("c")
        s = lax.axis_index("s")
        wid = c * NS + s
        zero = jnp.zeros((16,), jnp.float32)

        def zb(r, carry):
            for k in range(8):
                rows[r, pl.ds(k * 16, 16)] = zero
            return carry

        lax.fori_loop(0, L, zb, 0)
        for i in range(SRPS // L):
            pltpu.sync_copy(rows, acc.at[pl.ds(s * SRPS + i * L, L)])
        pltpu.sync_copy(src_hbm.at[pl.ds(wid * RW, RW)], sidx)
        pltpu.sync_copy(dst_hbm.at[pl.ds(wid * RW, RW)], didx)
        plsc.subcore_barrier()

        def body(j, carry):
            pltpu.sync_copy(g_hbm.at[sidx.at[j]], rows)
            pltpu.sync_copy(rows, acc.at[didx.at[j]], add=True)
            return carry

        lax.fori_loop(0, RW, body, 0)
        plsc.subcore_barrier()
        pltpu.sync_copy(acc.at[pl.ds(s * SRPS, SRPS)],
                        out_hbm.at[c, pl.ds(s * SRPS, SRPS)])

    return agg


_DP = 8
_HB = RW // 2


@functools.cache
def _get_decode_kernel():
    @functools.partial(
        pl.kernel,
        out_type=jax.ShapeDtypeStruct((E_PAD // L, 128), jnp.float32),
        mesh=plsc.VectorSubcoreMesh(**_SC_MESH),
        compiler_params=_CP,
        scratch_types=[
            pltpu.VMEM((_HB, L), jnp.int32),
            pltpu.VMEM((_HB, L), jnp.int32),
            pltpu.VMEM((_DP, NP), jnp.float32),
            pltpu.VMEM((_HB, L), jnp.float32),
        ],
    )
    def decode(zt_hbm, src_hbm, dst_hbm, out_hbm, idx0, idx1, planes, acc):
        c = lax.axis_index("c")
        s = lax.axis_index("s")
        wid = c * NS + s
        zero = jnp.zeros((16,), jnp.float32)

        for h in range(2):
            rbase = wid * RW + h * _HB
            pltpu.sync_copy(src_hbm.at[pl.ds(rbase, _HB)], idx0)
            pltpu.sync_copy(dst_hbm.at[pl.ds(rbase, _HB)], idx1)

            def zb(r, carry):
                for k in range(8):
                    acc[r, pl.ds(k * 16, 16)] = zero
                return carry

            lax.fori_loop(0, _HB, zb, 0)
            for p in range(D_H2 // _DP):
                pltpu.sync_copy(zt_hbm.at[pl.ds(p * _DP, _DP)], planes)

                def body(j, carry):
                    def inner(k, carry2):
                        a0 = idx0[j, pl.ds(k * 16, 16)]
                        a1 = idx1[j, pl.ds(k * 16, 16)]
                        t0 = acc[j, pl.ds(k * 16, 16)]
                        t1 = jnp.zeros((16,), jnp.float32)
                        for d in range(0, _DP, 2):
                            dv0 = jnp.full((16,), d, jnp.int32)
                            dv1 = jnp.full((16,), d + 1, jnp.int32)
                            t0 = t0 + (plsc.load_gather(planes, [dv0, a0])
                                       * plsc.load_gather(planes, [dv0, a1]))
                            t1 = t1 + (plsc.load_gather(planes, [dv1, a0])
                                       * plsc.load_gather(planes, [dv1, a1]))
                        acc[j, pl.ds(k * 16, 16)] = t0 + t1
                        return carry2

                    lax.fori_loop(0, 8, inner, 0)
                    return carry

                lax.fori_loop(0, _HB, body, 0)

            def sg(j, carry):
                for k in range(8):
                    t = acc[j, pl.ds(k * 16, 16)]
                    acc[j, pl.ds(k * 16, 16)] = 1.0 / (1.0 + jnp.exp(-t))
                return carry

            lax.fori_loop(0, _HB, sg, 0)
            plsc.subcore_barrier()
            pltpu.sync_copy(acc, out_hbm.at[pl.ds(rbase, _HB)])

    return decode


def _dinv128(deg80):
    dinv = lax.rsqrt(deg80)
    tiled = jnp.broadcast_to(dinv[:, None, :], (NR, 128, 128)).reshape(NP, 128)
    row = lax.broadcasted_iota(jnp.int32, (NP, 128), 0)
    col = lax.broadcasted_iota(jnp.int32, (NP, 128), 1)
    masked = jnp.where((row % 128) == col, tiled, 0.0)
    ones = jnp.ones((128, 128), jnp.float32)
    return jnp.dot(masked, ones, preferred_element_type=jnp.float32)


def _enc1_body(degp_ref, emb_ref, w1_ref, g1_ref, dinv_ref):
    deg = jnp.sum(degp_ref[...], axis=0) + 1.0
    dinv = _dinv128(deg)
    h1 = jnp.dot(emb_ref[...], w1_ref[...], preferred_element_type=jnp.float32)
    g1 = h1 * dinv[:, :D_H1]
    g1_ref[...] = jnp.concatenate([g1, g1], axis=1)
    dinv_ref[...] = dinv


_enc1 = pl.pallas_call(
    _enc1_body,
    out_shape=(
        jax.ShapeDtypeStruct((NP, 128), jnp.float32),
        jax.ShapeDtypeStruct((NP, 128), jnp.float32),
    ),
)


def _enc2_body(p_ref, g1_ref, dinv_ref, b1_ref, w2_ref, g2_ref):
    dinv = dinv_ref[...]
    psum = p_ref[0, :, :D_H1] + p_ref[1, :, :D_H1] + g1_ref[:, :D_H1]
    x1 = jnp.maximum(psum * dinv[:, :D_H1] + b1_ref[...], 0.0)
    h2 = jnp.dot(x1, w2_ref[...], preferred_element_type=jnp.float32)
    g2 = h2 * dinv[:, :D_H2]
    g2_ref[...] = jnp.concatenate([g2, g2, g2, g2], axis=1)


_enc2 = pl.pallas_call(
    _enc2_body,
    out_shape=jax.ShapeDtypeStruct((NP, 128), jnp.float32),
)


def _enc3_body(q_ref, g2_ref, dinv_ref, b2_ref, zt_ref):
    qsum = q_ref[0, :, :D_H2] + q_ref[1, :, :D_H2] + g2_ref[:, :D_H2]
    z = qsum * dinv_ref[:, :D_H2] + b2_ref[...]
    row = lax.broadcasted_iota(jnp.int32, (128, 128), 0)
    col = lax.broadcasted_iota(jnp.int32, (128, 128), 1)
    eye = jnp.where(row == col, 1.0, 0.0)
    dn = (((0,), (0,)), ((), ()))
    for b in range(NR):
        blk = z[b * 128:(b + 1) * 128, :]
        zt_ref[:, b * 128:(b + 1) * 128] = lax.dot_general(
            blk, eye, dn, preferred_element_type=jnp.float32)


_enc3 = pl.pallas_call(
    _enc3_body,
    out_shape=jax.ShapeDtypeStruct((D_H2, NP), jnp.float32),
)


def kernel(edge_index, emb, W1, b1, W2, b2):
    n_fake = E_PAD - E
    fake = N + jnp.arange(n_fake, dtype=jnp.int32) % (NP - N)
    src2 = jnp.concatenate([edge_index[0], fake]).reshape(E_PAD // L, L)
    dst2 = jnp.concatenate([edge_index[1], fake]).reshape(E_PAD // L, L)
    emb_pad = jnp.pad(emb, ((0, NP - N), (0, 0)))

    degp = _get_deg_kernel()(dst2)
    g1dup, dinv = _enc1(degp, emb_pad, W1)
    P = _get_agg_kernel()(g1dup, src2, dst2)
    g2dup = _enc2(P, g1dup, dinv, b1.reshape(1, D_H1), W2)
    Q = _get_agg_kernel()(g2dup, src2, dst2)
    zt = _enc3(Q, g2dup, dinv, b2.reshape(1, D_H2))
    probs2d = _get_decode_kernel()(zt, src2, dst2)
    return probs2d.reshape(E_PAD)[:E]

# --- scband reference (transcript-rebuilt; emitter-appended) ---
"""Pipeline reference for scband-gnnmodel-18245021073918 (READ-ONLY COPY).

The authoritative reference and input builder live on the scoring server;
editing this copy changes nothing except your own understanding.
"""

import jax, jax.numpy as jnp
import numpy as np

N = 10000
E = 320000
D_EMB = 128
D_H1 = 64
D_H2 = 32


def setup_inputs(seed: int = 0) -> dict:
    key = jax.random.key(seed)
    k1, k2, k3, k4 = jax.random.split(key, 4)
    edge_index = jax.random.randint(k1, (2, E), 0, N, dtype=jnp.int32)
    emb = jax.random.normal(k2, (N, D_EMB), dtype=jnp.float32) * 0.1
    W1 = jax.random.normal(k3, (D_EMB, D_H1), dtype=jnp.float32) * (1.0 / np.sqrt(D_EMB))
    b1 = jnp.zeros((D_H1,), dtype=jnp.float32)
    W2 = jax.random.normal(k4, (D_H1, D_H2), dtype=jnp.float32) * (1.0 / np.sqrt(D_H1))
    b2 = jnp.zeros((D_H2,), dtype=jnp.float32)
    return {"edge_index": edge_index, "emb": emb, "W1": W1, "b1": b1, "W2": W2, "b2": b2}


def _gcn_conv(x, W, b, src, dst, norm, n):
    h = x @ W
    msg = h[src] * norm[:, None]
    out = jax.ops.segment_sum(msg, dst, num_segments=n)
    return out + b


def reference(edge_index, emb, W1, b1, W2, b2):
    # GCNConv with added self-loops and symmetric normalization (PyG semantics)
    loops = jnp.arange(N, dtype=edge_index.dtype)
    src = jnp.concatenate([edge_index[0], loops])
    dst = jnp.concatenate([edge_index[1], loops])
    deg = jax.ops.segment_sum(jnp.ones_like(src, dtype=jnp.float32), dst, num_segments=N)
    dinv = jnp.where(deg > 0, 1.0 / jnp.sqrt(jnp.clip(deg, 1e-12)), 0.0)
    norm = dinv[src] * dinv[dst]
    # encode
    x1 = jax.nn.relu(_gcn_conv(emb, W1, b1, src, dst, norm, N))
    z = _gcn_conv(x1, W2, b2, src, dst, norm, N)
    # decode: per-edge dot-product link probability
    probs = jax.nn.sigmoid(jnp.sum(z[edge_index[0]] * z[edge_index[1]], axis=1))
    return probs

if __name__ == "__main__":
    import jax
    _d = setup_inputs()
    print(jax.jit(kernel)(*tuple(_d.values())))

</pallas_src>

<mosaic_0001>
#map = affine_map<(d0, d1) -> (0, 0)>
#map1 = affine_map<(d0, d1) -> (0, 0, 0)>
module attributes {stable_mosaic.version = 14 : i64} {
  func.func @agg(%arg0: i32, %arg1: i32, %arg2: memref<10240x128xf32, #tpu.memory_space<hbm>>, %arg3: memref<2560x128xi32, #tpu.memory_space<hbm>>, %arg4: memref<2560x128xi32, #tpu.memory_space<hbm>>, %arg5: memref<2x10240x128xf32, #tpu.memory_space<hbm>>, %arg6: memref<80x128xi32, #tpu.memory_space<vmem>>, %arg7: memref<80x128xi32, #tpu.memory_space<vmem>>, %arg8: memref<128x128xf32, #tpu.memory_space<vmem>>, %arg9: memref<10240x128xf32, #tpu.memory_space<vmem_shared>>) attributes {dimension_semantics = [#tpu.dimension_semantics<core_parallel>, #tpu.dimension_semantics<subcore_parallel>], iteration_bounds = array<i64: 2, 16>, scalar_prefetch = 0 : i64, scratch_operands = 4 : i64, tpu.core_type = #tpu.core_type<sc_vector_subcore>, window_params = [{transform_indices = #map}, {transform_indices = #map}, {transform_indices = #map}, {transform_indices = #map1}]} {
    %mul3A = arith.constant 16 : i32
    %mul3A_0 = arith.muli %arg0, %mul3A : i32
    %add3A = arith.addi %mul3A_0, %arg1 : i32
    %broadcast_in_dim3A = arith.constant 0.000000e+00 : f32
    %broadcast_in_dim3A_1 = vector.broadcast %broadcast_in_dim3A : f32 to vector<16xf32>
    %scan3A = arith.constant 0 : i32
    %scan3A_2 = arith.constant 0 : i32
    %scan3A_3 = arith.constant 128 : i32
    %scan3A_4 = arith.addi %scan3A_2, %scan3A_3 : i32
    %scan3A_5 = arith.constant 1 : i32
    scf.for %scan3A_42 = %scan3A_2 to %scan3A_4 step %scan3A_5  : i32 {
      %swap3A = arith.index_cast %scan3A_42 : i32 to index
      %swap3A_43 = arith.constant 0 : index
      %swap3A_44 = tpu.vector_load %arg8[%swap3A, %swap3A_43] {strides = array<i32>} : memref<128x128xf32, #tpu.memory_space<vmem>>, vector<16xf32>,
      tpu.vector_store %arg8[%swap3A, %swap3A_43], %broadcast_in_dim3A_1 {strides = array<i32>} : memref<128x128xf32, #tpu.memory_space<vmem>>, vector<16xf32>,
      %swap3A_45 = arith.index_cast %scan3A_42 : i32 to index
      %swap3A_46 = arith.constant 16 : index
      %swap3A_47 = tpu.vector_load %arg8[%swap3A_45, %swap3A_46] {strides = array<i32>} : memref<128x128xf32, #tpu.memory_space<vmem>>, vector<16xf32>,
      tpu.vector_store %arg8[%swap3A_45, %swap3A_46], %broadcast_in_dim3A_1 {strides = array<i32>} : memref<128x128xf32, #tpu.memory_space<vmem>>, vector<16xf32>,
      %swap3A_48 = arith.index_cast %scan3A_42 : i32 to index
      %swap3A_49 = arith.constant 32 : index
      %swap3A_50 = tpu.vector_load %arg8[%swap3A_48, %swap3A_49] {strides = array<i32>} : memref<128x128xf32, #tpu.memory_space<vmem>>, vector<16xf32>,
      tpu.vector_store %arg8[%swap3A_48, %swap3A_49], %broadcast_in_dim3A_1 {strides = array<i32>} : memref<128x128xf32, #tpu.memory_space<vmem>>, vector<16xf32>,
      %swap3A_51 = arith.index_cast %scan3A_42 : i32 to index
      %swap3A_52 = arith.constant 48 : index
      %swap3A_53 = tpu.vector_load %arg8[%swap3A_51, %swap3A_52] {strides = array<i32>} : memref<128x128xf32, #tpu.memory_space<vmem>>, vector<16xf32>,
      tpu.vector_store %arg8[%swap3A_51, %swap3A_52], %broadcast_in_dim3A_1 {strides = array<i32>} : memref<128x128xf32, #tpu.memory_space<vmem>>, vector<16xf32>,
      %swap3A_54 = arith.index_cast %scan3A_42 : i32 to index
      %swap3A_55 = arith.constant 64 : index
      %swap3A_56 = tpu.vector_load %arg8[%swap3A_54, %swap3A_55] {strides = array<i32>} : memref<128x128xf32, #tpu.memory_space<vmem>>, vector<16xf32>,
      tpu.vector_store %arg8[%swap3A_54, %swap3A_55], %broadcast_in_dim3A_1 {strides = array<i32>} : memref<128x128xf32, #tpu.memory_space<vmem>>, vector<16xf32>,
      %swap3A_57 = arith.index_cast %scan3A_42 : i32 to index
      %swap3A_58 = arith.constant 80 : index
      %swap3A_59 = tpu.vector_load %arg8[%swap3A_57, %swap3A_58] {strides = array<i32>} : memref<128x128xf32, #tpu.memory_space<vmem>>, vector<16xf32>,
      tpu.vector_store %arg8[%swap3A_57, %swap3A_58], %broadcast_in_dim3A_1 {strides = array<i32>} : memref<128x128xf32, #tpu.memory_space<vmem>>, vector<16xf32>,
      %swap3A_60 = arith.index_cast %scan3A_42 : i32 to index
      %swap3A_61 = arith.constant 96 : index
      %swap3A_62 = tpu.vector_load %arg8[%swap3A_60, %swap3A_61] {strides = array<i32>} : memref<128x128xf32, #tpu.memory_space<vmem>>, vector<16xf32>,
      tpu.vector_store %arg8[%swap3A_60, %swap3A_61], %broadcast_in_dim3A_1 {strides = array<i32>} : memref<128x128xf32, #tpu.memory_space<vmem>>, vector<16xf32>,
      %swap3A_63 = arith.index_cast %scan3A_42 : i32 to index
      %swap3A_64 = arith.constant 112 : index
      %swap3A_65 = tpu.vector_load %arg8[%swap3A_63, %swap3A_64] {strides = array<i32>} : memref<128x128xf32, #tpu.memory_space<vmem>>, vector<16xf32>,
      tpu.vector_store %arg8[%swap3A_63, %swap3A_64], %broadcast_in_dim3A_1 {strides = array<i32>} : memref<128x128xf32, #tpu.memory_space<vmem>>, vector<16xf32>,
    }
    %scan3A_6 = arith.constant 128 : i32
    %mul3A_7 = arith.constant 640 : i32
    %mul3A_8 = arith.muli %arg1, %mul3A_7 : i32
    %add3A_9 = arith.constant 0 : i32
    %add3A_10 = arith.addi %mul3A_8, %add3A_9 : i32
    "tpu.region"() ({
      %run_scoped3A = tpu.sem_alloc : memref<!tpu.dma_semaphore, #tpu.memory_space<semaphore_mem>>
      %dma_start3A = arith.constant 0 : i32
      %dma_start3A_42 = tpu.memref_slice %arg9[%add3A_10, %dma_start3A] : memref<10240x128xf32, #tpu.memory_space<vmem_shared>> -> memref<128x128xf32, #tpu.memory_space<vmem_shared>>
      %dma_start3A_43 = arith.constant 0 : i32
      %dma_start3A_44 = tpu.memref_slice %arg9[%add3A_10, %dma_start3A_43] : memref<10240x128xf32, #tpu.memory_space<vmem_shared>> -> memref<128x128xf32, #tpu.memory_space<vmem_shared>>
      tpu.enqueue_dma source(%arg8 : memref<128x128xf32, #tpu.memory_space<vmem>>) target(%dma_start3A_44 : memref<128x128xf32, #tpu.memory_space<vmem_shared>>) target_semaphore(%run_scoped3A : memref<!tpu.dma_semaphore, #tpu.memory_space<semaphore_mem>>)
      %dma_wait3A = arith.constant 0 : i32
      %dma_wait3A_45 = tpu.memref_slice %arg9[%add3A_10, %dma_wait3A] : memref<10240x128xf32, #tpu.memory_space<vmem_shared>> -> memref<128x128xf32, #tpu.memory_space<vmem_shared>>
      %dma_wait3A_46 = arith.constant 0 : i32
      %dma_wait3A_47 = tpu.memref_slice %arg9[%add3A_10, %dma_wait3A_46] : memref<10240x128xf32, #tpu.memory_space<vmem_shared>> -> memref<128x128xf32, #tpu.memory_space<vmem_shared>>
      tpu.wait_dma2 semaphore(%run_scoped3A : memref<!tpu.dma_semaphore, #tpu.memory_space<semaphore_mem>>) src(%arg8 : memref<128x128xf32, #tpu.memory_space<vmem>>) dst(%dma_wait3A_47 : memref<128x128xf32, #tpu.memory_space<vmem_shared>>)
      tpu.yield
    }) : () -> ()
    %mul3A_11 = arith.constant 640 : i32
    %mul3A_12 = arith.muli %arg1, %mul3A_11 : i32
    %add3A_13 = arith.constant 128 : i32
    %add3A_14 = arith.addi %mul3A_12, %add3A_13 : i32
    "tpu.region"() ({
      %run_scoped3A = tpu.sem_alloc : memref<!tpu.dma_semaphore, #tpu.memory_space<semaphore_mem>>
      %dma_start3A = arith.constant 0 : i32
      %dma_start3A_42 = tpu.memref_slice %arg9[%add3A_14, %dma_start3A] : memref<10240x128xf32, #tpu.memory_space<vmem_shared>> -> memref<128x128xf32, #tpu.memory_space<vmem_shared>>
      %dma_start3A_43 = arith.constant 0 : i32
      %dma_start3A_44 = tpu.memref_slice %arg9[%add3A_14, %dma_start3A_43] : memref<10240x128xf32, #tpu.memory_space<vmem_shared>> -> memref<128x128xf32, #tpu.memory_space<vmem_shared>>
      tpu.enqueue_dma source(%arg8 : memref<128x128xf32, #tpu.memory_space<vmem>>) target(%dma_start3A_44 : memref<128x128xf32, #tpu.memory_space<vmem_shared>>) target_semaphore(%run_scoped3A : memref<!tpu.dma_semaphore, #tpu.memory_space<semaphore_mem>>)
      %dma_wait3A = arith.constant 0 : i32
      %dma_wait3A_45 = tpu.memref_slice %arg9[%add3A_14, %dma_wait3A] : memref<10240x128xf32, #tpu.memory_space<vmem_shared>> -> memref<128x128xf32, #tpu.memory_space<vmem_shared>>
      %dma_wait3A_46 = arith.constant 0 : i32
      %dma_wait3A_47 = tpu.memref_slice %arg9[%add3A_14, %dma_wait3A_46] : memref<10240x128xf32, #tpu.memory_space<vmem_shared>> -> memref<128x128xf32, #tpu.memory_space<vmem_shared>>
      tpu.wait_dma2 semaphore(%run_scoped3A : memref<!tpu.dma_semaphore, #tpu.memory_space<semaphore_mem>>) src(%arg8 : memref<128x128xf32, #tpu.memory_space<vmem>>) dst(%dma_wait3A_47 : memref<128x128xf32, #tpu.memory_space<vmem_shared>>)
      tpu.yield
    }) : () -> ()
    %mul3A_15 = arith.constant 640 : i32
    %mul3A_16 = arith.muli %arg1, %mul3A_15 : i32
    %add3A_17 = arith.constant 256 : i32
    %add3A_18 = arith.addi %mul3A_16, %add3A_17 : i32
    "tpu.region"() ({
      %run_scoped3A = tpu.sem_alloc : memref<!tpu.dma_semaphore, #tpu.memory_space<semaphore_mem>>
      %dma_start3A = arith.constant 0 : i32
      %dma_start3A_42 = tpu.memref_slice %arg9[%add3A_18, %dma_start3A] : memref<10240x128xf32, #tpu.memory_space<vmem_shared>> -> memref<128x128xf32, #tpu.memory_space<vmem_shared>>
      %dma_start3A_43 = arith.constant 0 : i32
      %dma_start3A_44 = tpu.memref_slice %arg9[%add3A_18, %dma_start3A_43] : memref<10240x128xf32, #tpu.memory_space<vmem_shared>> -> memref<128x128xf32, #tpu.memory_space<vmem_shared>>
      tpu.enqueue_dma source(%arg8 : memref<128x128xf32, #tpu.memory_space<vmem>>) target(%dma_start3A_44 : memref<128x128xf32, #tpu.memory_space<vmem_shared>>) target_semaphore(%run_scoped3A : memref<!tpu.dma_semaphore, #tpu.memory_space<semaphore_mem>>)
      %dma_wait3A = arith.constant 0 : i32
      %dma_wait3A_45 = tpu.memref_slice %arg9[%add3A_18, %dma_wait3A] : memref<10240x128xf32, #tpu.memory_space<vmem_shared>> -> memref<128x128xf32, #tpu.memory_space<vmem_shared>>
      %dma_wait3A_46 = arith.constant 0 : i32
      %dma_wait3A_47 = tpu.memref_slice %arg9[%add3A_18, %dma_wait3A_46] : memref<10240x128xf32, #tpu.memory_space<vmem_shared>> -> memref<128x128xf32, #tpu.memory_space<vmem_shared>>
      tpu.wait_dma2 semaphore(%run_scoped3A : memref<!tpu.dma_semaphore, #tpu.memory_space<semaphore_mem>>) src(%arg8 : memref<128x128xf32, #tpu.memory_space<vmem>>) dst(%dma_wait3A_47 : memref<128x128xf32, #tpu.memory_space<vmem_shared>>)
      tpu.yield
    }) : () -> ()
    %mul3A_19 = arith.constant 640 : i32
    %mul3A_20 = arith.muli %arg1, %mul3A_19 : i32
    %add3A_21 = arith.constant 384 : i32
    %add3A_22 = arith.addi %mul3A_20, %add3A_21 : i32
    "tpu.region"() ({
      %run_scoped3A = tpu.sem_alloc : memref<!tpu.dma_semaphore, #tpu.memory_space<semaphore_mem>>
      %dma_start3A = arith.constant 0 : i32
      %dma_start3A_42 = tpu.memref_slice %arg9[%add3A_22, %dma_start3A] : memref<10240x128xf32, #tpu.memory_space<vmem_shared>> -> memref<128x128xf32, #tpu.memory_space<vmem_shared>>
      %dma_start3A_43 = arith.constant 0 : i32
      %dma_start3A_44 = tpu.memref_slice %arg9[%add3A_22, %dma_start3A_43] : memref<10240x128xf32, #tpu.memory_space<vmem_shared>> -> memref<128x128xf32, #tpu.memory_space<vmem_shared>>
      tpu.enqueue_dma source(%arg8 : memref<128x128xf32, #tpu.memory_space<vmem>>) target(%dma_start3A_44 : memref<128x128xf32, #tpu.memory_space<vmem_shared>>) target_semaphore(%run_scoped3A : memref<!tpu.dma_semaphore, #tpu.memory_space<semaphore_mem>>)
      %dma_wait3A = arith.constant 0 : i32
      %dma_wait3A_45 = tpu.memref_slice %arg9[%add3A_22, %dma_wait3A] : memref<10240x128xf32, #tpu.memory_space<vmem_shared>> -> memref<128x128xf32, #tpu.memory_space<vmem_shared>>
      %dma_wait3A_46 = arith.constant 0 : i32
      %dma_wait3A_47 = tpu.memref_slice %arg9[%add3A_22, %dma_wait3A_46] : memref<10240x128xf32, #tpu.memory_space<vmem_shared>> -> memref<128x128xf32, #tpu.memory_space<vmem_shared>>
      tpu.wait_dma2 semaphore(%run_scoped3A : memref<!tpu.dma_semaphore, #tpu.memory_space<semaphore_mem>>) src(%arg8 : memref<128x128xf32, #tpu.memory_space<vmem>>) dst(%dma_wait3A_47 : memref<128x128xf32, #tpu.memory_space<vmem_shared>>)
      tpu.yield
    }) : () -> ()
    %mul3A_23 = arith.constant 640 : i32
    %mul3A_24 = arith.muli %arg1, %mul3A_23 : i32
    %add3A_25 = arith.constant 512 : i32
    %add3A_26 = arith.addi %mul3A_24, %add3A_25 : i32
    "tpu.region"() ({
      %run_scoped3A = tpu.sem_alloc : memref<!tpu.dma_semaphore, #tpu.memory_space<semaphore_mem>>
      %dma_start3A = arith.constant 0 : i32
      %dma_start3A_42 = tpu.memref_slice %arg9[%add3A_26, %dma_start3A] : memref<10240x128xf32, #tpu.memory_space<vmem_shared>> -> memref<128x128xf32, #tpu.memory_space<vmem_shared>>
      %dma_start3A_43 = arith.constant 0 : i32
      %dma_start3A_44 = tpu.memref_slice %arg9[%add3A_26, %dma_start3A_43] : memref<10240x128xf32, #tpu.memory_space<vmem_shared>> -> memref<128x128xf32, #tpu.memory_space<vmem_shared>>
      tpu.enqueue_dma source(%arg8 : memref<128x128xf32, #tpu.memory_space<vmem>>) target(%dma_start3A_44 : memref<128x128xf32, #tpu.memory_space<vmem_shared>>) target_semaphore(%run_scoped3A : memref<!tpu.dma_semaphore, #tpu.memory_space<semaphore_mem>>)
      %dma_wait3A = arith.constant 0 : i32
      %dma_wait3A_45 = tpu.memref_slice %arg9[%add3A_26, %dma_wait3A] : memref<10240x128xf32, #tpu.memory_space<vmem_shared>> -> memref<128x128xf32, #tpu.memory_space<vmem_shared>>
      %dma_wait3A_46 = arith.constant 0 : i32
      %dma_wait3A_47 = tpu.memref_slice %arg9[%add3A_26, %dma_wait3A_46] : memref<10240x128xf32, #tpu.memory_space<vmem_shared>> -> memref<128x128xf32, #tpu.memory_space<vmem_shared>>
      tpu.wait_dma2 semaphore(%run_scoped3A : memref<!tpu.dma_semaphore, #tpu.memory_space<semaphore_mem>>) src(%arg8 : memref<128x128xf32, #tpu.memory_space<vmem>>) dst(%dma_wait3A_47 : memref<128x128xf32, #tpu.memory_space<vmem_shared>>)
      tpu.yield
    }) : () -> ()
    %mul3A_27 = arith.constant 80 : i32
    %mul3A_28 = arith.muli %add3A, %mul3A_27 : i32
    "tpu.region"() ({
      %run_scoped3A = tpu.sem_alloc : memref<!tpu.dma_semaphore, #tpu.memory_space<semaphore_mem>>
      %dma_start3A = arith.constant 0 : i32
      %dma_start3A_42 = tpu.memref_slice %arg3[%mul3A_28, %dma_start3A] : memref<2560x128xi32, #tpu.memory_space<hbm>> -> memref<80x128xi32, #tpu.memory_space<hbm>>
      %dma_start3A_43 = arith.constant 0 : i32
      %dma_start3A_44 = tpu.memref_slice %arg3[%mul3A_28, %dma_start3A_43] : memref<2560x128xi32, #tpu.memory_space<hbm>> -> memref<80x128xi32, #tpu.memory_space<hbm>>
      tpu.enqueue_dma source(%dma_start3A_44 : memref<80x128xi32, #tpu.memory_space<hbm>>) target(%arg6 : memref<80x128xi32, #tpu.memory_space<vmem>>) target_semaphore(%run_scoped3A : memref<!tpu.dma_semaphore, #tpu.memory_space<semaphore_mem>>)
      %dma_wait3A = arith.constant 0 : i32
      %dma_wait3A_45 = tpu.memref_slice %arg3[%mul3A_28, %dma_wait3A] : memref<2560x128xi32, #tpu.memory_space<hbm>> -> memref<80x128xi32, #tpu.memory_space<hbm>>
      %dma_wait3A_46 = arith.constant 0 : i32
      %dma_wait3A_47 = tpu.memref_slice %arg3[%mul3A_28, %dma_wait3A_46] : memref<2560x128xi32, #tpu.memory_space<hbm>> -> memref<80x128xi32, #tpu.memory_space<hbm>>
      tpu.wait_dma2 semaphore(%run_scoped3A : memref<!tpu.dma_semaphore, #tpu.memory_space<semaphore_mem>>) src(%dma_wait3A_47 : memref<80x128xi32, #tpu.memory_space<hbm>>) dst(%arg6 : memref<80x128xi32, #tpu.memory_space<vmem>>)
      tpu.yield
    }) : () -> ()
    %mul3A_29 = arith.constant 80 : i32
    %mul3A_30 = arith.muli %add3A, %mul3A_29 : i32
    "tpu.region"() ({
      %run_scoped3A = tpu.sem_alloc : memref<!tpu.dma_semaphore, #tpu.memory_space<semaphore_mem>>
      %dma_start3A = arith.constant 0 : i32
      %dma_start3A_42 = tpu.memref_slice %arg4[%mul3A_30, %dma_start3A] : memref<2560x128xi32, #tpu.memory_space<hbm>> -> memref<80x128xi32, #tpu.memory_space<hbm>>
      %dma_start3A_43 = arith.constant 0 : i32
      %dma_start3A_44 = tpu.memref_slice %arg4[%mul3A_30, %dma_start3A_43] : memref<2560x128xi32, #tpu.memory_space<hbm>> -> memref<80x128xi32, #tpu.memory_space<hbm>>
      tpu.enqueue_dma source(%dma_start3A_44 : memref<80x128xi32, #tpu.memory_space<hbm>>) target(%arg7 : memref<80x128xi32, #tpu.memory_space<vmem>>) target_semaphore(%run_scoped3A : memref<!tpu.dma_semaphore, #tpu.memory_space<semaphore_mem>>)
      %dma_wait3A = arith.constant 0 : i32
      %dma_wait3A_45 = tpu.memref_slice %arg4[%mul3A_30, %dma_wait3A] : memref<2560x128xi32, #tpu.memory_space<hbm>> -> memref<80x128xi32, #tpu.memory_space<hbm>>
      %dma_wait3A_46 = arith.constant 0 : i32
      %dma_wait3A_47 = tpu.memref_slice %arg4[%mul3A_30, %dma_wait3A_46] : memref<2560x128xi32, #tpu.memory_space<hbm>> -> memref<80x128xi32, #tpu.memory_space<hbm>>
      tpu.wait_dma2 semaphore(%run_scoped3A : memref<!tpu.dma_semaphore, #tpu.memory_space<semaphore_mem>>) src(%dma_wait3A_47 : memref<80x128xi32, #tpu.memory_space<hbm>>) dst(%arg7 : memref<80x128xi32, #tpu.memory_space<vmem>>)
      tpu.yield
    }) : () -> ()
    %barrier3A = arith.constant 0 : index
    tpu.barrier barrier_id(%barrier3A)
    %scan3A_31 = arith.constant 0 : i32
    %scan3A_32 = arith.constant 0 : i32
    %scan3A_33 = arith.constant 80 : i32
    %scan3A_34 = arith.addi %scan3A_32, %scan3A_33 : i32
    %scan3A_35 = arith.constant 1 : i32
    scf.for %scan3A_42 = %scan3A_32 to %scan3A_34 step %scan3A_35  : i32 {
      "tpu.region"() ({
        %run_scoped3A = tpu.sem_alloc : memref<!tpu.dma_semaphore, #tpu.memory_space<semaphore_mem>>
        %dma_start3A = arith.constant 0 : i32
        %dma_start3A_43 = tpu.memref_slice %arg6[%scan3A_42, %dma_start3A] : memref<80x128xi32, #tpu.memory_space<vmem>> -> memref<1x128xi32, #tpu.memory_space<vmem>>
        %dma_start3A_44 = tpu.memref_squeeze %dma_start3A_43 : memref<1x128xi32, #tpu.memory_space<vmem>> -> memref<128xi32, #tpu.memory_space<vmem>>
        %dma_start3A_45 = arith.constant 0 : i32
        %dma_start3A_46 = arith.constant 0 : i32
        %dma_start3A_47 = tpu.memref_slice %arg2[%dma_start3A_45, %dma_start3A_46] : memref<10240x128xf32, #tpu.memory_space<hbm>> -> memref<10240x128xf32, #tpu.memory_space<hbm>>
        tpu.enqueue_indirect_dma source(%dma_start3A_47 : memref<10240x128xf32, #tpu.memory_space<hbm>>) target(%arg8 : memref<128x128xf32, #tpu.memory_space<vmem>>) offsets(%dma_start3A_44 : memref<128xi32, #tpu.memory_space<vmem>>) semaphore(%run_scoped3A : memref<!tpu.dma_semaphore, #tpu.memory_space<semaphore_mem>>)
        %dma_wait3A = arith.constant 0 : i32
        %dma_wait3A_48 = tpu.memref_slice %arg6[%scan3A_42, %dma_wait3A] : memref<80x128xi32, #tpu.memory_space<vmem>> -> memref<1x128xi32, #tpu.memory_space<vmem>>
        %dma_wait3A_49 = tpu.memref_squeeze %dma_wait3A_48 : memref<1x128xi32, #tpu.memory_space<vmem>> -> memref<128xi32, #tpu.memory_space<vmem>>
        %dma_wait3A_50 = arith.constant 0 : i32
        %dma_wait3A_51 = arith.constant 0 : i32
        %dma_wait3A_52 = tpu.memref_slice %arg2[%dma_wait3A_50, %dma_wait3A_51] : memref<10240x128xf32, #tpu.memory_space<hbm>> -> memref<10240x128xf32, #tpu.memory_space<hbm>>
        tpu.wait_indirect_dma semaphore(%run_scoped3A : memref<!tpu.dma_semaphore, #tpu.memory_space<semaphore_mem>>) src(%dma_wait3A_52 : memref<10240x128xf32, #tpu.memory_space<hbm>>) dst(%arg8 : memref<128x128xf32, #tpu.memory_space<vmem>>)
        tpu.yield
      }) : () -> ()
      "tpu.region"() ({
        %run_scoped3A = tpu.sem_alloc : memref<!tpu.dma_semaphore, #tpu.memory_space<semaphore_mem>>
        %dma_start3A = arith.constant 0 : i32
        %dma_start3A_43 = tpu.memref_slice %arg7[%scan3A_42, %dma_start3A] : memref<80x128xi32, #tpu.memory_space<vmem>> -> memref<1x128xi32, #tpu.memory_space<vmem>>
        %dma_start3A_44 = tpu.memref_squeeze %dma_start3A_43 : memref<1x128xi32, #tpu.memory_space<vmem>> -> memref<128xi32, #tpu.memory_space<vmem>>
        %dma_start3A_45 = arith.constant 0 : i32
        %dma_start3A_46 = arith.constant 0 : i32
        %dma_start3A_47 = tpu.memref_slice %arg9[%dma_start3A_45, %dma_start3A_46] : memref<10240x128xf32, #tpu.memory_space<vmem_shared>> -> memref<10240x128xf32, #tpu.memory_space<vmem_shared>>
        tpu.enqueue_indirect_dma source(%arg8 : memref<128x128xf32, #tpu.memory_space<vmem>>) target(%dma_start3A_47 : memref<10240x128xf32, #tpu.memory_space<vmem_shared>>) offsets(%dma_start3A_44 : memref<128xi32, #tpu.memory_space<vmem>>) semaphore(%run_scoped3A : memref<!tpu.dma_semaphore, #tpu.memory_space<semaphore_mem>>) {add = true}
        %dma_wait3A = arith.constant 0 : i32
        %dma_wait3A_48 = tpu.memref_slice %arg7[%scan3A_42, %dma_wait3A] : memref<80x128xi32, #tpu.memory_space<vmem>> -> memref<1x128xi32, #tpu.memory_space<vmem>>
        %dma_wait3A_49 = tpu.memref_squeeze %dma_wait3A_48 : memref<1x128xi32, #tpu.memory_space<vmem>> -> memref<128xi32, #tpu.memory_space<vmem>>
        %dma_wait3A_50 = arith.constant 0 : i32
        %dma_wait3A_51 = arith.constant 0 : i32
        %dma_wait3A_52 = tpu.memref_slice %arg9[%dma_wait3A_50, %dma_wait3A_51] : memref<10240x128xf32, #tpu.memory_space<vmem_shared>> -> memref<10240x128xf32, #tpu.memory_space<vmem_shared>>
        tpu.wait_indirect_dma semaphore(%run_scoped3A : memref<!tpu.dma_semaphore, #tpu.memory_space<semaphore_mem>>) src(%arg8 : memref<128x128xf32, #tpu.memory_space<vmem>>) dst(%dma_wait3A_52 : memref<10240x128xf32, #tpu.memory_space<vmem_shared>>)
        tpu.yield
      }) : () -> ()
    }
    %scan3A_36 = arith.constant 80 : i32
    %barrier3A_37 = arith.constant 0 : index
    tpu.barrier barrier_id(%barrier3A_37)
    %mul3A_38 = arith.constant 640 : i32
    %mul3A_39 = arith.muli %arg1, %mul3A_38 : i32
    %mul3A_40 = arith.constant 640 : i32
    %mul3A_41 = arith.muli %arg1, %mul3A_40 : i32
    "tpu.region"() ({
      %run_scoped3A = tpu.sem_alloc : memref<!tpu.dma_semaphore, #tpu.memory_space<semaphore_mem>>
      %dma_start3A = arith.constant 0 : i32
      %dma_start3A_42 = tpu.memref_slice %arg5[%arg0, %mul3A_41, %dma_start3A] : memref<2x10240x128xf32, #tpu.memory_space<hbm>> -> memref<1x640x128xf32, #tpu.memory_space<hbm>>
      %dma_start3A_43 = tpu.memref_squeeze %dma_start3A_42 : memref<1x640x128xf32, #tpu.memory_space<hbm>> -> memref<640x128xf32, #tpu.memory_space<hbm>>
      %dma_start3A_44 = arith.constant 0 : i32
      %dma_start3A_45 = tpu.memref_slice %arg9[%mul3A_39, %dma_start3A_44] : memref<10240x128xf32, #tpu.memory_space<vmem_shared>> -> memref<640x128xf32, #tpu.memory_space<vmem_shared>>
      tpu.enqueue_dma source(%dma_start3A_45 : memref<640x128xf32, #tpu.memory_space<vmem_shared>>) target(%dma_start3A_43 : memref<640x128xf32, #tpu.memory_space<hbm>>) target_semaphore(%run_scoped3A : memref<!tpu.dma_semaphore, #tpu.memory_space<semaphore_mem>>)
      %dma_wait3A = arith.constant 0 : i32
      %dma_wait3A_46 = tpu.memref_slice %arg5[%arg0, %mul3A_41, %dma_wait3A] : memref<2x10240x128xf32, #tpu.memory_space<hbm>> -> memref<1x640x128xf32, #tpu.memory_space<hbm>>
      %dma_wait3A_47 = tpu.memref_squeeze %dma_wait3A_46 : memref<1x640x128xf32, #tpu.memory_space<hbm>> -> memref<640x128xf32, #tpu.memory_space<hbm>>
      %dma_wait3A_48 = arith.constant 0 : i32
      %dma_wait3A_49 = tpu.memref_slice %arg9[%mul3A_39, %dma_wait3A_48] : memref<10240x128xf32, #tpu.memory_space<vmem_shared>> -> memref<640x128xf32, #tpu.memory_space<vmem_shared>>
      tpu.wait_dma2 semaphore(%run_scoped3A : memref<!tpu.dma_semaphore, #tpu.memory_space<semaphore_mem>>) src(%dma_wait3A_49 : memref<640x128xf32, #tpu.memory_space<vmem_shared>>) dst(%dma_wait3A_47 : memref<640x128xf32, #tpu.memory_space<hbm>>)
      tpu.yield
    }) : () -> ()
    return
  }
}

#map = affine_map<(d0, d1) -> (0, 0)>
#map1 = affine_map<(d0, d1) -> (0, 0, 0)>
module attributes {stable_mosaic.version = 14 : i64} {
  func.func @deg(%arg0: i32, %arg1: i32, %arg2: memref<2560x128xi32, #tpu.memory_space<hbm>>, %arg3: memref<32x80x128xf32, #tpu.memory_space<hbm>>, %arg4: memref<80x128xi32, #tpu.memory_space<vmem>>, %arg5: memref<80x128xf32, #tpu.memory_space<vmem>>) attributes {dimension_semantics = [#tpu.dimension_semantics<core_parallel>, #tpu.dimension_semantics<subcore_parallel>], iteration_bounds = array<i64: 2, 16>, scalar_prefetch = 0 : i64, scratch_operands = 2 : i64, tpu.core_type = #tpu.core_type<sc_vector_subcore>, window_params = [{transform_indices = #map}, {transform_indices = #map1}]} {
    %mul3A = arith.constant 16 : i32
    %mul3A_0 = arith.muli %arg0, %mul3A : i32
    %add3A = arith.addi %mul3A_0, %arg1 : i32
    %mul3A_1 = arith.constant 80 : i32
    %mul3A_2 = arith.muli %add3A, %mul3A_1 : i32
    "tpu.region"() ({
      %run_scoped3A = tpu.sem_alloc : memref<!tpu.dma_semaphore, #tpu.memory_space<semaphore_mem>>
      %dma_start3A = arith.constant 0 : i32
      %dma_start3A_17 = tpu.memref_slice %arg2[%mul3A_2, %dma_start3A] : memref<2560x128xi32, #tpu.memory_space<hbm>> -> memref<80x128xi32, #tpu.memory_space<hbm>>
      %dma_start3A_18 = arith.constant 0 : i32
      %dma_start3A_19 = tpu.memref_slice %arg2[%mul3A_2, %dma_start3A_18] : memref<2560x128xi32, #tpu.memory_space<hbm>> -> memref<80x128xi32, #tpu.memory_space<hbm>>
      tpu.enqueue_dma source(%dma_start3A_19 : memref<80x128xi32, #tpu.memory_space<hbm>>) target(%arg4 : memref<80x128xi32, #tpu.memory_space<vmem>>) target_semaphore(%run_scoped3A : memref<!tpu.dma_semaphore, #tpu.memory_space<semaphore_mem>>)
      %dma_wait3A = arith.constant 0 : i32
      %dma_wait3A_20 = tpu.memref_slice %arg2[%mul3A_2, %dma_wait3A] : memref<2560x128xi32, #tpu.memory_space<hbm>> -> memref<80x128xi32, #tpu.memory_space<hbm>>
      %dma_wait3A_21 = arith.constant 0 : i32
      %dma_wait3A_22 = tpu.memref_slice %arg2[%mul3A_2, %dma_wait3A_21] : memref<2560x128xi32, #tpu.memory_space<hbm>> -> memref<80x128xi32, #tpu.memory_space<hbm>>
      tpu.wait_dma2 semaphore(%run_scoped3A : memref<!tpu.dma_semaphore, #tpu.memory_space<semaphore_mem>>) src(%dma_wait3A_22 : memref<80x128xi32, #tpu.memory_space<hbm>>) dst(%arg4 : memref<80x128xi32, #tpu.memory_space<vmem>>)
      tpu.yield
    }) : () -> ()
    %broadcast_in_dim3A = arith.constant 0.000000e+00 : f32
    %broadcast_in_dim3A_3 = vector.broadcast %broadcast_in_dim3A : f32 to vector<16xf32>
    %scan3A = arith.constant 0 : i32
    %scan3A_4 = arith.constant 0 : i32
    %scan3A_5 = arith.constant 80 : i32
    %scan3A_6 = arith.addi %scan3A_4, %scan3A_5 : i32
    %scan3A_7 = arith.constant 1 : i32
    scf.for %scan3A_17 = %scan3A_4 to %scan3A_6 step %scan3A_7  : i32 {
      %swap3A = arith.index_cast %scan3A_17 : i32 to index
      %swap3A_18 = arith.constant 0 : index
      %swap3A_19 = tpu.vector_load %arg5[%swap3A, %swap3A_18] {strides = array<i32>} : memref<80x128xf32, #tpu.memory_space<vmem>>, vector<16xf32>,
      tpu.vector_store %arg5[%swap3A, %swap3A_18], %broadcast_in_dim3A_3 {strides = array<i32>} : memref<80x128xf32, #tpu.memory_space<vmem>>, vector<16xf32>,
      %swap3A_20 = arith.index_cast %scan3A_17 : i32 to index
      %swap3A_21 = arith.constant 16 : index
      %swap3A_22 = tpu.vector_load %arg5[%swap3A_20, %swap3A_21] {strides = array<i32>} : memref<80x128xf32, #tpu.memory_space<vmem>>, vector<16xf32>,
      tpu.vector_store %arg5[%swap3A_20, %swap3A_21], %broadcast_in_dim3A_3 {strides = array<i32>} : memref<80x128xf32, #tpu.memory_space<vmem>>, vector<16xf32>,
      %swap3A_23 = arith.index_cast %scan3A_17 : i32 to index
      %swap3A_24 = arith.constant 32 : index
      %swap3A_25 = tpu.vector_load %arg5[%swap3A_23, %swap3A_24] {strides = array<i32>} : memref<80x128xf32, #tpu.memory_space<vmem>>, vector<16xf32>,
      tpu.vector_store %arg5[%swap3A_23, %swap3A_24], %broadcast_in_dim3A_3 {strides = array<i32>} : memref<80x128xf32, #tpu.memory_space<vmem>>, vector<16xf32>,
      %swap3A_26 = arith.index_cast %scan3A_17 : i32 to index
      %swap3A_27 = arith.constant 48 : index
      %swap3A_28 = tpu.vector_load %arg5[%swap3A_26, %swap3A_27] {strides = array<i32>} : memref<80x128xf32, #tpu.memory_space<vmem>>, vector<16xf32>,
      tpu.vector_store %arg5[%swap3A_26, %swap3A_27], %broadcast_in_dim3A_3 {strides = array<i32>} : memref<80x128xf32, #tpu.memory_space<vmem>>, vector<16xf32>,
      %swap3A_29 = arith.index_cast %scan3A_17 : i32 to index
      %swap3A_30 = arith.constant 64 : index
      %swap3A_31 = tpu.vector_load %arg5[%swap3A_29, %swap3A_30] {strides = array<i32>} : memref<80x128xf32, #tpu.memory_space<vmem>>, vector<16xf32>,
      tpu.vector_store %arg5[%swap3A_29, %swap3A_30], %broadcast_in_dim3A_3 {strides = array<i32>} : memref<80x128xf32, #tpu.memory_space<vmem>>, vector<16xf32>,
      %swap3A_32 = arith.index_cast %scan3A_17 : i32 to index
      %swap3A_33 = arith.constant 80 : index
      %swap3A_34 = tpu.vector_load %arg5[%swap3A_32, %swap3A_33] {strides = array<i32>} : memref<80x128xf32, #tpu.memory_space<vmem>>, vector<16xf32>,
      tpu.vector_store %arg5[%swap3A_32, %swap3A_33], %broadcast_in_dim3A_3 {strides = array<i32>} : memref<80x128xf32, #tpu.memory_space<vmem>>, vector<16xf32>,
      %swap3A_35 = arith.index_cast %scan3A_17 : i32 to index
      %swap3A_36 = arith.constant 96 : index
      %swap3A_37 = tpu.vector_load %arg5[%swap3A_35, %swap3A_36] {strides = array<i32>} : memref<80x128xf32, #tpu.memory_space<vmem>>, vector<16xf32>,
      tpu.vector_store %arg5[%swap3A_35, %swap3A_36], %broadcast_in_dim3A_3 {strides = array<i32>} : memref<80x128xf32, #tpu.memory_space<vmem>>, vector<16xf32>,
      %swap3A_38 = arith.index_cast %scan3A_17 : i32 to index
      %swap3A_39 = arith.constant 112 : index
      %swap3A_40 = tpu.vector_load %arg5[%swap3A_38, %swap3A_39] {strides = array<i32>} : memref<80x128xf32, #tpu.memory_space<vmem>>, vector<16xf32>,
      tpu.vector_store %arg5[%swap3A_38, %swap3A_39], %broadcast_in_dim3A_3 {strides = array<i32>} : memref<80x128xf32, #tpu.memory_space<vmem>>, vector<16xf32>,
    }
    %scan3A_8 = arith.constant 80 : i32
    %broadcast_in_dim3A_9 = arith.constant 1.000000e+00 : f32
    %broadcast_in_dim3A_10 = vector.broadcast %broadcast_in_dim3A_9 : f32 to vector<16xf32>
    %scan3A_11 = arith.constant 0 : i32
    %scan3A_12 = arith.constant 0 : i32
    %scan3A_13 = arith.constant 80 : i32
    %scan3A_14 = arith.addi %scan3A_12, %scan3A_13 : i32
    %scan3A_15 = arith.constant 1 : i32
    scf.for %scan3A_17 = %scan3A_12 to %scan3A_14 step %scan3A_15  : i32 {
      %scan3A_18 = arith.constant 0 : i32
      %scan3A_19 = arith.constant 0 : i32
      %scan3A_20 = arith.constant 8 : i32
      %scan3A_21 = arith.addi %scan3A_19, %scan3A_20 : i32
      %scan3A_22 = arith.constant 1 : i32
      scf.for %scan3A_24 = %scan3A_19 to %scan3A_21 step %scan3A_22  : i32 {
        %mul3A_25 = arith.constant 16 : i32
        %mul3A_26 = arith.muli %scan3A_24, %mul3A_25 : i32
        %get3A = arith.index_cast %scan3A_17 : i32 to index
        %get3A_27 = arith.index_cast %mul3A_26 : i32 to index
        %get3A_28 = tpu.vector_load %arg4[%get3A, %get3A_27] {strides = array<i32>} : memref<80x128xi32, #tpu.memory_space<vmem>>, vector<16xi32>,
        %shift_right_arithmetic3A = arith.constant 7 : i32
        %shift_right_arithmetic3A_29 = vector.broadcast %shift_right_arithmetic3A : i32 to vector<16xi32>
        %shift_right_arithmetic3A_30 = arith.shrsi %get3A_28, %shift_right_arithmetic3A_29 : vector<16xi32>
        %and3A = arith.constant 127 : i32
        %and3A_31 = vector.broadcast %and3A : i32 to vector<16xi32>
        %and3A_32 = arith.andi %get3A_28, %and3A_31 : vector<16xi32>
        tpu.vector_store_idx %arg5[%shift_right_arithmetic3A_30, %and3A_32], %broadcast_in_dim3A_10 {add = true} : memref<80x128xf32, #tpu.memory_space<vmem>>[vector<16xi32>, vector<16xi32>], vector<16xf32>,
      }
      %scan3A_23 = arith.constant 8 : i32
    }
    %scan3A_16 = arith.constant 80 : i32
    %barrier3A = arith.constant 0 : index
    tpu.barrier barrier_id(%barrier3A)
    "tpu.region"() ({
      %run_scoped3A = tpu.sem_alloc : memref<!tpu.dma_semaphore, #tpu.memory_space<semaphore_mem>>
      %dma_start3A = arith.constant 0 : i32
      %dma_start3A_17 = arith.constant 0 : i32
      %dma_start3A_18 = tpu.memref_slice %arg3[%add3A, %dma_start3A, %dma_start3A_17] : memref<32x80x128xf32, #tpu.memory_space<hbm>> -> memref<1x80x128xf32, #tpu.memory_space<hbm>>
      %dma_start3A_19 = tpu.memref_squeeze %dma_start3A_18 : memref<1x80x128xf32, #tpu.memory_space<hbm>> -> memref<80x128xf32, #tpu.memory_space<hbm>>
      %dma_start3A_20 = arith.constant 0 : i32
      %dma_start3A_21 = arith.constant 0 : i32
      %dma_start3A_22 = tpu.memref_slice %arg3[%add3A, %dma_start3A_20, %dma_start3A_21] : memref<32x80x128xf32, #tpu.memory_space<hbm>> -> memref<1x80x128xf32, #tpu.memory_space<hbm>>
      %dma_start3A_23 = tpu.memref_squeeze %dma_start3A_22 : memref<1x80x128xf32, #tpu.memory_space<hbm>> -> memref<80x128xf32, #tpu.memory_space<hbm>>
      tpu.enqueue_dma source(%arg5 : memref<80x128xf32, #tpu.memory_space<vmem>>) target(%dma_start3A_23 : memref<80x128xf32, #tpu.memory_space<hbm>>) target_semaphore(%run_scoped3A : memref<!tpu.dma_semaphore, #tpu.memory_space<semaphore_mem>>)
      %dma_wait3A = arith.constant 0 : i32
      %dma_wait3A_24 = arith.constant 0 : i32
      %dma_wait3A_25 = tpu.memref_slice %arg3[%add3A, %dma_wait3A, %dma_wait3A_24] : memref<32x80x128xf32, #tpu.memory_space<hbm>> -> memref<1x80x128xf32, #tpu.memory_space<hbm>>
      %dma_wait3A_26 = tpu.memref_squeeze %dma_wait3A_25 : memref<1x80x128xf32, #tpu.memory_space<hbm>> -> memref<80x128xf32, #tpu.memory_space<hbm>>
      %dma_wait3A_27 = arith.constant 0 : i32
      %dma_wait3A_28 = arith.constant 0 : i32
      %dma_wait3A_29 = tpu.memref_slice %arg3[%add3A, %dma_wait3A_27, %dma_wait3A_28] : memref<32x80x128xf32, #tpu.memory_space<hbm>> -> memref<1x80x128xf32, #tpu.memory_space<hbm>>
      %dma_wait3A_30 = tpu.memref_squeeze %dma_wait3A_29 : memref<1x80x128xf32, #tpu.memory_space<hbm>> -> memref<80x128xf32, #tpu.memory_space<hbm>>
      tpu.wait_dma2 semaphore(%run_scoped3A : memref<!tpu.dma_semaphore, #tpu.memory_space<semaphore_mem>>) src(%arg5 : memref<80x128xf32, #tpu.memory_space<vmem>>) dst(%dma_wait3A_30 : memref<80x128xf32, #tpu.memory_space<hbm>>)
      tpu.yield
    }) : () -> ()
    return
  }
}

#map = affine_map<(d0, d1) -> (0, 0)>
module attributes {stable_mosaic.version = 14 : i64} {
  func.func @decode(%arg0: i32, %arg1: i32, %arg2: memref<32x10240xf32, #tpu.memory_space<hbm>>, %arg3: memref<2560x128xi32, #tpu.memory_space<hbm>>, %arg4: memref<2560x128xi32, #tpu.memory_space<hbm>>, %arg5: memref<2560x128xf32, #tpu.memory_space<hbm>>, %arg6: memref<40x128xi32, #tpu.memory_space<vmem>>, %arg7: memref<40x128xi32, #tpu.memory_space<vmem>>, %arg8: memref<8x10240xf32, #tpu.memory_space<vmem>>, %arg9: memref<40x128xf32, #tpu.memory_space<vmem>>) attributes {dimension_semantics = [#tpu.dimension_semantics<core_parallel>, #tpu.dimension_semantics<subcore_parallel>], iteration_bounds = array<i64: 2, 16>, scalar_prefetch = 0 : i64, scratch_operands = 4 : i64, tpu.core_type = #tpu.core_type<sc_vector_subcore>, window_params = [{transform_indices = #map}, {transform_indices = #map}, {transform_indices = #map}, {transform_indices = #map}]} {
    %mul3A = arith.constant 16 : i32
    %mul3A_0 = arith.muli %arg0, %mul3A : i32
    %add3A = arith.addi %mul3A_0, %arg1 : i32
    %broadcast_in_dim3A = arith.constant 0.000000e+00 : f32
    %broadcast_in_dim3A_1 = vector.broadcast %broadcast_in_dim3A : f32 to vector<16xf32>
    %mul3A_2 = arith.constant 80 : i32
    %mul3A_3 = arith.muli %add3A, %mul3A_2 : i32
    %add3A_4 = arith.constant 0 : i32
    %add3A_5 = arith.addi %mul3A_3, %add3A_4 : i32
    "tpu.region"() ({
      %run_scoped3A = tpu.sem_alloc : memref<!tpu.dma_semaphore, #tpu.memory_space<semaphore_mem>>
      %dma_start3A = arith.constant 0 : i32
      %dma_start3A_82 = tpu.memref_slice %arg3[%add3A_5, %dma_start3A] : memref<2560x128xi32, #tpu.memory_space<hbm>> -> memref<40x128xi32, #tpu.memory_space<hbm>>
      %dma_start3A_83 = arith.constant 0 : i32
      %dma_start3A_84 = tpu.memref_slice %arg3[%add3A_5, %dma_start3A_83] : memref<2560x128xi32, #tpu.memory_space<hbm>> -> memref<40x128xi32, #tpu.memory_space<hbm>>
      tpu.enqueue_dma source(%dma_start3A_84 : memref<40x128xi32, #tpu.memory_space<hbm>>) target(%arg6 : memref<40x128xi32, #tpu.memory_space<vmem>>) target_semaphore(%run_scoped3A : memref<!tpu.dma_semaphore, #tpu.memory_space<semaphore_mem>>)
      %dma_wait3A = arith.constant 0 : i32
      %dma_wait3A_85 = tpu.memref_slice %arg3[%add3A_5, %dma_wait3A] : memref<2560x128xi32, #tpu.memory_space<hbm>> -> memref<40x128xi32, #tpu.memory_space<hbm>>
      %dma_wait3A_86 = arith.constant 0 : i32
      %dma_wait3A_87 = tpu.memref_slice %arg3[%add3A_5, %dma_wait3A_86] : memref<2560x128xi32, #tpu.memory_space<hbm>> -> memref<40x128xi32, #tpu.memory_space<hbm>>
      tpu.wait_dma2 semaphore(%run_scoped3A : memref<!tpu.dma_semaphore, #tpu.memory_space<semaphore_mem>>) src(%dma_wait3A_87 : memref<40x128xi32, #tpu.memory_space<hbm>>) dst(%arg6 : memref<40x128xi32, #tpu.memory_space<vmem>>)
      tpu.yield
    }) : () -> ()
    "tpu.region"() ({
      %run_scoped3A = tpu.sem_alloc : memref<!tpu.dma_semaphore, #tpu.memory_space<semaphore_mem>>
      %dma_start3A = arith.constant 0 : i32
      %dma_start3A_82 = tpu.memref_slice %arg4[%add3A_5, %dma_start3A] : memref<2560x128xi32, #tpu.memory_space<hbm>> -> memref<40x128xi32, #tpu.memory_space<hbm>>
      %dma_start3A_83 = arith.constant 0 : i32
      %dma_start3A_84 = tpu.memref_slice %arg4[%add3A_5, %dma_start3A_83] : memref<2560x128xi32, #tpu.memory_space<hbm>> -> memref<40x128xi32, #tpu.memory_space<hbm>>
      tpu.enqueue_dma source(%dma_start3A_84 : memref<40x128xi32, #tpu.memory_space<hbm>>) target(%arg7 : memref<40x128xi32, #tpu.memory_space<vmem>>) target_semaphore(%run_scoped3A : memref<!tpu.dma_semaphore, #tpu.memory_space<semaphore_mem>>)
      %dma_wait3A = arith.constant 0 : i32
      %dma_wait3A_85 = tpu.memref_slice %arg4[%add3A_5, %dma_wait3A] : memref<2560x128xi32, #tpu.memory_space<hbm>> -> memref<40x128xi32, #tpu.memory_space<hbm>>
      %dma_wait3A_86 = arith.constant 0 : i32
      %dma_wait3A_87 = tpu.memref_slice %arg4[%add3A_5, %dma_wait3A_86] : memref<2560x128xi32, #tpu.memory_space<hbm>> -> memref<40x128xi32, #tpu.memory_space<hbm>>
      tpu.wait_dma2 semaphore(%run_scoped3A : memref<!tpu.dma_semaphore, #tpu.memory_space<semaphore_mem>>) src(%dma_wait3A_87 : memref<40x128xi32, #tpu.memory_space<hbm>>) dst(%arg7 : memref<40x128xi32, #tpu.memory_space<vmem>>)
      tpu.yield
    }) : () -> ()
    %scan3A = arith.constant 0 : i32
    %scan3A_6 = arith.constant 0 : i32
    %scan3A_7 = arith.constant 40 : i32
    %scan3A_8 = arith.addi %scan3A_6, %scan3A_7 : i32
    %scan3A_9 = arith.constant 1 : i32
    scf.for %scan3A_82 = %scan3A_6 to %scan3A_8 step %scan3A_9  : i32 {
      %swap3A = arith.index_cast %scan3A_82 : i32 to index
      %swap3A_83 = arith.constant 0 : index
      %swap3A_84 = tpu.vector_load %arg9[%swap3A, %swap3A_83] {strides = array<i32>} : memref<40x128xf32, #tpu.memory_space<vmem>>, vector<16xf32>,
      tpu.vector_store %arg9[%swap3A, %swap3A_83], %broadcast_in_dim3A_1 {strides = array<i32>} : memref<40x128xf32, #tpu.memory_space<vmem>>, vector<16xf32>,
      %swap3A_85 = arith.index_cast %scan3A_82 : i32 to index
      %swap3A_86 = arith.constant 16 : index
      %swap3A_87 = tpu.vector_load %arg9[%swap3A_85, %swap3A_86] {strides = array<i32>} : memref<40x128xf32, #tpu.memory_space<vmem>>, vector<16xf32>,
      tpu.vector_store %arg9[%swap3A_85, %swap3A_86], %broadcast_in_dim3A_1 {strides = array<i32>} : memref<40x128xf32, #tpu.memory_space<vmem>>, vector<16xf32>,
      %swap3A_88 = arith.index_cast %scan3A_82 : i32 to index
      %swap3A_89 = arith.constant 32 : index
      %swap3A_90 = tpu.vector_load %arg9[%swap3A_88, %swap3A_89] {strides = array<i32>} : memref<40x128xf32, #tpu.memory_space<vmem>>, vector<16xf32>,
      tpu.vector_store %arg9[%swap3A_88, %swap3A_89], %broadcast_in_dim3A_1 {strides = array<i32>} : memref<40x128xf32, #tpu.memory_space<vmem>>, vector<16xf32>,
      %swap3A_91 = arith.index_cast %scan3A_82 : i32 to index
      %swap3A_92 = arith.constant 48 : index
      %swap3A_93 = tpu.vector_load %arg9[%swap3A_91, %swap3A_92] {strides = array<i32>} : memref<40x128xf32, #tpu.memory_space<vmem>>, vector<16xf32>,
      tpu.vector_store %arg9[%swap3A_91, %swap3A_92], %broadcast_in_dim3A_1 {strides = array<i32>} : memref<40x128xf32, #tpu.memory_space<vmem>>, vector<16xf32>,
      %swap3A_94 = arith.index_cast %scan3A_82 : i32 to index
      %swap3A_95 = arith.constant 64 : index
      %swap3A_96 = tpu.vector_load %arg9[%swap3A_94, %swap3A_95] {strides = array<i32>} : memref<40x128xf32, #tpu.memory_space<vmem>>, vector<16xf32>,
      tpu.vector_store %arg9[%swap3A_94, %swap3A_95], %broadcast_in_dim3A_1 {strides = array<i32>} : memref<40x128xf32, #tpu.memory_space<vmem>>, vector<16xf32>,
      %swap3A_97 = arith.index_cast %scan3A_82 : i32 to index
      %swap3A_98 = arith.constant 80 : index
      %swap3A_99 = tpu.vector_load %arg9[%swap3A_97, %swap3A_98] {strides = array<i32>} : memref<40x128xf32, #tpu.memory_space<vmem>>, vector<16xf32>,
      tpu.vector_store %arg9[%swap3A_97, %swap3A_98], %broadcast_in_dim3A_1 {strides = array<i32>} : memref<40x128xf32, #tpu.memory_space<vmem>>, vector<16xf32>,
      %swap3A_100 = arith.index_cast %scan3A_82 : i32 to index
      %swap3A_101 = arith.constant 96 : index
      %swap3A_102 = tpu.vector_load %arg9[%swap3A_100, %swap3A_101] {strides = array<i32>} : memref<40x128xf32, #tpu.memory_space<vmem>>, vector<16xf32>,
      tpu.vector_store %arg9[%swap3A_100, %swap3A_101], %broadcast_in_dim3A_1 {strides = array<i32>} : memref<40x128xf32, #tpu.memory_space<vmem>>, vector<16xf32>,
      %swap3A_103 = arith.index_cast %scan3A_82 : i32 to index
      %swap3A_104 = arith.constant 112 : index
      %swap3A_105 = tpu.vector_load %arg9[%swap3A_103, %swap3A_104] {strides = array<i32>} : memref<40x128xf32, #tpu.memory_space<vmem>>, vector<16xf32>,
      tpu.vector_store %arg9[%swap3A_103, %swap3A_104], %broadcast_in_dim3A_1 {strides = array<i32>} : memref<40x128xf32, #tpu.memory_space<vmem>>, vector<16xf32>,
    }
    %scan3A_10 = arith.constant 40 : i32
    "tpu.region"() ({
      %run_scoped3A = tpu.sem_alloc : memref<!tpu.dma_semaphore, #tpu.memory_space<semaphore_mem>>
      %dma_start3A = arith.constant 0 : i32
      %dma_start3A_82 = arith.constant 0 : i32
      %dma_start3A_83 = tpu.memref_slice %arg2[%dma_start3A, %dma_start3A_82] : memref<32x10240xf32, #tpu.memory_space<hbm>> -> memref<8x10240xf32, #tpu.memory_space<hbm>>
      %dma_start3A_84 = arith.constant 0 : i32
      %dma_start3A_85 = arith.constant 0 : i32
      %dma_start3A_86 = tpu.memref_slice %arg2[%dma_start3A_84, %dma_start3A_85] : memref<32x10240xf32, #tpu.memory_space<hbm>> -> memref<8x10240xf32, #tpu.memory_space<hbm>>
      tpu.enqueue_dma source(%dma_start3A_86 : memref<8x10240xf32, #tpu.memory_space<hbm>>) target(%arg8 : memref<8x10240xf32, #tpu.memory_space<vmem>>) target_semaphore(%run_scoped3A : memref<!tpu.dma_semaphore, #tpu.memory_space<semaphore_mem>>)
      %dma_wait3A = arith.constant 0 : i32
      %dma_wait3A_87 = arith.constant 0 : i32
      %dma_wait3A_88 = tpu.memref_slice %arg2[%dma_wait3A, %dma_wait3A_87] : memref<32x10240xf32, #tpu.memory_space<hbm>> -> memref<8x10240xf32, #tpu.memory_space<hbm>>
      %dma_wait3A_89 = arith.constant 0 : i32
      %dma_wait3A_90 = arith.constant 0 : i32
      %dma_wait3A_91 = tpu.memref_slice %arg2[%dma_wait3A_89, %dma_wait3A_90] : memref<32x10240xf32, #tpu.memory_space<hbm>> -> memref<8x10240xf32, #tpu.memory_space<hbm>>
      tpu.wait_dma2 semaphore(%run_scoped3A : memref<!tpu.dma_semaphore, #tpu.memory_space<semaphore_mem>>) src(%dma_wait3A_91 : memref<8x10240xf32, #tpu.memory_space<hbm>>) dst(%arg8 : memref<8x10240xf32, #tpu.memory_space<vmem>>)
      tpu.yield
    }) : () -> ()
    %scan3A_11 = arith.constant 0 : i32
    %scan3A_12 = arith.constant 0 : i32
    %scan3A_13 = arith.constant 40 : i32
    %scan3A_14 = arith.addi %scan3A_12, %scan3A_13 : i32
    %scan3A_15 = arith.constant 1 : i32
    scf.for %scan3A_82 = %scan3A_12 to %scan3A_14 step %scan3A_15  : i32 {
      %scan3A_83 = arith.constant 0 : i32
      %scan3A_84 = arith.constant 0 : i32
      %scan3A_85 = arith.constant 8 : i32
      %scan3A_86 = arith.addi %scan3A_84, %scan3A_85 : i32
      %scan3A_87 = arith.constant 1 : i32
      scf.for %scan3A_89 = %scan3A_84 to %scan3A_86 step %scan3A_87  : i32 {
        %mul3A_90 = arith.constant 16 : i32
        %mul3A_91 = arith.muli %scan3A_89, %mul3A_90 : i32
        %get3A = arith.index_cast %scan3A_82 : i32 to index
        %get3A_92 = arith.index_cast %mul3A_91 : i32 to index
        %get3A_93 = tpu.vector_load %arg6[%get3A, %get3A_92] {strides = array<i32>} : memref<40x128xi32, #tpu.memory_space<vmem>>, vector<16xi32>,
        %mul3A_94 = arith.constant 16 : i32
        %mul3A_95 = arith.muli %scan3A_89, %mul3A_94 : i32
        %get3A_96 = arith.index_cast %scan3A_82 : i32 to index
        %get3A_97 = arith.index_cast %mul3A_95 : i32 to index
        %get3A_98 = tpu.vector_load %arg7[%get3A_96, %get3A_97] {strides = array<i32>} : memref<40x128xi32, #tpu.memory_space<vmem>>, vector<16xi32>,
        %mul3A_99 = arith.constant 16 : i32
        %mul3A_100 = arith.muli %scan3A_89, %mul3A_99 : i32
        %get3A_101 = arith.index_cast %scan3A_82 : i32 to index
        %get3A_102 = arith.index_cast %mul3A_100 : i32 to index
        %get3A_103 = tpu.vector_load %arg9[%get3A_101, %get3A_102] {strides = array<i32>} : memref<40x128xf32, #tpu.memory_space<vmem>>, vector<16xf32>,
        %broadcast_in_dim3A_104 = arith.constant 0.000000e+00 : f32
        %broadcast_in_dim3A_105 = vector.broadcast %broadcast_in_dim3A_104 : f32 to vector<16xf32>
        %broadcast_in_dim3A_106 = arith.constant 0 : i32
        %broadcast_in_dim3A_107 = vector.broadcast %broadcast_in_dim3A_106 : i32 to vector<16xi32>
        %broadcast_in_dim3A_108 = arith.constant 1 : i32
        %broadcast_in_dim3A_109 = vector.broadcast %broadcast_in_dim3A_108 : i32 to vector<16xi32>
        %gather3A = tpu.vector_load_idx %arg8[%broadcast_in_dim3A_107, %get3A_93] : memref<8x10240xf32, #tpu.memory_space<vmem>>[vector<16xi32>, vector<16xi32>], vector<16xf32>,
        %gather3A_110 = tpu.vector_load_idx %arg8[%broadcast_in_dim3A_107, %get3A_98] : memref<8x10240xf32, #tpu.memory_space<vmem>>[vector<16xi32>, vector<16xi32>], vector<16xf32>,
        %mul3A_111 = arith.mulf %gather3A, %gather3A_110 : vector<16xf32>
        %add3A_112 = arith.addf %get3A_103, %mul3A_111 : vector<16xf32>
        %gather3A_113 = tpu.vector_load_idx %arg8[%broadcast_in_dim3A_109, %get3A_93] : memref<8x10240xf32, #tpu.memory_space<vmem>>[vector<16xi32>, vector<16xi32>], vector<16xf32>,
        %gather3A_114 = tpu.vector_load_idx %arg8[%broadcast_in_dim3A_109, %get3A_98] : memref<8x10240xf32, #tpu.memory_space<vmem>>[vector<16xi32>, vector<16xi32>], vector<16xf32>,
        %mul3A_115 = arith.mulf %gather3A_113, %gather3A_114 : vector<16xf32>
        %add3A_116 = arith.addf %broadcast_in_dim3A_105, %mul3A_115 : vector<16xf32>
        %broadcast_in_dim3A_117 = arith.constant 2 : i32
        %broadcast_in_dim3A_118 = vector.broadcast %broadcast_in_dim3A_117 : i32 to vector<16xi32>
        %broadcast_in_dim3A_119 = arith.constant 3 : i32
        %broadcast_in_dim3A_120 = vector.broadcast %broadcast_in_dim3A_119 : i32 to vector<16xi32>
        %gather3A_121 = tpu.vector_load_idx %arg8[%broadcast_in_dim3A_118, %get3A_93] : memref<8x10240xf32, #tpu.memory_space<vmem>>[vector<16xi32>, vector<16xi32>], vector<16xf32>,
        %gather3A_122 = tpu.vector_load_idx %arg8[%broadcast_in_dim3A_118, %get3A_98] : memref<8x10240xf32, #tpu.memory_space<vmem>>[vector<16xi32>, vector<16xi32>], vector<16xf32>,
        %mul3A_123 = arith.mulf %gather3A_121, %gather3A_122 : vector<16xf32>
        %add3A_124 = arith.addf %add3A_112, %mul3A_123 : vector<16xf32>
        %gather3A_125 = tpu.vector_load_idx %arg8[%broadcast_in_dim3A_120, %get3A_93] : memref<8x10240xf32, #tpu.memory_space<vmem>>[vector<16xi32>, vector<16xi32>], vector<16xf32>,
        %gather3A_126 = tpu.vector_load_idx %arg8[%broadcast_in_dim3A_120, %get3A_98] : memref<8x10240xf32, #tpu.memory_space<vmem>>[vector<16xi32>, vector<16xi32>], vector<16xf32>,
        %mul3A_127 = arith.mulf %gather3A_125, %gather3A_126 : vector<16xf32>
        %add3A_128 = arith.addf %add3A_116, %mul3A_127 : vector<16xf32>
        %broadcast_in_dim3A_129 = arith.constant 4 : i32
        %broadcast_in_dim3A_130 = vector.broadcast %broadcast_in_dim3A_129 : i32 to vector<16xi32>
        %broadcast_in_dim3A_131 = arith.constant 5 : i32
        %broadcast_in_dim3A_132 = vector.broadcast %broadcast_in_dim3A_131 : i32 to vector<16xi32>
        %gather3A_133 = tpu.vector_load_idx %arg8[%broadcast_in_dim3A_130, %get3A_93] : memref<8x10240xf32, #tpu.memory_space<vmem>>[vector<16xi32>, vector<16xi32>], vector<16xf32>,
        %gather3A_134 = tpu.vector_load_idx %arg8[%broadcast_in_dim3A_130, %get3A_98] : memref<8x10240xf32, #tpu.memory_space<vmem>>[vector<16xi32>, vector<16xi32>], vector<16xf32>,
        %mul3A_135 = arith.mulf %gather3A_133, %gather3A_134 : vector<16xf32>
        %add3A_136 = arith.addf %add3A_124, %mul3A_135 : vector<16xf32>
        %gather3A_137 = tpu.vector_load_idx %arg8[%broadcast_in_dim3A_132, %get3A_93] : memref<8x10240xf32, #tpu.memory_space<vmem>>[vector<16xi32>, vector<16xi32>], vector<16xf32>,
        %gather3A_138 = tpu.vector_load_idx %arg8[%broadcast_in_dim3A_132, %get3A_98] : memref<8x10240xf32, #tpu.memory_space<vmem>>[vector<16xi32>, vector<16xi32>], vector<16xf32>,
        %mul3A_139 = arith.mulf %gather3A_137, %gather3A_138 : vector<16xf32>
        %add3A_140 = arith.addf %add3A_128, %mul3A_139 : vector<16xf32>
        %broadcast_in_dim3A_141 = arith.constant 6 : i32
        %broadcast_in_dim3A_142 = vector.broadcast %broadcast_in_dim3A_141 : i32 to vector<16xi32>
        %broadcast_in_dim3A_143 = arith.constant 7 : i32
        %broadcast_in_dim3A_144 = vector.broadcast %broadcast_in_dim3A_143 : i32 to vector<16xi32>
        %gather3A_145 = tpu.vector_load_idx %arg8[%broadcast_in_dim3A_142, %get3A_93] : memref<8x10240xf32, #tpu.memory_space<vmem>>[vector<16xi32>, vector<16xi32>], vector<16xf32>,
        %gather3A_146 = tpu.vector_load_idx %arg8[%broadcast_in_dim3A_142, %get3A_98] : memref<8x10240xf32, #tpu.memory_space<vmem>>[vector<16xi32>, vector<16xi32>], vector<16xf32>,
        %mul3A_147 = arith.mulf %gather3A_145, %gather3A_146 : vector<16xf32>
        %add3A_148 = arith.addf %add3A_136, %mul3A_147 : vector<16xf32>
        %gather3A_149 = tpu.vector_load_idx %arg8[%broadcast_in_dim3A_144, %get3A_93] : memref<8x10240xf32, #tpu.memory_space<vmem>>[vector<16xi32>, vector<16xi32>], vector<16xf32>,
        %gather3A_150 = tpu.vector_load_idx %arg8[%broadcast_in_dim3A_144, %get3A_98] : memref<8x10240xf32, #tpu.memory_space<vmem>>[vector<16xi32>, vector<16xi32>], vector<16xf32>,
        %mul3A_151 = arith.mulf %gather3A_149, %gather3A_150 : vector<16xf32>
        %add3A_152 = arith.addf %add3A_140, %mul3A_151 : vector<16xf32>
        %add3A_153 = arith.addf %add3A_148, %add3A_152 : vector<16xf32>
        %mul3A_154 = arith.constant 16 : i32
        %mul3A_155 = arith.muli %scan3A_89, %mul3A_154 : i32
        %swap3A = arith.index_cast %scan3A_82 : i32 to index
        %swap3A_156 = arith.index_cast %mul3A_155 : i32 to index
        %swap3A_157 = tpu.vector_load %arg9[%swap3A, %swap3A_156] {strides = array<i32>} : memref<40x128xf32, #tpu.memory_space<vmem>>, vector<16xf32>,
        tpu.vector_store %arg9[%swap3A, %swap3A_156], %add3A_153 {strides = array<i32>} : memref<40x128xf32, #tpu.memory_space<vmem>>, vector<16xf32>,
      }
      %scan3A_88 = arith.constant 8 : i32
    }
    %scan3A_16 = arith.constant 40 : i32
    "tpu.region"() ({
      %run_scoped3A = tpu.sem_alloc : memref<!tpu.dma_semaphore, #tpu.memory_space<semaphore_mem>>
      %dma_start3A = arith.constant 8 : i32
      %dma_start3A_82 = arith.constant 0 : i32
      %dma_start3A_83 = tpu.memref_slice %arg2[%dma_start3A, %dma_start3A_82] : memref<32x10240xf32, #tpu.memory_space<hbm>> -> memref<8x10240xf32, #tpu.memory_space<hbm>>
      %dma_start3A_84 = arith.constant 8 : i32
      %dma_start3A_85 = arith.constant 0 : i32
      %dma_start3A_86 = tpu.memref_slice %arg2[%dma_start3A_84, %dma_start3A_85] : memref<32x10240xf32, #tpu.memory_space<hbm>> -> memref<8x10240xf32, #tpu.memory_space<hbm>>
      tpu.enqueue_dma source(%dma_start3A_86 : memref<8x10240xf32, #tpu.memory_space<hbm>>) target(%arg8 : memref<8x10240xf32, #tpu.memory_space<vmem>>) target_semaphore(%run_scoped3A : memref<!tpu.dma_semaphore, #tpu.memory_space<semaphore_mem>>)
      %dma_wait3A = arith.constant 8 : i32
      %dma_wait3A_87 = arith.constant 0 : i32
      %dma_wait3A_88 = tpu.memref_slice %arg2[%dma_wait3A, %dma_wait3A_87] : memref<32x10240xf32, #tpu.memory_space<hbm>> -> memref<8x10240xf32, #tpu.memory_space<hbm>>
      %dma_wait3A_89 = arith.constant 8 : i32
      %dma_wait3A_90 = arith.constant 0 : i32
      %dma_wait3A_91 = tpu.memref_slice %arg2[%dma_wait3A_89, %dma_wait3A_90] : memref<32x10240xf32, #tpu.memory_space<hbm>> -> memref<8x10240xf32, #tpu.memory_space<hbm>>
      tpu.wait_dma2 semaphore(%run_scoped3A : memref<!tpu.dma_semaphore, #tpu.memory_space<semaphore_mem>>) src(%dma_wait3A_91 : memref<8x10240xf32, #tpu.memory_space<hbm>>) dst(%arg8 : memref<8x10240xf32, #tpu.memory_space<vmem>>)
      tpu.yield
    }) : () -> ()
    %scan3A_17 = arith.constant 0 : i32
    %scan3A_18 = arith.constant 0 : i32
    %scan3A_19 = arith.constant 40 : i32
    %scan3A_20 = arith.addi %scan3A_18, %scan3A_19 : i32
    %scan3A_21 = arith.constant 1 : i32
    scf.for %scan3A_82 = %scan3A_18 to %scan3A_20 step %scan3A_21  : i32 {
      %scan3A_83 = arith.constant 0 : i32
      %scan3A_84 = arith.constant 0 : i32
      %scan3A_85 = arith.constant 8 : i32
      %scan3A_86 = arith.addi %scan3A_84, %scan3A_85 : i32
      %scan3A_87 = arith.constant 1 : i32
      scf.for %scan3A_89 = %scan3A_84 to %scan3A_86 step %scan3A_87  : i32 {
        %mul3A_90 = arith.constant 16 : i32
        %mul3A_91 = arith.muli %scan3A_89, %mul3A_90 : i32
        %get3A = arith.index_cast %scan3A_82 : i32 to index
        %get3A_92 = arith.index_cast %mul3A_91 : i32 to index
        %get3A_93 = tpu.vector_load %arg6[%get3A, %get3A_92] {strides = array<i32>} : memref<40x128xi32, #tpu.memory_space<vmem>>, vector<16xi32>,
        %mul3A_94 = arith.constant 16 : i32
        %mul3A_95 = arith.muli %scan3A_89, %mul3A_94 : i32
        %get3A_96 = arith.index_cast %scan3A_82 : i32 to index
        %get3A_97 = arith.index_cast %mul3A_95 : i32 to index
        %get3A_98 = tpu.vector_load %arg7[%get3A_96, %get3A_97] {strides = array<i32>} : memref<40x128xi32, #tpu.memory_space<vmem>>, vector<16xi32>,
        %mul3A_99 = arith.constant 16 : i32
        %mul3A_100 = arith.muli %scan3A_89, %mul3A_99 : i32
        %get3A_101 = arith.index_cast %scan3A_82 : i32 to index
        %get3A_102 = arith.index_cast %mul3A_100 : i32 to index
        %get3A_103 = tpu.vector_load %arg9[%get3A_101, %get3A_102] {strides = array<i32>} : memref<40x128xf32, #tpu.memory_space<vmem>>, vector<16xf32>,
        %broadcast_in_dim3A_104 = arith.constant 0.000000e+00 : f32
        %broadcast_in_dim3A_105 = vector.broadcast %broadcast_in_dim3A_104 : f32 to vector<16xf32>
        %broadcast_in_dim3A_106 = arith.constant 0 : i32
        %broadcast_in_dim3A_107 = vector.broadcast %broadcast_in_dim3A_106 : i32 to vector<16xi32>
        %broadcast_in_dim3A_108 = arith.constant 1 : i32
        %broadcast_in_dim3A_109 = vector.broadcast %broadcast_in_dim3A_108 : i32 to vector<16xi32>
        %gather3A = tpu.vector_load_idx %arg8[%broadcast_in_dim3A_107, %get3A_93] : memref<8x10240xf32, #tpu.memory_space<vmem>>[vector<16xi32>, vector<16xi32>], vector<16xf32>,
        %gather3A_110 = tpu.vector_load_idx %arg8[%broadcast_in_dim3A_107, %get3A_98] : memref<8x10240xf32, #tpu.memory_space<vmem>>[vector<16xi32>, vector<16xi32>], vector<16xf32>,
        %mul3A_111 = arith.mulf %gather3A, %gather3A_110 : vector<16xf32>
        %add3A_112 = arith.addf %get3A_103, %mul3A_111 : vector<16xf32>
        %gather3A_113 = tpu.vector_load_idx %arg8[%broadcast_in_dim3A_109, %get3A_93] : memref<8x10240xf32, #tpu.memory_space<vmem>>[vector<16xi32>, vector<16xi32>], vector<16xf32>,
        %gather3A_114 = tpu.vector_load_idx %arg8[%broadcast_in_dim3A_109, %get3A_98] : memref<8x10240xf32, #tpu.memory_space<vmem>>[vector<16xi32>, vector<16xi32>], vector<16xf32>,
        %mul3A_115 = arith.mulf %gather3A_113, %gather3A_114 : vector<16xf32>
        %add3A_116 = arith.addf %broadcast_in_dim3A_105, %mul3A_115 : vector<16xf32>
        %broadcast_in_dim3A_117 = arith.constant 2 : i32
        %broadcast_in_dim3A_118 = vector.broadcast %broadcast_in_dim3A_117 : i32 to vector<16xi32>
        %broadcast_in_dim3A_119 = arith.constant 3 : i32
        %broadcast_in_dim3A_120 = vector.broadcast %broadcast_in_dim3A_119 : i32 to vector<16xi32>
        %gather3A_121 = tpu.vector_load_idx %arg8[%broadcast_in_dim3A_118, %get3A_93] : memref<8x10240xf32, #tpu.memory_space<vmem>>[vector<16xi32>, vector<16xi32>], vector<16xf32>,
        %gather3A_122 = tpu.vector_load_idx %arg8[%broadcast_in_dim3A_118, %get3A_98] : memref<8x10240xf32, #tpu.memory_space<vmem>>[vector<16xi32>, vector<16xi32>], vector<16xf32>,
        %mul3A_123 = arith.mulf %gather3A_121, %gather3A_122 : vector<16xf32>
        %add3A_124 = arith.addf %add3A_112, %mul3A_123 : vector<16xf32>
        %gather3A_125 = tpu.vector_load_idx %arg8[%broadcast_in_dim3A_120, %get3A_93] : memref<8x10240xf32, #tpu.memory_space<vmem>>[vector<16xi32>, vector<16xi32>], vector<16xf32>,
        %gather3A_126 = tpu.vector_load_idx %arg8[%broadcast_in_dim3A_120, %get3A_98] : memref<8x10240xf32, #tpu.memory_space<vmem>>[vector<16xi32>, vector<16xi32>], vector<16xf32>,
        %mul3A_127 = arith.mulf %gather3A_125, %gather3A_126 : vector<16xf32>
        %add3A_128 = arith.addf %add3A_116, %mul3A_127 : vector<16xf32>
        %broadcast_in_dim3A_129 = arith.constant 4 : i32
        %broadcast_in_dim3A_130 = vector.broadcast %broadcast_in_dim3A_129 : i32 to vector<16xi32>
        %broadcast_in_dim3A_131 = arith.constant 5 : i32
        %broadcast_in_dim3A_132 = vector.broadcast %broadcast_in_dim3A_131 : i32 to vector<16xi32>
        %gather3A_133 = tpu.vector_load_idx %arg8[%broadcast_in_dim3A_130, %get3A_93] : memref<8x10240xf32, #tpu.memory_space<vmem>>[vector<16xi32>, vector<16xi32>], vector<16xf32>,
        %gather3A_134 = tpu.vector_load_idx %arg8[%broadcast_in_dim3A_130, %get3A_98] : memref<8x10240xf32, #tpu.memory_space<vmem>>[vector<16xi32>, vector<16xi32>], vector<16xf32>,
        %mul3A_135 = arith.mulf %gather3A_133, %gather3A_134 : vector<16xf32>
        %add3A_136 = arith.addf %add3A_124, %mul3A_135 : vector<16xf32>
        %gather3A_137 = tpu.vector_load_idx %arg8[%broadcast_in_dim3A_132, %get3A_93] : memref<8x10240xf32, #tpu.memory_space<vmem>>[vector<16xi32>, vector<16xi32>], vector<16xf32>,
        %gather3A_138 = tpu.vector_load_idx %arg8[%broadcast_in_dim3A_132, %get3A_98] : memref<8x10240xf32, #tpu.memory_space<vmem>>[vector<16xi32>, vector<16xi32>], vector<16xf32>,
        %mul3A_139 = arith.mulf %gather3A_137, %gather3A_138 : vector<16xf32>
        %add3A_140 = arith.addf %add3A_128, %mul3A_139 : vector<16xf32>
        %broadcast_in_dim3A_141 = arith.constant 6 : i32
        %broadcast_in_dim3A_142 = vector.broadcast %broadcast_in_dim3A_141 : i32 to vector<16xi32>
        %broadcast_in_dim3A_143 = arith.constant 7 : i32
        %broadcast_in_dim3A_144 = vector.broadcast %broadcast_in_dim3A_143 : i32 to vector<16xi32>
        %gather3A_145 = tpu.vector_load_idx %arg8[%broadcast_in_dim3A_142, %get3A_93] : memref<8x10240xf32, #tpu.memory_space<vmem>>[vector<16xi32>, vector<16xi32>], vector<16xf32>,
        %gather3A_146 = tpu.vector_load_idx %arg8[%broadcast_in_dim3A_142, %get3A_98] : memref<8x10240xf32, #tpu.memory_space<vmem>>[vector<16xi32>, vector<16xi32>], vector<16xf32>,
        %mul3A_147 = arith.mulf %gather3A_145, %gather3A_146 : vector<16xf32>
        %add3A_148 = arith.addf %add3A_136, %mul3A_147 : vector<16xf32>
        %gather3A_149 = tpu.vector_load_idx %arg8[%broadcast_in_dim3A_144, %get3A_93] : memref<8x10240xf32, #tpu.memory_space<vmem>>[vector<16xi32>, vector<16xi32>], vector<16xf32>,
        %gather3A_150 = tpu.vector_load_idx %arg8[%broadcast_in_dim3A_144, %get3A_98] : memref<8x10240xf32, #tpu.memory_space<vmem>>[vector<16xi32>, vector<16xi32>], vector<16xf32>,
        %mul3A_151 = arith.mulf %gather3A_149, %gather3A_150 : vector<16xf32>
        %add3A_152 = arith.addf %add3A_140, %mul3A_151 : vector<16xf32>
        %add3A_153 = arith.addf %add3A_148, %add3A_152 : vector<16xf32>
        %mul3A_154 = arith.constant 16 : i32
        %mul3A_155 = arith.muli %scan3A_89, %mul3A_154 : i32
        %swap3A = arith.index_cast %scan3A_82 : i32 to index
        %swap3A_156 = arith.index_cast %mul3A_155 : i32 to index
        %swap3A_157 = tpu.vector_load %arg9[%swap3A, %swap3A_156] {strides = array<i32>} : memref<40x128xf32, #tpu.memory_space<vmem>>, vector<16xf32>,
        tpu.vector_store %arg9[%swap3A, %swap3A_156], %add3A_153 {strides = array<i32>} : memref<40x128xf32, #tpu.memory_space<vmem>>, vector<16xf32>,
      }
      %scan3A_88 = arith.constant 8 : i32
    }
    %scan3A_22 = arith.constant 40 : i32
    "tpu.region"() ({
      %run_scoped3A = tpu.sem_alloc : memref<!tpu.dma_semaphore, #tpu.memory_space<semaphore_mem>>
      %dma_start3A = arith.constant 16 : i32
      %dma_start3A_82 = arith.constant 0 : i32
      %dma_start3A_83 = tpu.memref_slice %arg2[%dma_start3A, %dma_start3A_82] : memref<32x10240xf32, #tpu.memory_space<hbm>> -> memref<8x10240xf32, #tpu.memory_space<hbm>>
      %dma_start3A_84 = arith.constant 16 : i32
      %dma_start3A_85 = arith.constant 0 : i32
      %dma_start3A_86 = tpu.memref_slice %arg2[%dma_start3A_84, %dma_start3A_85] : memref<32x10240xf32, #tpu.memory_space<hbm>> -> memref<8x10240xf32, #tpu.memory_space<hbm>>
      tpu.enqueue_dma source(%dma_start3A_86 : memref<8x10240xf32, #tpu.memory_space<hbm>>) target(%arg8 : memref<8x10240xf32, #tpu.memory_space<vmem>>) target_semaphore(%run_scoped3A : memref<!tpu.dma_semaphore, #tpu.memory_space<semaphore_mem>>)
      %dma_wait3A = arith.constant 16 : i32
      %dma_wait3A_87 = arith.constant 0 : i32
      %dma_wait3A_88 = tpu.memref_slice %arg2[%dma_wait3A, %dma_wait3A_87] : memref<32x10240xf32, #tpu.memory_space<hbm>> -> memref<8x10240xf32, #tpu.memory_space<hbm>>
      %dma_wait3A_89 = arith.constant 16 : i32
      %dma_wait3A_90 = arith.constant 0 : i32
      %dma_wait3A_91 = tpu.memref_slice %arg2[%dma_wait3A_89, %dma_wait3A_90] : memref<32x10240xf32, #tpu.memory_space<hbm>> -> memref<8x10240xf32, #tpu.memory_space<hbm>>
      tpu.wait_dma2 semaphore(%run_scoped3A : memref<!tpu.dma_semaphore, #tpu.memory_space<semaphore_mem>>) src(%dma_wait3A_91 : memref<8x10240xf32, #tpu.memory_space<hbm>>) dst(%arg8 : memref<8x10240xf32, #tpu.memory_space<vmem>>)
      tpu.yield
    }) : () -> ()
    %scan3A_23 = arith.constant 0 : i32
    %scan3A_24 = arith.constant 0 : i32
    %scan3A_25 = arith.constant 40 : i32
    %scan3A_26 = arith.addi %scan3A_24, %scan3A_25 : i32
    %scan3A_27 = arith.constant 1 : i32
    scf.for %scan3A_82 = %scan3A_24 to %scan3A_26 step %scan3A_27  : i32 {
      %scan3A_83 = arith.constant 0 : i32
      %scan3A_84 = arith.constant 0 : i32
      %scan3A_85 = arith.constant 8 : i32
      %scan3A_86 = arith.addi %scan3A_84, %scan3A_85 : i32
      %scan3A_87 = arith.constant 1 : i32
      scf.for %scan3A_89 = %scan3A_84 to %scan3A_86 step %scan3A_87  : i32 {
        %mul3A_90 = arith.constant 16 : i32
        %mul3A_91 = arith.muli %scan3A_89, %mul3A_90 : i32
        %get3A = arith.index_cast %scan3A_82 : i32 to index
        %get3A_92 = arith.index_cast %mul3A_91 : i32 to index
        %get3A_93 = tpu.vector_load %arg6[%get3A, %get3A_92] {strides = array<i32>} : memref<40x128xi32, #tpu.memory_space<vmem>>, vector<16xi32>,
        %mul3A_94 = arith.constant 16 : i32
        %mul3A_95 = arith.muli %scan3A_89, %mul3A_94 : i32
        %get3A_96 = arith.index_cast %scan3A_82 : i32 to index
        %get3A_97 = arith.index_cast %mul3A_95 : i32 to index
        %get3A_98 = tpu.vector_load %arg7[%get3A_96, %get3A_97] {strides = array<i32>} : memref<40x128xi32, #tpu.memory_space<vmem>>, vector<16xi32>,
        %mul3A_99 = arith.constant 16 : i32
        %mul3A_100 = arith.muli %scan3A_89, %mul3A_99 : i32
        %get3A_101 = arith.index_cast %scan3A_82 : i32 to index
        %get3A_102 = arith.index_cast %mul3A_100 : i32 to index
        %get3A_103 = tpu.vector_load %arg9[%get3A_101, %get3A_102] {strides = array<i32>} : memref<40x128xf32, #tpu.memory_space<vmem>>, vector<16xf32>,
        %broadcast_in_dim3A_104 = arith.constant 0.000000e+00 : f32
        %broadcast_in_dim3A_105 = vector.broadcast %broadcast_in_dim3A_104 : f32 to vector<16xf32>
        %broadcast_in_dim3A_106 = arith.constant 0 : i32
        %broadcast_in_dim3A_107 = vector.broadcast %broadcast_in_dim3A_106 : i32 to vector<16xi32>
        %broadcast_in_dim3A_108 = arith.constant 1 : i32
        %broadcast_in_dim3A_109 = vector.broadcast %broadcast_in_dim3A_108 : i32 to vector<16xi32>
        %gather3A = tpu.vector_load_idx %arg8[%broadcast_in_dim3A_107, %get3A_93] : memref<8x10240xf32, #tpu.memory_space<vmem>>[vector<16xi32>, vector<16xi32>], vector<16xf32>,
        %gather3A_110 = tpu.vector_load_idx %arg8[%broadcast_in_dim3A_107, %get3A_98] : memref<8x10240xf32, #tpu.memory_space<vmem>>[vector<16xi32>, vector<16xi32>], vector<16xf32>,
        %mul3A_111 = arith.mulf %gather3A, %gather3A_110 : vector<16xf32>
        %add3A_112 = arith.addf %get3A_103, %mul3A_111 : vector<16xf32>
        %gather3A_113 = tpu.vector_load_idx %arg8[%broadcast_in_dim3A_109, %get3A_93] : memref<8x10240xf32, #tpu.memory_space<vmem>>[vector<16xi32>, vector<16xi32>], vector<16xf32>,
        %gather3A_114 = tpu.vector_load_idx %arg8[%broadcast_in_dim3A_109, %get3A_98] : memref<8x10240xf32, #tpu.memory_space<vmem>>[vector<16xi32>, vector<16xi32>], vector<16xf32>,
        %mul3A_115 = arith.mulf %gather3A_113, %gather3A_114 : vector<16xf32>
        %add3A_116 = arith.addf %broadcast_in_dim3A_105, %mul3A_115 : vector<16xf32>
        %broadcast_in_dim3A_117 = arith.constant 2 : i32
        %broadcast_in_dim3A_118 = vector.broadcast %broadcast_in_dim3A_117 : i32 to vector<16xi32>
        %broadcast_in_dim3A_119 = arith.constant 3 : i32
        %broadcast_in_dim3A_120 = vector.broadcast %broadcast_in_dim3A_119 : i32 to vector<16xi32>
        %gather3A_121 = tpu.vector_load_idx %arg8[%broadcast_in_dim3A_118, %get3A_93] : memref<8x10240xf32, #tpu.memory_space<vmem>>[vector<16xi32>, vector<16xi32>], vector<16xf32>,
        %gather3A_122 = tpu.vector_load_idx %arg8[%broadcast_in_dim3A_118, %get3A_98] : memref<8x10240xf32, #tpu.memory_space<vmem>>[vector<16xi32>, vector<16xi32>], vector<16xf32>,
        %mul3A_123 = arith.mulf %gather3A_121, %gather3A_122 : vector<16xf32>
        %add3A_124 = arith.addf %add3A_112, %mul3A_123 : vector<16xf32>
        %gather3A_125 = tpu.vector_load_idx %arg8[%broadcast_in_dim3A_120, %get3A_93] : memref<8x10240xf32, #tpu.memory_space<vmem>>[vector<16xi32>, vector<16xi32>], vector<16xf32>,
        %gather3A_126 = tpu.vector_load_idx %arg8[%broadcast_in_dim3A_120, %get3A_98] : memref<8x10240xf32, #tpu.memory_space<vmem>>[vector<16xi32>, vector<16xi32>], vector<16xf32>,
        %mul3A_127 = arith.mulf %gather3A_125, %gather3A_126 : vector<16xf32>
        %add3A_128 = arith.addf %add3A_116, %mul3A_127 : vector<16xf32>
        %broadcast_in_dim3A_129 = arith.constant 4 : i32
        %broadcast_in_dim3A_130 = vector.broadcast %broadcast_in_dim3A_129 : i32 to vector<16xi32>
        %broadcast_in_dim3A_131 = arith.constant 5 : i32
        %broadcast_in_dim3A_132 = vector.broadcast %broadcast_in_dim3A_131 : i32 to vector<16xi32>
        %gather3A_133 = tpu.vector_load_idx %arg8[%broadcast_in_dim3A_130, %get3A_93] : memref<8x10240xf32, #tpu.memory_space<vmem>>[vector<16xi32>, vector<16xi32>], vector<16xf32>,
        %gather3A_134 = tpu.vector_load_idx %arg8[%broadcast_in_dim3A_130, %get3A_98] : memref<8x10240xf32, #tpu.memory_space<vmem>>[vector<16xi32>, vector<16xi32>], vector<16xf32>,
        %mul3A_135 = arith.mulf %gather3A_133, %gather3A_134 : vector<16xf32>
        %add3A_136 = arith.addf %add3A_124, %mul3A_135 : vector<16xf32>
        %gather3A_137 = tpu.vector_load_idx %arg8[%broadcast_in_dim3A_132, %get3A_93] : memref<8x10240xf32, #tpu.memory_space<vmem>>[vector<16xi32>, vector<16xi32>], vector<16xf32>,
        %gather3A_138 = tpu.vector_load_idx %arg8[%broadcast_in_dim3A_132, %get3A_98] : memref<8x10240xf32, #tpu.memory_space<vmem>>[vector<16xi32>, vector<16xi32>], vector<16xf32>,
        %mul3A_139 = arith.mulf %gather3A_137, %gather3A_138 : vector<16xf32>
        %add3A_140 = arith.addf %add3A_128, %mul3A_139 : vector<16xf32>
        %broadcast_in_dim3A_141 = arith.constant 6 : i32
        %broadcast_in_dim3A_142 = vector.broadcast %broadcast_in_dim3A_141 : i32 to vector<16xi32>
        %broadcast_in_dim3A_143 = arith.constant 7 : i32
        %broadcast_in_dim3A_144 = vector.broadcast %broadcast_in_dim3A_143 : i32 to vector<16xi32>
        %gather3A_145 = tpu.vector_load_idx %arg8[%broadcast_in_dim3A_142, %get3A_93] : memref<8x10240xf32, #tpu.memory_space<vmem>>[vector<16xi32>, vector<16xi32>], vector<16xf32>,
        %gather3A_146 = tpu.vector_load_idx %arg8[%broadcast_in_dim3A_142, %get3A_98] : memref<8x10240xf32, #tpu.memory_space<vmem>>[vector<16xi32>, vector<16xi32>], vector<16xf32>,
        %mul3A_147 = arith.mulf %gather3A_145, %gather3A_146 : vector<16xf32>
        %add3A_148 = arith.addf %add3A_136, %mul3A_147 : vector<16xf32>
        %gather3A_149 = tpu.vector_load_idx %arg8[%broadcast_in_dim3A_144, %get3A_93] : memref<8x10240xf32, #tpu.memory_space<vmem>>[vector<16xi32>, vector<16xi32>], vector<16xf32>,
        %gather3A_150 = tpu.vector_load_idx %arg8[%broadcast_in_dim3A_144, %get3A_98] : memref<8x10240xf32, #tpu.memory_space<vmem>>[vector<16xi32>, vector<16xi32>], vector<16xf32>,
        %mul3A_151 = arith.mulf %gather3A_149, %gather3A_150 : vector<16xf32>
        %add3A_152 = arith.addf %add3A_140, %mul3A_151 : vector<16xf32>
        %add3A_153 = arith.addf %add3A_148, %add3A_152 : vector<16xf32>
        %mul3A_154 = arith.constant 16 : i32
        %mul3A_155 = arith.muli %scan3A_89, %mul3A_154 : i32
        %swap3A = arith.index_cast %scan3A_82 : i32 to index
        %swap3A_156 = arith.index_cast %mul3A_155 : i32 to index
        %swap3A_157 = tpu.vector_load %arg9[%swap3A, %swap3A_156] {strides = array<i32>} : memref<40x128xf32, #tpu.memory_space<vmem>>, vector<16xf32>,
        tpu.vector_store %arg9[%swap3A, %swap3A_156], %add3A_153 {strides = array<i32>} : memref<40x128xf32, #tpu.memory_space<vmem>>, vector<16xf32>,
      }
      %scan3A_88 = arith.constant 8 : i32
    }
    %scan3A_28 = arith.constant 40 : i32
    "tpu.region"() ({
      %run_scoped3A = tpu.sem_alloc : memref<!tpu.dma_semaphore, #tpu.memory_space<semaphore_mem>>
      %dma_start3A = arith.constant 24 : i32
      %dma_start3A_82 = arith.constant 0 : i32
      %dma_start3A_83 = tpu.memref_slice %arg2[%dma_start3A, %dma_start3A_82] : memref<32x10240xf32, #tpu.memory_space<hbm>> -> memref<8x10240xf32, #tpu.memory_space<hbm>>
      %dma_start3A_84 = arith.constant 24 : i32
      %dma_start3A_85 = arith.constant 0 : i32
      %dma_start3A_86 = tpu.memref_slice %arg2[%dma_start3A_84, %dma_start3A_85] : memref<32x10240xf32, #tpu.memory_space<hbm>> -> memref<8x10240xf32, #tpu.memory_space<hbm>>
      tpu.enqueue_dma source(%dma_start3A_86 : memref<8x10240xf32, #tpu.memory_space<hbm>>) target(%arg8 : memref<8x10240xf32, #tpu.memory_space<vmem>>) target_semaphore(%run_scoped3A : memref<!tpu.dma_semaphore, #tpu.memory_space<semaphore_mem>>)
      %dma_wait3A = arith.constant 24 : i32
      %dma_wait3A_87 = arith.constant 0 : i32
      %dma_wait3A_88 = tpu.memref_slice %arg2[%dma_wait3A, %dma_wait3A_87] : memref<32x10240xf32, #tpu.memory_space<hbm>> -> memref<8x10240xf32, #tpu.memory_space<hbm>>
      %dma_wait3A_89 = arith.constant 24 : i32
      %dma_wait3A_90 = arith.constant 0 : i32
      %dma_wait3A_91 = tpu.memref_slice %arg2[%dma_wait3A_89, %dma_wait3A_90] : memref<32x10240xf32, #tpu.memory_space<hbm>> -> memref<8x10240xf32, #tpu.memory_space<hbm>>
      tpu.wait_dma2 semaphore(%run_scoped3A : memref<!tpu.dma_semaphore, #tpu.memory_space<semaphore_mem>>) src(%dma_wait3A_91 : memref<8x10240xf32, #tpu.memory_space<hbm>>) dst(%arg8 : memref<8x10240xf32, #tpu.memory_space<vmem>>)
      tpu.yield
    }) : () -> ()
    %scan3A_29 = arith.constant 0 : i32
    %scan3A_30 = arith.constant 0 : i32
    %scan3A_31 = arith.constant 40 : i32
    %scan3A_32 = arith.addi %scan3A_30, %scan3A_31 : i32
    %scan3A_33 = arith.constant 1 : i32
    scf.for %scan3A_82 = %scan3A_30 to %scan3A_32 step %scan3A_33  : i32 {
      %scan3A_83 = arith.constant 0 : i32
      %scan3A_84 = arith.constant 0 : i32
      %scan3A_85 = arith.constant 8 : i32
      %scan3A_86 = arith.addi %scan3A_84, %scan3A_85 : i32
      %scan3A_87 = arith.constant 1 : i32
      scf.for %scan3A_89 = %scan3A_84 to %scan3A_86 step %scan3A_87  : i32 {
        %mul3A_90 = arith.constant 16 : i32
        %mul3A_91 = arith.muli %scan3A_89, %mul3A_90 : i32
        %get3A = arith.index_cast %scan3A_82 : i32 to index
        %get3A_92 = arith.index_cast %mul3A_91 : i32 to index
        %get3A_93 = tpu.vector_load %arg6[%get3A, %get3A_92] {strides = array<i32>} : memref<40x128xi32, #tpu.memory_space<vmem>>, vector<16xi32>,
        %mul3A_94 = arith.constant 16 : i32
        %mul3A_95 = arith.muli %scan3A_89, %mul3A_94 : i32
        %get3A_96 = arith.index_cast %scan3A_82 : i32 to index
        %get3A_97 = arith.index_cast %mul3A_95 : i32 to index
        %get3A_98 = tpu.vector_load %arg7[%get3A_96, %get3A_97] {strides = array<i32>} : memref<40x128xi32, #tpu.memory_space<vmem>>, vector<16xi32>,
        %mul3A_99 = arith.constant 16 : i32
        %mul3A_100 = arith.muli %scan3A_89, %mul3A_99 : i32
        %get3A_101 = arith.index_cast %scan3A_82 : i32 to index
        %get3A_102 = arith.index_cast %mul3A_100 : i32 to index
        %get3A_103 = tpu.vector_load %arg9[%get3A_101, %get3A_102] {strides = array<i32>} : memref<40x128xf32, #tpu.memory_space<vmem>>, vector<16xf32>,
        %broadcast_in_dim3A_104 = arith.constant 0.000000e+00 : f32
        %broadcast_in_dim3A_105 = vector.broadcast %broadcast_in_dim3A_104 : f32 to vector<16xf32>
        %broadcast_in_dim3A_106 = arith.constant 0 : i32
        %broadcast_in_dim3A_107 = vector.broadcast %broadcast_in_dim3A_106 : i32 to vector<16xi32>
        %broadcast_in_dim3A_108 = arith.constant 1 : i32
        %broadcast_in_dim3A_109 = vector.broadcast %broadcast_in_dim3A_108 : i32 to vector<16xi32>
        %gather3A = tpu.vector_load_idx %arg8[%broadcast_in_dim3A_107, %get3A_93] : memref<8x10240xf32, #tpu.memory_space<vmem>>[vector<16xi32>, vector<16xi32>], vector<16xf32>,
        %gather3A_110 = tpu.vector_load_idx %arg8[%broadcast_in_dim3A_107, %get3A_98] : memref<8x10240xf32, #tpu.memory_space<vmem>>[vector<16xi32>, vector<16xi32>], vector<16xf32>,
        %mul3A_111 = arith.mulf %gather3A, %gather3A_110 : vector<16xf32>
        %add3A_112 = arith.addf %get3A_103, %mul3A_111 : vector<16xf32>
        %gather3A_113 = tpu.vector_load_idx %arg8[%broadcast_in_dim3A_109, %get3A_93] : memref<8x10240xf32, #tpu.memory_space<vmem>>[vector<16xi32>, vector<16xi32>], vector<16xf32>,
        %gather3A_114 = tpu.vector_load_idx %arg8[%broadcast_in_dim3A_109, %get3A_98] : memref<8x10240xf32, #tpu.memory_space<vmem>>[vector<16xi32>, vector<16xi32>], vector<16xf32>,
        %mul3A_115 = arith.mulf %gather3A_113, %gather3A_114 : vector<16xf32>
        %add3A_116 = arith.addf %broadcast_in_dim3A_105, %mul3A_115 : vector<16xf32>
        %broadcast_in_dim3A_117 = arith.constant 2 : i32
        %broadcast_in_dim3A_118 = vector.broadcast %broadcast_in_dim3A_117 : i32 to vector<16xi32>
        %broadcast_in_dim3A_119 = arith.constant 3 : i32
        %broadcast_in_dim3A_120 = vector.broadcast %broadcast_in_dim3A_119 : i32 to vector<16xi32>
        %gather3A_121 = tpu.vector_load_idx %arg8[%broadcast_in_dim3A_118, %get3A_93] : memref<8x10240xf32, #tpu.memory_space<vmem>>[vector<16xi32>, vector<16xi32>], vector<16xf32>,
        %gather3A_122 = tpu.vector_load_idx %arg8[%broadcast_in_dim3A_118, %get3A_98] : memref<8x10240xf32, #tpu.memory_space<vmem>>[vector<16xi32>, vector<16xi32>], vector<16xf32>,
        %mul3A_123 = arith.mulf %gather3A_121, %gather3A_122 : vector<16xf32>
        %add3A_124 = arith.addf %add3A_112, %mul3A_123 : vector<16xf32>
        %gather3A_125 = tpu.vector_load_idx %arg8[%broadcast_in_dim3A_120, %get3A_93] : memref<8x10240xf32, #tpu.memory_space<vmem>>[vector<16xi32>, vector<16xi32>], vector<16xf32>,
        %gather3A_126 = tpu.vector_load_idx %arg8[%broadcast_in_dim3A_120, %get3A_98] : memref<8x10240xf32, #tpu.memory_space<vmem>>[vector<16xi32>, vector<16xi32>], vector<16xf32>,
        %mul3A_127 = arith.mulf %gather3A_125, %gather3A_126 : vector<16xf32>
        %add3A_128 = arith.addf %add3A_116, %mul3A_127 : vector<16xf32>
        %broadcast_in_dim3A_129 = arith.constant 4 : i32
        %broadcast_in_dim3A_130 = vector.broadcast %broadcast_in_dim3A_129 : i32 to vector<16xi32>
        %broadcast_in_dim3A_131 = arith.constant 5 : i32
        %broadcast_in_dim3A_132 = vector.broadcast %broadcast_in_dim3A_131 : i32 to vector<16xi32>
        %gather3A_133 = tpu.vector_load_idx %arg8[%broadcast_in_dim3A_130, %get3A_93] : memref<8x10240xf32, #tpu.memory_space<vmem>>[vector<16xi32>, vector<16xi32>], vector<16xf32>,
        %gather3A_134 = tpu.vector_load_idx %arg8[%broadcast_in_dim3A_130, %get3A_98] : memref<8x10240xf32, #tpu.memory_space<vmem>>[vector<16xi32>, vector<16xi32>], vector<16xf32>,
        %mul3A_135 = arith.mulf %gather3A_133, %gather3A_134 : vector<16xf32>
        %add3A_136 = arith.addf %add3A_124, %mul3A_135 : vector<16xf32>
        %gather3A_137 = tpu.vector_load_idx %arg8[%broadcast_in_dim3A_132, %get3A_93] : memref<8x10240xf32, #tpu.memory_space<vmem>>[vector<16xi32>, vector<16xi32>], vector<16xf32>,
        %gather3A_138 = tpu.vector_load_idx %arg8[%broadcast_in_dim3A_132, %get3A_98] : memref<8x10240xf32, #tpu.memory_space<vmem>>[vector<16xi32>, vector<16xi32>], vector<16xf32>,
        %mul3A_139 = arith.mulf %gather3A_137, %gather3A_138 : vector<16xf32>
        %add3A_140 = arith.addf %add3A_128, %mul3A_139 : vector<16xf32>
        %broadcast_in_dim3A_141 = arith.constant 6 : i32
        %broadcast_in_dim3A_142 = vector.broadcast %broadcast_in_dim3A_141 : i32 to vector<16xi32>
        %broadcast_in_dim3A_143 = arith.constant 7 : i32
        %broadcast_in_dim3A_144 = vector.broadcast %broadcast_in_dim3A_143 : i32 to vector<16xi32>
        %gather3A_145 = tpu.vector_load_idx %arg8[%broadcast_in_dim3A_142, %get3A_93] : memref<8x10240xf32, #tpu.memory_space<vmem>>[vector<16xi32>, vector<16xi32>], vector<16xf32>,
        %gather3A_146 = tpu.vector_load_idx %arg8[%broadcast_in_dim3A_142, %get3A_98] : memref<8x10240xf32, #tpu.memory_space<vmem>>[vector<16xi32>, vector<16xi32>], vector<16xf32>,
        %mul3A_147 = arith.mulf %gather3A_145, %gather3A_146 : vector<16xf32>
        %add3A_148 = arith.addf %add3A_136, %mul3A_147 : vector<16xf32>
        %gather3A_149 = tpu.vector_load_idx %arg8[%broadcast_in_dim3A_144, %get3A_93] : memref<8x10240xf32, #tpu.memory_space<vmem>>[vector<16xi32>, vector<16xi32>], vector<16xf32>,
        %gather3A_150 = tpu.vector_load_idx %arg8[%broadcast_in_dim3A_144, %get3A_98] : memref<8x10240xf32, #tpu.memory_space<vmem>>[vector<16xi32>, vector<16xi32>], vector<16xf32>,
        %mul3A_151 = arith.mulf %gather3A_149, %gather3A_150 : vector<16xf32>
        %add3A_152 = arith.addf %add3A_140, %mul3A_151 : vector<16xf32>
        %add3A_153 = arith.addf %add3A_148, %add3A_152 : vector<16xf32>
        %mul3A_154 = arith.constant 16 : i32
        %mul3A_155 = arith.muli %scan3A_89, %mul3A_154 : i32
        %swap3A = arith.index_cast %scan3A_82 : i32 to index
        %swap3A_156 = arith.index_cast %mul3A_155 : i32 to index
        %swap3A_157 = tpu.vector_load %arg9[%swap3A, %swap3A_156] {strides = array<i32>} : memref<40x128xf32, #tpu.memory_space<vmem>>, vector<16xf32>,
        tpu.vector_store %arg9[%swap3A, %swap3A_156], %add3A_153 {strides = array<i32>} : memref<40x128xf32, #tpu.memory_space<vmem>>, vector<16xf32>,
      }
      %scan3A_88 = arith.constant 8 : i32
    }
    %scan3A_34 = arith.constant 40 : i32
    %scan3A_35 = arith.constant 0 : i32
    %scan3A_36 = arith.constant 0 : i32
    %scan3A_37 = arith.constant 40 : i32
    %scan3A_38 = arith.addi %scan3A_36, %scan3A_37 : i32
    %scan3A_39 = arith.constant 1 : i32
    scf.for %scan3A_82 = %scan3A_36 to %scan3A_38 step %scan3A_39  : i32 {
      %get3A = arith.index_cast %scan3A_82 : i32 to index
      %get3A_83 = arith.constant 0 : index
      %get3A_84 = tpu.vector_load %arg9[%get3A, %get3A_83] {strides = array<i32>} : memref<40x128xf32, #tpu.memory_space<vmem>>, vector<16xf32>,
      %neg3A = arith.constant 0.000000e+00 : f32
      %neg3A_85 = vector.broadcast %neg3A : f32 to vector<16xf32>
      %neg3A_86 = arith.subf %neg3A_85, %get3A_84 : vector<16xf32>
      %exp3A = math.exp %neg3A_86 : vector<16xf32>
      %add3A_87 = arith.constant 1.000000e+00 : f32
      %add3A_88 = vector.broadcast %add3A_87 : f32 to vector<16xf32>
      %add3A_89 = arith.addf %add3A_88, %exp3A : vector<16xf32>
      %div3A = arith.constant 1.000000e+00 : f32
      %div3A_90 = vector.broadcast %div3A : f32 to vector<16xf32>
      %div3A_91 = arith.divf %div3A_90, %add3A_89 : vector<16xf32>
      %swap3A = arith.index_cast %scan3A_82 : i32 to index
      %swap3A_92 = arith.constant 0 : index
      %swap3A_93 = tpu.vector_load %arg9[%swap3A, %swap3A_92] {strides = array<i32>} : memref<40x128xf32, #tpu.memory_space<vmem>>, vector<16xf32>,
      tpu.vector_store %arg9[%swap3A, %swap3A_92], %div3A_91 {strides = array<i32>} : memref<40x128xf32, #tpu.memory_space<vmem>>, vector<16xf32>,
      %get3A_94 = arith.index_cast %scan3A_82 : i32 to index
      %get3A_95 = arith.constant 16 : index
      %get3A_96 = tpu.vector_load %arg9[%get3A_94, %get3A_95] {strides = array<i32>} : memref<40x128xf32, #tpu.memory_space<vmem>>, vector<16xf32>,
      %neg3A_97 = arith.constant 0.000000e+00 : f32
      %neg3A_98 = vector.broadcast %neg3A_97 : f32 to vector<16xf32>
      %neg3A_99 = arith.subf %neg3A_98, %get3A_96 : vector<16xf32>
      %exp3A_100 = math.exp %neg3A_99 : vector<16xf32>
      %add3A_101 = arith.constant 1.000000e+00 : f32
      %add3A_102 = vector.broadcast %add3A_101 : f32 to vector<16xf32>
      %add3A_103 = arith.addf %add3A_102, %exp3A_100 : vector<16xf32>
      %div3A_104 = arith.constant 1.000000e+00 : f32
      %div3A_105 = vector.broadcast %div3A_104 : f32 to vector<16xf32>
      %div3A_106 = arith.divf %div3A_105, %add3A_103 : vector<16xf32>
      %swap3A_107 = arith.index_cast %scan3A_82 : i32 to index
      %swap3A_108 = arith.constant 16 : index
      %swap3A_109 = tpu.vector_load %arg9[%swap3A_107, %swap3A_108] {strides = array<i32>} : memref<40x128xf32, #tpu.memory_space<vmem>>, vector<16xf32>,
      tpu.vector_store %arg9[%swap3A_107, %swap3A_108], %div3A_106 {strides = array<i32>} : memref<40x128xf32, #tpu.memory_space<vmem>>, vector<16xf32>,
      %get3A_110 = arith.index_cast %scan3A_82 : i32 to index
      %get3A_111 = arith.constant 32 : index
      %get3A_112 = tpu.vector_load %arg9[%get3A_110, %get3A_111] {strides = array<i32>} : memref<40x128xf32, #tpu.memory_space<vmem>>, vector<16xf32>,
      %neg3A_113 = arith.constant 0.000000e+00 : f32
      %neg3A_114 = vector.broadcast %neg3A_113 : f32 to vector<16xf32>
      %neg3A_115 = arith.subf %neg3A_114, %get3A_112 : vector<16xf32>
      %exp3A_116 = math.exp %neg3A_115 : vector<16xf32>
      %add3A_117 = arith.constant 1.000000e+00 : f32
      %add3A_118 = vector.broadcast %add3A_117 : f32 to vector<16xf32>
      %add3A_119 = arith.addf %add3A_118, %exp3A_116 : vector<16xf32>
      %div3A_120 = arith.constant 1.000000e+00 : f32
      %div3A_121 = vector.broadcast %div3A_120 : f32 to vector<16xf32>
      %div3A_122 = arith.divf %div3A_121, %add3A_119 : vector<16xf32>
      %swap3A_123 = arith.index_cast %scan3A_82 : i32 to index
      %swap3A_124 = arith.constant 32 : index
      %swap3A_125 = tpu.vector_load %arg9[%swap3A_123, %swap3A_124] {strides = array<i32>} : memref<40x128xf32, #tpu.memory_space<vmem>>, vector<16xf32>,
      tpu.vector_store %arg9[%swap3A_123, %swap3A_124], %div3A_122 {strides = array<i32>} : memref<40x128xf32, #tpu.memory_space<vmem>>, vector<16xf32>,
      %get3A_126 = arith.index_cast %scan3A_82 : i32 to index
      %get3A_127 = arith.constant 48 : index
      %get3A_128 = tpu.vector_load %arg9[%get3A_126, %get3A_127] {strides = array<i32>} : memref<40x128xf32, #tpu.memory_space<vmem>>, vector<16xf32>,
      %neg3A_129 = arith.constant 0.000000e+00 : f32
      %neg3A_130 = vector.broadcast %neg3A_129 : f32 to vector<16xf32>
      %neg3A_131 = arith.subf %neg3A_130, %get3A_128 : vector<16xf32>
      %exp3A_132 = math.exp %neg3A_131 : vector<16xf32>
      %add3A_133 = arith.constant 1.000000e+00 : f32
      %add3A_134 = vector.broadcast %add3A_133 : f32 to vector<16xf32>
      %add3A_135 = arith.addf %add3A_134, %exp3A_132 : vector<16xf32>
      %div3A_136 = arith.constant 1.000000e+00 : f32
      %div3A_137 = vector.broadcast %div3A_136 : f32 to vector<16xf32>
      %div3A_138 = arith.divf %div3A_137, %add3A_135 : vector<16xf32>
      %swap3A_139 = arith.index_cast %scan3A_82 : i32 to index
      %swap3A_140 = arith.constant 48 : index
      %swap3A_141 = tpu.vector_load %arg9[%swap3A_139, %swap3A_140] {strides = array<i32>} : memref<40x128xf32, #tpu.memory_space<vmem>>, vector<16xf32>,
      tpu.vector_store %arg9[%swap3A_139, %swap3A_140], %div3A_138 {strides = array<i32>} : memref<40x128xf32, #tpu.memory_space<vmem>>, vector<16xf32>,
      %get3A_142 = arith.index_cast %scan3A_82 : i32 to index
      %get3A_143 = arith.constant 64 : index
      %get3A_144 = tpu.vector_load %arg9[%get3A_142, %get3A_143] {strides = array<i32>} : memref<40x128xf32, #tpu.memory_space<vmem>>, vector<16xf32>,
      %neg3A_145 = arith.constant 0.000000e+00 : f32
      %neg3A_146 = vector.broadcast %neg3A_145 : f32 to vector<16xf32>
      %neg3A_147 = arith.subf %neg3A_146, %get3A_144 : vector<16xf32>
      %exp3A_148 = math.exp %neg3A_147 : vector<16xf32>
      %add3A_149 = arith.constant 1.000000e+00 : f32
      %add3A_150 = vector.broadcast %add3A_149 : f32 to vector<16xf32>
      %add3A_151 = arith.addf %add3A_150, %exp3A_148 : vector<16xf32>
      %div3A_152 = arith.constant 1.000000e+00 : f32
      %div3A_153 = vector.broadcast %div3A_152 : f32 to vector<16xf32>
      %div3A_154 = arith.divf %div3A_153, %add3A_151 : vector<16xf32>
      %swap3A_155 = arith.index_cast %scan3A_82 : i32 to index
      %swap3A_156 = arith.constant 64 : index
      %swap3A_157 = tpu.vector_load %arg9[%swap3A_155, %swap3A_156] {strides = array<i32>} : memref<40x128xf32, #tpu.memory_space<vmem>>, vector<16xf32>,
      tpu.vector_store %arg9[%swap3A_155, %swap3A_156], %div3A_154 {strides = array<i32>} : memref<40x128xf32, #tpu.memory_space<vmem>>, vector<16xf32>,
      %get3A_158 = arith.index_cast %scan3A_82 : i32 to index
      %get3A_159 = arith.constant 80 : index
      %get3A_160 = tpu.vector_load %arg9[%get3A_158, %get3A_159] {strides = array<i32>} : memref<40x128xf32, #tpu.memory_space<vmem>>, vector<16xf32>,
      %neg3A_161 = arith.constant 0.000000e+00 : f32
      %neg3A_162 = vector.broadcast %neg3A_161 : f32 to vector<16xf32>
      %neg3A_163 = arith.subf %neg3A_162, %get3A_160 : vector<16xf32>
      %exp3A_164 = math.exp %neg3A_163 : vector<16xf32>
      %add3A_165 = arith.constant 1.000000e+00 : f32
      %add3A_166 = vector.broadcast %add3A_165 : f32 to vector<16xf32>
      %add3A_167 = arith.addf %add3A_166, %exp3A_164 : vector<16xf32>
      %div3A_168 = arith.constant 1.000000e+00 : f32
      %div3A_169 = vector.broadcast %div3A_168 : f32 to vector<16xf32>
      %div3A_170 = arith.divf %div3A_169, %add3A_167 : vector<16xf32>
      %swap3A_171 = arith.index_cast %scan3A_82 : i32 to index
      %swap3A_172 = arith.constant 80 : index
      %swap3A_173 = tpu.vector_load %arg9[%swap3A_171, %swap3A_172] {strides = array<i32>} : memref<40x128xf32, #tpu.memory_space<vmem>>, vector<16xf32>,
      tpu.vector_store %arg9[%swap3A_171, %swap3A_172], %div3A_170 {strides = array<i32>} : memref<40x128xf32, #tpu.memory_space<vmem>>, vector<16xf32>,
      %get3A_174 = arith.index_cast %scan3A_82 : i32 to index
      %get3A_175 = arith.constant 96 : index
      %get3A_176 = tpu.vector_load %arg9[%get3A_174, %get3A_175] {strides = array<i32>} : memref<40x128xf32, #tpu.memory_space<vmem>>, vector<16xf32>,
      %neg3A_177 = arith.constant 0.000000e+00 : f32
      %neg3A_178 = vector.broadcast %neg3A_177 : f32 to vector<16xf32>
      %neg3A_179 = arith.subf %neg3A_178, %get3A_176 : vector<16xf32>
      %exp3A_180 = math.exp %neg3A_179 : vector<16xf32>
      %add3A_181 = arith.constant 1.000000e+00 : f32
      %add3A_182 = vector.broadcast %add3A_181 : f32 to vector<16xf32>
      %add3A_183 = arith.addf %add3A_182, %exp3A_180 : vector<16xf32>
      %div3A_184 = arith.constant 1.000000e+00 : f32
      %div3A_185 = vector.broadcast %div3A_184 : f32 to vector<16xf32>
      %div3A_186 = arith.divf %div3A_185, %add3A_183 : vector<16xf32>
      %swap3A_187 = arith.index_cast %scan3A_82 : i32 to index
      %swap3A_188 = arith.constant 96 : index
      %swap3A_189 = tpu.vector_load %arg9[%swap3A_187, %swap3A_188] {strides = array<i32>} : memref<40x128xf32, #tpu.memory_space<vmem>>, vector<16xf32>,
      tpu.vector_store %arg9[%swap3A_187, %swap3A_188], %div3A_186 {strides = array<i32>} : memref<40x128xf32, #tpu.memory_space<vmem>>, vector<16xf32>,
      %get3A_190 = arith.index_cast %scan3A_82 : i32 to index
      %get3A_191 = arith.constant 112 : index
      %get3A_192 = tpu.vector_load %arg9[%get3A_190, %get3A_191] {strides = array<i32>} : memref<40x128xf32, #tpu.memory_space<vmem>>, vector<16xf32>,
      %neg3A_193 = arith.constant 0.000000e+00 : f32
      %neg3A_194 = vector.broadcast %neg3A_193 : f32 to vector<16xf32>
      %neg3A_195 = arith.subf %neg3A_194, %get3A_192 : vector<16xf32>
      %exp3A_196 = math.exp %neg3A_195 : vector<16xf32>
      %add3A_197 = arith.constant 1.000000e+00 : f32
      %add3A_198 = vector.broadcast %add3A_197 : f32 to vector<16xf32>
      %add3A_199 = arith.addf %add3A_198, %exp3A_196 : vector<16xf32>
      %div3A_200 = arith.constant 1.000000e+00 : f32
      %div3A_201 = vector.broadcast %div3A_200 : f32 to vector<16xf32>
      %div3A_202 = arith.divf %div3A_201, %add3A_199 : vector<16xf32>
      %swap3A_203 = arith.index_cast %scan3A_82 : i32 to index
      %swap3A_204 = arith.constant 112 : index
      %swap3A_205 = tpu.vector_load %arg9[%swap3A_203, %swap3A_204] {strides = array<i32>} : memref<40x128xf32, #tpu.memory_space<vmem>>, vector<16xf32>,
      tpu.vector_store %arg9[%swap3A_203, %swap3A_204], %div3A_202 {strides = array<i32>} : memref<40x128xf32, #tpu.memory_space<vmem>>, vector<16xf32>,
    }
    %scan3A_40 = arith.constant 40 : i32
    %barrier3A = arith.constant 0 : index
    tpu.barrier barrier_id(%barrier3A)
    "tpu.region"() ({
      %run_scoped3A = tpu.sem_alloc : memref<!tpu.dma_semaphore, #tpu.memory_space<semaphore_mem>>
      %dma_start3A = arith.constant 0 : i32
      %dma_start3A_82 = tpu.memref_slice %arg5[%add3A_5, %dma_start3A] : memref<2560x128xf32, #tpu.memory_space<hbm>> -> memref<40x128xf32, #tpu.memory_space<hbm>>
      %dma_start3A_83 = arith.constant 0 : i32
      %dma_start3A_84 = tpu.memref_slice %arg5[%add3A_5, %dma_start3A_83] : memref<2560x128xf32, #tpu.memory_space<hbm>> -> memref<40x128xf32, #tpu.memory_space<hbm>>
      tpu.enqueue_dma source(%arg9 : memref<40x128xf32, #tpu.memory_space<vmem>>) target(%dma_start3A_84 : memref<40x128xf32, #tpu.memory_space<hbm>>) target_semaphore(%run_scoped3A : memref<!tpu.dma_semaphore, #tpu.memory_space<semaphore_mem>>)
      %dma_wait3A = arith.constant 0 : i32
      %dma_wait3A_85 = tpu.memref_slice %arg5[%add3A_5, %dma_wait3A] : memref<2560x128xf32, #tpu.memory_space<hbm>> -> memref<40x128xf32, #tpu.memory_space<hbm>>
      %dma_wait3A_86 = arith.constant 0 : i32
      %dma_wait3A_87 = tpu.memref_slice %arg5[%add3A_5, %dma_wait3A_86] : memref<2560x128xf32, #tpu.memory_space<hbm>> -> memref<40x128xf32, #tpu.memory_space<hbm>>
      tpu.wait_dma2 semaphore(%run_scoped3A : memref<!tpu.dma_semaphore, #tpu.memory_space<semaphore_mem>>) src(%arg9 : memref<40x128xf32, #tpu.memory_space<vmem>>) dst(%dma_wait3A_87 : memref<40x128xf32, #tpu.memory_space<hbm>>)
      tpu.yield
    }) : () -> ()
    %mul3A_41 = arith.constant 80 : i32
    %mul3A_42 = arith.muli %add3A, %mul3A_41 : i32
    %add3A_43 = arith.constant 40 : i32
    %add3A_44 = arith.addi %mul3A_42, %add3A_43 : i32
    "tpu.region"() ({
      %run_scoped3A = tpu.sem_alloc : memref<!tpu.dma_semaphore, #tpu.memory_space<semaphore_mem>>
      %dma_start3A = arith.constant 0 : i32
      %dma_start3A_82 = tpu.memref_slice %arg3[%add3A_44, %dma_start3A] : memref<2560x128xi32, #tpu.memory_space<hbm>> -> memref<40x128xi32, #tpu.memory_space<hbm>>
      %dma_start3A_83 = arith.constant 0 : i32
      %dma_start3A_84 = tpu.memref_slice %arg3[%add3A_44, %dma_start3A_83] : memref<2560x128xi32, #tpu.memory_space<hbm>> -> memref<40x128xi32, #tpu.memory_space<hbm>>
      tpu.enqueue_dma source(%dma_start3A_84 : memref<40x128xi32, #tpu.memory_space<hbm>>) target(%arg6 : memref<40x128xi32, #tpu.memory_space<vmem>>) target_semaphore(%run_scoped3A : memref<!tpu.dma_semaphore, #tpu.memory_space<semaphore_mem>>)
      %dma_wait3A = arith.constant 0 : i32
      %dma_wait3A_85 = tpu.memref_slice %arg3[%add3A_44, %dma_wait3A] : memref<2560x128xi32, #tpu.memory_space<hbm>> -> memref<40x128xi32, #tpu.memory_space<hbm>>
      %dma_wait3A_86 = arith.constant 0 : i32
      %dma_wait3A_87 = tpu.memref_slice %arg3[%add3A_44, %dma_wait3A_86] : memref<2560x128xi32, #tpu.memory_space<hbm>> -> memref<40x128xi32, #tpu.memory_space<hbm>>
      tpu.wait_dma2 semaphore(%run_scoped3A : memref<!tpu.dma_semaphore, #tpu.memory_space<semaphore_mem>>) src(%dma_wait3A_87 : memref<40x128xi32, #tpu.memory_space<hbm>>) dst(%arg6 : memref<40x128xi32, #tpu.memory_space<vmem>>)
      tpu.yield
    }) : () -> ()
    "tpu.region"() ({
      %run_scoped3A = tpu.sem_alloc : memref<!tpu.dma_semaphore, #tpu.memory_space<semaphore_mem>>
      %dma_start3A = arith.constant 0 : i32
      %dma_start3A_82 = tpu.memref_slice %arg4[%add3A_44, %dma_start3A] : memref<2560x128xi32, #tpu.memory_space<hbm>> -> memref<40x128xi32, #tpu.memory_space<hbm>>
      %dma_start3A_83 = arith.constant 0 : i32
      %dma_start3A_84 = tpu.memref_slice %arg4[%add3A_44, %dma_start3A_83] : memref<2560x128xi32, #tpu.memory_space<hbm>> -> memref<40x128xi32, #tpu.memory_space<hbm>>
      tpu.enqueue_dma source(%dma_start3A_84 : memref<40x128xi32, #tpu.memory_space<hbm>>) target(%arg7 : memref<40x128xi32, #tpu.memory_space<vmem>>) target_semaphore(%run_scoped3A : memref<!tpu.dma_semaphore, #tpu.memory_space<semaphore_mem>>)
      %dma_wait3A = arith.constant 0 : i32
      %dma_wait3A_85 = tpu.memref_slice %arg4[%add3A_44, %dma_wait3A] : memref<2560x128xi32, #tpu.memory_space<hbm>> -> memref<40x128xi32, #tpu.memory_space<hbm>>
      %dma_wait3A_86 = arith.constant 0 : i32
      %dma_wait3A_87 = tpu.memref_slice %arg4[%add3A_44, %dma_wait3A_86] : memref<2560x128xi32, #tpu.memory_space<hbm>> -> memref<40x128xi32, #tpu.memory_space<hbm>>
      tpu.wait_dma2 semaphore(%run_scoped3A : memref<!tpu.dma_semaphore, #tpu.memory_space<semaphore_mem>>) src(%dma_wait3A_87 : memref<40x128xi32, #tpu.memory_space<hbm>>) dst(%arg7 : memref<40x128xi32, #tpu.memory_space<vmem>>)
      tpu.yield
    }) : () -> ()
    %scan3A_45 = arith.constant 0 : i32
    %scan3A_46 = arith.constant 0 : i32
    %scan3A_47 = arith.constant 40 : i32
    %scan3A_48 = arith.addi %scan3A_46, %scan3A_47 : i32
    %scan3A_49 = arith.constant 1 : i32
    scf.for %scan3A_82 = %scan3A_46 to %scan3A_48 step %scan3A_49  : i32 {
      %swap3A = arith.index_cast %scan3A_82 : i32 to index
      %swap3A_83 = arith.constant 0 : index
      %swap3A_84 = tpu.vector_load %arg9[%swap3A, %swap3A_83] {strides = array<i32>} : memref<40x128xf32, #tpu.memory_space<vmem>>, vector<16xf32>,
      tpu.vector_store %arg9[%swap3A, %swap3A_83], %broadcast_in_dim3A_1 {strides = array<i32>} : memref<40x128xf32, #tpu.memory_space<vmem>>, vector<16xf32>,
      %swap3A_85 = arith.index_cast %scan3A_82 : i32 to index
      %swap3A_86 = arith.constant 16 : index
      %swap3A_87 = tpu.vector_load %arg9[%swap3A_85, %swap3A_86] {strides = array<i32>} : memref<40x128xf32, #tpu.memory_space<vmem>>, vector<16xf32>,
      tpu.vector_store %arg9[%swap3A_85, %swap3A_86], %broadcast_in_dim3A_1 {strides = array<i32>} : memref<40x128xf32, #tpu.memory_space<vmem>>, vector<16xf32>,
      %swap3A_88 = arith.index_cast %scan3A_82 : i32 to index
      %swap3A_89 = arith.constant 32 : index
      %swap3A_90 = tpu.vector_load %arg9[%swap3A_88, %swap3A_89] {strides = array<i32>} : memref<40x128xf32, #tpu.memory_space<vmem>>, vector<16xf32>,
      tpu.vector_store %arg9[%swap3A_88, %swap3A_89], %broadcast_in_dim3A_1 {strides = array<i32>} : memref<40x128xf32, #tpu.memory_space<vmem>>, vector<16xf32>,
      %swap3A_91 = arith.index_cast %scan3A_82 : i32 to index
      %swap3A_92 = arith.constant 48 : index
      %swap3A_93 = tpu.vector_load %arg9[%swap3A_91, %swap3A_92] {strides = array<i32>} : memref<40x128xf32, #tpu.memory_space<vmem>>, vector<16xf32>,
      tpu.vector_store %arg9[%swap3A_91, %swap3A_92], %broadcast_in_dim3A_1 {strides = array<i32>} : memref<40x128xf32, #tpu.memory_space<vmem>>, vector<16xf32>,
      %swap3A_94 = arith.index_cast %scan3A_82 : i32 to index
      %swap3A_95 = arith.constant 64 : index
      %swap3A_96 = tpu.vector_load %arg9[%swap3A_94, %swap3A_95] {strides = array<i32>} : memref<40x128xf32, #tpu.memory_space<vmem>>, vector<16xf32>,
      tpu.vector_store %arg9[%swap3A_94, %swap3A_95], %broadcast_in_dim3A_1 {strides = array<i32>} : memref<40x128xf32, #tpu.memory_space<vmem>>, vector<16xf32>,
      %swap3A_97 = arith.index_cast %scan3A_82 : i32 to index
      %swap3A_98 = arith.constant 80 : index
      %swap3A_99 = tpu.vector_load %arg9[%swap3A_97, %swap3A_98] {strides = array<i32>} : memref<40x128xf32, #tpu.memory_space<vmem>>, vector<16xf32>,
      tpu.vector_store %arg9[%swap3A_97, %swap3A_98], %broadcast_in_dim3A_1 {strides = array<i32>} : memref<40x128xf32, #tpu.memory_space<vmem>>, vector<16xf32>,
      %swap3A_100 = arith.index_cast %scan3A_82 : i32 to index
      %swap3A_101 = arith.constant 96 : index
      %swap3A_102 = tpu.vector_load %arg9[%swap3A_100, %swap3A_101] {strides = array<i32>} : memref<40x128xf32, #tpu.memory_space<vmem>>, vector<16xf32>,
      tpu.vector_store %arg9[%swap3A_100, %swap3A_101], %broadcast_in_dim3A_1 {strides = array<i32>} : memref<40x128xf32, #tpu.memory_space<vmem>>, vector<16xf32>,
      %swap3A_103 = arith.index_cast %scan3A_82 : i32 to index
      %swap3A_104 = arith.constant 112 : index
      %swap3A_105 = tpu.vector_load %arg9[%swap3A_103, %swap3A_104] {strides = array<i32>} : memref<40x128xf32, #tpu.memory_space<vmem>>, vector<16xf32>,
      tpu.vector_store %arg9[%swap3A_103, %swap3A_104], %broadcast_in_dim3A_1 {strides = array<i32>} : memref<40x128xf32, #tpu.memory_space<vmem>>, vector<16xf32>,
    }
    %scan3A_50 = arith.constant 40 : i32
    "tpu.region"() ({
      %run_scoped3A = tpu.sem_alloc : memref<!tpu.dma_semaphore, #tpu.memory_space<semaphore_mem>>
      %dma_start3A = arith.constant 0 : i32
      %dma_start3A_82 = arith.constant 0 : i32
      %dma_start3A_83 = tpu.memref_slice %arg2[%dma_start3A, %dma_start3A_82] : memref<32x10240xf32, #tpu.memory_space<hbm>> -> memref<8x10240xf32, #tpu.memory_space<hbm>>
      %dma_start3A_84 = arith.constant 0 : i32
      %dma_start3A_85 = arith.constant 0 : i32
      %dma_start3A_86 = tpu.memref_slice %arg2[%dma_start3A_84, %dma_start3A_85] : memref<32x10240xf32, #tpu.memory_space<hbm>> -> memref<8x10240xf32, #tpu.memory_space<hbm>>
      tpu.enqueue_dma source(%dma_start3A_86 : memref<8x10240xf32, #tpu.memory_space<hbm>>) target(%arg8 : memref<8x10240xf32, #tpu.memory_space<vmem>>) target_semaphore(%run_scoped3A : memref<!tpu.dma_semaphore, #tpu.memory_space<semaphore_mem>>)
      %dma_wait3A = arith.constant 0 : i32
      %dma_wait3A_87 = arith.constant 0 : i32
      %dma_wait3A_88 = tpu.memref_slice %arg2[%dma_wait3A, %dma_wait3A_87] : memref<32x10240xf32, #tpu.memory_space<hbm>> -> memref<8x10240xf32, #tpu.memory_space<hbm>>
      %dma_wait3A_89 = arith.constant 0 : i32
      %dma_wait3A_90 = arith.constant 0 : i32
      %dma_wait3A_91 = tpu.memref_slice %arg2[%dma_wait3A_89, %dma_wait3A_90] : memref<32x10240xf32, #tpu.memory_space<hbm>> -> memref<8x10240xf32, #tpu.memory_space<hbm>>
      tpu.wait_dma2 semaphore(%run_scoped3A : memref<!tpu.dma_semaphore, #tpu.memory_space<semaphore_mem>>) src(%dma_wait3A_91 : memref<8x10240xf32, #tpu.memory_space<hbm>>) dst(%arg8 : memref<8x10240xf32, #tpu.memory_space<vmem>>)
      tpu.yield
    }) : () -> ()
    %scan3A_51 = arith.constant 0 : i32
    %scan3A_52 = arith.constant 0 : i32
    %scan3A_53 = arith.constant 40 : i32
    %scan3A_54 = arith.addi %scan3A_52, %scan3A_53 : i32
    %scan3A_55 = arith.constant 1 : i32
    scf.for %scan3A_82 = %scan3A_52 to %scan3A_54 step %scan3A_55  : i32 {
      %scan3A_83 = arith.constant 0 : i32
      %scan3A_84 = arith.constant 0 : i32
      %scan3A_85 = arith.constant 8 : i32
      %scan3A_86 = arith.addi %scan3A_84, %scan3A_85 : i32
      %scan3A_87 = arith.constant 1 : i32
      scf.for %scan3A_89 = %scan3A_84 to %scan3A_86 step %scan3A_87  : i32 {
        %mul3A_90 = arith.constant 16 : i32
        %mul3A_91 = arith.muli %scan3A_89, %mul3A_90 : i32
        %get3A = arith.index_cast %scan3A_82 : i32 to index
        %get3A_92 = arith.index_cast %mul3A_91 : i32 to index
        %get3A_93 = tpu.vector_load %arg6[%get3A, %get3A_92] {strides = array<i32>} : memref<40x128xi32, #tpu.memory_space<vmem>>, vector<16xi32>,
        %mul3A_94 = arith.constant 16 : i32
        %mul3A_95 = arith.muli %scan3A_89, %mul3A_94 : i32
        %get3A_96 = arith.index_cast %scan3A_82 : i32 to index
        %get3A_97 = arith.index_cast %mul3A_95 : i32 to index
        %get3A_98 = tpu.vector_load %arg7[%get3A_96, %get3A_97] {strides = array<i32>} : memref<40x128xi32, #tpu.memory_space<vmem>>, vector<16xi32>,
        %mul3A_99 = arith.constant 16 : i32
        %mul3A_100 = arith.muli %scan3A_89, %mul3A_99 : i32
        %get3A_101 = arith.index_cast %scan3A_82 : i32 to index
        %get3A_102 = arith.index_cast %mul3A_100 : i32 to index
        %get3A_103 = tpu.vector_load %arg9[%get3A_101, %get3A_102] {strides = array<i32>} : memref<40x128xf32, #tpu.memory_space<vmem>>, vector<16xf32>,
        %broadcast_in_dim3A_104 = arith.constant 0.000000e+00 : f32
        %broadcast_in_dim3A_105 = vector.broadcast %broadcast_in_dim3A_104 : f32 to vector<16xf32>
        %broadcast_in_dim3A_106 = arith.constant 0 : i32
        %broadcast_in_dim3A_107 = vector.broadcast %broadcast_in_dim3A_106 : i32 to vector<16xi32>
        %broadcast_in_dim3A_108 = arith.constant 1 : i32
        %broadcast_in_dim3A_109 = vector.broadcast %broadcast_in_dim3A_108 : i32 to vector<16xi32>
        %gather3A = tpu.vector_load_idx %arg8[%broadcast_in_dim3A_107, %get3A_93] : memref<8x10240xf32, #tpu.memory_space<vmem>>[vector<16xi32>, vector<16xi32>], vector<16xf32>,
        %gather3A_110 = tpu.vector_load_idx %arg8[%broadcast_in_dim3A_107, %get3A_98] : memref<8x10240xf32, #tpu.memory_space<vmem>>[vector<16xi32>, vector<16xi32>], vector<16xf32>,
        %mul3A_111 = arith.mulf %gather3A, %gather3A_110 : vector<16xf32>
        %add3A_112 = arith.addf %get3A_103, %mul3A_111 : vector<16xf32>
        %gather3A_113 = tpu.vector_load_idx %arg8[%broadcast_in_dim3A_109, %get3A_93] : memref<8x10240xf32, #tpu.memory_space<vmem>>[vector<16xi32>, vector<16xi32>], vector<16xf32>,
        %gather3A_114 = tpu.vector_load_idx %arg8[%broadcast_in_dim3A_109, %get3A_98] : memref<8x10240xf32, #tpu.memory_space<vmem>>[vector<16xi32>, vector<16xi32>], vector<16xf32>,
        %mul3A_115 = arith.mulf %gather3A_113, %gather3A_114 : vector<16xf32>
        %add3A_116 = arith.addf %broadcast_in_dim3A_105, %mul3A_115 : vector<16xf32>
        %broadcast_in_dim3A_117 = arith.constant 2 : i32
        %broadcast_in_dim3A_118 = vector.broadcast %broadcast_in_dim3A_117 : i32 to vector<16xi32>
        %broadcast_in_dim3A_119 = arith.constant 3 : i32
        %broadcast_in_dim3A_120 = vector.broadcast %broadcast_in_dim3A_119 : i32 to vector<16xi32>
        %gather3A_121 = tpu.vector_load_idx %arg8[%broadcast_in_dim3A_118, %get3A_93] : memref<8x10240xf32, #tpu.memory_space<vmem>>[vector<16xi32>, vector<16xi32>], vector<16xf32>,
        %gather3A_122 = tpu.vector_load_idx %arg8[%broadcast_in_dim3A_118, %get3A_98] : memref<8x10240xf32, #tpu.memory_space<vmem>>[vector<16xi32>, vector<16xi32>], vector<16xf32>,
        %mul3A_123 = arith.mulf %gather3A_121, %gather3A_122 : vector<16xf32>
        %add3A_124 = arith.addf %add3A_112, %mul3A_123 : vector<16xf32>
        %gather3A_125 = tpu.vector_load_idx %arg8[%broadcast_in_dim3A_120, %get3A_93] : memref<8x10240xf32, #tpu.memory_space<vmem>>[vector<16xi32>, vector<16xi32>], vector<16xf32>,
        %gather3A_126 = tpu.vector_load_idx %arg8[%broadcast_in_dim3A_120, %get3A_98] : memref<8x10240xf32, #tpu.memory_space<vmem>>[vector<16xi32>, vector<16xi32>], vector<16xf32>,
        %mul3A_127 = arith.mulf %gather3A_125, %gather3A_126 : vector<16xf32>
        %add3A_128 = arith.addf %add3A_116, %mul3A_127 : vector<16xf32>
        %broadcast_in_dim3A_129 = arith.constant 4 : i32
        %broadcast_in_dim3A_130 = vector.broadcast %broadcast_in_dim3A_129 : i32 to vector<16xi32>
        %broadcast_in_dim3A_131 = arith.constant 5 : i32
        %broadcast_in_dim3A_132 = vector.broadcast %broadcast_in_dim3A_131 : i32 to vector<16xi32>
        %gather3A_133 = tpu.vector_load_idx %arg8[%broadcast_in_dim3A_130, %get3A_93] : memref<8x10240xf32, #tpu.memory_space<vmem>>[vector<16xi32>, vector<16xi32>], vector<16xf32>,
        %gather3A_134 = tpu.vector_load_idx %arg8[%broadcast_in_dim3A_130, %get3A_98] : memref<8x10240xf32, #tpu.memory_space<vmem>>[vector<16xi32>, vector<16xi32>], vector<16xf32>,
        %mul3A_135 = arith.mulf %gather3A_133, %gather3A_134 : vector<16xf32>
        %add3A_136 = arith.addf %add3A_124, %mul3A_135 : vector<16xf32>
        %gather3A_137 = tpu.vector_load_idx %arg8[%broadcast_in_dim3A_132, %get3A_93] : memref<8x10240xf32, #tpu.memory_space<vmem>>[vector<16xi32>, vector<16xi32>], vector<16xf32>,
        %gather3A_138 = tpu.vector_load_idx %arg8[%broadcast_in_dim3A_132, %get3A_98] : memref<8x10240xf32, #tpu.memory_space<vmem>>[vector<16xi32>, vector<16xi32>], vector<16xf32>,
        %mul3A_139 = arith.mulf %gather3A_137, %gather3A_138 : vector<16xf32>
        %add3A_140 = arith.addf %add3A_128, %mul3A_139 : vector<16xf32>
        %broadcast_in_dim3A_141 = arith.constant 6 : i32
        %broadcast_in_dim3A_142 = vector.broadcast %broadcast_in_dim3A_141 : i32 to vector<16xi32>
        %broadcast_in_dim3A_143 = arith.constant 7 : i32
        %broadcast_in_dim3A_144 = vector.broadcast %broadcast_in_dim3A_143 : i32 to vector<16xi32>
        %gather3A_145 = tpu.vector_load_idx %arg8[%broadcast_in_dim3A_142, %get3A_93] : memref<8x10240xf32, #tpu.memory_space<vmem>>[vector<16xi32>, vector<16xi32>], vector<16xf32>,
        %gather3A_146 = tpu.vector_load_idx %arg8[%broadcast_in_dim3A_142, %get3A_98] : memref<8x10240xf32, #tpu.memory_space<vmem>>[vector<16xi32>, vector<16xi32>], vector<16xf32>,
        %mul3A_147 = arith.mulf %gather3A_145, %gather3A_146 : vector<16xf32>
        %add3A_148 = arith.addf %add3A_136, %mul3A_147 : vector<16xf32>
        %gather3A_149 = tpu.vector_load_idx %arg8[%broadcast_in_dim3A_144, %get3A_93] : memref<8x10240xf32, #tpu.memory_space<vmem>>[vector<16xi32>, vector<16xi32>], vector<16xf32>,
        %gather3A_150 = tpu.vector_load_idx %arg8[%broadcast_in_dim3A_144, %get3A_98] : memref<8x10240xf32, #tpu.memory_space<vmem>>[vector<16xi32>, vector<16xi32>], vector<16xf32>,
        %mul3A_151 = arith.mulf %gather3A_149, %gather3A_150 : vector<16xf32>
        %add3A_152 = arith.addf %add3A_140, %mul3A_151 : vector<16xf32>
        %add3A_153 = arith.addf %add3A_148, %add3A_152 : vector<16xf32>
        %mul3A_154 = arith.constant 16 : i32
        %mul3A_155 = arith.muli %scan3A_89, %mul3A_154 : i32
        %swap3A = arith.index_cast %scan3A_82 : i32 to index
        %swap3A_156 = arith.index_cast %mul3A_155 : i32 to index
        %swap3A_157 = tpu.vector_load %arg9[%swap3A, %swap3A_156] {strides = array<i32>} : memref<40x128xf32, #tpu.memory_space<vmem>>, vector<16xf32>,
        tpu.vector_store %arg9[%swap3A, %swap3A_156], %add3A_153 {strides = array<i32>} : memref<40x128xf32, #tpu.memory_space<vmem>>, vector<16xf32>,
      }
      %scan3A_88 = arith.constant 8 : i32
    }
    %scan3A_56 = arith.constant 40 : i32
    "tpu.region"() ({
      %run_scoped3A = tpu.sem_alloc : memref<!tpu.dma_semaphore, #tpu.memory_space<semaphore_mem>>
      %dma_start3A = arith.constant 8 : i32
      %dma_start3A_82 = arith.constant 0 : i32
      %dma_start3A_83 = tpu.memref_slice %arg2[%dma_start3A, %dma_start3A_82] : memref<32x10240xf32, #tpu.memory_space<hbm>> -> memref<8x10240xf32, #tpu.memory_space<hbm>>
      %dma_start3A_84 = arith.constant 8 : i32
      %dma_start3A_85 = arith.constant 0 : i32
      %dma_start3A_86 = tpu.memref_slice %arg2[%dma_start3A_84, %dma_start3A_85] : memref<32x10240xf32, #tpu.memory_space<hbm>> -> memref<8x10240xf32, #tpu.memory_space<hbm>>
      tpu.enqueue_dma source(%dma_start3A_86 : memref<8x10240xf32, #tpu.memory_space<hbm>>) target(%arg8 : memref<8x10240xf32, #tpu.memory_space<vmem>>) target_semaphore(%run_scoped3A : memref<!tpu.dma_semaphore, #tpu.memory_space<semaphore_mem>>)
      %dma_wait3A = arith.constant 8 : i32
      %dma_wait3A_87 = arith.constant 0 : i32
      %dma_wait3A_88 = tpu.memref_slice %arg2[%dma_wait3A, %dma_wait3A_87] : memref<32x10240xf32, #tpu.memory_space<hbm>> -> memref<8x10240xf32, #tpu.memory_space<hbm>>
      %dma_wait3A_89 = arith.constant 8 : i32
      %dma_wait3A_90 = arith.constant 0 : i32
      %dma_wait3A_91 = tpu.memref_slice %arg2[%dma_wait3A_89, %dma_wait3A_90] : memref<32x10240xf32, #tpu.memory_space<hbm>> -> memref<8x10240xf32, #tpu.memory_space<hbm>>
      tpu.wait_dma2 semaphore(%run_scoped3A : memref<!tpu.dma_semaphore, #tpu.memory_space<semaphore_mem>>) src(%dma_wait3A_91 : memref<8x10240xf32, #tpu.memory_space<hbm>>) dst(%arg8 : memref<8x10240xf32, #tpu.memory_space<vmem>>)
      tpu.yield
    }) : () -> ()
    %scan3A_57 = arith.constant 0 : i32
    %scan3A_58 = arith.constant 0 : i32
    %scan3A_59 = arith.constant 40 : i32
    %scan3A_60 = arith.addi %scan3A_58, %scan3A_59 : i32
    %scan3A_61 = arith.constant 1 : i32
    scf.for %scan3A_82 = %scan3A_58 to %scan3A_60 step %scan3A_61  : i32 {
      %scan3A_83 = arith.constant 0 : i32
      %scan3A_84 = arith.constant 0 : i32
      %scan3A_85 = arith.constant 8 : i32
      %scan3A_86 = arith.addi %scan3A_84, %scan3A_85 : i32
      %scan3A_87 = arith.constant 1 : i32
      scf.for %scan3A_89 = %scan3A_84 to %scan3A_86 step %scan3A_87  : i32 {
        %mul3A_90 = arith.constant 16 : i32
        %mul3A_91 = arith.muli %scan3A_89, %mul3A_90 : i32
        %get3A = arith.index_cast %scan3A_82 : i32 to index
        %get3A_92 = arith.index_cast %mul3A_91 : i32 to index
        %get3A_93 = tpu.vector_load %arg6[%get3A, %get3A_92] {strides = array<i32>} : memref<40x128xi32, #tpu.memory_space<vmem>>, vector<16xi32>,
        %mul3A_94 = arith.constant 16 : i32
        %mul3A_95 = arith.muli %scan3A_89, %mul3A_94 : i32
        %get3A_96 = arith.index_cast %scan3A_82 : i32 to index
        %get3A_97 = arith.index_cast %mul3A_95 : i32 to index
        %get3A_98 = tpu.vector_load %arg7[%get3A_96, %get3A_97] {strides = array<i32>} : memref<40x128xi32, #tpu.memory_space<vmem>>, vector<16xi32>,
        %mul3A_99 = arith.constant 16 : i32
        %mul3A_100 = arith.muli %scan3A_89, %mul3A_99 : i32
        %get3A_101 = arith.index_cast %scan3A_82 : i32 to index
        %get3A_102 = arith.index_cast %mul3A_100 : i32 to index
        %get3A_103 = tpu.vector_load %arg9[%get3A_101, %get3A_102] {strides = array<i32>} : memref<40x128xf32, #tpu.memory_space<vmem>>, vector<16xf32>,
        %broadcast_in_dim3A_104 = arith.constant 0.000000e+00 : f32
        %broadcast_in_dim3A_105 = vector.broadcast %broadcast_in_dim3A_104 : f32 to vector<16xf32>
        %broadcast_in_dim3A_106 = arith.constant 0 : i32
        %broadcast_in_dim3A_107 = vector.broadcast %broadcast_in_dim3A_106 : i32 to vector<16xi32>
        %broadcast_in_dim3A_108 = arith.constant 1 : i32
        %broadcast_in_dim3A_109 = vector.broadcast %broadcast_in_dim3A_108 : i32 to vector<16xi32>
        %gather3A = tpu.vector_load_idx %arg8[%broadcast_in_dim3A_107, %get3A_93] : memref<8x10240xf32, #tpu.memory_space<vmem>>[vector<16xi32>, vector<16xi32>], vector<16xf32>,
        %gather3A_110 = tpu.vector_load_idx %arg8[%broadcast_in_dim3A_107, %get3A_98] : memref<8x10240xf32, #tpu.memory_space<vmem>>[vector<16xi32>, vector<16xi32>], vector<16xf32>,
        %mul3A_111 = arith.mulf %gather3A, %gather3A_110 : vector<16xf32>
        %add3A_112 = arith.addf %get3A_103, %mul3A_111 : vector<16xf32>
        %gather3A_113 = tpu.vector_load_idx %arg8[%broadcast_in_dim3A_109, %get3A_93] : memref<8x10240xf32, #tpu.memory_space<vmem>>[vector<16xi32>, vector<16xi32>], vector<16xf32>,
        %gather3A_114 = tpu.vector_load_idx %arg8[%broadcast_in_dim3A_109, %get3A_98] : memref<8x10240xf32, #tpu.memory_space<vmem>>[vector<16xi32>, vector<16xi32>], vector<16xf32>,
        %mul3A_115 = arith.mulf %gather3A_113, %gather3A_114 : vector<16xf32>
        %add3A_116 = arith.addf %broadcast_in_dim3A_105, %mul3A_115 : vector<16xf32>
        %broadcast_in_dim3A_117 = arith.constant 2 : i32
        %broadcast_in_dim3A_118 = vector.broadcast %broadcast_in_dim3A_117 : i32 to vector<16xi32>
        %broadcast_in_dim3A_119 = arith.constant 3 : i32
        %broadcast_in_dim3A_120 = vector.broadcast %broadcast_in_dim3A_119 : i32 to vector<16xi32>
        %gather3A_121 = tpu.vector_load_idx %arg8[%broadcast_in_dim3A_118, %get3A_93] : memref<8x10240xf32, #tpu.memory_space<vmem>>[vector<16xi32>, vector<16xi32>], vector<16xf32>,
        %gather3A_122 = tpu.vector_load_idx %arg8[%broadcast_in_dim3A_118, %get3A_98] : memref<8x10240xf32, #tpu.memory_space<vmem>>[vector<16xi32>, vector<16xi32>], vector<16xf32>,
        %mul3A_123 = arith.mulf %gather3A_121, %gather3A_122 : vector<16xf32>
        %add3A_124 = arith.addf %add3A_112, %mul3A_123 : vector<16xf32>
        %gather3A_125 = tpu.vector_load_idx %arg8[%broadcast_in_dim3A_120, %get3A_93] : memref<8x10240xf32, #tpu.memory_space<vmem>>[vector<16xi32>, vector<16xi32>], vector<16xf32>,
        %gather3A_126 = tpu.vector_load_idx %arg8[%broadcast_in_dim3A_120, %get3A_98] : memref<8x10240xf32, #tpu.memory_space<vmem>>[vector<16xi32>, vector<16xi32>], vector<16xf32>,
        %mul3A_127 = arith.mulf %gather3A_125, %gather3A_126 : vector<16xf32>
        %add3A_128 = arith.addf %add3A_116, %mul3A_127 : vector<16xf32>
        %broadcast_in_dim3A_129 = arith.constant 4 : i32
        %broadcast_in_dim3A_130 = vector.broadcast %broadcast_in_dim3A_129 : i32 to vector<16xi32>
        %broadcast_in_dim3A_131 = arith.constant 5 : i32
        %broadcast_in_dim3A_132 = vector.broadcast %broadcast_in_dim3A_131 : i32 to vector<16xi32>
        %gather3A_133 = tpu.vector_load_idx %arg8[%broadcast_in_dim3A_130, %get3A_93] : memref<8x10240xf32, #tpu.memory_space<vmem>>[vector<16xi32>, vector<16xi32>], vector<16xf32>,
        %gather3A_134 = tpu.vector_load_idx %arg8[%broadcast_in_dim3A_130, %get3A_98] : memref<8x10240xf32, #tpu.memory_space<vmem>>[vector<16xi32>, vector<16xi32>], vector<16xf32>,
        %mul3A_135 = arith.mulf %gather3A_133, %gather3A_134 : vector<16xf32>
        %add3A_136 = arith.addf %add3A_124, %mul3A_135 : vector<16xf32>
        %gather3A_137 = tpu.vector_load_idx %arg8[%broadcast_in_dim3A_132, %get3A_93] : memref<8x10240xf32, #tpu.memory_space<vmem>>[vector<16xi32>, vector<16xi32>], vector<16xf32>,
        %gather3A_138 = tpu.vector_load_idx %arg8[%broadcast_in_dim3A_132, %get3A_98] : memref<8x10240xf32, #tpu.memory_space<vmem>>[vector<16xi32>, vector<16xi32>], vector<16xf32>,
        %mul3A_139 = arith.mulf %gather3A_137, %gather3A_138 : vector<16xf32>
        %add3A_140 = arith.addf %add3A_128, %mul3A_139 : vector<16xf32>
        %broadcast_in_dim3A_141 = arith.constant 6 : i32
        %broadcast_in_dim3A_142 = vector.broadcast %broadcast_in_dim3A_141 : i32 to vector<16xi32>
        %broadcast_in_dim3A_143 = arith.constant 7 : i32
        %broadcast_in_dim3A_144 = vector.broadcast %broadcast_in_dim3A_143 : i32 to vector<16xi32>
        %gather3A_145 = tpu.vector_load_idx %arg8[%broadcast_in_dim3A_142, %get3A_93] : memref<8x10240xf32, #tpu.memory_space<vmem>>[vector<16xi32>, vector<16xi32>], vector<16xf32>,
        %gather3A_146 = tpu.vector_load_idx %arg8[%broadcast_in_dim3A_142, %get3A_98] : memref<8x10240xf32, #tpu.memory_space<vmem>>[vector<16xi32>, vector<16xi32>], vector<16xf32>,
        %mul3A_147 = arith.mulf %gather3A_145, %gather3A_146 : vector<16xf32>
        %add3A_148 = arith.addf %add3A_136, %mul3A_147 : vector<16xf32>
        %gather3A_149 = tpu.vector_load_idx %arg8[%broadcast_in_dim3A_144, %get3A_93] : memref<8x10240xf32, #tpu.memory_space<vmem>>[vector<16xi32>, vector<16xi32>], vector<16xf32>,
        %gather3A_150 = tpu.vector_load_idx %arg8[%broadcast_in_dim3A_144, %get3A_98] : memref<8x10240xf32, #tpu.memory_space<vmem>>[vector<16xi32>, vector<16xi32>], vector<16xf32>,
        %mul3A_151 = arith.mulf %gather3A_149, %gather3A_150 : vector<16xf32>
        %add3A_152 = arith.addf %add3A_140, %mul3A_151 : vector<16xf32>
        %add3A_153 = arith.addf %add3A_148, %add3A_152 : vector<16xf32>
        %mul3A_154 = arith.constant 16 : i32
        %mul3A_155 = arith.muli %scan3A_89, %mul3A_154 : i32
        %swap3A = arith.index_cast %scan3A_82 : i32 to index
        %swap3A_156 = arith.index_cast %mul3A_155 : i32 to index
        %swap3A_157 = tpu.vector_load %arg9[%swap3A, %swap3A_156] {strides = array<i32>} : memref<40x128xf32, #tpu.memory_space<vmem>>, vector<16xf32>,
        tpu.vector_store %arg9[%swap3A, %swap3A_156], %add3A_153 {strides = array<i32>} : memref<40x128xf32, #tpu.memory_space<vmem>>, vector<16xf32>,
      }
      %scan3A_88 = arith.constant 8 : i32
    }
    %scan3A_62 = arith.constant 40 : i32
    "tpu.region"() ({
      %run_scoped3A = tpu.sem_alloc : memref<!tpu.dma_semaphore, #tpu.memory_space<semaphore_mem>>
      %dma_start3A = arith.constant 16 : i32
      %dma_start3A_82 = arith.constant 0 : i32
      %dma_start3A_83 = tpu.memref_slice %arg2[%dma_start3A, %dma_start3A_82] : memref<32x10240xf32, #tpu.memory_space<hbm>> -> memref<8x10240xf32, #tpu.memory_space<hbm>>
      %dma_start3A_84 = arith.constant 16 : i32
      %dma_start3A_85 = arith.constant 0 : i32
      %dma_start3A_86 = tpu.memref_slice %arg2[%dma_start3A_84, %dma_start3A_85] : memref<32x10240xf32, #tpu.memory_space<hbm>> -> memref<8x10240xf32, #tpu.memory_space<hbm>>
      tpu.enqueue_dma source(%dma_start3A_86 : memref<8x10240xf32, #tpu.memory_space<hbm>>) target(%arg8 : memref<8x10240xf32, #tpu.memory_space<vmem>>) target_semaphore(%run_scoped3A : memref<!tpu.dma_semaphore, #tpu.memory_space<semaphore_mem>>)
      %dma_wait3A = arith.constant 16 : i32
      %dma_wait3A_87 = arith.constant 0 : i32
      %dma_wait3A_88 = tpu.memref_slice %arg2[%dma_wait3A, %dma_wait3A_87] : memref<32x10240xf32, #tpu.memory_space<hbm>> -> memref<8x10240xf32, #tpu.memory_space<hbm>>
      %dma_wait3A_89 = arith.constant 16 : i32
      %dma_wait3A_90 = arith.constant 0 : i32
      %dma_wait3A_91 = tpu.memref_slice %arg2[%dma_wait3A_89, %dma_wait3A_90] : memref<32x10240xf32, #tpu.memory_space<hbm>> -> memref<8x10240xf32, #tpu.memory_space<hbm>>
      tpu.wait_dma2 semaphore(%run_scoped3A : memref<!tpu.dma_semaphore, #tpu.memory_space<semaphore_mem>>) src(%dma_wait3A_91 : memref<8x10240xf32, #tpu.memory_space<hbm>>) dst(%arg8 : memref<8x10240xf32, #tpu.memory_space<vmem>>)
      tpu.yield
    }) : () -> ()
    %scan3A_63 = arith.constant 0 : i32
    %scan3A_64 = arith.constant 0 : i32
    %scan3A_65 = arith.constant 40 : i32
    %scan3A_66 = arith.addi %scan3A_64, %scan3A_65 : i32
    %scan3A_67 = arith.constant 1 : i32
    scf.for %scan3A_82 = %scan3A_64 to %scan3A_66 step %scan3A_67  : i32 {
      %scan3A_83 = arith.constant 0 : i32
      %scan3A_84 = arith.constant 0 : i32
      %scan3A_85 = arith.constant 8 : i32
      %scan3A_86 = arith.addi %scan3A_84, %scan3A_85 : i32
      %scan3A_87 = arith.constant 1 : i32
      scf.for %scan3A_89 = %scan3A_84 to %scan3A_86 step %scan3A_87  : i32 {
        %mul3A_90 = arith.constant 16 : i32
        %mul3A_91 = arith.muli %scan3A_89, %mul3A_90 : i32
        %get3A = arith.index_cast %scan3A_82 : i32 to index
        %get3A_92 = arith.index_cast %mul3A_91 : i32 to index
        %get3A_93 = tpu.vector_load %arg6[%get3A, %get3A_92] {strides = array<i32>} : memref<40x128xi32, #tpu.memory_space<vmem>>, vector<16xi32>,
        %mul3A_94 = arith.constant 16 : i32
        %mul3A_95 = arith.muli %scan3A_89, %mul3A_94 : i32
        %get3A_96 = arith.index_cast %scan3A_82 : i32 to index
        %get3A_97 = arith.index_cast %mul3A_95 : i32 to index
        %get3A_98 = tpu.vector_load %arg7[%get3A_96, %get3A_97] {strides = array<i32>} : memref<40x128xi32, #tpu.memory_space<vmem>>, vector<16xi32>,
        %mul3A_99 = arith.constant 16 : i32
        %mul3A_100 = arith.muli %scan3A_89, %mul3A_99 : i32
        %get3A_101 = arith.index_cast %scan3A_82 : i32 to index
        %get3A_102 = arith.index_cast %mul3A_100 : i32 to index
        %get3A_103 = tpu.vector_load %arg9[%get3A_101, %get3A_102] {strides = array<i32>} : memref<40x128xf32, #tpu.memory_space<vmem>>, vector<16xf32>,
        %broadcast_in_dim3A_104 = arith.constant 0.000000e+00 : f32
        %broadcast_in_dim3A_105 = vector.broadcast %broadcast_in_dim3A_104 : f32 to vector<16xf32>
        %broadcast_in_dim3A_106 = arith.constant 0 : i32
        %broadcast_in_dim3A_107 = vector.broadcast %broadcast_in_dim3A_106 : i32 to vector<16xi32>
        %broadcast_in_dim3A_108 = arith.constant 1 : i32
        %broadcast_in_dim3A_109 = vector.broadcast %broadcast_in_dim3A_108 : i32 to vector<16xi32>
        %gather3A = tpu.vector_load_idx %arg8[%broadcast_in_dim3A_107, %get3A_93] : memref<8x10240xf32, #tpu.memory_space<vmem>>[vector<16xi32>, vector<16xi32>], vector<16xf32>,
        %gather3A_110 = tpu.vector_load_idx %arg8[%broadcast_in_dim3A_107, %get3A_98] : memref<8x10240xf32, #tpu.memory_space<vmem>>[vector<16xi32>, vector<16xi32>], vector<16xf32>,
        %mul3A_111 = arith.mulf %gather3A, %gather3A_110 : vector<16xf32>
        %add3A_112 = arith.addf %get3A_103, %mul3A_111 : vector<16xf32>
        %gather3A_113 = tpu.vector_load_idx %arg8[%broadcast_in_dim3A_109, %get3A_93] : memref<8x10240xf32, #tpu.memory_space<vmem>>[vector<16xi32>, vector<16xi32>], vector<16xf32>,
        %gather3A_114 = tpu.vector_load_idx %arg8[%broadcast_in_dim3A_109, %get3A_98] : memref<8x10240xf32, #tpu.memory_space<vmem>>[vector<16xi32>, vector<16xi32>], vector<16xf32>,
        %mul3A_115 = arith.mulf %gather3A_113, %gather3A_114 : vector<16xf32>
        %add3A_116 = arith.addf %broadcast_in_dim3A_105, %mul3A_115 : vector<16xf32>
        %broadcast_in_dim3A_117 = arith.constant 2 : i32
        %broadcast_in_dim3A_118 = vector.broadcast %broadcast_in_dim3A_117 : i32 to vector<16xi32>
        %broadcast_in_dim3A_119 = arith.constant 3 : i32
        %broadcast_in_dim3A_120 = vector.broadcast %broadcast_in_dim3A_119 : i32 to vector<16xi32>
        %gather3A_121 = tpu.vector_load_idx %arg8[%broadcast_in_dim3A_118, %get3A_93] : memref<8x10240xf32, #tpu.memory_space<vmem>>[vector<16xi32>, vector<16xi32>], vector<16xf32>,
        %gather3A_122 = tpu.vector_load_idx %arg8[%broadcast_in_dim3A_118, %get3A_98] : memref<8x10240xf32, #tpu.memory_space<vmem>>[vector<16xi32>, vector<16xi32>], vector<16xf32>,
        %mul3A_123 = arith.mulf %gather3A_121, %gather3A_122 : vector<16xf32>
        %add3A_124 = arith.addf %add3A_112, %mul3A_123 : vector<16xf32>
        %gather3A_125 = tpu.vector_load_idx %arg8[%broadcast_in_dim3A_120, %get3A_93] : memref<8x10240xf32, #tpu.memory_space<vmem>>[vector<16xi32>, vector<16xi32>], vector<16xf32>,
        %gather3A_126 = tpu.vector_load_idx %arg8[%broadcast_in_dim3A_120, %get3A_98] : memref<8x10240xf32, #tpu.memory_space<vmem>>[vector<16xi32>, vector<16xi32>], vector<16xf32>,
        %mul3A_127 = arith.mulf %gather3A_125, %gather3A_126 : vector<16xf32>
        %add3A_128 = arith.addf %add3A_116, %mul3A_127 : vector<16xf32>
        %broadcast_in_dim3A_129 = arith.constant 4 : i32
        %broadcast_in_dim3A_130 = vector.broadcast %broadcast_in_dim3A_129 : i32 to vector<16xi32>
        %broadcast_in_dim3A_131 = arith.constant 5 : i32
        %broadcast_in_dim3A_132 = vector.broadcast %broadcast_in_dim3A_131 : i32 to vector<16xi32>
        %gather3A_133 = tpu.vector_load_idx %arg8[%broadcast_in_dim3A_130, %get3A_93] : memref<8x10240xf32, #tpu.memory_space<vmem>>[vector<16xi32>, vector<16xi32>], vector<16xf32>,
        %gather3A_134 = tpu.vector_load_idx %arg8[%broadcast_in_dim3A_130, %get3A_98] : memref<8x10240xf32, #tpu.memory_space<vmem>>[vector<16xi32>, vector<16xi32>], vector<16xf32>,
        %mul3A_135 = arith.mulf %gather3A_133, %gather3A_134 : vector<16xf32>
        %add3A_136 = arith.addf %add3A_124, %mul3A_135 : vector<16xf32>
        %gather3A_137 = tpu.vector_load_idx %arg8[%broadcast_in_dim3A_132, %get3A_93] : memref<8x10240xf32, #tpu.memory_space<vmem>>[vector<16xi32>, vector<16xi32>], vector<16xf32>,
        %gather3A_138 = tpu.vector_load_idx %arg8[%broadcast_in_dim3A_132, %get3A_98] : memref<8x10240xf32, #tpu.memory_space<vmem>>[vector<16xi32>, vector<16xi32>], vector<16xf32>,
        %mul3A_139 = arith.mulf %gather3A_137, %gather3A_138 : vector<16xf32>
        %add3A_140 = arith.addf %add3A_128, %mul3A_139 : vector<16xf32>
        %broadcast_in_dim3A_141 = arith.constant 6 : i32
        %broadcast_in_dim3A_142 = vector.broadcast %broadcast_in_dim3A_141 : i32 to vector<16xi32>
        %broadcast_in_dim3A_143 = arith.constant 7 : i32
        %broadcast_in_dim3A_144 = vector.broadcast %broadcast_in_dim3A_143 : i32 to vector<16xi32>
        %gather3A_145 = tpu.vector_load_idx %arg8[%broadcast_in_dim3A_142, %get3A_93] : memref<8x10240xf32, #tpu.memory_space<vmem>>[vector<16xi32>, vector<16xi32>], vector<16xf32>,
        %gather3A_146 = tpu.vector_load_idx %arg8[%broadcast_in_dim3A_142, %get3A_98] : memref<8x10240xf32, #tpu.memory_space<vmem>>[vector<16xi32>, vector<16xi32>], vector<16xf32>,
        %mul3A_147 = arith.mulf %gather3A_145, %gather3A_146 : vector<16xf32>
        %add3A_148 = arith.addf %add3A_136, %mul3A_147 : vector<16xf32>
        %gather3A_149 = tpu.vector_load_idx %arg8[%broadcast_in_dim3A_144, %get3A_93] : memref<8x10240xf32, #tpu.memory_space<vmem>>[vector<16xi32>, vector<16xi32>], vector<16xf32>,
        %gather3A_150 = tpu.vector_load_idx %arg8[%broadcast_in_dim3A_144, %get3A_98] : memref<8x10240xf32, #tpu.memory_space<vmem>>[vector<16xi32>, vector<16xi32>], vector<16xf32>,
        %mul3A_151 = arith.mulf %gather3A_149, %gather3A_150 : vector<16xf32>
        %add3A_152 = arith.addf %add3A_140, %mul3A_151 : vector<16xf32>
        %add3A_153 = arith.addf %add3A_148, %add3A_152 : vector<16xf32>
        %mul3A_154 = arith.constant 16 : i32
        %mul3A_155 = arith.muli %scan3A_89, %mul3A_154 : i32
        %swap3A = arith.index_cast %scan3A_82 : i32 to index
        %swap3A_156 = arith.index_cast %mul3A_155 : i32 to index
        %swap3A_157 = tpu.vector_load %arg9[%swap3A, %swap3A_156] {strides = array<i32>} : memref<40x128xf32, #tpu.memory_space<vmem>>, vector<16xf32>,
        tpu.vector_store %arg9[%swap3A, %swap3A_156], %add3A_153 {strides = array<i32>} : memref<40x128xf32, #tpu.memory_space<vmem>>, vector<16xf32>,
      }
      %scan3A_88 = arith.constant 8 : i32
    }
    %scan3A_68 = arith.constant 40 : i32
    "tpu.region"() ({
      %run_scoped3A = tpu.sem_alloc : memref<!tpu.dma_semaphore, #tpu.memory_space<semaphore_mem>>
      %dma_start3A = arith.constant 24 : i32
      %dma_start3A_82 = arith.constant 0 : i32
      %dma_start3A_83 = tpu.memref_slice %arg2[%dma_start3A, %dma_start3A_82] : memref<32x10240xf32, #tpu.memory_space<hbm>> -> memref<8x10240xf32, #tpu.memory_space<hbm>>
      %dma_start3A_84 = arith.constant 24 : i32
      %dma_start3A_85 = arith.constant 0 : i32
      %dma_start3A_86 = tpu.memref_slice %arg2[%dma_start3A_84, %dma_start3A_85] : memref<32x10240xf32, #tpu.memory_space<hbm>> -> memref<8x10240xf32, #tpu.memory_space<hbm>>
      tpu.enqueue_dma source(%dma_start3A_86 : memref<8x10240xf32, #tpu.memory_space<hbm>>) target(%arg8 : memref<8x10240xf32, #tpu.memory_space<vmem>>) target_semaphore(%run_scoped3A : memref<!tpu.dma_semaphore, #tpu.memory_space<semaphore_mem>>)
      %dma_wait3A = arith.constant 24 : i32
      %dma_wait3A_87 = arith.constant 0 : i32
      %dma_wait3A_88 = tpu.memref_slice %arg2[%dma_wait3A, %dma_wait3A_87] : memref<32x10240xf32, #tpu.memory_space<hbm>> -> memref<8x10240xf32, #tpu.memory_space<hbm>>
      %dma_wait3A_89 = arith.constant 24 : i32
      %dma_wait3A_90 = arith.constant 0 : i32
      %dma_wait3A_91 = tpu.memref_slice %arg2[%dma_wait3A_89, %dma_wait3A_90] : memref<32x10240xf32, #tpu.memory_space<hbm>> -> memref<8x10240xf32, #tpu.memory_space<hbm>>
      tpu.wait_dma2 semaphore(%run_scoped3A : memref<!tpu.dma_semaphore, #tpu.memory_space<semaphore_mem>>) src(%dma_wait3A_91 : memref<8x10240xf32, #tpu.memory_space<hbm>>) dst(%arg8 : memref<8x10240xf32, #tpu.memory_space<vmem>>)
      tpu.yield
    }) : () -> ()
    %scan3A_69 = arith.constant 0 : i32
    %scan3A_70 = arith.constant 0 : i32
    %scan3A_71 = arith.constant 40 : i32
    %scan3A_72 = arith.addi %scan3A_70, %scan3A_71 : i32
    %scan3A_73 = arith.constant 1 : i32
    scf.for %scan3A_82 = %scan3A_70 to %scan3A_72 step %scan3A_73  : i32 {
      %scan3A_83 = arith.constant 0 : i32
      %scan3A_84 = arith.constant 0 : i32
      %scan3A_85 = arith.constant 8 : i32
      %scan3A_86 = arith.addi %scan3A_84, %scan3A_85 : i32
      %scan3A_87 = arith.constant 1 : i32
      scf.for %scan3A_89 = %scan3A_84 to %scan3A_86 step %scan3A_87  : i32 {
        %mul3A_90 = arith.constant 16 : i32
        %mul3A_91 = arith.muli %scan3A_89, %mul3A_90 : i32
        %get3A = arith.index_cast %scan3A_82 : i32 to index
        %get3A_92 = arith.index_cast %mul3A_91 : i32 to index
        %get3A_93 = tpu.vector_load %arg6[%get3A, %get3A_92] {strides = array<i32>} : memref<40x128xi32, #tpu.memory_space<vmem>>, vector<16xi32>,
        %mul3A_94 = arith.constant 16 : i32
        %mul3A_95 = arith.muli %scan3A_89, %mul3A_94 : i32
        %get3A_96 = arith.index_cast %scan3A_82 : i32 to index
        %get3A_97 = arith.index_cast %mul3A_95 : i32 to index
        %get3A_98 = tpu.vector_load %arg7[%get3A_96, %get3A_97] {strides = array<i32>} : memref<40x128xi32, #tpu.memory_space<vmem>>, vector<16xi32>,
        %mul3A_99 = arith.constant 16 : i32
        %mul3A_100 = arith.muli %scan3A_89, %mul3A_99 : i32
        %get3A_101 = arith.index_cast %scan3A_82 : i32 to index
        %get3A_102 = arith.index_cast %mul3A_100 : i32 to index
        %get3A_103 = tpu.vector_load %arg9[%get3A_101, %get3A_102] {strides = array<i32>} : memref<40x128xf32, #tpu.memory_space<vmem>>, vector<16xf32>,
        %broadcast_in_dim3A_104 = arith.constant 0.000000e+00 : f32
        %broadcast_in_dim3A_105 = vector.broadcast %broadcast_in_dim3A_104 : f32 to vector<16xf32>
        %broadcast_in_dim3A_106 = arith.constant 0 : i32
        %broadcast_in_dim3A_107 = vector.broadcast %broadcast_in_dim3A_106 : i32 to vector<16xi32>
        %broadcast_in_dim3A_108 = arith.constant 1 : i32
        %broadcast_in_dim3A_109 = vector.broadcast %broadcast_in_dim3A_108 : i32 to vector<16xi32>
        %gather3A = tpu.vector_load_idx %arg8[%broadcast_in_dim3A_107, %get3A_93] : memref<8x10240xf32, #tpu.memory_space<vmem>>[vector<16xi32>, vector<16xi32>], vector<16xf32>,
        %gather3A_110 = tpu.vector_load_idx %arg8[%broadcast_in_dim3A_107, %get3A_98] : memref<8x10240xf32, #tpu.memory_space<vmem>>[vector<16xi32>, vector<16xi32>], vector<16xf32>,
        %mul3A_111 = arith.mulf %gather3A, %gather3A_110 : vector<16xf32>
        %add3A_112 = arith.addf %get3A_103, %mul3A_111 : vector<16xf32>
        %gather3A_113 = tpu.vector_load_idx %arg8[%broadcast_in_dim3A_109, %get3A_93] : memref<8x10240xf32, #tpu.memory_space<vmem>>[vector<16xi32>, vector<16xi32>], vector<16xf32>,
        %gather3A_114 = tpu.vector_load_idx %arg8[%broadcast_in_dim3A_109, %get3A_98] : memref<8x10240xf32, #tpu.memory_space<vmem>>[vector<16xi32>, vector<16xi32>], vector<16xf32>,
        %mul3A_115 = arith.mulf %gather3A_113, %gather3A_114 : vector<16xf32>
        %add3A_116 = arith.addf %broadcast_in_dim3A_105, %mul3A_115 : vector<16xf32>
        %broadcast_in_dim3A_117 = arith.constant 2 : i32
        %broadcast_in_dim3A_118 = vector.broadcast %broadcast_in_dim3A_117 : i32 to vector<16xi32>
        %broadcast_in_dim3A_119 = arith.constant 3 : i32
        %broadcast_in_dim3A_120 = vector.broadcast %broadcast_in_dim3A_119 : i32 to vector<16xi32>
        %gather3A_121 = tpu.vector_load_idx %arg8[%broadcast_in_dim3A_118, %get3A_93] : memref<8x10240xf32, #tpu.memory_space<vmem>>[vector<16xi32>, vector<16xi32>], vector<16xf32>,
        %gather3A_122 = tpu.vector_load_idx %arg8[%broadcast_in_dim3A_118, %get3A_98] : memref<8x10240xf32, #tpu.memory_space<vmem>>[vector<16xi32>, vector<16xi32>], vector<16xf32>,
        %mul3A_123 = arith.mulf %gather3A_121, %gather3A_122 : vector<16xf32>
        %add3A_124 = arith.addf %add3A_112, %mul3A_123 : vector<16xf32>
        %gather3A_125 = tpu.vector_load_idx %arg8[%broadcast_in_dim3A_120, %get3A_93] : memref<8x10240xf32, #tpu.memory_space<vmem>>[vector<16xi32>, vector<16xi32>], vector<16xf32>,
        %gather3A_126 = tpu.vector_load_idx %arg8[%broadcast_in_dim3A_120, %get3A_98] : memref<8x10240xf32, #tpu.memory_space<vmem>>[vector<16xi32>, vector<16xi32>], vector<16xf32>,
        %mul3A_127 = arith.mulf %gather3A_125, %gather3A_126 : vector<16xf32>
        %add3A_128 = arith.addf %add3A_116, %mul3A_127 : vector<16xf32>
        %broadcast_in_dim3A_129 = arith.constant 4 : i32
        %broadcast_in_dim3A_130 = vector.broadcast %broadcast_in_dim3A_129 : i32 to vector<16xi32>
        %broadcast_in_dim3A_131 = arith.constant 5 : i32
        %broadcast_in_dim3A_132 = vector.broadcast %broadcast_in_dim3A_131 : i32 to vector<16xi32>
        %gather3A_133 = tpu.vector_load_idx %arg8[%broadcast_in_dim3A_130, %get3A_93] : memref<8x10240xf32, #tpu.memory_space<vmem>>[vector<16xi32>, vector<16xi32>], vector<16xf32>,
        %gather3A_134 = tpu.vector_load_idx %arg8[%broadcast_in_dim3A_130, %get3A_98] : memref<8x10240xf32, #tpu.memory_space<vmem>>[vector<16xi32>, vector<16xi32>], vector<16xf32>,
        %mul3A_135 = arith.mulf %gather3A_133, %gather3A_134 : vector<16xf32>
        %add3A_136 = arith.addf %add3A_124, %mul3A_135 : vector<16xf32>
        %gather3A_137 = tpu.vector_load_idx %arg8[%broadcast_in_dim3A_132, %get3A_93] : memref<8x10240xf32, #tpu.memory_space<vmem>>[vector<16xi32>, vector<16xi32>], vector<16xf32>,
        %gather3A_138 = tpu.vector_load_idx %arg8[%broadcast_in_dim3A_132, %get3A_98] : memref<8x10240xf32, #tpu.memory_space<vmem>>[vector<16xi32>, vector<16xi32>], vector<16xf32>,
        %mul3A_139 = arith.mulf %gather3A_137, %gather3A_138 : vector<16xf32>
        %add3A_140 = arith.addf %add3A_128, %mul3A_139 : vector<16xf32>
        %broadcast_in_dim3A_141 = arith.constant 6 : i32
        %broadcast_in_dim3A_142 = vector.broadcast %broadcast_in_dim3A_141 : i32 to vector<16xi32>
        %broadcast_in_dim3A_143 = arith.constant 7 : i32
        %broadcast_in_dim3A_144 = vector.broadcast %broadcast_in_dim3A_143 : i32 to vector<16xi32>
        %gather3A_145 = tpu.vector_load_idx %arg8[%broadcast_in_dim3A_142, %get3A_93] : memref<8x10240xf32, #tpu.memory_space<vmem>>[vector<16xi32>, vector<16xi32>], vector<16xf32>,
        %gather3A_146 = tpu.vector_load_idx %arg8[%broadcast_in_dim3A_142, %get3A_98] : memref<8x10240xf32, #tpu.memory_space<vmem>>[vector<16xi32>, vector<16xi32>], vector<16xf32>,
        %mul3A_147 = arith.mulf %gather3A_145, %gather3A_146 : vector<16xf32>
        %add3A_148 = arith.addf %add3A_136, %mul3A_147 : vector<16xf32>
        %gather3A_149 = tpu.vector_load_idx %arg8[%broadcast_in_dim3A_144, %get3A_93] : memref<8x10240xf32, #tpu.memory_space<vmem>>[vector<16xi32>, vector<16xi32>], vector<16xf32>,
        %gather3A_150 = tpu.vector_load_idx %arg8[%broadcast_in_dim3A_144, %get3A_98] : memref<8x10240xf32, #tpu.memory_space<vmem>>[vector<16xi32>, vector<16xi32>], vector<16xf32>,
        %mul3A_151 = arith.mulf %gather3A_149, %gather3A_150 : vector<16xf32>
        %add3A_152 = arith.addf %add3A_140, %mul3A_151 : vector<16xf32>
        %add3A_153 = arith.addf %add3A_148, %add3A_152 : vector<16xf32>
        %mul3A_154 = arith.constant 16 : i32
        %mul3A_155 = arith.muli %scan3A_89, %mul3A_154 : i32
        %swap3A = arith.index_cast %scan3A_82 : i32 to index
        %swap3A_156 = arith.index_cast %mul3A_155 : i32 to index
        %swap3A_157 = tpu.vector_load %arg9[%swap3A, %swap3A_156] {strides = array<i32>} : memref<40x128xf32, #tpu.memory_space<vmem>>, vector<16xf32>,
        tpu.vector_store %arg9[%swap3A, %swap3A_156], %add3A_153 {strides = array<i32>} : memref<40x128xf32, #tpu.memory_space<vmem>>, vector<16xf32>,
      }
      %scan3A_88 = arith.constant 8 : i32
    }
    %scan3A_74 = arith.constant 40 : i32
    %scan3A_75 = arith.constant 0 : i32
    %scan3A_76 = arith.constant 0 : i32
    %scan3A_77 = arith.constant 40 : i32
    %scan3A_78 = arith.addi %scan3A_76, %scan3A_77 : i32
    %scan3A_79 = arith.constant 1 : i32
    scf.for %scan3A_82 = %scan3A_76 to %scan3A_78 step %scan3A_79  : i32 {
      %get3A = arith.index_cast %scan3A_82 : i32 to index
      %get3A_83 = arith.constant 0 : index
      %get3A_84 = tpu.vector_load %arg9[%get3A, %get3A_83] {strides = array<i32>} : memref<40x128xf32, #tpu.memory_space<vmem>>, vector<16xf32>,
      %neg3A = arith.constant 0.000000e+00 : f32
      %neg3A_85 = vector.broadcast %neg3A : f32 to vector<16xf32>
      %neg3A_86 = arith.subf %neg3A_85, %get3A_84 : vector<16xf32>
      %exp3A = math.exp %neg3A_86 : vector<16xf32>
      %add3A_87 = arith.constant 1.000000e+00 : f32
      %add3A_88 = vector.broadcast %add3A_87 : f32 to vector<16xf32>
      %add3A_89 = arith.addf %add3A_88, %exp3A : vector<16xf32>
      %div3A = arith.constant 1.000000e+00 : f32
      %div3A_90 = vector.broadcast %div3A : f32 to vector<16xf32>
      %div3A_91 = arith.divf %div3A_90, %add3A_89 : vector<16xf32>
      %swap3A = arith.index_cast %scan3A_82 : i32 to index
      %swap3A_92 = arith.constant 0 : index
      %swap3A_93 = tpu.vector_load %arg9[%swap3A, %swap3A_92] {strides = array<i32>} : memref<40x128xf32, #tpu.memory_space<vmem>>, vector<16xf32>,
      tpu.vector_store %arg9[%swap3A, %swap3A_92], %div3A_91 {strides = array<i32>} : memref<40x128xf32, #tpu.memory_space<vmem>>, vector<16xf32>,
      %get3A_94 = arith.index_cast %scan3A_82 : i32 to index
      %get3A_95 = arith.constant 16 : index
      %get3A_96 = tpu.vector_load %arg9[%get3A_94, %get3A_95] {strides = array<i32>} : memref<40x128xf32, #tpu.memory_space<vmem>>, vector<16xf32>,
      %neg3A_97 = arith.constant 0.000000e+00 : f32
      %neg3A_98 = vector.broadcast %neg3A_97 : f32 to vector<16xf32>
      %neg3A_99 = arith.subf %neg3A_98, %get3A_96 : vector<16xf32>
      %exp3A_100 = math.exp %neg3A_99 : vector<16xf32>
      %add3A_101 = arith.constant 1.000000e+00 : f32
      %add3A_102 = vector.broadcast %add3A_101 : f32 to vector<16xf32>
      %add3A_103 = arith.addf %add3A_102, %exp3A_100 : vector<16xf32>
      %div3A_104 = arith.constant 1.000000e+00 : f32
      %div3A_105 = vector.broadcast %div3A_104 : f32 to vector<16xf32>
      %div3A_106 = arith.divf %div3A_105, %add3A_103 : vector<16xf32>
      %swap3A_107 = arith.index_cast %scan3A_82 : i32 to index
      %swap3A_108 = arith.constant 16 : index
      %swap3A_109 = tpu.vector_load %arg9[%swap3A_107, %swap3A_108] {strides = array<i32>} : memref<40x128xf32, #tpu.memory_space<vmem>>, vector<16xf32>,
      tpu.vector_store %arg9[%swap3A_107, %swap3A_108], %div3A_106 {strides = array<i32>} : memref<40x128xf32, #tpu.memory_space<vmem>>, vector<16xf32>,
      %get3A_110 = arith.index_cast %scan3A_82 : i32 to index
      %get3A_111 = arith.constant 32 : index
      %get3A_112 = tpu.vector_load %arg9[%get3A_110, %get3A_111] {strides = array<i32>} : memref<40x128xf32, #tpu.memory_space<vmem>>, vector<16xf32>,
      %neg3A_113 = arith.constant 0.000000e+00 : f32
      %neg3A_114 = vector.broadcast %neg3A_113 : f32 to vector<16xf32>
      %neg3A_115 = arith.subf %neg3A_114, %get3A_112 : vector<16xf32>
      %exp3A_116 = math.exp %neg3A_115 : vector<16xf32>
      %add3A_117 = arith.constant 1.000000e+00 : f32
      %add3A_118 = vector.broadcast %add3A_117 : f32 to vector<16xf32>
      %add3A_119 = arith.addf %add3A_118, %exp3A_116 : vector<16xf32>
      %div3A_120 = arith.constant 1.000000e+00 : f32
      %div3A_121 = vector.broadcast %div3A_120 : f32 to vector<16xf32>
      %div3A_122 = arith.divf %div3A_121, %add3A_119 : vector<16xf32>
      %swap3A_123 = arith.index_cast %scan3A_82 : i32 to index
      %swap3A_124 = arith.constant 32 : index
      %swap3A_125 = tpu.vector_load %arg9[%swap3A_123, %swap3A_124] {strides = array<i32>} : memref<40x128xf32, #tpu.memory_space<vmem>>, vector<16xf32>,
      tpu.vector_store %arg9[%swap3A_123, %swap3A_124], %div3A_122 {strides = array<i32>} : memref<40x128xf32, #tpu.memory_space<vmem>>, vector<16xf32>,
      %get3A_126 = arith.index_cast %scan3A_82 : i32 to index
      %get3A_127 = arith.constant 48 : index
      %get3A_128 = tpu.vector_load %arg9[%get3A_126, %get3A_127] {strides = array<i32>} : memref<40x128xf32, #tpu.memory_space<vmem>>, vector<16xf32>,
      %neg3A_129 = arith.constant 0.000000e+00 : f32
      %neg3A_130 = vector.broadcast %neg3A_129 : f32 to vector<16xf32>
      %neg3A_131 = arith.subf %neg3A_130, %get3A_128 : vector<16xf32>
      %exp3A_132 = math.exp %neg3A_131 : vector<16xf32>
      %add3A_133 = arith.constant 1.000000e+00 : f32
      %add3A_134 = vector.broadcast %add3A_133 : f32 to vector<16xf32>
      %add3A_135 = arith.addf %add3A_134, %exp3A_132 : vector<16xf32>
      %div3A_136 = arith.constant 1.000000e+00 : f32
      %div3A_137 = vector.broadcast %div3A_136 : f32 to vector<16xf32>
      %div3A_138 = arith.divf %div3A_137, %add3A_135 : vector<16xf32>
      %swap3A_139 = arith.index_cast %scan3A_82 : i32 to index
      %swap3A_140 = arith.constant 48 : index
      %swap3A_141 = tpu.vector_load %arg9[%swap3A_139, %swap3A_140] {strides = array<i32>} : memref<40x128xf32, #tpu.memory_space<vmem>>, vector<16xf32>,
      tpu.vector_store %arg9[%swap3A_139, %swap3A_140], %div3A_138 {strides = array<i32>} : memref<40x128xf32, #tpu.memory_space<vmem>>, vector<16xf32>,
      %get3A_142 = arith.index_cast %scan3A_82 : i32 to index
      %get3A_143 = arith.constant 64 : index
      %get3A_144 = tpu.vector_load %arg9[%get3A_142, %get3A_143] {strides = array<i32>} : memref<40x128xf32, #tpu.memory_space<vmem>>, vector<16xf32>,
      %neg3A_145 = arith.constant 0.000000e+00 : f32
      %neg3A_146 = vector.broadcast %neg3A_145 : f32 to vector<16xf32>
      %neg3A_147 = arith.subf %neg3A_146, %get3A_144 : vector<16xf32>
      %exp3A_148 = math.exp %neg3A_147 : vector<16xf32>
      %add3A_149 = arith.constant 1.000000e+00 : f32
      %add3A_150 = vector.broadcast %add3A_149 : f32 to vector<16xf32>
      %add3A_151 = arith.addf %add3A_150, %exp3A_148 : vector<16xf32>
      %div3A_152 = arith.constant 1.000000e+00 : f32
      %div3A_153 = vector.broadcast %div3A_152 : f32 to vector<16xf32>
      %div3A_154 = arith.divf %div3A_153, %add3A_151 : vector<16xf32>
      %swap3A_155 = arith.index_cast %scan3A_82 : i32 to index
      %swap3A_156 = arith.constant 64 : index
      %swap3A_157 = tpu.vector_load %arg9[%swap3A_155, %swap3A_156] {strides = array<i32>} : memref<40x128xf32, #tpu.memory_space<vmem>>, vector<16xf32>,
      tpu.vector_store %arg9[%swap3A_155, %swap3A_156], %div3A_154 {strides = array<i32>} : memref<40x128xf32, #tpu.memory_space<vmem>>, vector<16xf32>,
      %get3A_158 = arith.index_cast %scan3A_82 : i32 to index
      %get3A_159 = arith.constant 80 : index
      %get3A_160 = tpu.vector_load %arg9[%get3A_158, %get3A_159] {strides = array<i32>} : memref<40x128xf32, #tpu.memory_space<vmem>>, vector<16xf32>,
      %neg3A_161 = arith.constant 0.000000e+00 : f32
      %neg3A_162 = vector.broadcast %neg3A_161 : f32 to vector<16xf32>
      %neg3A_163 = arith.subf %neg3A_162, %get3A_160 : vector<16xf32>
      %exp3A_164 = math.exp %neg3A_163 : vector<16xf32>
      %add3A_165 = arith.constant 1.000000e+00 : f32
      %add3A_166 = vector.broadcast %add3A_165 : f32 to vector<16xf32>
      %add3A_167 = arith.addf %add3A_166, %exp3A_164 : vector<16xf32>
      %div3A_168 = arith.constant 1.000000e+00 : f32
      %div3A_169 = vector.broadcast %div3A_168 : f32 to vector<16xf32>
      %div3A_170 = arith.divf %div3A_169, %add3A_167 : vector<16xf32>
      %swap3A_171 = arith.index_cast %scan3A_82 : i32 to index
      %swap3A_172 = arith.constant 80 : index
      %swap3A_173 = tpu.vector_load %arg9[%swap3A_171, %swap3A_172] {strides = array<i32>} : memref<40x128xf32, #tpu.memory_space<vmem>>, vector<16xf32>,
      tpu.vector_store %arg9[%swap3A_171, %swap3A_172], %div3A_170 {strides = array<i32>} : memref<40x128xf32, #tpu.memory_space<vmem>>, vector<16xf32>,
      %get3A_174 = arith.index_cast %scan3A_82 : i32 to index
      %get3A_175 = arith.constant 96 : index
      %get3A_176 = tpu.vector_load %arg9[%get3A_174, %get3A_175] {strides = array<i32>} : memref<40x128xf32, #tpu.memory_space<vmem>>, vector<16xf32>,
      %neg3A_177 = arith.constant 0.000000e+00 : f32
      %neg3A_178 = vector.broadcast %neg3A_177 : f32 to vector<16xf32>
      %neg3A_179 = arith.subf %neg3A_178, %get3A_176 : vector<16xf32>
      %exp3A_180 = math.exp %neg3A_179 : vector<16xf32>
      %add3A_181 = arith.constant 1.000000e+00 : f32
      %add3A_182 = vector.broadcast %add3A_181 : f32 to vector<16xf32>
      %add3A_183 = arith.addf %add3A_182, %exp3A_180 : vector<16xf32>
      %div3A_184 = arith.constant 1.000000e+00 : f32
      %div3A_185 = vector.broadcast %div3A_184 : f32 to vector<16xf32>
      %div3A_186 = arith.divf %div3A_185, %add3A_183 : vector<16xf32>
      %swap3A_187 = arith.index_cast %scan3A_82 : i32 to index
      %swap3A_188 = arith.constant 96 : index
      %swap3A_189 = tpu.vector_load %arg9[%swap3A_187, %swap3A_188] {strides = array<i32>} : memref<40x128xf32, #tpu.memory_space<vmem>>, vector<16xf32>,
      tpu.vector_store %arg9[%swap3A_187, %swap3A_188], %div3A_186 {strides = array<i32>} : memref<40x128xf32, #tpu.memory_space<vmem>>, vector<16xf32>,
      %get3A_190 = arith.index_cast %scan3A_82 : i32 to index
      %get3A_191 = arith.constant 112 : index
      %get3A_192 = tpu.vector_load %arg9[%get3A_190, %get3A_191] {strides = array<i32>} : memref<40x128xf32, #tpu.memory_space<vmem>>, vector<16xf32>,
      %neg3A_193 = arith.constant 0.000000e+00 : f32
      %neg3A_194 = vector.broadcast %neg3A_193 : f32 to vector<16xf32>
      %neg3A_195 = arith.subf %neg3A_194, %get3A_192 : vector<16xf32>
      %exp3A_196 = math.exp %neg3A_195 : vector<16xf32>
      %add3A_197 = arith.constant 1.000000e+00 : f32
      %add3A_198 = vector.broadcast %add3A_197 : f32 to vector<16xf32>
      %add3A_199 = arith.addf %add3A_198, %exp3A_196 : vector<16xf32>
      %div3A_200 = arith.constant 1.000000e+00 : f32
      %div3A_201 = vector.broadcast %div3A_200 : f32 to vector<16xf32>
      %div3A_202 = arith.divf %div3A_201, %add3A_199 : vector<16xf32>
      %swap3A_203 = arith.index_cast %scan3A_82 : i32 to index
      %swap3A_204 = arith.constant 112 : index
      %swap3A_205 = tpu.vector_load %arg9[%swap3A_203, %swap3A_204] {strides = array<i32>} : memref<40x128xf32, #tpu.memory_space<vmem>>, vector<16xf32>,
      tpu.vector_store %arg9[%swap3A_203, %swap3A_204], %div3A_202 {strides = array<i32>} : memref<40x128xf32, #tpu.memory_space<vmem>>, vector<16xf32>,
    }
    %scan3A_80 = arith.constant 40 : i32
    %barrier3A_81 = arith.constant 0 : index
    tpu.barrier barrier_id(%barrier3A_81)
    "tpu.region"() ({
      %run_scoped3A = tpu.sem_alloc : memref<!tpu.dma_semaphore, #tpu.memory_space<semaphore_mem>>
      %dma_start3A = arith.constant 0 : i32
      %dma_start3A_82 = tpu.memref_slice %arg5[%add3A_44, %dma_start3A] : memref<2560x128xf32, #tpu.memory_space<hbm>> -> memref<40x128xf32, #tpu.memory_space<hbm>>
      %dma_start3A_83 = arith.constant 0 : i32
      %dma_start3A_84 = tpu.memref_slice %arg5[%add3A_44, %dma_start3A_83] : memref<2560x128xf32, #tpu.memory_space<hbm>> -> memref<40x128xf32, #tpu.memory_space<hbm>>
      tpu.enqueue_dma source(%arg9 : memref<40x128xf32, #tpu.memory_space<vmem>>) target(%dma_start3A_84 : memref<40x128xf32, #tpu.memory_space<hbm>>) target_semaphore(%run_scoped3A : memref<!tpu.dma_semaphore, #tpu.memory_space<semaphore_mem>>)
      %dma_wait3A = arith.constant 0 : i32
      %dma_wait3A_85 = tpu.memref_slice %arg5[%add3A_44, %dma_wait3A] : memref<2560x128xf32, #tpu.memory_space<hbm>> -> memref<40x128xf32, #tpu.memory_space<hbm>>
      %dma_wait3A_86 = arith.constant 0 : i32
      %dma_wait3A_87 = tpu.memref_slice %arg5[%add3A_44, %dma_wait3A_86] : memref<2560x128xf32, #tpu.memory_space<hbm>> -> memref<40x128xf32, #tpu.memory_space<hbm>>
      tpu.wait_dma2 semaphore(%run_scoped3A : memref<!tpu.dma_semaphore, #tpu.memory_space<semaphore_mem>>) src(%arg9 : memref<40x128xf32, #tpu.memory_space<vmem>>) dst(%dma_wait3A_87 : memref<40x128xf32, #tpu.memory_space<hbm>>)
      tpu.yield
    }) : () -> ()
    return
  }
}

#map = affine_map<(d0, d1) -> (0, 0)>
#map1 = affine_map<(d0, d1) -> (0, 0, 0)>
module attributes {stable_mosaic.version = 14 : i64} {
  func.func @agg(%arg0: i32, %arg1: i32, %arg2: memref<10240x128xf32, #tpu.memory_space<hbm>>, %arg3: memref<2560x128xi32, #tpu.memory_space<hbm>>, %arg4: memref<2560x128xi32, #tpu.memory_space<hbm>>, %arg5: memref<2x10240x128xf32, #tpu.memory_space<hbm>>, %arg6: memref<80x128xi32, #tpu.memory_space<vmem>>, %arg7: memref<80x128xi32, #tpu.memory_space<vmem>>, %arg8: memref<128x128xf32, #tpu.memory_space<vmem>>, %arg9: memref<10240x128xf32, #tpu.memory_space<vmem_shared>>) attributes {dimension_semantics = [#tpu.dimension_semantics<core_parallel>, #tpu.dimension_semantics<subcore_parallel>], iteration_bounds = array<i64: 2, 16>, scalar_prefetch = 0 : i64, scratch_operands = 4 : i64, tpu.core_type = #tpu.core_type<sc_vector_subcore>, window_params = [{transform_indices = #map}, {transform_indices = #map}, {transform_indices = #map}, {transform_indices = #map1}]} {
    %mul3A = arith.constant 16 : i32
    %mul3A_0 = arith.muli %arg0, %mul3A : i32
    %add3A = arith.addi %mul3A_0, %arg1 : i32
    %broadcast_in_dim3A = arith.constant 0.000000e+00 : f32
    %broadcast_in_dim3A_1 = vector.broadcast %broadcast_in_dim3A : f32 to vector<16xf32>
    %scan3A = arith.constant 0 : i32
    %scan3A_2 = arith.constant 0 : i32
    %scan3A_3 = arith.constant 128 : i32
    %scan3A_4 = arith.addi %scan3A_2, %scan3A_3 : i32
    %scan3A_5 = arith.constant 1 : i32
    scf.for %scan3A_42 = %scan3A_2 to %scan3A_4 step %scan3A_5  : i32 {
      %swap3A = arith.index_cast %scan3A_42 : i32 to index
      %swap3A_43 = arith.constant 0 : index
      %swap3A_44 = tpu.vector_load %arg8[%swap3A, %swap3A_43] {strides = array<i32>} : memref<128x128xf32, #tpu.memory_space<vmem>>, vector<16xf32>,
      tpu.vector_store %arg8[%swap3A, %swap3A_43], %broadcast_in_dim3A_1 {strides = array<i32>} : memref<128x128xf32, #tpu.memory_space<vmem>>, vector<16xf32>,
      %swap3A_45 = arith.index_cast %scan3A_42 : i32 to index
      %swap3A_46 = arith.constant 16 : index
      %swap3A_47 = tpu.vector_load %arg8[%swap3A_45, %swap3A_46] {strides = array<i32>} : memref<128x128xf32, #tpu.memory_space<vmem>>, vector<16xf32>,
      tpu.vector_store %arg8[%swap3A_45, %swap3A_46], %broadcast_in_dim3A_1 {strides = array<i32>} : memref<128x128xf32, #tpu.memory_space<vmem>>, vector<16xf32>,
      %swap3A_48 = arith.index_cast %scan3A_42 : i32 to index
      %swap3A_49 = arith.constant 32 : index
      %swap3A_50 = tpu.vector_load %arg8[%swap3A_48, %swap3A_49] {strides = array<i32>} : memref<128x128xf32, #tpu.memory_space<vmem>>, vector<16xf32>,
      tpu.vector_store %arg8[%swap3A_48, %swap3A_49], %broadcast_in_dim3A_1 {strides = array<i32>} : memref<128x128xf32, #tpu.memory_space<vmem>>, vector<16xf32>,
      %swap3A_51 = arith.index_cast %scan3A_42 : i32 to index
      %swap3A_52 = arith.constant 48 : index
      %swap3A_53 = tpu.vector_load %arg8[%swap3A_51, %swap3A_52] {strides = array<i32>} : memref<128x128xf32, #tpu.memory_space<vmem>>, vector<16xf32>,
      tpu.vector_store %arg8[%swap3A_51, %swap3A_52], %broadcast_in_dim3A_1 {strides = array<i32>} : memref<128x128xf32, #tpu.memory_space<vmem>>, vector<16xf32>,
      %swap3A_54 = arith.index_cast %scan3A_42 : i32 to index
      %swap3A_55 = arith.constant 64 : index
      %swap3A_56 = tpu.vector_load %arg8[%swap3A_54, %swap3A_55] {strides = array<i32>} : memref<128x128xf32, #tpu.memory_space<vmem>>, vector<16xf32>,
      tpu.vector_store %arg8[%swap3A_54, %swap3A_55], %broadcast_in_dim3A_1 {strides = array<i32>} : memref<128x128xf32, #tpu.memory_space<vmem>>, vector<16xf32>,
      %swap3A_57 = arith.index_cast %scan3A_42 : i32 to index
      %swap3A_58 = arith.constant 80 : index
      %swap3A_59 = tpu.vector_load %arg8[%swap3A_57, %swap3A_58] {strides = array<i32>} : memref<128x128xf32, #tpu.memory_space<vmem>>, vector<16xf32>,
      tpu.vector_store %arg8[%swap3A_57, %swap3A_58], %broadcast_in_dim3A_1 {strides = array<i32>} : memref<128x128xf32, #tpu.memory_space<vmem>>, vector<16xf32>,
      %swap3A_60 = arith.index_cast %scan3A_42 : i32 to index
      %swap3A_61 = arith.constant 96 : index
      %swap3A_62 = tpu.vector_load %arg8[%swap3A_60, %swap3A_61] {strides = array<i32>} : memref<128x128xf32, #tpu.memory_space<vmem>>, vector<16xf32>,
      tpu.vector_store %arg8[%swap3A_60, %swap3A_61], %broadcast_in_dim3A_1 {strides = array<i32>} : memref<128x128xf32, #tpu.memory_space<vmem>>, vector<16xf32>,
      %swap3A_63 = arith.index_cast %scan3A_42 : i32 to index
      %swap3A_64 = arith.constant 112 : index
      %swap3A_65 = tpu.vector_load %arg8[%swap3A_63, %swap3A_64] {strides = array<i32>} : memref<128x128xf32, #tpu.memory_space<vmem>>, vector<16xf32>,
      tpu.vector_store %arg8[%swap3A_63, %swap3A_64], %broadcast_in_dim3A_1 {strides = array<i32>} : memref<128x128xf32, #tpu.memory_space<vmem>>, vector<16xf32>,
    }
    %scan3A_6 = arith.constant 128 : i32
    %mul3A_7 = arith.constant 640 : i32
    %mul3A_8 = arith.muli %arg1, %mul3A_7 : i32
    %add3A_9 = arith.constant 0 : i32
    %add3A_10 = arith.addi %mul3A_8, %add3A_9 : i32
    "tpu.region"() ({
      %run_scoped3A = tpu.sem_alloc : memref<!tpu.dma_semaphore, #tpu.memory_space<semaphore_mem>>
      %dma_start3A = arith.constant 0 : i32
      %dma_start3A_42 = tpu.memref_slice %arg9[%add3A_10, %dma_start3A] : memref<10240x128xf32, #tpu.memory_space<vmem_shared>> -> memref<128x128xf32, #tpu.memory_space<vmem_shared>>
      %dma_start3A_43 = arith.constant 0 : i32
      %dma_start3A_44 = tpu.memref_slice %arg9[%add3A_10, %dma_start3A_43] : memref<10240x128xf32, #tpu.memory_space<vmem_shared>> -> memref<128x128xf32, #tpu.memory_space<vmem_shared>>
      tpu.enqueue_dma source(%arg8 : memref<128x128xf32, #tpu.memory_space<vmem>>) target(%dma_start3A_44 : memref<128x128xf32, #tpu.memory_space<vmem_shared>>) target_semaphore(%run_scoped3A : memref<!tpu.dma_semaphore, #tpu.memory_space<semaphore_mem>>)
      %dma_wait3A = arith.constant 0 : i32
      %dma_wait3A_45 = tpu.memref_slice %arg9[%add3A_10, %dma_wait3A] : memref<10240x128xf32, #tpu.memory_space<vmem_shared>> -> memref<128x128xf32, #tpu.memory_space<vmem_shared>>
      %dma_wait3A_46 = arith.constant 0 : i32
      %dma_wait3A_47 = tpu.memref_slice %arg9[%add3A_10, %dma_wait3A_46] : memref<10240x128xf32, #tpu.memory_space<vmem_shared>> -> memref<128x128xf32, #tpu.memory_space<vmem_shared>>
      tpu.wait_dma2 semaphore(%run_scoped3A : memref<!tpu.dma_semaphore, #tpu.memory_space<semaphore_mem>>) src(%arg8 : memref<128x128xf32, #tpu.memory_space<vmem>>) dst(%dma_wait3A_47 : memref<128x128xf32, #tpu.memory_space<vmem_shared>>)
      tpu.yield
    }) : () -> ()
    %mul3A_11 = arith.constant 640 : i32
    %mul3A_12 = arith.muli %arg1, %mul3A_11 : i32
    %add3A_13 = arith.constant 128 : i32
    %add3A_14 = arith.addi %mul3A_12, %add3A_13 : i32
    "tpu.region"() ({
      %run_scoped3A = tpu.sem_alloc : memref<!tpu.dma_semaphore, #tpu.memory_space<semaphore_mem>>
      %dma_start3A = arith.constant 0 : i32
      %dma_start3A_42 = tpu.memref_slice %arg9[%add3A_14, %dma_start3A] : memref<10240x128xf32, #tpu.memory_space<vmem_shared>> -> memref<128x128xf32, #tpu.memory_space<vmem_shared>>
      %dma_start3A_43 = arith.constant 0 : i32
      %dma_start3A_44 = tpu.memref_slice %arg9[%add3A_14, %dma_start3A_43] : memref<10240x128xf32, #tpu.memory_space<vmem_shared>> -> memref<128x128xf32, #tpu.memory_space<vmem_shared>>
      tpu.enqueue_dma source(%arg8 : memref<128x128xf32, #tpu.memory_space<vmem>>) target(%dma_start3A_44 : memref<128x128xf32, #tpu.memory_space<vmem_shared>>) target_semaphore(%run_scoped3A : memref<!tpu.dma_semaphore, #tpu.memory_space<semaphore_mem>>)
      %dma_wait3A = arith.constant 0 : i32
      %dma_wait3A_45 = tpu.memref_slice %arg9[%add3A_14, %dma_wait3A] : memref<10240x128xf32, #tpu.memory_space<vmem_shared>> -> memref<128x128xf32, #tpu.memory_space<vmem_shared>>
      %dma_wait3A_46 = arith.constant 0 : i32
      %dma_wait3A_47 = tpu.memref_slice %arg9[%add3A_14, %dma_wait3A_46] : memref<10240x128xf32, #tpu.memory_space<vmem_shared>> -> memref<128x128xf32, #tpu.memory_space<vmem_shared>>
      tpu.wait_dma2 semaphore(%run_scoped3A : memref<!tpu.dma_semaphore, #tpu.memory_space<semaphore_mem>>) src(%arg8 : memref<128x128xf32, #tpu.memory_space<vmem>>) dst(%dma_wait3A_47 : memref<128x128xf32, #tpu.memory_space<vmem_shared>>)
      tpu.yield
    }) : () -> ()
    %mul3A_15 = arith.constant 640 : i32
    %mul3A_16 = arith.muli %arg1, %mul3A_15 : i32
    %add3A_17 = arith.constant 256 : i32
    %add3A_18 = arith.addi %mul3A_16, %add3A_17 : i32
    "tpu.region"() ({
      %run_scoped3A = tpu.sem_alloc : memref<!tpu.dma_semaphore, #tpu.memory_space<semaphore_mem>>
      %dma_start3A = arith.constant 0 : i32
      %dma_start3A_42 = tpu.memref_slice %arg9[%add3A_18, %dma_start3A] : memref<10240x128xf32, #tpu.memory_space<vmem_shared>> -> memref<128x128xf32, #tpu.memory_space<vmem_shared>>
      %dma_start3A_43 = arith.constant 0 : i32
      %dma_start3A_44 = tpu.memref_slice %arg9[%add3A_18, %dma_start3A_43] : memref<10240x128xf32, #tpu.memory_space<vmem_shared>> -> memref<128x128xf32, #tpu.memory_space<vmem_shared>>
      tpu.enqueue_dma source(%arg8 : memref<128x128xf32, #tpu.memory_space<vmem>>) target(%dma_start3A_44 : memref<128x128xf32, #tpu.memory_space<vmem_shared>>) target_semaphore(%run_scoped3A : memref<!tpu.dma_semaphore, #tpu.memory_space<semaphore_mem>>)
      %dma_wait3A = arith.constant 0 : i32
      %dma_wait3A_45 = tpu.memref_slice %arg9[%add3A_18, %dma_wait3A] : memref<10240x128xf32, #tpu.memory_space<vmem_shared>> -> memref<128x128xf32, #tpu.memory_space<vmem_shared>>
      %dma_wait3A_46 = arith.constant 0 : i32
      %dma_wait3A_47 = tpu.memref_slice %arg9[%add3A_18, %dma_wait3A_46] : memref<10240x128xf32, #tpu.memory_space<vmem_shared>> -> memref<128x128xf32, #tpu.memory_space<vmem_shared>>
      tpu.wait_dma2 semaphore(%run_scoped3A : memref<!tpu.dma_semaphore, #tpu.memory_space<semaphore_mem>>) src(%arg8 : memref<128x128xf32, #tpu.memory_space<vmem>>) dst(%dma_wait3A_47 : memref<128x128xf32, #tpu.memory_space<vmem_shared>>)
      tpu.yield
    }) : () -> ()
    %mul3A_19 = arith.constant 640 : i32
    %mul3A_20 = arith.muli %arg1, %mul3A_19 : i32
    %add3A_21 = arith.constant 384 : i32
    %add3A_22 = arith.addi %mul3A_20, %add3A_21 : i32
    "tpu.region"() ({
      %run_scoped3A = tpu.sem_alloc : memref<!tpu.dma_semaphore, #tpu.memory_space<semaphore_mem>>
      %dma_start3A = arith.constant 0 : i32
      %dma_start3A_42 = tpu.memref_slice %arg9[%add3A_22, %dma_start3A] : memref<10240x128xf32, #tpu.memory_space<vmem_shared>> -> memref<128x128xf32, #tpu.memory_space<vmem_shared>>
      %dma_start3A_43 = arith.constant 0 : i32
      %dma_start3A_44 = tpu.memref_slice %arg9[%add3A_22, %dma_start3A_43] : memref<10240x128xf32, #tpu.memory_space<vmem_shared>> -> memref<128x128xf32, #tpu.memory_space<vmem_shared>>
      tpu.enqueue_dma source(%arg8 : memref<128x128xf32, #tpu.memory_space<vmem>>) target(%dma_start3A_44 : memref<128x128xf32, #tpu.memory_space<vmem_shared>>) target_semaphore(%run_scoped3A : memref<!tpu.dma_semaphore, #tpu.memory_space<semaphore_mem>>)
      %dma_wait3A = arith.constant 0 : i32
      %dma_wait3A_45 = tpu.memref_slice %arg9[%add3A_22, %dma_wait3A] : memref<10240x128xf32, #tpu.memory_space<vmem_shared>> -> memref<128x128xf32, #tpu.memory_space<vmem_shared>>
      %dma_wait3A_46 = arith.constant 0 : i32
      %dma_wait3A_47 = tpu.memref_slice %arg9[%add3A_22, %dma_wait3A_46] : memref<10240x128xf32, #tpu.memory_space<vmem_shared>> -> memref<128x128xf32, #tpu.memory_space<vmem_shared>>
      tpu.wait_dma2 semaphore(%run_scoped3A : memref<!tpu.dma_semaphore, #tpu.memory_space<semaphore_mem>>) src(%arg8 : memref<128x128xf32, #tpu.memory_space<vmem>>) dst(%dma_wait3A_47 : memref<128x128xf32, #tpu.memory_space<vmem_shared>>)
      tpu.yield
    }) : () -> ()
    %mul3A_23 = arith.constant 640 : i32
    %mul3A_24 = arith.muli %arg1, %mul3A_23 : i32
    %add3A_25 = arith.constant 512 : i32
    %add3A_26 = arith.addi %mul3A_24, %add3A_25 : i32
    "tpu.region"() ({
      %run_scoped3A = tpu.sem_alloc : memref<!tpu.dma_semaphore, #tpu.memory_space<semaphore_mem>>
      %dma_start3A = arith.constant 0 : i32
      %dma_start3A_42 = tpu.memref_slice %arg9[%add3A_26, %dma_start3A] : memref<10240x128xf32, #tpu.memory_space<vmem_shared>> -> memref<128x128xf32, #tpu.memory_space<vmem_shared>>
      %dma_start3A_43 = arith.constant 0 : i32
      %dma_start3A_44 = tpu.memref_slice %arg9[%add3A_26, %dma_start3A_43] : memref<10240x128xf32, #tpu.memory_space<vmem_shared>> -> memref<128x128xf32, #tpu.memory_space<vmem_shared>>
      tpu.enqueue_dma source(%arg8 : memref<128x128xf32, #tpu.memory_space<vmem>>) target(%dma_start3A_44 : memref<128x128xf32, #tpu.memory_space<vmem_shared>>) target_semaphore(%run_scoped3A : memref<!tpu.dma_semaphore, #tpu.memory_space<semaphore_mem>>)
      %dma_wait3A = arith.constant 0 : i32
      %dma_wait3A_45 = tpu.memref_slice %arg9[%add3A_26, %dma_wait3A] : memref<10240x128xf32, #tpu.memory_space<vmem_shared>> -> memref<128x128xf32, #tpu.memory_space<vmem_shared>>
      %dma_wait3A_46 = arith.constant 0 : i32
      %dma_wait3A_47 = tpu.memref_slice %arg9[%add3A_26, %dma_wait3A_46] : memref<10240x128xf32, #tpu.memory_space<vmem_shared>> -> memref<128x128xf32, #tpu.memory_space<vmem_shared>>
      tpu.wait_dma2 semaphore(%run_scoped3A : memref<!tpu.dma_semaphore, #tpu.memory_space<semaphore_mem>>) src(%arg8 : memref<128x128xf32, #tpu.memory_space<vmem>>) dst(%dma_wait3A_47 : memref<128x128xf32, #tpu.memory_space<vmem_shared>>)
      tpu.yield
    }) : () -> ()
    %mul3A_27 = arith.constant 80 : i32
    %mul3A_28 = arith.muli %add3A, %mul3A_27 : i32
    "tpu.region"() ({
      %run_scoped3A = tpu.sem_alloc : memref<!tpu.dma_semaphore, #tpu.memory_space<semaphore_mem>>
      %dma_start3A = arith.constant 0 : i32
      %dma_start3A_42 = tpu.memref_slice %arg3[%mul3A_28, %dma_start3A] : memref<2560x128xi32, #tpu.memory_space<hbm>> -> memref<80x128xi32, #tpu.memory_space<hbm>>
      %dma_start3A_43 = arith.constant 0 : i32
      %dma_start3A_44 = tpu.memref_slice %arg3[%mul3A_28, %dma_start3A_43] : memref<2560x128xi32, #tpu.memory_space<hbm>> -> memref<80x128xi32, #tpu.memory_space<hbm>>
      tpu.enqueue_dma source(%dma_start3A_44 : memref<80x128xi32, #tpu.memory_space<hbm>>) target(%arg6 : memref<80x128xi32, #tpu.memory_space<vmem>>) target_semaphore(%run_scoped3A : memref<!tpu.dma_semaphore, #tpu.memory_space<semaphore_mem>>)
      %dma_wait3A = arith.constant 0 : i32
      %dma_wait3A_45 = tpu.memref_slice %arg3[%mul3A_28, %dma_wait3A] : memref<2560x128xi32, #tpu.memory_space<hbm>> -> memref<80x128xi32, #tpu.memory_space<hbm>>
      %dma_wait3A_46 = arith.constant 0 : i32
      %dma_wait3A_47 = tpu.memref_slice %arg3[%mul3A_28, %dma_wait3A_46] : memref<2560x128xi32, #tpu.memory_space<hbm>> -> memref<80x128xi32, #tpu.memory_space<hbm>>
      tpu.wait_dma2 semaphore(%run_scoped3A : memref<!tpu.dma_semaphore, #tpu.memory_space<semaphore_mem>>) src(%dma_wait3A_47 : memref<80x128xi32, #tpu.memory_space<hbm>>) dst(%arg6 : memref<80x128xi32, #tpu.memory_space<vmem>>)
      tpu.yield
    }) : () -> ()
    %mul3A_29 = arith.constant 80 : i32
    %mul3A_30 = arith.muli %add3A, %mul3A_29 : i32
    "tpu.region"() ({
      %run_scoped3A = tpu.sem_alloc : memref<!tpu.dma_semaphore, #tpu.memory_space<semaphore_mem>>
      %dma_start3A = arith.constant 0 : i32
      %dma_start3A_42 = tpu.memref_slice %arg4[%mul3A_30, %dma_start3A] : memref<2560x128xi32, #tpu.memory_space<hbm>> -> memref<80x128xi32, #tpu.memory_space<hbm>>
      %dma_start3A_43 = arith.constant 0 : i32
      %dma_start3A_44 = tpu.memref_slice %arg4[%mul3A_30, %dma_start3A_43] : memref<2560x128xi32, #tpu.memory_space<hbm>> -> memref<80x128xi32, #tpu.memory_space<hbm>>
      tpu.enqueue_dma source(%dma_start3A_44 : memref<80x128xi32, #tpu.memory_space<hbm>>) target(%arg7 : memref<80x128xi32, #tpu.memory_space<vmem>>) target_semaphore(%run_scoped3A : memref<!tpu.dma_semaphore, #tpu.memory_space<semaphore_mem>>)
      %dma_wait3A = arith.constant 0 : i32
      %dma_wait3A_45 = tpu.memref_slice %arg4[%mul3A_30, %dma_wait3A] : memref<2560x128xi32, #tpu.memory_space<hbm>> -> memref<80x128xi32, #tpu.memory_space<hbm>>
      %dma_wait3A_46 = arith.constant 0 : i32
      %dma_wait3A_47 = tpu.memref_slice %arg4[%mul3A_30, %dma_wait3A_46] : memref<2560x128xi32, #tpu.memory_space<hbm>> -> memref<80x128xi32, #tpu.memory_space<hbm>>
      tpu.wait_dma2 semaphore(%run_scoped3A : memref<!tpu.dma_semaphore, #tpu.memory_space<semaphore_mem>>) src(%dma_wait3A_47 : memref<80x128xi32, #tpu.memory_space<hbm>>) dst(%arg7 : memref<80x128xi32, #tpu.memory_space<vmem>>)
      tpu.yield
    }) : () -> ()
    %barrier3A = arith.constant 0 : index
    tpu.barrier barrier_id(%barrier3A)
    %scan3A_31 = arith.constant 0 : i32
    %scan3A_32 = arith.constant 0 : i32
    %scan3A_33 = arith.constant 80 : i32
    %scan3A_34 = arith.addi %scan3A_32, %scan3A_33 : i32
    %scan3A_35 = arith.constant 1 : i32
    scf.for %scan3A_42 = %scan3A_32 to %scan3A_34 step %scan3A_35  : i32 {
      "tpu.region"() ({
        %run_scoped3A = tpu.sem_alloc : memref<!tpu.dma_semaphore, #tpu.memory_space<semaphore_mem>>
        %dma_start3A = arith.constant 0 : i32
        %dma_start3A_43 = tpu.memref_slice %arg6[%scan3A_42, %dma_start3A] : memref<80x128xi32, #tpu.memory_space<vmem>> -> memref<1x128xi32, #tpu.memory_space<vmem>>
        %dma_start3A_44 = tpu.memref_squeeze %dma_start3A_43 : memref<1x128xi32, #tpu.memory_space<vmem>> -> memref<128xi32, #tpu.memory_space<vmem>>
        %dma_start3A_45 = arith.constant 0 : i32
        %dma_start3A_46 = arith.constant 0 : i32
        %dma_start3A_47 = tpu.memref_slice %arg2[%dma_start3A_45, %dma_start3A_46] : memref<10240x128xf32, #tpu.memory_space<hbm>> -> memref<10240x128xf32, #tpu.memory_space<hbm>>
        tpu.enqueue_indirect_dma source(%dma_start3A_47 : memref<10240x128xf32, #tpu.memory_space<hbm>>) target(%arg8 : memref<128x128xf32, #tpu.memory_space<vmem>>) offsets(%dma_start3A_44 : memref<128xi32, #tpu.memory_space<vmem>>) semaphore(%run_scoped3A : memref<!tpu.dma_semaphore, #tpu.memory_space<semaphore_mem>>)
        %dma_wait3A = arith.constant 0 : i32
        %dma_wait3A_48 = tpu.memref_slice %arg6[%scan3A_42, %dma_wait3A] : memref<80x128xi32, #tpu.memory_space<vmem>> -> memref<1x128xi32, #tpu.memory_space<vmem>>
        %dma_wait3A_49 = tpu.memref_squeeze %dma_wait3A_48 : memref<1x128xi32, #tpu.memory_space<vmem>> -> memref<128xi32, #tpu.memory_space<vmem>>
        %dma_wait3A_50 = arith.constant 0 : i32
        %dma_wait3A_51 = arith.constant 0 : i32
        %dma_wait3A_52 = tpu.memref_slice %arg2[%dma_wait3A_50, %dma_wait3A_51] : memref<10240x128xf32, #tpu.memory_space<hbm>> -> memref<10240x128xf32, #tpu.memory_space<hbm>>
        tpu.wait_indirect_dma semaphore(%run_scoped3A : memref<!tpu.dma_semaphore, #tpu.memory_space<semaphore_mem>>) src(%dma_wait3A_52 : memref<10240x128xf32, #tpu.memory_space<hbm>>) dst(%arg8 : memref<128x128xf32, #tpu.memory_space<vmem>>)
        tpu.yield
      }) : () -> ()
      "tpu.region"() ({
        %run_scoped3A = tpu.sem_alloc : memref<!tpu.dma_semaphore, #tpu.memory_space<semaphore_mem>>
        %dma_start3A = arith.constant 0 : i32
        %dma_start3A_43 = tpu.memref_slice %arg7[%scan3A_42, %dma_start3A] : memref<80x128xi32, #tpu.memory_space<vmem>> -> memref<1x128xi32, #tpu.memory_space<vmem>>
        %dma_start3A_44 = tpu.memref_squeeze %dma_start3A_43 : memref<1x128xi32, #tpu.memory_space<vmem>> -> memref<128xi32, #tpu.memory_space<vmem>>
        %dma_start3A_45 = arith.constant 0 : i32
        %dma_start3A_46 = arith.constant 0 : i32
        %dma_start3A_47 = tpu.memref_slice %arg9[%dma_start3A_45, %dma_start3A_46] : memref<10240x128xf32, #tpu.memory_space<vmem_shared>> -> memref<10240x128xf32, #tpu.memory_space<vmem_shared>>
        tpu.enqueue_indirect_dma source(%arg8 : memref<128x128xf32, #tpu.memory_space<vmem>>) target(%dma_start3A_47 : memref<10240x128xf32, #tpu.memory_space<vmem_shared>>) offsets(%dma_start3A_44 : memref<128xi32, #tpu.memory_space<vmem>>) semaphore(%run_scoped3A : memref<!tpu.dma_semaphore, #tpu.memory_space<semaphore_mem>>) {add = true}
        %dma_wait3A = arith.constant 0 : i32
        %dma_wait3A_48 = tpu.memref_slice %arg7[%scan3A_42, %dma_wait3A] : memref<80x128xi32, #tpu.memory_space<vmem>> -> memref<1x128xi32, #tpu.memory_space<vmem>>
        %dma_wait3A_49 = tpu.memref_squeeze %dma_wait3A_48 : memref<1x128xi32, #tpu.memory_space<vmem>> -> memref<128xi32, #tpu.memory_space<vmem>>
        %dma_wait3A_50 = arith.constant 0 : i32
        %dma_wait3A_51 = arith.constant 0 : i32
        %dma_wait3A_52 = tpu.memref_slice %arg9[%dma_wait3A_50, %dma_wait3A_51] : memref<10240x128xf32, #tpu.memory_space<vmem_shared>> -> memref<10240x128xf32, #tpu.memory_space<vmem_shared>>
        tpu.wait_indirect_dma semaphore(%run_scoped3A : memref<!tpu.dma_semaphore, #tpu.memory_space<semaphore_mem>>) src(%arg8 : memref<128x128xf32, #tpu.memory_space<vmem>>) dst(%dma_wait3A_52 : memref<10240x128xf32, #tpu.memory_space<vmem_shared>>)
        tpu.yield
      }) : () -> ()
    }
    %scan3A_36 = arith.constant 80 : i32
    %barrier3A_37 = arith.constant 0 : index
    tpu.barrier barrier_id(%barrier3A_37)
    %mul3A_38 = arith.constant 640 : i32
    %mul3A_39 = arith.muli %arg1, %mul3A_38 : i32
    %mul3A_40 = arith.constant 640 : i32
    %mul3A_41 = arith.muli %arg1, %mul3A_40 : i32
    "tpu.region"() ({
      %run_scoped3A = tpu.sem_alloc : memref<!tpu.dma_semaphore, #tpu.memory_space<semaphore_mem>>
      %dma_start3A = arith.constant 0 : i32
      %dma_start3A_42 = tpu.memref_slice %arg5[%arg0, %mul3A_41, %dma_start3A] : memref<2x10240x128xf32, #tpu.memory_space<hbm>> -> memref<1x640x128xf32, #tpu.memory_space<hbm>>
      %dma_start3A_43 = tpu.memref_squeeze %dma_start3A_42 : memref<1x640x128xf32, #tpu.memory_space<hbm>> -> memref<640x128xf32, #tpu.memory_space<hbm>>
      %dma_start3A_44 = arith.constant 0 : i32
      %dma_start3A_45 = tpu.memref_slice %arg9[%mul3A_39, %dma_start3A_44] : memref<10240x128xf32, #tpu.memory_space<vmem_shared>> -> memref<640x128xf32, #tpu.memory_space<vmem_shared>>
      tpu.enqueue_dma source(%dma_start3A_45 : memref<640x128xf32, #tpu.memory_space<vmem_shared>>) target(%dma_start3A_43 : memref<640x128xf32, #tpu.memory_space<hbm>>) target_semaphore(%run_scoped3A : memref<!tpu.dma_semaphore, #tpu.memory_space<semaphore_mem>>)
      %dma_wait3A = arith.constant 0 : i32
      %dma_wait3A_46 = tpu.memref_slice %arg5[%arg0, %mul3A_41, %dma_wait3A] : memref<2x10240x128xf32, #tpu.memory_space<hbm>> -> memref<1x640x128xf32, #tpu.memory_space<hbm>>
      %dma_wait3A_47 = tpu.memref_squeeze %dma_wait3A_46 : memref<1x640x128xf32, #tpu.memory_space<hbm>> -> memref<640x128xf32, #tpu.memory_space<hbm>>
      %dma_wait3A_48 = arith.constant 0 : i32
      %dma_wait3A_49 = tpu.memref_slice %arg9[%mul3A_39, %dma_wait3A_48] : memref<10240x128xf32, #tpu.memory_space<vmem_shared>> -> memref<640x128xf32, #tpu.memory_space<vmem_shared>>
      tpu.wait_dma2 semaphore(%run_scoped3A : memref<!tpu.dma_semaphore, #tpu.memory_space<semaphore_mem>>) src(%dma_wait3A_49 : memref<640x128xf32, #tpu.memory_space<vmem_shared>>) dst(%dma_wait3A_47 : memref<640x128xf32, #tpu.memory_space<hbm>>)
      tpu.yield
    }) : () -> ()
    return
  }
}

module attributes {stable_mosaic.version = 14 : i64} {
  func.func @_enc1_body(%arg0: memref<32x80x128xf32, #tpu.memory_space<vmem>>, %arg1: memref<10240x128xf32, #tpu.memory_space<vmem>>, %arg2: memref<128x64xf32, #tpu.memory_space<vmem>>, %arg3: memref<10240x128xf32, #tpu.memory_space<vmem>>, %arg4: memref<10240x128xf32, #tpu.memory_space<vmem>>) attributes {dimension_semantics = [], scalar_prefetch = 0 : i64, scratch_operands = 0 : i64, tpu.core_type = #tpu.core_type<tc>} {
    %get3A = arith.constant 0 : index
    %get3A_0 = arith.constant 0 : index
    %get3A_1 = arith.constant 0 : index
    %get3A_2 = vector.load %arg0[%get3A, %get3A_0, %get3A_1] : memref<32x80x128xf32, #tpu.memory_space<vmem>>, vector<32x80x128xf32>
    %reduce_sum3A = arith.constant dense<0.000000e+00> : vector<80x128xf32>
    %reduce_sum3A_3 = vector.multi_reduction <add>, %get3A_2, %reduce_sum3A [0] : vector<32x80x128xf32> to vector<80x128xf32>
    %add3A = arith.constant 1.000000e+00 : f32
    %add3A_4 = vector.broadcast %add3A : f32 to vector<80x128xf32>
    %add3A_5 = arith.addf %reduce_sum3A_3, %add3A_4 : vector<80x128xf32>
    %rsqrt3A = math.rsqrt %add3A_5 : vector<80x128xf32>
    %broadcast_in_dim3A = vector.shape_cast %rsqrt3A : vector<80x128xf32> to vector<80x1x128xf32>
    %broadcast_in_dim3A_6 = vector.shape_cast %broadcast_in_dim3A : vector<80x1x128xf32> to vector<80x1x128xf32>
    %broadcast_in_dim3A_7 = vector.broadcast %broadcast_in_dim3A_6 : vector<80x1x128xf32> to vector<80x128x128xf32>
    %reshape3A = vector.shape_cast %broadcast_in_dim3A_7 : vector<80x128x128xf32> to vector<10240x128xf32>
    %iota3A = tpu.iota {dimensions = array<i32: 0>} : vector<10240x128xi32>
    %iota3A_8 = tpu.iota {dimensions = array<i32: 1>} : vector<10240x128xi32>
    %jit3A = arith.constant 128 : i32
    %eq3A = arith.constant 0 : i32
    %eq3A_9 = arith.cmpi eq, %jit3A, %eq3A : i32
    %jit3A_10 = arith.constant 1 : i32
    %select_n3A = arith.select %eq3A_9, %jit3A_10, %jit3A : i32
    %rem3A = vector.broadcast %select_n3A : i32 to vector<10240x128xi32>
    %rem3A_11 = arith.remsi %iota3A, %rem3A : vector<10240x128xi32>
    %ne3A = arith.constant 0 : i32
    %ne3A_12 = vector.broadcast %ne3A : i32 to vector<10240x128xi32>
    %ne3A_13 = arith.cmpi ne, %rem3A_11, %ne3A_12 : vector<10240x128xi32>
    %lt3A = arith.constant 0 : i32
    %lt3A_14 = vector.broadcast %lt3A : i32 to vector<10240x128xi32>
    %lt3A_15 = arith.cmpi slt, %rem3A_11, %lt3A_14 : vector<10240x128xi32>
    %lt3A_16 = arith.constant 0 : i32
    %lt3A_17 = arith.cmpi slt, %select_n3A, %lt3A_16 : i32
    %ne3A_18 = vector.broadcast %lt3A_17 : i1 to vector<10240x128xi1>
    %ne3A_19 = vector.broadcast %ne3A_18 : vector<10240x128xi1> to vector<10240x128xi1>
    %ne3A_20 = arith.xori %lt3A_15, %ne3A_19 : vector<10240x128xi1>
    %and3A = arith.andi %ne3A_20, %ne3A_13 : vector<10240x128xi1>
    %add3A_21 = vector.broadcast %select_n3A : i32 to vector<10240x128xi32>
    %add3A_22 = arith.addi %rem3A_11, %add3A_21 : vector<10240x128xi32>
    %select_n3A_23 = arith.select %and3A, %add3A_22, %rem3A_11 : vector<10240x128xi1>, vector<10240x128xi32>
    %eq3A_24 = arith.cmpi eq, %select_n3A_23, %iota3A_8 : vector<10240x128xi32>
    %jit3A_25 = arith.constant 0.000000e+00 : f32
    %broadcast_in_dim3A_26 = vector.broadcast %jit3A_25 : f32 to vector<10240x128xf32>
    %select_n3A_27 = arith.select %eq3A_24, %reshape3A, %broadcast_in_dim3A_26 : vector<10240x128xi1>, vector<10240x128xf32>
    %broadcast_in_dim3A_28 = arith.constant 1.000000e+00 : f32
    %broadcast_in_dim3A_29 = vector.broadcast %broadcast_in_dim3A_28 : f32 to vector<128x128xf32>
    %dot_general3A = arith.constant dense<0.000000e+00> : vector<10240x128xf32>
    %dot_general3A_30 = tpu.matmul %select_n3A_27, %broadcast_in_dim3A_29, %dot_general3A {dimension_numbers = #tpu.dot_dimension_numbers<[1], [0], [0], [1], [0, 0, 1, 1], [], []>, transpose_lhs_hint = false} : vector<10240x128xf32>, vector<128x128xf32>, vector<10240x128xf32> -> vector<10240x128xf32>
    %get3A_31 = arith.constant 0 : index
    %get3A_32 = arith.constant 0 : index
    %get3A_33 = vector.load %arg1[%get3A_31, %get3A_32] : memref<10240x128xf32, #tpu.memory_space<vmem>>, vector<10240x128xf32>
    %get3A_34 = arith.constant 0 : index
    %get3A_35 = arith.constant 0 : index
    %get3A_36 = vector.load %arg2[%get3A_34, %get3A_35] : memref<128x64xf32, #tpu.memory_space<vmem>>, vector<128x64xf32>
    %dot_general3A_37 = arith.constant dense<0.000000e+00> : vector<10240x64xf32>
    %dot_general3A_38 = tpu.matmul %get3A_33, %get3A_36, %dot_general3A_37 {dimension_numbers = #tpu.dot_dimension_numbers<[1], [0], [0], [1], [0, 0, 1, 1], [], []>, transpose_lhs_hint = false} : vector<10240x128xf32>, vector<128x64xf32>, vector<10240x64xf32> -> vector<10240x64xf32>
    %slice3A = vector.extract_strided_slice %dot_general3A_30 {offsets = [0, 0], sizes = [10240, 64], strides = [1, 1]} : vector<10240x128xf32> to vector<10240x64xf32>
    %mul3A = arith.mulf %dot_general3A_38, %slice3A : vector<10240x64xf32>
    %concatenate3A = tpu.concatenate %mul3A, %mul3A in 1 : vector<10240x64xf32>, vector<10240x64xf32> -> vector<10240x128xf32>
    %swap3A = arith.constant 0 : index
    %swap3A_39 = arith.constant 0 : index
    %swap3A_40 = vector.load %arg3[%swap3A, %swap3A_39] : memref<10240x128xf32, #tpu.memory_space<vmem>>, vector<10240x128xf32>
    tpu.vector_store %arg3[%swap3A, %swap3A_39], %concatenate3A {strides = array<i32>} : memref<10240x128xf32, #tpu.memory_space<vmem>>, vector<10240x128xf32>,
    %swap3A_41 = arith.constant 0 : index
    %swap3A_42 = arith.constant 0 : index
    %swap3A_43 = vector.load %arg4[%swap3A_41, %swap3A_42] : memref<10240x128xf32, #tpu.memory_space<vmem>>, vector<10240x128xf32>
    tpu.vector_store %arg4[%swap3A_41, %swap3A_42], %dot_general3A_30 {strides = array<i32>} : memref<10240x128xf32, #tpu.memory_space<vmem>>, vector<10240x128xf32>,
    return
  }
}

module attributes {stable_mosaic.version = 14 : i64} {
  func.func @_enc2_body(%arg0: memref<2x10240x128xf32, #tpu.memory_space<vmem>>, %arg1: memref<10240x128xf32, #tpu.memory_space<vmem>>, %arg2: memref<10240x128xf32, #tpu.memory_space<vmem>>, %arg3: memref<1x64xf32, #tpu.memory_space<vmem>>, %arg4: memref<64x32xf32, #tpu.memory_space<vmem>>, %arg5: memref<10240x128xf32, #tpu.memory_space<vmem>>) attributes {dimension_semantics = [], scalar_prefetch = 0 : i64, scratch_operands = 0 : i64, tpu.core_type = #tpu.core_type<tc>} {
    %get3A = arith.constant 0 : index
    %get3A_0 = arith.constant 0 : index
    %get3A_1 = vector.load %arg2[%get3A, %get3A_0] : memref<10240x128xf32, #tpu.memory_space<vmem>>, vector<10240x128xf32>
    %get3A_2 = arith.constant 0 : index
    %get3A_3 = arith.constant 0 : index
    %get3A_4 = arith.constant 0 : index
    %get3A_5 = vector.load %arg0[%get3A_2, %get3A_3, %get3A_4] : memref<2x10240x128xf32, #tpu.memory_space<vmem>>, vector<1x10240x64xf32>
    %get3A_6 = vector.shape_cast %get3A_5 : vector<1x10240x64xf32> to vector<10240x64xf32>
    %get3A_7 = arith.constant 1 : index
    %get3A_8 = arith.constant 0 : index
    %get3A_9 = arith.constant 0 : index
    %get3A_10 = vector.load %arg0[%get3A_7, %get3A_8, %get3A_9] : memref<2x10240x128xf32, #tpu.memory_space<vmem>>, vector<1x10240x64xf32>
    %get3A_11 = vector.shape_cast %get3A_10 : vector<1x10240x64xf32> to vector<10240x64xf32>
    %add3A = arith.addf %get3A_6, %get3A_11 : vector<10240x64xf32>
    %get3A_12 = arith.constant 0 : index
    %get3A_13 = arith.constant 0 : index
    %get3A_14 = vector.load %arg1[%get3A_12, %get3A_13] : memref<10240x128xf32, #tpu.memory_space<vmem>>, vector<10240x64xf32>
    %add3A_15 = arith.addf %add3A, %get3A_14 : vector<10240x64xf32>
    %slice3A = vector.extract_strided_slice %get3A_1 {offsets = [0, 0], sizes = [10240, 64], strides = [1, 1]} : vector<10240x128xf32> to vector<10240x64xf32>
    %mul3A = arith.mulf %add3A_15, %slice3A : vector<10240x64xf32>
    %get3A_16 = arith.constant 0 : index
    %get3A_17 = arith.constant 0 : index
    %get3A_18 = vector.load %arg3[%get3A_16, %get3A_17] : memref<1x64xf32, #tpu.memory_space<vmem>>, vector<1x64xf32>
    %add3A_19 = vector.broadcast %get3A_18 : vector<1x64xf32> to vector<10240x64xf32>
    %add3A_20 = arith.addf %mul3A, %add3A_19 : vector<10240x64xf32>
    %max3A = arith.constant 0.000000e+00 : f32
    %max3A_21 = vector.broadcast %max3A : f32 to vector<10240x64xf32>
    %max3A_22 = arith.maximumf %add3A_20, %max3A_21 : vector<10240x64xf32>
    %get3A_23 = arith.constant 0 : index
    %get3A_24 = arith.constant 0 : index
    %get3A_25 = vector.load %arg4[%get3A_23, %get3A_24] : memref<64x32xf32, #tpu.memory_space<vmem>>, vector<64x32xf32>
    %dot_general3A = arith.constant dense<0.000000e+00> : vector<10240x32xf32>
    %dot_general3A_26 = tpu.matmul %max3A_22, %get3A_25, %dot_general3A {dimension_numbers = #tpu.dot_dimension_numbers<[1], [0], [0], [1], [0, 0, 1, 1], [], []>, transpose_lhs_hint = false} : vector<10240x64xf32>, vector<64x32xf32>, vector<10240x32xf32> -> vector<10240x32xf32>
    %slice3A_27 = vector.extract_strided_slice %get3A_1 {offsets = [0, 0], sizes = [10240, 32], strides = [1, 1]} : vector<10240x128xf32> to vector<10240x32xf32>
    %mul3A_28 = arith.mulf %dot_general3A_26, %slice3A_27 : vector<10240x32xf32>
    %concatenate3A = tpu.concatenate %mul3A_28, %mul3A_28, %mul3A_28, %mul3A_28 in 1 : vector<10240x32xf32>, vector<10240x32xf32>, vector<10240x32xf32>, vector<10240x32xf32> -> vector<10240x128xf32>
    %swap3A = arith.constant 0 : index
    %swap3A_29 = arith.constant 0 : index
    %swap3A_30 = vector.load %arg5[%swap3A, %swap3A_29] : memref<10240x128xf32, #tpu.memory_space<vmem>>, vector<10240x128xf32>
    tpu.vector_store %arg5[%swap3A, %swap3A_29], %concatenate3A {strides = array<i32>} : memref<10240x128xf32, #tpu.memory_space<vmem>>, vector<10240x128xf32>,
    return
  }
}

module attributes {stable_mosaic.version = 14 : i64} {
  func.func @_enc3_body(%arg0: memref<2x10240x128xf32, #tpu.memory_space<vmem>>, %arg1: memref<10240x128xf32, #tpu.memory_space<vmem>>, %arg2: memref<10240x128xf32, #tpu.memory_space<vmem>>, %arg3: memref<1x32xf32, #tpu.memory_space<vmem>>, %arg4: memref<32x10240xf32, #tpu.memory_space<vmem>>) attributes {dimension_semantics = [], scalar_prefetch = 0 : i64, scratch_operands = 0 : i64, tpu.core_type = #tpu.core_type<tc>} {
    %get3A = arith.constant 0 : index
    %get3A_0 = arith.constant 0 : index
    %get3A_1 = arith.constant 0 : index
    %get3A_2 = vector.load %arg0[%get3A, %get3A_0, %get3A_1] : memref<2x10240x128xf32, #tpu.memory_space<vmem>>, vector<1x10240x32xf32>
    %get3A_3 = vector.shape_cast %get3A_2 : vector<1x10240x32xf32> to vector<10240x32xf32>
    %get3A_4 = arith.constant 1 : index
    %get3A_5 = arith.constant 0 : index
    %get3A_6 = arith.constant 0 : index
    %get3A_7 = vector.load %arg0[%get3A_4, %get3A_5, %get3A_6] : memref<2x10240x128xf32, #tpu.memory_space<vmem>>, vector<1x10240x32xf32>
    %get3A_8 = vector.shape_cast %get3A_7 : vector<1x10240x32xf32> to vector<10240x32xf32>
    %add3A = arith.addf %get3A_3, %get3A_8 : vector<10240x32xf32>
    %get3A_9 = arith.constant 0 : index
    %get3A_10 = arith.constant 0 : index
    %get3A_11 = vector.load %arg1[%get3A_9, %get3A_10] : memref<10240x128xf32, #tpu.memory_space<vmem>>, vector<10240x32xf32>
    %add3A_12 = arith.addf %add3A, %get3A_11 : vector<10240x32xf32>
    %get3A_13 = arith.constant 0 : index
    %get3A_14 = arith.constant 0 : index
    %get3A_15 = vector.load %arg2[%get3A_13, %get3A_14] : memref<10240x128xf32, #tpu.memory_space<vmem>>, vector<10240x32xf32>
    %mul3A = arith.mulf %add3A_12, %get3A_15 : vector<10240x32xf32>
    %get3A_16 = arith.constant 0 : index
    %get3A_17 = arith.constant 0 : index
    %get3A_18 = vector.load %arg3[%get3A_16, %get3A_17] : memref<1x32xf32, #tpu.memory_space<vmem>>, vector<1x32xf32>
    %add3A_19 = vector.broadcast %get3A_18 : vector<1x32xf32> to vector<10240x32xf32>
    %add3A_20 = arith.addf %mul3A, %add3A_19 : vector<10240x32xf32>
    %iota3A = tpu.iota {dimensions = array<i32: 0>} : vector<128x128xi32>
    %iota3A_21 = tpu.iota {dimensions = array<i32: 1>} : vector<128x128xi32>
    %eq3A = arith.cmpi eq, %iota3A, %iota3A_21 : vector<128x128xi32>
    %jit3A = arith.constant 1.000000e+00 : f32
    %jit3A_22 = arith.constant 0.000000e+00 : f32
    %broadcast_in_dim3A = vector.broadcast %jit3A : f32 to vector<128x128xf32>
    %broadcast_in_dim3A_23 = vector.broadcast %jit3A_22 : f32 to vector<128x128xf32>
    %select_n3A = arith.select %eq3A, %broadcast_in_dim3A, %broadcast_in_dim3A_23 : vector<128x128xi1>, vector<128x128xf32>
    %slice3A = vector.extract_strided_slice %add3A_20 {offsets = [0, 0], sizes = [128, 32], strides = [1, 1]} : vector<10240x32xf32> to vector<128x32xf32>
    %dot_general3A = arith.constant dense<0.000000e+00> : vector<32x128xf32>
    %dot_general3A_24 = tpu.matmul %slice3A, %select_n3A, %dot_general3A {dimension_numbers = #tpu.dot_dimension_numbers<[0], [0], [1], [1], [0, 1, 1, 1], [], []>, transpose_lhs_hint = false} : vector<128x32xf32>, vector<128x128xf32>, vector<32x128xf32> -> vector<32x128xf32>
    %swap3A = arith.constant 0 : index
    %swap3A_25 = arith.constant 0 : index
    %swap3A_26 = vector.load %arg4[%swap3A, %swap3A_25] : memref<32x10240xf32, #tpu.memory_space<vmem>>, vector<32x128xf32>
    tpu.vector_store %arg4[%swap3A, %swap3A_25], %dot_general3A_24 {strides = array<i32>} : memref<32x10240xf32, #tpu.memory_space<vmem>>, vector<32x128xf32>,
    %slice3A_27 = vector.extract_strided_slice %add3A_20 {offsets = [128, 0], sizes = [128, 32], strides = [1, 1]} : vector<10240x32xf32> to vector<128x32xf32>
    %dot_general3A_28 = arith.constant dense<0.000000e+00> : vector<32x128xf32>
    %dot_general3A_29 = tpu.matmul %slice3A_27, %select_n3A, %dot_general3A_28 {dimension_numbers = #tpu.dot_dimension_numbers<[0], [0], [1], [1], [0, 1, 1, 1], [], []>, transpose_lhs_hint = false} : vector<128x32xf32>, vector<128x128xf32>, vector<32x128xf32> -> vector<32x128xf32>
    %swap3A_30 = arith.constant 0 : index
    %swap3A_31 = arith.constant 128 : index
    %swap3A_32 = vector.load %arg4[%swap3A_30, %swap3A_31] : memref<32x10240xf32, #tpu.memory_space<vmem>>, vector<32x128xf32>
    tpu.vector_store %arg4[%swap3A_30, %swap3A_31], %dot_general3A_29 {strides = array<i32>} : memref<32x10240xf32, #tpu.memory_space<vmem>>, vector<32x128xf32>,
    %slice3A_33 = vector.extract_strided_slice %add3A_20 {offsets = [256, 0], sizes = [128, 32], strides = [1, 1]} : vector<10240x32xf32> to vector<128x32xf32>
    %dot_general3A_34 = arith.constant dense<0.000000e+00> : vector<32x128xf32>
    %dot_general3A_35 = tpu.matmul %slice3A_33, %select_n3A, %dot_general3A_34 {dimension_numbers = #tpu.dot_dimension_numbers<[0], [0], [1], [1], [0, 1, 1, 1], [], []>, transpose_lhs_hint = false} : vector<128x32xf32>, vector<128x128xf32>, vector<32x128xf32> -> vector<32x128xf32>
    %swap3A_36 = arith.constant 0 : index
    %swap3A_37 = arith.constant 256 : index
    %swap3A_38 = vector.load %arg4[%swap3A_36, %swap3A_37] : memref<32x10240xf32, #tpu.memory_space<vmem>>, vector<32x128xf32>
    tpu.vector_store %arg4[%swap3A_36, %swap3A_37], %dot_general3A_35 {strides = array<i32>} : memref<32x10240xf32, #tpu.memory_space<vmem>>, vector<32x128xf32>,
    %slice3A_39 = vector.extract_strided_slice %add3A_20 {offsets = [384, 0], sizes = [128, 32], strides = [1, 1]} : vector<10240x32xf32> to vector<128x32xf32>
    %dot_general3A_40 = arith.constant dense<0.000000e+00> : vector<32x128xf32>
    %dot_general3A_41 = tpu.matmul %slice3A_39, %select_n3A, %dot_general3A_40 {dimension_numbers = #tpu.dot_dimension_numbers<[0], [0], [1], [1], [0, 1, 1, 1], [], []>, transpose_lhs_hint = false} : vector<128x32xf32>, vector<128x128xf32>, vector<32x128xf32> -> vector<32x128xf32>
    %swap3A_42 = arith.constant 0 : index
    %swap3A_43 = arith.constant 384 : index
    %swap3A_44 = vector.load %arg4[%swap3A_42, %swap3A_43] : memref<32x10240xf32, #tpu.memory_space<vmem>>, vector<32x128xf32>
    tpu.vector_store %arg4[%swap3A_42, %swap3A_43], %dot_general3A_41 {strides = array<i32>} : memref<32x10240xf32, #tpu.memory_space<vmem>>, vector<32x128xf32>,
    %slice3A_45 = vector.extract_strided_slice %add3A_20 {offsets = [512, 0], sizes = [128, 32], strides = [1, 1]} : vector<10240x32xf32> to vector<128x32xf32>
    %dot_general3A_46 = arith.constant dense<0.000000e+00> : vector<32x128xf32>
    %dot_general3A_47 = tpu.matmul %slice3A_45, %select_n3A, %dot_general3A_46 {dimension_numbers = #tpu.dot_dimension_numbers<[0], [0], [1], [1], [0, 1, 1, 1], [], []>, transpose_lhs_hint = false} : vector<128x32xf32>, vector<128x128xf32>, vector<32x128xf32> -> vector<32x128xf32>
    %swap3A_48 = arith.constant 0 : index
    %swap3A_49 = arith.constant 512 : index
    %swap3A_50 = vector.load %arg4[%swap3A_48, %swap3A_49] : memref<32x10240xf32, #tpu.memory_space<vmem>>, vector<32x128xf32>
    tpu.vector_store %arg4[%swap3A_48, %swap3A_49], %dot_general3A_47 {strides = array<i32>} : memref<32x10240xf32, #tpu.memory_space<vmem>>, vector<32x128xf32>,
    %slice3A_51 = vector.extract_strided_slice %add3A_20 {offsets = [640, 0], sizes = [128, 32], strides = [1, 1]} : vector<10240x32xf32> to vector<128x32xf32>
    %dot_general3A_52 = arith.constant dense<0.000000e+00> : vector<32x128xf32>
    %dot_general3A_53 = tpu.matmul %slice3A_51, %select_n3A, %dot_general3A_52 {dimension_numbers = #tpu.dot_dimension_numbers<[0], [0], [1], [1], [0, 1, 1, 1], [], []>, transpose_lhs_hint = false} : vector<128x32xf32>, vector<128x128xf32>, vector<32x128xf32> -> vector<32x128xf32>
    %swap3A_54 = arith.constant 0 : index
    %swap3A_55 = arith.constant 640 : index
    %swap3A_56 = vector.load %arg4[%swap3A_54, %swap3A_55] : memref<32x10240xf32, #tpu.memory_space<vmem>>, vector<32x128xf32>
    tpu.vector_store %arg4[%swap3A_54, %swap3A_55], %dot_general3A_53 {strides = array<i32>} : memref<32x10240xf32, #tpu.memory_space<vmem>>, vector<32x128xf32>,
    %slice3A_57 = vector.extract_strided_slice %add3A_20 {offsets = [768, 0], sizes = [128, 32], strides = [1, 1]} : vector<10240x32xf32> to vector<128x32xf32>
    %dot_general3A_58 = arith.constant dense<0.000000e+00> : vector<32x128xf32>
    %dot_general3A_59 = tpu.matmul %slice3A_57, %select_n3A, %dot_general3A_58 {dimension_numbers = #tpu.dot_dimension_numbers<[0], [0], [1], [1], [0, 1, 1, 1], [], []>, transpose_lhs_hint = false} : vector<128x32xf32>, vector<128x128xf32>, vector<32x128xf32> -> vector<32x128xf32>
    %swap3A_60 = arith.constant 0 : index
    %swap3A_61 = arith.constant 768 : index
    %swap3A_62 = vector.load %arg4[%swap3A_60, %swap3A_61] : memref<32x10240xf32, #tpu.memory_space<vmem>>, vector<32x128xf32>
    tpu.vector_store %arg4[%swap3A_60, %swap3A_61], %dot_general3A_59 {strides = array<i32>} : memref<32x10240xf32, #tpu.memory_space<vmem>>, vector<32x128xf32>,
    %slice3A_63 = vector.extract_strided_slice %add3A_20 {offsets = [896, 0], sizes = [128, 32], strides = [1, 1]} : vector<10240x32xf32> to vector<128x32xf32>
    %dot_general3A_64 = arith.constant dense<0.000000e+00> : vector<32x128xf32>
    %dot_general3A_65 = tpu.matmul %slice3A_63, %select_n3A, %dot_general3A_64 {dimension_numbers = #tpu.dot_dimension_numbers<[0], [0], [1], [1], [0, 1, 1, 1], [], []>, transpose_lhs_hint = false} : vector<128x32xf32>, vector<128x128xf32>, vector<32x128xf32> -> vector<32x128xf32>
    %swap3A_66 = arith.constant 0 : index
    %swap3A_67 = arith.constant 896 : index
    %swap3A_68 = vector.load %arg4[%swap3A_66, %swap3A_67] : memref<32x10240xf32, #tpu.memory_space<vmem>>, vector<32x128xf32>
    tpu.vector_store %arg4[%swap3A_66, %swap3A_67], %dot_general3A_65 {strides = array<i32>} : memref<32x10240xf32, #tpu.memory_space<vmem>>, vector<32x128xf32>,
    %slice3A_69 = vector.extract_strided_slice %add3A_20 {offsets = [1024, 0], sizes = [128, 32], strides = [1, 1]} : vector<10240x32xf32> to vector<128x32xf32>
    %dot_general3A_70 = arith.constant dense<0.000000e+00> : vector<32x128xf32>
    %dot_general3A_71 = tpu.matmul %slice3A_69, %select_n3A, %dot_general3A_70 {dimension_numbers = #tpu.dot_dimension_numbers<[0], [0], [1], [1], [0, 1, 1, 1], [], []>, transpose_lhs_hint = false} : vector<128x32xf32>, vector<128x128xf32>, vector<32x128xf32> -> vector<32x128xf32>
    %swap3A_72 = arith.constant 0 : index
    %swap3A_73 = arith.constant 1024 : index
    %swap3A_74 = vector.load %arg4[%swap3A_72, %swap3A_73] : memref<32x10240xf32, #tpu.memory_space<vmem>>, vector<32x128xf32>
    tpu.vector_store %arg4[%swap3A_72, %swap3A_73], %dot_general3A_71 {strides = array<i32>} : memref<32x10240xf32, #tpu.memory_space<vmem>>, vector<32x128xf32>,
    %slice3A_75 = vector.extract_strided_slice %add3A_20 {offsets = [1152, 0], sizes = [128, 32], strides = [1, 1]} : vector<10240x32xf32> to vector<128x32xf32>
    %dot_general3A_76 = arith.constant dense<0.000000e+00> : vector<32x128xf32>
    %dot_general3A_77 = tpu.matmul %slice3A_75, %select_n3A, %dot_general3A_76 {dimension_numbers = #tpu.dot_dimension_numbers<[0], [0], [1], [1], [0, 1, 1, 1], [], []>, transpose_lhs_hint = false} : vector<128x32xf32>, vector<128x128xf32>, vector<32x128xf32> -> vector<32x128xf32>
    %swap3A_78 = arith.constant 0 : index
    %swap3A_79 = arith.constant 1152 : index
    %swap3A_80 = vector.load %arg4[%swap3A_78, %swap3A_79] : memref<32x10240xf32, #tpu.memory_space<vmem>>, vector<32x128xf32>
    tpu.vector_store %arg4[%swap3A_78, %swap3A_79], %dot_general3A_77 {strides = array<i32>} : memref<32x10240xf32, #tpu.memory_space<vmem>>, vector<32x128xf32>,
    %slice3A_81 = vector.extract_strided_slice %add3A_20 {offsets = [1280, 0], sizes = [128, 32], strides = [1, 1]} : vector<10240x32xf32> to vector<128x32xf32>
    %dot_general3A_82 = arith.constant dense<0.000000e+00> : vector<32x128xf32>
    %dot_general3A_83 = tpu.matmul %slice3A_81, %select_n3A, %dot_general3A_82 {dimension_numbers = #tpu.dot_dimension_numbers<[0], [0], [1], [1], [0, 1, 1, 1], [], []>, transpose_lhs_hint = false} : vector<128x32xf32>, vector<128x128xf32>, vector<32x128xf32> -> vector<32x128xf32>
    %swap3A_84 = arith.constant 0 : index
    %swap3A_85 = arith.constant 1280 : index
    %swap3A_86 = vector.load %arg4[%swap3A_84, %swap3A_85] : memref<32x10240xf32, #tpu.memory_space<vmem>>, vector<32x128xf32>
    tpu.vector_store %arg4[%swap3A_84, %swap3A_85], %dot_general3A_83 {strides = array<i32>} : memref<32x10240xf32, #tpu.memory_space<vmem>>, vector<32x128xf32>,
    %slice3A_87 = vector.extract_strided_slice %add3A_20 {offsets = [1408, 0], sizes = [128, 32], strides = [1, 1]} : vector<10240x32xf32> to vector<128x32xf32>
    %dot_general3A_88 = arith.constant dense<0.000000e+00> : vector<32x128xf32>
    %dot_general3A_89 = tpu.matmul %slice3A_87, %select_n3A, %dot_general3A_88 {dimension_numbers = #tpu.dot_dimension_numbers<[0], [0], [1], [1], [0, 1, 1, 1], [], []>, transpose_lhs_hint = false} : vector<128x32xf32>, vector<128x128xf32>, vector<32x128xf32> -> vector<32x128xf32>
    %swap3A_90 = arith.constant 0 : index
    %swap3A_91 = arith.constant 1408 : index
    %swap3A_92 = vector.load %arg4[%swap3A_90, %swap3A_91] : memref<32x10240xf32, #tpu.memory_space<vmem>>, vector<32x128xf32>
    tpu.vector_store %arg4[%swap3A_90, %swap3A_91], %dot_general3A_89 {strides = array<i32>} : memref<32x10240xf32, #tpu.memory_space<vmem>>, vector<32x128xf32>,
    %slice3A_93 = vector.extract_strided_slice %add3A_20 {offsets = [1536, 0], sizes = [128, 32], strides = [1, 1]} : vector<10240x32xf32> to vector<128x32xf32>
    %dot_general3A_94 = arith.constant dense<0.000000e+00> : vector<32x128xf32>
    %dot_general3A_95 = tpu.matmul %slice3A_93, %select_n3A, %dot_general3A_94 {dimension_numbers = #tpu.dot_dimension_numbers<[0], [0], [1], [1], [0, 1, 1, 1], [], []>, transpose_lhs_hint = false} : vector<128x32xf32>, vector<128x128xf32>, vector<32x128xf32> -> vector<32x128xf32>
    %swap3A_96 = arith.constant 0 : index
    %swap3A_97 = arith.constant 1536 : index
    %swap3A_98 = vector.load %arg4[%swap3A_96, %swap3A_97] : memref<32x10240xf32, #tpu.memory_space<vmem>>, vector<32x128xf32>
    tpu.vector_store %arg4[%swap3A_96, %swap3A_97], %dot_general3A_95 {strides = array<i32>} : memref<32x10240xf32, #tpu.memory_space<vmem>>, vector<32x128xf32>,
    %slice3A_99 = vector.extract_strided_slice %add3A_20 {offsets = [1664, 0], sizes = [128, 32], strides = [1, 1]} : vector<10240x32xf32> to vector<128x32xf32>
    %dot_general3A_100 = arith.constant dense<0.000000e+00> : vector<32x128xf32>
    %dot_general3A_101 = tpu.matmul %slice3A_99, %select_n3A, %dot_general3A_100 {dimension_numbers = #tpu.dot_dimension_numbers<[0], [0], [1], [1], [0, 1, 1, 1], [], []>, transpose_lhs_hint = false} : vector<128x32xf32>, vector<128x128xf32>, vector<32x128xf32> -> vector<32x128xf32>
    %swap3A_102 = arith.constant 0 : index
    %swap3A_103 = arith.constant 1664 : index
    %swap3A_104 = vector.load %arg4[%swap3A_102, %swap3A_103] : memref<32x10240xf32, #tpu.memory_space<vmem>>, vector<32x128xf32>
    tpu.vector_store %arg4[%swap3A_102, %swap3A_103], %dot_general3A_101 {strides = array<i32>} : memref<32x10240xf32, #tpu.memory_space<vmem>>, vector<32x128xf32>,
    %slice3A_105 = vector.extract_strided_slice %add3A_20 {offsets = [1792, 0], sizes = [128, 32], strides = [1, 1]} : vector<10240x32xf32> to vector<128x32xf32>
    %dot_general3A_106 = arith.constant dense<0.000000e+00> : vector<32x128xf32>
    %dot_general3A_107 = tpu.matmul %slice3A_105, %select_n3A, %dot_general3A_106 {dimension_numbers = #tpu.dot_dimension_numbers<[0], [0], [1], [1], [0, 1, 1, 1], [], []>, transpose_lhs_hint = false} : vector<128x32xf32>, vector<128x128xf32>, vector<32x128xf32> -> vector<32x128xf32>
    %swap3A_108 = arith.constant 0 : index
    %swap3A_109 = arith.constant 1792 : index
    %swap3A_110 = vector.load %arg4[%swap3A_108, %swap3A_109] : memref<32x10240xf32, #tpu.memory_space<vmem>>, vector<32x128xf32>
    tpu.vector_store %arg4[%swap3A_108, %swap3A_109], %dot_general3A_107 {strides = array<i32>} : memref<32x10240xf32, #tpu.memory_space<vmem>>, vector<32x128xf32>,
    %slice3A_111 = vector.extract_strided_slice %add3A_20 {offsets = [1920, 0], sizes = [128, 32], strides = [1, 1]} : vector<10240x32xf32> to vector<128x32xf32>
    %dot_general3A_112 = arith.constant dense<0.000000e+00> : vector<32x128xf32>
    %dot_general3A_113 = tpu.matmul %slice3A_111, %select_n3A, %dot_general3A_112 {dimension_numbers = #tpu.dot_dimension_numbers<[0], [0], [1], [1], [0, 1, 1, 1], [], []>, transpose_lhs_hint = false} : vector<128x32xf32>, vector<128x128xf32>, vector<32x128xf32> -> vector<32x128xf32>
    %swap3A_114 = arith.constant 0 : index
    %swap3A_115 = arith.constant 1920 : index
    %swap3A_116 = vector.load %arg4[%swap3A_114, %swap3A_115] : memref<32x10240xf32, #tpu.memory_space<vmem>>, vector<32x128xf32>
    tpu.vector_store %arg4[%swap3A_114, %swap3A_115], %dot_general3A_113 {strides = array<i32>} : memref<32x10240xf32, #tpu.memory_space<vmem>>, vector<32x128xf32>,
    %slice3A_117 = vector.extract_strided_slice %add3A_20 {offsets = [2048, 0], sizes = [128, 32], strides = [1, 1]} : vector<10240x32xf32> to vector<128x32xf32>
    %dot_general3A_118 = arith.constant dense<0.000000e+00> : vector<32x128xf32>
    %dot_general3A_119 = tpu.matmul %slice3A_117, %select_n3A, %dot_general3A_118 {dimension_numbers = #tpu.dot_dimension_numbers<[0], [0], [1], [1], [0, 1, 1, 1], [], []>, transpose_lhs_hint = false} : vector<128x32xf32>, vector<128x128xf32>, vector<32x128xf32> -> vector<32x128xf32>
    %swap3A_120 = arith.constant 0 : index
    %swap3A_121 = arith.constant 2048 : index
    %swap3A_122 = vector.load %arg4[%swap3A_120, %swap3A_121] : memref<32x10240xf32, #tpu.memory_space<vmem>>, vector<32x128xf32>
    tpu.vector_store %arg4[%swap3A_120, %swap3A_121], %dot_general3A_119 {strides = array<i32>} : memref<32x10240xf32, #tpu.memory_space<vmem>>, vector<32x128xf32>,
    %slice3A_123 = vector.extract_strided_slice %add3A_20 {offsets = [2176, 0], sizes = [128, 32], strides = [1, 1]} : vector<10240x32xf32> to vector<128x32xf32>
    %dot_general3A_124 = arith.constant dense<0.000000e+00> : vector<32x128xf32>
    %dot_general3A_125 = tpu.matmul %slice3A_123, %select_n3A, %dot_general3A_124 {dimension_numbers = #tpu.dot_dimension_numbers<[0], [0], [1], [1], [0, 1, 1, 1], [], []>, transpose_lhs_hint = false} : vector<128x32xf32>, vector<128x128xf32>, vector<32x128xf32> -> vector<32x128xf32>
    %swap3A_126 = arith.constant 0 : index
    %swap3A_127 = arith.constant 2176 : index
    %swap3A_128 = vector.load %arg4[%swap3A_126, %swap3A_127] : memref<32x10240xf32, #tpu.memory_space<vmem>>, vector<32x128xf32>
    tpu.vector_store %arg4[%swap3A_126, %swap3A_127], %dot_general3A_125 {strides = array<i32>} : memref<32x10240xf32, #tpu.memory_space<vmem>>, vector<32x128xf32>,
    %slice3A_129 = vector.extract_strided_slice %add3A_20 {offsets = [2304, 0], sizes = [128, 32], strides = [1, 1]} : vector<10240x32xf32> to vector<128x32xf32>
    %dot_general3A_130 = arith.constant dense<0.000000e+00> : vector<32x128xf32>
    %dot_general3A_131 = tpu.matmul %slice3A_129, %select_n3A, %dot_general3A_130 {dimension_numbers = #tpu.dot_dimension_numbers<[0], [0], [1], [1], [0, 1, 1, 1], [], []>, transpose_lhs_hint = false} : vector<128x32xf32>, vector<128x128xf32>, vector<32x128xf32> -> vector<32x128xf32>
    %swap3A_132 = arith.constant 0 : index
    %swap3A_133 = arith.constant 2304 : index
    %swap3A_134 = vector.load %arg4[%swap3A_132, %swap3A_133] : memref<32x10240xf32, #tpu.memory_space<vmem>>, vector<32x128xf32>
    tpu.vector_store %arg4[%swap3A_132, %swap3A_133], %dot_general3A_131 {strides = array<i32>} : memref<32x10240xf32, #tpu.memory_space<vmem>>, vector<32x128xf32>,
    %slice3A_135 = vector.extract_strided_slice %add3A_20 {offsets = [2432, 0], sizes = [128, 32], strides = [1, 1]} : vector<10240x32xf32> to vector<128x32xf32>
    %dot_general3A_136 = arith.constant dense<0.000000e+00> : vector<32x128xf32>
    %dot_general3A_137 = tpu.matmul %slice3A_135, %select_n3A, %dot_general3A_136 {dimension_numbers = #tpu.dot_dimension_numbers<[0], [0], [1], [1], [0, 1, 1, 1], [], []>, transpose_lhs_hint = false} : vector<128x32xf32>, vector<128x128xf32>, vector<32x128xf32> -> vector<32x128xf32>
    %swap3A_138 = arith.constant 0 : index
    %swap3A_139 = arith.constant 2432 : index
    %swap3A_140 = vector.load %arg4[%swap3A_138, %swap3A_139] : memref<32x10240xf32, #tpu.memory_space<vmem>>, vector<32x128xf32>
    tpu.vector_store %arg4[%swap3A_138, %swap3A_139], %dot_general3A_137 {strides = array<i32>} : memref<32x10240xf32, #tpu.memory_space<vmem>>, vector<32x128xf32>,
    %slice3A_141 = vector.extract_strided_slice %add3A_20 {offsets = [2560, 0], sizes = [128, 32], strides = [1, 1]} : vector<10240x32xf32> to vector<128x32xf32>
    %dot_general3A_142 = arith.constant dense<0.000000e+00> : vector<32x128xf32>
    %dot_general3A_143 = tpu.matmul %slice3A_141, %select_n3A, %dot_general3A_142 {dimension_numbers = #tpu.dot_dimension_numbers<[0], [0], [1], [1], [0, 1, 1, 1], [], []>, transpose_lhs_hint = false} : vector<128x32xf32>, vector<128x128xf32>, vector<32x128xf32> -> vector<32x128xf32>
    %swap3A_144 = arith.constant 0 : index
    %swap3A_145 = arith.constant 2560 : index
    %swap3A_146 = vector.load %arg4[%swap3A_144, %swap3A_145] : memref<32x10240xf32, #tpu.memory_space<vmem>>, vector<32x128xf32>
    tpu.vector_store %arg4[%swap3A_144, %swap3A_145], %dot_general3A_143 {strides = array<i32>} : memref<32x10240xf32, #tpu.memory_space<vmem>>, vector<32x128xf32>,
    %slice3A_147 = vector.extract_strided_slice %add3A_20 {offsets = [2688, 0], sizes = [128, 32], strides = [1, 1]} : vector<10240x32xf32> to vector<128x32xf32>
    %dot_general3A_148 = arith.constant dense<0.000000e+00> : vector<32x128xf32>
    %dot_general3A_149 = tpu.matmul %slice3A_147, %select_n3A, %dot_general3A_148 {dimension_numbers = #tpu.dot_dimension_numbers<[0], [0], [1], [1], [0, 1, 1, 1], [], []>, transpose_lhs_hint = false} : vector<128x32xf32>, vector<128x128xf32>, vector<32x128xf32> -> vector<32x128xf32>
    %swap3A_150 = arith.constant 0 : index
    %swap3A_151 = arith.constant 2688 : index
    %swap3A_152 = vector.load %arg4[%swap3A_150, %swap3A_151] : memref<32x10240xf32, #tpu.memory_space<vmem>>, vector<32x128xf32>
    tpu.vector_store %arg4[%swap3A_150, %swap3A_151], %dot_general3A_149 {strides = array<i32>} : memref<32x10240xf32, #tpu.memory_space<vmem>>, vector<32x128xf32>,
    %slice3A_153 = vector.extract_strided_slice %add3A_20 {offsets = [2816, 0], sizes = [128, 32], strides = [1, 1]} : vector<10240x32xf32> to vector<128x32xf32>
    %dot_general3A_154 = arith.constant dense<0.000000e+00> : vector<32x128xf32>
    %dot_general3A_155 = tpu.matmul %slice3A_153, %select_n3A, %dot_general3A_154 {dimension_numbers = #tpu.dot_dimension_numbers<[0], [0], [1], [1], [0, 1, 1, 1], [], []>, transpose_lhs_hint = false} : vector<128x32xf32>, vector<128x128xf32>, vector<32x128xf32> -> vector<32x128xf32>
    %swap3A_156 = arith.constant 0 : index
    %swap3A_157 = arith.constant 2816 : index
    %swap3A_158 = vector.load %arg4[%swap3A_156, %swap3A_157] : memref<32x10240xf32, #tpu.memory_space<vmem>>, vector<32x128xf32>
    tpu.vector_store %arg4[%swap3A_156, %swap3A_157], %dot_general3A_155 {strides = array<i32>} : memref<32x10240xf32, #tpu.memory_space<vmem>>, vector<32x128xf32>,
    %slice3A_159 = vector.extract_strided_slice %add3A_20 {offsets = [2944, 0], sizes = [128, 32], strides = [1, 1]} : vector<10240x32xf32> to vector<128x32xf32>
    %dot_general3A_160 = arith.constant dense<0.000000e+00> : vector<32x128xf32>
    %dot_general3A_161 = tpu.matmul %slice3A_159, %select_n3A, %dot_general3A_160 {dimension_numbers = #tpu.dot_dimension_numbers<[0], [0], [1], [1], [0, 1, 1, 1], [], []>, transpose_lhs_hint = false} : vector<128x32xf32>, vector<128x128xf32>, vector<32x128xf32> -> vector<32x128xf32>
    %swap3A_162 = arith.constant 0 : index
    %swap3A_163 = arith.constant 2944 : index
    %swap3A_164 = vector.load %arg4[%swap3A_162, %swap3A_163] : memref<32x10240xf32, #tpu.memory_space<vmem>>, vector<32x128xf32>
    tpu.vector_store %arg4[%swap3A_162, %swap3A_163], %dot_general3A_161 {strides = array<i32>} : memref<32x10240xf32, #tpu.memory_space<vmem>>, vector<32x128xf32>,
    %slice3A_165 = vector.extract_strided_slice %add3A_20 {offsets = [3072, 0], sizes = [128, 32], strides = [1, 1]} : vector<10240x32xf32> to vector<128x32xf32>
    %dot_general3A_166 = arith.constant dense<0.000000e+00> : vector<32x128xf32>
    %dot_general3A_167 = tpu.matmul %slice3A_165, %select_n3A, %dot_general3A_166 {dimension_numbers = #tpu.dot_dimension_numbers<[0], [0], [1], [1], [0, 1, 1, 1], [], []>, transpose_lhs_hint = false} : vector<128x32xf32>, vector<128x128xf32>, vector<32x128xf32> -> vector<32x128xf32>
    %swap3A_168 = arith.constant 0 : index
    %swap3A_169 = arith.constant 3072 : index
    %swap3A_170 = vector.load %arg4[%swap3A_168, %swap3A_169] : memref<32x10240xf32, #tpu.memory_space<vmem>>, vector<32x128xf32>
    tpu.vector_store %arg4[%swap3A_168, %swap3A_169], %dot_general3A_167 {strides = array<i32>} : memref<32x10240xf32, #tpu.memory_space<vmem>>, vector<32x128xf32>,
    %slice3A_171 = vector.extract_strided_slice %add3A_20 {offsets = [3200, 0], sizes = [128, 32], strides = [1, 1]} : vector<10240x32xf32> to vector<128x32xf32>
    %dot_general3A_172 = arith.constant dense<0.000000e+00> : vector<32x128xf32>
    %dot_general3A_173 = tpu.matmul %slice3A_171, %select_n3A, %dot_general3A_172 {dimension_numbers = #tpu.dot_dimension_numbers<[0], [0], [1], [1], [0, 1, 1, 1], [], []>, transpose_lhs_hint = false} : vector<128x32xf32>, vector<128x128xf32>, vector<32x128xf32> -> vector<32x128xf32>
    %swap3A_174 = arith.constant 0 : index
    %swap3A_175 = arith.constant 3200 : index
    %swap3A_176 = vector.load %arg4[%swap3A_174, %swap3A_175] : memref<32x10240xf32, #tpu.memory_space<vmem>>, vector<32x128xf32>
    tpu.vector_store %arg4[%swap3A_174, %swap3A_175], %dot_general3A_173 {strides = array<i32>} : memref<32x10240xf32, #tpu.memory_space<vmem>>, vector<32x128xf32>,
    %slice3A_177 = vector.extract_strided_slice %add3A_20 {offsets = [3328, 0], sizes = [128, 32], strides = [1, 1]} : vector<10240x32xf32> to vector<128x32xf32>
    %dot_general3A_178 = arith.constant dense<0.000000e+00> : vector<32x128xf32>
    %dot_general3A_179 = tpu.matmul %slice3A_177, %select_n3A, %dot_general3A_178 {dimension_numbers = #tpu.dot_dimension_numbers<[0], [0], [1], [1], [0, 1, 1, 1], [], []>, transpose_lhs_hint = false} : vector<128x32xf32>, vector<128x128xf32>, vector<32x128xf32> -> vector<32x128xf32>
    %swap3A_180 = arith.constant 0 : index
    %swap3A_181 = arith.constant 3328 : index
    %swap3A_182 = vector.load %arg4[%swap3A_180, %swap3A_181] : memref<32x10240xf32, #tpu.memory_space<vmem>>, vector<32x128xf32>
    tpu.vector_store %arg4[%swap3A_180, %swap3A_181], %dot_general3A_179 {strides = array<i32>} : memref<32x10240xf32, #tpu.memory_space<vmem>>, vector<32x128xf32>,
    %slice3A_183 = vector.extract_strided_slice %add3A_20 {offsets = [3456, 0], sizes = [128, 32], strides = [1, 1]} : vector<10240x32xf32> to vector<128x32xf32>
    %dot_general3A_184 = arith.constant dense<0.000000e+00> : vector<32x128xf32>
    %dot_general3A_185 = tpu.matmul %slice3A_183, %select_n3A, %dot_general3A_184 {dimension_numbers = #tpu.dot_dimension_numbers<[0], [0], [1], [1], [0, 1, 1, 1], [], []>, transpose_lhs_hint = false} : vector<128x32xf32>, vector<128x128xf32>, vector<32x128xf32> -> vector<32x128xf32>
    %swap3A_186 = arith.constant 0 : index
    %swap3A_187 = arith.constant 3456 : index
    %swap3A_188 = vector.load %arg4[%swap3A_186, %swap3A_187] : memref<32x10240xf32, #tpu.memory_space<vmem>>, vector<32x128xf32>
    tpu.vector_store %arg4[%swap3A_186, %swap3A_187], %dot_general3A_185 {strides = array<i32>} : memref<32x10240xf32, #tpu.memory_space<vmem>>, vector<32x128xf32>,
    %slice3A_189 = vector.extract_strided_slice %add3A_20 {offsets = [3584, 0], sizes = [128, 32], strides = [1, 1]} : vector<10240x32xf32> to vector<128x32xf32>
    %dot_general3A_190 = arith.constant dense<0.000000e+00> : vector<32x128xf32>
    %dot_general3A_191 = tpu.matmul %slice3A_189, %select_n3A, %dot_general3A_190 {dimension_numbers = #tpu.dot_dimension_numbers<[0], [0], [1], [1], [0, 1, 1, 1], [], []>, transpose_lhs_hint = false} : vector<128x32xf32>, vector<128x128xf32>, vector<32x128xf32> -> vector<32x128xf32>
    %swap3A_192 = arith.constant 0 : index
    %swap3A_193 = arith.constant 3584 : index
    %swap3A_194 = vector.load %arg4[%swap3A_192, %swap3A_193] : memref<32x10240xf32, #tpu.memory_space<vmem>>, vector<32x128xf32>
    tpu.vector_store %arg4[%swap3A_192, %swap3A_193], %dot_general3A_191 {strides = array<i32>} : memref<32x10240xf32, #tpu.memory_space<vmem>>, vector<32x128xf32>,
    %slice3A_195 = vector.extract_strided_slice %add3A_20 {offsets = [3712, 0], sizes = [128, 32], strides = [1, 1]} : vector<10240x32xf32> to vector<128x32xf32>
    %dot_general3A_196 = arith.constant dense<0.000000e+00> : vector<32x128xf32>
    %dot_general3A_197 = tpu.matmul %slice3A_195, %select_n3A, %dot_general3A_196 {dimension_numbers = #tpu.dot_dimension_numbers<[0], [0], [1], [1], [0, 1, 1, 1], [], []>, transpose_lhs_hint = false} : vector<128x32xf32>, vector<128x128xf32>, vector<32x128xf32> -> vector<32x128xf32>
    %swap3A_198 = arith.constant 0 : index
    %swap3A_199 = arith.constant 3712 : index
    %swap3A_200 = vector.load %arg4[%swap3A_198, %swap3A_199] : memref<32x10240xf32, #tpu.memory_space<vmem>>, vector<32x128xf32>
    tpu.vector_store %arg4[%swap3A_198, %swap3A_199], %dot_general3A_197 {strides = array<i32>} : memref<32x10240xf32, #tpu.memory_space<vmem>>, vector<32x128xf32>,
    %slice3A_201 = vector.extract_strided_slice %add3A_20 {offsets = [3840, 0], sizes = [128, 32], strides = [1, 1]} : vector<10240x32xf32> to vector<128x32xf32>
    %dot_general3A_202 = arith.constant dense<0.000000e+00> : vector<32x128xf32>
    %dot_general3A_203 = tpu.matmul %slice3A_201, %select_n3A, %dot_general3A_202 {dimension_numbers = #tpu.dot_dimension_numbers<[0], [0], [1], [1], [0, 1, 1, 1], [], []>, transpose_lhs_hint = false} : vector<128x32xf32>, vector<128x128xf32>, vector<32x128xf32> -> vector<32x128xf32>
    %swap3A_204 = arith.constant 0 : index
    %swap3A_205 = arith.constant 3840 : index
    %swap3A_206 = vector.load %arg4[%swap3A_204, %swap3A_205] : memref<32x10240xf32, #tpu.memory_space<vmem>>, vector<32x128xf32>
    tpu.vector_store %arg4[%swap3A_204, %swap3A_205], %dot_general3A_203 {strides = array<i32>} : memref<32x10240xf32, #tpu.memory_space<vmem>>, vector<32x128xf32>,
    %slice3A_207 = vector.extract_strided_slice %add3A_20 {offsets = [3968, 0], sizes = [128, 32], strides = [1, 1]} : vector<10240x32xf32> to vector<128x32xf32>
    %dot_general3A_208 = arith.constant dense<0.000000e+00> : vector<32x128xf32>
    %dot_general3A_209 = tpu.matmul %slice3A_207, %select_n3A, %dot_general3A_208 {dimension_numbers = #tpu.dot_dimension_numbers<[0], [0], [1], [1], [0, 1, 1, 1], [], []>, transpose_lhs_hint = false} : vector<128x32xf32>, vector<128x128xf32>, vector<32x128xf32> -> vector<32x128xf32>
    %swap3A_210 = arith.constant 0 : index
    %swap3A_211 = arith.constant 3968 : index
    %swap3A_212 = vector.load %arg4[%swap3A_210, %swap3A_211] : memref<32x10240xf32, #tpu.memory_space<vmem>>, vector<32x128xf32>
    tpu.vector_store %arg4[%swap3A_210, %swap3A_211], %dot_general3A_209 {strides = array<i32>} : memref<32x10240xf32, #tpu.memory_space<vmem>>, vector<32x128xf32>,
    %slice3A_213 = vector.extract_strided_slice %add3A_20 {offsets = [4096, 0], sizes = [128, 32], strides = [1, 1]} : vector<10240x32xf32> to vector<128x32xf32>
    %dot_general3A_214 = arith.constant dense<0.000000e+00> : vector<32x128xf32>
    %dot_general3A_215 = tpu.matmul %slice3A_213, %select_n3A, %dot_general3A_214 {dimension_numbers = #tpu.dot_dimension_numbers<[0], [0], [1], [1], [0, 1, 1, 1], [], []>, transpose_lhs_hint = false} : vector<128x32xf32>, vector<128x128xf32>, vector<32x128xf32> -> vector<32x128xf32>
    %swap3A_216 = arith.constant 0 : index
    %swap3A_217 = arith.constant 4096 : index
    %swap3A_218 = vector.load %arg4[%swap3A_216, %swap3A_217] : memref<32x10240xf32, #tpu.memory_space<vmem>>, vector<32x128xf32>
    tpu.vector_store %arg4[%swap3A_216, %swap3A_217], %dot_general3A_215 {strides = array<i32>} : memref<32x10240xf32, #tpu.memory_space<vmem>>, vector<32x128xf32>,
    %slice3A_219 = vector.extract_strided_slice %add3A_20 {offsets = [4224, 0], sizes = [128, 32], strides = [1, 1]} : vector<10240x32xf32> to vector<128x32xf32>
    %dot_general3A_220 = arith.constant dense<0.000000e+00> : vector<32x128xf32>
    %dot_general3A_221 = tpu.matmul %slice3A_219, %select_n3A, %dot_general3A_220 {dimension_numbers = #tpu.dot_dimension_numbers<[0], [0], [1], [1], [0, 1, 1, 1], [], []>, transpose_lhs_hint = false} : vector<128x32xf32>, vector<128x128xf32>, vector<32x128xf32> -> vector<32x128xf32>
    %swap3A_222 = arith.constant 0 : index
    %swap3A_223 = arith.constant 4224 : index
    %swap3A_224 = vector.load %arg4[%swap3A_222, %swap3A_223] : memref<32x10240xf32, #tpu.memory_space<vmem>>, vector<32x128xf32>
    tpu.vector_store %arg4[%swap3A_222, %swap3A_223], %dot_general3A_221 {strides = array<i32>} : memref<32x10240xf32, #tpu.memory_space<vmem>>, vector<32x128xf32>,
    %slice3A_225 = vector.extract_strided_slice %add3A_20 {offsets = [4352, 0], sizes = [128, 32], strides = [1, 1]} : vector<10240x32xf32> to vector<128x32xf32>
    %dot_general3A_226 = arith.constant dense<0.000000e+00> : vector<32x128xf32>
    %dot_general3A_227 = tpu.matmul %slice3A_225, %select_n3A, %dot_general3A_226 {dimension_numbers = #tpu.dot_dimension_numbers<[0], [0], [1], [1], [0, 1, 1, 1], [], []>, transpose_lhs_hint = false} : vector<128x32xf32>, vector<128x128xf32>, vector<32x128xf32> -> vector<32x128xf32>
    %swap3A_228 = arith.constant 0 : index
    %swap3A_229 = arith.constant 4352 : index
    %swap3A_230 = vector.load %arg4[%swap3A_228, %swap3A_229] : memref<32x10240xf32, #tpu.memory_space<vmem>>, vector<32x128xf32>
    tpu.vector_store %arg4[%swap3A_228, %swap3A_229], %dot_general3A_227 {strides = array<i32>} : memref<32x10240xf32, #tpu.memory_space<vmem>>, vector<32x128xf32>,
    %slice3A_231 = vector.extract_strided_slice %add3A_20 {offsets = [4480, 0], sizes = [128, 32], strides = [1, 1]} : vector<10240x32xf32> to vector<128x32xf32>
    %dot_general3A_232 = arith.constant dense<0.000000e+00> : vector<32x128xf32>
    %dot_general3A_233 = tpu.matmul %slice3A_231, %select_n3A, %dot_general3A_232 {dimension_numbers = #tpu.dot_dimension_numbers<[0], [0], [1], [1], [0, 1, 1, 1], [], []>, transpose_lhs_hint = false} : vector<128x32xf32>, vector<128x128xf32>, vector<32x128xf32> -> vector<32x128xf32>
    %swap3A_234 = arith.constant 0 : index
    %swap3A_235 = arith.constant 4480 : index
    %swap3A_236 = vector.load %arg4[%swap3A_234, %swap3A_235] : memref<32x10240xf32, #tpu.memory_space<vmem>>, vector<32x128xf32>
    tpu.vector_store %arg4[%swap3A_234, %swap3A_235], %dot_general3A_233 {strides = array<i32>} : memref<32x10240xf32, #tpu.memory_space<vmem>>, vector<32x128xf32>,
    %slice3A_237 = vector.extract_strided_slice %add3A_20 {offsets = [4608, 0], sizes = [128, 32], strides = [1, 1]} : vector<10240x32xf32> to vector<128x32xf32>
    %dot_general3A_238 = arith.constant dense<0.000000e+00> : vector<32x128xf32>
    %dot_general3A_239 = tpu.matmul %slice3A_237, %select_n3A, %dot_general3A_238 {dimension_numbers = #tpu.dot_dimension_numbers<[0], [0], [1], [1], [0, 1, 1, 1], [], []>, transpose_lhs_hint = false} : vector<128x32xf32>, vector<128x128xf32>, vector<32x128xf32> -> vector<32x128xf32>
    %swap3A_240 = arith.constant 0 : index
    %swap3A_241 = arith.constant 4608 : index
    %swap3A_242 = vector.load %arg4[%swap3A_240, %swap3A_241] : memref<32x10240xf32, #tpu.memory_space<vmem>>, vector<32x128xf32>
    tpu.vector_store %arg4[%swap3A_240, %swap3A_241], %dot_general3A_239 {strides = array<i32>} : memref<32x10240xf32, #tpu.memory_space<vmem>>, vector<32x128xf32>,
    %slice3A_243 = vector.extract_strided_slice %add3A_20 {offsets = [4736, 0], sizes = [128, 32], strides = [1, 1]} : vector<10240x32xf32> to vector<128x32xf32>
    %dot_general3A_244 = arith.constant dense<0.000000e+00> : vector<32x128xf32>
    %dot_general3A_245 = tpu.matmul %slice3A_243, %select_n3A, %dot_general3A_244 {dimension_numbers = #tpu.dot_dimension_numbers<[0], [0], [1], [1], [0, 1, 1, 1], [], []>, transpose_lhs_hint = false} : vector<128x32xf32>, vector<128x128xf32>, vector<32x128xf32> -> vector<32x128xf32>
    %swap3A_246 = arith.constant 0 : index
    %swap3A_247 = arith.constant 4736 : index
    %swap3A_248 = vector.load %arg4[%swap3A_246, %swap3A_247] : memref<32x10240xf32, #tpu.memory_space<vmem>>, vector<32x128xf32>
    tpu.vector_store %arg4[%swap3A_246, %swap3A_247], %dot_general3A_245 {strides = array<i32>} : memref<32x10240xf32, #tpu.memory_space<vmem>>, vector<32x128xf32>,
    %slice3A_249 = vector.extract_strided_slice %add3A_20 {offsets = [4864, 0], sizes = [128, 32], strides = [1, 1]} : vector<10240x32xf32> to vector<128x32xf32>
    %dot_general3A_250 = arith.constant dense<0.000000e+00> : vector<32x128xf32>
    %dot_general3A_251 = tpu.matmul %slice3A_249, %select_n3A, %dot_general3A_250 {dimension_numbers = #tpu.dot_dimension_numbers<[0], [0], [1], [1], [0, 1, 1, 1], [], []>, transpose_lhs_hint = false} : vector<128x32xf32>, vector<128x128xf32>, vector<32x128xf32> -> vector<32x128xf32>
    %swap3A_252 = arith.constant 0 : index
    %swap3A_253 = arith.constant 4864 : index
    %swap3A_254 = vector.load %arg4[%swap3A_252, %swap3A_253] : memref<32x10240xf32, #tpu.memory_space<vmem>>, vector<32x128xf32>
    tpu.vector_store %arg4[%swap3A_252, %swap3A_253], %dot_general3A_251 {strides = array<i32>} : memref<32x10240xf32, #tpu.memory_space<vmem>>, vector<32x128xf32>,
    %slice3A_255 = vector.extract_strided_slice %add3A_20 {offsets = [4992, 0], sizes = [128, 32], strides = [1, 1]} : vector<10240x32xf32> to vector<128x32xf32>
    %dot_general3A_256 = arith.constant dense<0.000000e+00> : vector<32x128xf32>
    %dot_general3A_257 = tpu.matmul %slice3A_255, %select_n3A, %dot_general3A_256 {dimension_numbers = #tpu.dot_dimension_numbers<[0], [0], [1], [1], [0, 1, 1, 1], [], []>, transpose_lhs_hint = false} : vector<128x32xf32>, vector<128x128xf32>, vector<32x128xf32> -> vector<32x128xf32>
    %swap3A_258 = arith.constant 0 : index
    %swap3A_259 = arith.constant 4992 : index
    %swap3A_260 = vector.load %arg4[%swap3A_258, %swap3A_259] : memref<32x10240xf32, #tpu.memory_space<vmem>>, vector<32x128xf32>
    tpu.vector_store %arg4[%swap3A_258, %swap3A_259], %dot_general3A_257 {strides = array<i32>} : memref<32x10240xf32, #tpu.memory_space<vmem>>, vector<32x128xf32>,
    %slice3A_261 = vector.extract_strided_slice %add3A_20 {offsets = [5120, 0], sizes = [128, 32], strides = [1, 1]} : vector<10240x32xf32> to vector<128x32xf32>
    %dot_general3A_262 = arith.constant dense<0.000000e+00> : vector<32x128xf32>
    %dot_general3A_263 = tpu.matmul %slice3A_261, %select_n3A, %dot_general3A_262 {dimension_numbers = #tpu.dot_dimension_numbers<[0], [0], [1], [1], [0, 1, 1, 1], [], []>, transpose_lhs_hint = false} : vector<128x32xf32>, vector<128x128xf32>, vector<32x128xf32> -> vector<32x128xf32>
    %swap3A_264 = arith.constant 0 : index
    %swap3A_265 = arith.constant 5120 : index
    %swap3A_266 = vector.load %arg4[%swap3A_264, %swap3A_265] : memref<32x10240xf32, #tpu.memory_space<vmem>>, vector<32x128xf32>
    tpu.vector_store %arg4[%swap3A_264, %swap3A_265], %dot_general3A_263 {strides = array<i32>} : memref<32x10240xf32, #tpu.memory_space<vmem>>, vector<32x128xf32>,
    %slice3A_267 = vector.extract_strided_slice %add3A_20 {offsets = [5248, 0], sizes = [128, 32], strides = [1, 1]} : vector<10240x32xf32> to vector<128x32xf32>
    %dot_general3A_268 = arith.constant dense<0.000000e+00> : vector<32x128xf32>
    %dot_general3A_269 = tpu.matmul %slice3A_267, %select_n3A, %dot_general3A_268 {dimension_numbers = #tpu.dot_dimension_numbers<[0], [0], [1], [1], [0, 1, 1, 1], [], []>, transpose_lhs_hint = false} : vector<128x32xf32>, vector<128x128xf32>, vector<32x128xf32> -> vector<32x128xf32>
    %swap3A_270 = arith.constant 0 : index
    %swap3A_271 = arith.constant 5248 : index
    %swap3A_272 = vector.load %arg4[%swap3A_270, %swap3A_271] : memref<32x10240xf32, #tpu.memory_space<vmem>>, vector<32x128xf32>
    tpu.vector_store %arg4[%swap3A_270, %swap3A_271], %dot_general3A_269 {strides = array<i32>} : memref<32x10240xf32, #tpu.memory_space<vmem>>, vector<32x128xf32>,
    %slice3A_273 = vector.extract_strided_slice %add3A_20 {offsets = [5376, 0], sizes = [128, 32], strides = [1, 1]} : vector<10240x32xf32> to vector<128x32xf32>
    %dot_general3A_274 = arith.constant dense<0.000000e+00> : vector<32x128xf32>
    %dot_general3A_275 = tpu.matmul %slice3A_273, %select_n3A, %dot_general3A_274 {dimension_numbers = #tpu.dot_dimension_numbers<[0], [0], [1], [1], [0, 1, 1, 1], [], []>, transpose_lhs_hint = false} : vector<128x32xf32>, vector<128x128xf32>, vector<32x128xf32> -> vector<32x128xf32>
    %swap3A_276 = arith.constant 0 : index
    %swap3A_277 = arith.constant 5376 : index
    %swap3A_278 = vector.load %arg4[%swap3A_276, %swap3A_277] : memref<32x10240xf32, #tpu.memory_space<vmem>>, vector<32x128xf32>
    tpu.vector_store %arg4[%swap3A_276, %swap3A_277], %dot_general3A_275 {strides = array<i32>} : memref<32x10240xf32, #tpu.memory_space<vmem>>, vector<32x128xf32>,
    %slice3A_279 = vector.extract_strided_slice %add3A_20 {offsets = [5504, 0], sizes = [128, 32], strides = [1, 1]} : vector<10240x32xf32> to vector<128x32xf32>
    %dot_general3A_280 = arith.constant dense<0.000000e+00> : vector<32x128xf32>
    %dot_general3A_281 = tpu.matmul %slice3A_279, %select_n3A, %dot_general3A_280 {dimension_numbers = #tpu.dot_dimension_numbers<[0], [0], [1], [1], [0, 1, 1, 1], [], []>, transpose_lhs_hint = false} : vector<128x32xf32>, vector<128x128xf32>, vector<32x128xf32> -> vector<32x128xf32>
    %swap3A_282 = arith.constant 0 : index
    %swap3A_283 = arith.constant 5504 : index
    %swap3A_284 = vector.load %arg4[%swap3A_282, %swap3A_283] : memref<32x10240xf32, #tpu.memory_space<vmem>>, vector<32x128xf32>
    tpu.vector_store %arg4[%swap3A_282, %swap3A_283], %dot_general3A_281 {strides = array<i32>} : memref<32x10240xf32, #tpu.memory_space<vmem>>, vector<32x128xf32>,
    %slice3A_285 = vector.extract_strided_slice %add3A_20 {offsets = [5632, 0], sizes = [128, 32], strides = [1, 1]} : vector<10240x32xf32> to vector<128x32xf32>
    %dot_general3A_286 = arith.constant dense<0.000000e+00> : vector<32x128xf32>
    %dot_general3A_287 = tpu.matmul %slice3A_285, %select_n3A, %dot_general3A_286 {dimension_numbers = #tpu.dot_dimension_numbers<[0], [0], [1], [1], [0, 1, 1, 1], [], []>, transpose_lhs_hint = false} : vector<128x32xf32>, vector<128x128xf32>, vector<32x128xf32> -> vector<32x128xf32>
    %swap3A_288 = arith.constant 0 : index
    %swap3A_289 = arith.constant 5632 : index
    %swap3A_290 = vector.load %arg4[%swap3A_288, %swap3A_289] : memref<32x10240xf32, #tpu.memory_space<vmem>>, vector<32x128xf32>
    tpu.vector_store %arg4[%swap3A_288, %swap3A_289], %dot_general3A_287 {strides = array<i32>} : memref<32x10240xf32, #tpu.memory_space<vmem>>, vector<32x128xf32>,
    %slice3A_291 = vector.extract_strided_slice %add3A_20 {offsets = [5760, 0], sizes = [128, 32], strides = [1, 1]} : vector<10240x32xf32> to vector<128x32xf32>
    %dot_general3A_292 = arith.constant dense<0.000000e+00> : vector<32x128xf32>
    %dot_general3A_293 = tpu.matmul %slice3A_291, %select_n3A, %dot_general3A_292 {dimension_numbers = #tpu.dot_dimension_numbers<[0], [0], [1], [1], [0, 1, 1, 1], [], []>, transpose_lhs_hint = false} : vector<128x32xf32>, vector<128x128xf32>, vector<32x128xf32> -> vector<32x128xf32>
    %swap3A_294 = arith.constant 0 : index
    %swap3A_295 = arith.constant 5760 : index
    %swap3A_296 = vector.load %arg4[%swap3A_294, %swap3A_295] : memref<32x10240xf32, #tpu.memory_space<vmem>>, vector<32x128xf32>
    tpu.vector_store %arg4[%swap3A_294, %swap3A_295], %dot_general3A_293 {strides = array<i32>} : memref<32x10240xf32, #tpu.memory_space<vmem>>, vector<32x128xf32>,
    %slice3A_297 = vector.extract_strided_slice %add3A_20 {offsets = [5888, 0], sizes = [128, 32], strides = [1, 1]} : vector<10240x32xf32> to vector<128x32xf32>
    %dot_general3A_298 = arith.constant dense<0.000000e+00> : vector<32x128xf32>
    %dot_general3A_299 = tpu.matmul %slice3A_297, %select_n3A, %dot_general3A_298 {dimension_numbers = #tpu.dot_dimension_numbers<[0], [0], [1], [1], [0, 1, 1, 1], [], []>, transpose_lhs_hint = false} : vector<128x32xf32>, vector<128x128xf32>, vector<32x128xf32> -> vector<32x128xf32>
    %swap3A_300 = arith.constant 0 : index
    %swap3A_301 = arith.constant 5888 : index
    %swap3A_302 = vector.load %arg4[%swap3A_300, %swap3A_301] : memref<32x10240xf32, #tpu.memory_space<vmem>>, vector<32x128xf32>
    tpu.vector_store %arg4[%swap3A_300, %swap3A_301], %dot_general3A_299 {strides = array<i32>} : memref<32x10240xf32, #tpu.memory_space<vmem>>, vector<32x128xf32>,
    %slice3A_303 = vector.extract_strided_slice %add3A_20 {offsets = [6016, 0], sizes = [128, 32], strides = [1, 1]} : vector<10240x32xf32> to vector<128x32xf32>
    %dot_general3A_304 = arith.constant dense<0.000000e+00> : vector<32x128xf32>
    %dot_general3A_305 = tpu.matmul %slice3A_303, %select_n3A, %dot_general3A_304 {dimension_numbers = #tpu.dot_dimension_numbers<[0], [0], [1], [1], [0, 1, 1, 1], [], []>, transpose_lhs_hint = false} : vector<128x32xf32>, vector<128x128xf32>, vector<32x128xf32> -> vector<32x128xf32>
    %swap3A_306 = arith.constant 0 : index
    %swap3A_307 = arith.constant 6016 : index
    %swap3A_308 = vector.load %arg4[%swap3A_306, %swap3A_307] : memref<32x10240xf32, #tpu.memory_space<vmem>>, vector<32x128xf32>
    tpu.vector_store %arg4[%swap3A_306, %swap3A_307], %dot_general3A_305 {strides = array<i32>} : memref<32x10240xf32, #tpu.memory_space<vmem>>, vector<32x128xf32>,
    %slice3A_309 = vector.extract_strided_slice %add3A_20 {offsets = [6144, 0], sizes = [128, 32], strides = [1, 1]} : vector<10240x32xf32> to vector<128x32xf32>
    %dot_general3A_310 = arith.constant dense<0.000000e+00> : vector<32x128xf32>
    %dot_general3A_311 = tpu.matmul %slice3A_309, %select_n3A, %dot_general3A_310 {dimension_numbers = #tpu.dot_dimension_numbers<[0], [0], [1], [1], [0, 1, 1, 1], [], []>, transpose_lhs_hint = false} : vector<128x32xf32>, vector<128x128xf32>, vector<32x128xf32> -> vector<32x128xf32>
    %swap3A_312 = arith.constant 0 : index
    %swap3A_313 = arith.constant 6144 : index
    %swap3A_314 = vector.load %arg4[%swap3A_312, %swap3A_313] : memref<32x10240xf32, #tpu.memory_space<vmem>>, vector<32x128xf32>
    tpu.vector_store %arg4[%swap3A_312, %swap3A_313], %dot_general3A_311 {strides = array<i32>} : memref<32x10240xf32, #tpu.memory_space<vmem>>, vector<32x128xf32>,
    %slice3A_315 = vector.extract_strided_slice %add3A_20 {offsets = [6272, 0], sizes = [128, 32], strides = [1, 1]} : vector<10240x32xf32> to vector<128x32xf32>
    %dot_general3A_316 = arith.constant dense<0.000000e+00> : vector<32x128xf32>
    %dot_general3A_317 = tpu.matmul %slice3A_315, %select_n3A, %dot_general3A_316 {dimension_numbers = #tpu.dot_dimension_numbers<[0], [0], [1], [1], [0, 1, 1, 1], [], []>, transpose_lhs_hint = false} : vector<128x32xf32>, vector<128x128xf32>, vector<32x128xf32> -> vector<32x128xf32>
    %swap3A_318 = arith.constant 0 : index
    %swap3A_319 = arith.constant 6272 : index
    %swap3A_320 = vector.load %arg4[%swap3A_318, %swap3A_319] : memref<32x10240xf32, #tpu.memory_space<vmem>>, vector<32x128xf32>
    tpu.vector_store %arg4[%swap3A_318, %swap3A_319], %dot_general3A_317 {strides = array<i32>} : memref<32x10240xf32, #tpu.memory_space<vmem>>, vector<32x128xf32>,
    %slice3A_321 = vector.extract_strided_slice %add3A_20 {offsets = [6400, 0], sizes = [128, 32], strides = [1, 1]} : vector<10240x32xf32> to vector<128x32xf32>
    %dot_general3A_322 = arith.constant dense<0.000000e+00> : vector<32x128xf32>
    %dot_general3A_323 = tpu.matmul %slice3A_321, %select_n3A, %dot_general3A_322 {dimension_numbers = #tpu.dot_dimension_numbers<[0], [0], [1], [1], [0, 1, 1, 1], [], []>, transpose_lhs_hint = false} : vector<128x32xf32>, vector<128x128xf32>, vector<32x128xf32> -> vector<32x128xf32>
    %swap3A_324 = arith.constant 0 : index
    %swap3A_325 = arith.constant 6400 : index
    %swap3A_326 = vector.load %arg4[%swap3A_324, %swap3A_325] : memref<32x10240xf32, #tpu.memory_space<vmem>>, vector<32x128xf32>
    tpu.vector_store %arg4[%swap3A_324, %swap3A_325], %dot_general3A_323 {strides = array<i32>} : memref<32x10240xf32, #tpu.memory_space<vmem>>, vector<32x128xf32>,
    %slice3A_327 = vector.extract_strided_slice %add3A_20 {offsets = [6528, 0], sizes = [128, 32], strides = [1, 1]} : vector<10240x32xf32> to vector<128x32xf32>
    %dot_general3A_328 = arith.constant dense<0.000000e+00> : vector<32x128xf32>
    %dot_general3A_329 = tpu.matmul %slice3A_327, %select_n3A, %dot_general3A_328 {dimension_numbers = #tpu.dot_dimension_numbers<[0], [0], [1], [1], [0, 1, 1, 1], [], []>, transpose_lhs_hint = false} : vector<128x32xf32>, vector<128x128xf32>, vector<32x128xf32> -> vector<32x128xf32>
    %swap3A_330 = arith.constant 0 : index
    %swap3A_331 = arith.constant 6528 : index
    %swap3A_332 = vector.load %arg4[%swap3A_330, %swap3A_331] : memref<32x10240xf32, #tpu.memory_space<vmem>>, vector<32x128xf32>
    tpu.vector_store %arg4[%swap3A_330, %swap3A_331], %dot_general3A_329 {strides = array<i32>} : memref<32x10240xf32, #tpu.memory_space<vmem>>, vector<32x128xf32>,
    %slice3A_333 = vector.extract_strided_slice %add3A_20 {offsets = [6656, 0], sizes = [128, 32], strides = [1, 1]} : vector<10240x32xf32> to vector<128x32xf32>
    %dot_general3A_334 = arith.constant dense<0.000000e+00> : vector<32x128xf32>
    %dot_general3A_335 = tpu.matmul %slice3A_333, %select_n3A, %dot_general3A_334 {dimension_numbers = #tpu.dot_dimension_numbers<[0], [0], [1], [1], [0, 1, 1, 1], [], []>, transpose_lhs_hint = false} : vector<128x32xf32>, vector<128x128xf32>, vector<32x128xf32> -> vector<32x128xf32>
    %swap3A_336 = arith.constant 0 : index
    %swap3A_337 = arith.constant 6656 : index
    %swap3A_338 = vector.load %arg4[%swap3A_336, %swap3A_337] : memref<32x10240xf32, #tpu.memory_space<vmem>>, vector<32x128xf32>
    tpu.vector_store %arg4[%swap3A_336, %swap3A_337], %dot_general3A_335 {strides = array<i32>} : memref<32x10240xf32, #tpu.memory_space<vmem>>, vector<32x128xf32>,
    %slice3A_339 = vector.extract_strided_slice %add3A_20 {offsets = [6784, 0], sizes = [128, 32], strides = [1, 1]} : vector<10240x32xf32> to vector<128x32xf32>
    %dot_general3A_340 = arith.constant dense<0.000000e+00> : vector<32x128xf32>
    %dot_general3A_341 = tpu.matmul %slice3A_339, %select_n3A, %dot_general3A_340 {dimension_numbers = #tpu.dot_dimension_numbers<[0], [0], [1], [1], [0, 1, 1, 1], [], []>, transpose_lhs_hint = false} : vector<128x32xf32>, vector<128x128xf32>, vector<32x128xf32> -> vector<32x128xf32>
    %swap3A_342 = arith.constant 0 : index
    %swap3A_343 = arith.constant 6784 : index
    %swap3A_344 = vector.load %arg4[%swap3A_342, %swap3A_343] : memref<32x10240xf32, #tpu.memory_space<vmem>>, vector<32x128xf32>
    tpu.vector_store %arg4[%swap3A_342, %swap3A_343], %dot_general3A_341 {strides = array<i32>} : memref<32x10240xf32, #tpu.memory_space<vmem>>, vector<32x128xf32>,
    %slice3A_345 = vector.extract_strided_slice %add3A_20 {offsets = [6912, 0], sizes = [128, 32], strides = [1, 1]} : vector<10240x32xf32> to vector<128x32xf32>
    %dot_general3A_346 = arith.constant dense<0.000000e+00> : vector<32x128xf32>
    %dot_general3A_347 = tpu.matmul %slice3A_345, %select_n3A, %dot_general3A_346 {dimension_numbers = #tpu.dot_dimension_numbers<[0], [0], [1], [1], [0, 1, 1, 1], [], []>, transpose_lhs_hint = false} : vector<128x32xf32>, vector<128x128xf32>, vector<32x128xf32> -> vector<32x128xf32>
    %swap3A_348 = arith.constant 0 : index
    %swap3A_349 = arith.constant 6912 : index
    %swap3A_350 = vector.load %arg4[%swap3A_348, %swap3A_349] : memref<32x10240xf32, #tpu.memory_space<vmem>>, vector<32x128xf32>
    tpu.vector_store %arg4[%swap3A_348, %swap3A_349], %dot_general3A_347 {strides = array<i32>} : memref<32x10240xf32, #tpu.memory_space<vmem>>, vector<32x128xf32>,
    %slice3A_351 = vector.extract_strided_slice %add3A_20 {offsets = [7040, 0], sizes = [128, 32], strides = [1, 1]} : vector<10240x32xf32> to vector<128x32xf32>
    %dot_general3A_352 = arith.constant dense<0.000000e+00> : vector<32x128xf32>
    %dot_general3A_353 = tpu.matmul %slice3A_351, %select_n3A, %dot_general3A_352 {dimension_numbers = #tpu.dot_dimension_numbers<[0], [0], [1], [1], [0, 1, 1, 1], [], []>, transpose_lhs_hint = false} : vector<128x32xf32>, vector<128x128xf32>, vector<32x128xf32> -> vector<32x128xf32>
    %swap3A_354 = arith.constant 0 : index
    %swap3A_355 = arith.constant 7040 : index
    %swap3A_356 = vector.load %arg4[%swap3A_354, %swap3A_355] : memref<32x10240xf32, #tpu.memory_space<vmem>>, vector<32x128xf32>
    tpu.vector_store %arg4[%swap3A_354, %swap3A_355], %dot_general3A_353 {strides = array<i32>} : memref<32x10240xf32, #tpu.memory_space<vmem>>, vector<32x128xf32>,
    %slice3A_357 = vector.extract_strided_slice %add3A_20 {offsets = [7168, 0], sizes = [128, 32], strides = [1, 1]} : vector<10240x32xf32> to vector<128x32xf32>
    %dot_general3A_358 = arith.constant dense<0.000000e+00> : vector<32x128xf32>
    %dot_general3A_359 = tpu.matmul %slice3A_357, %select_n3A, %dot_general3A_358 {dimension_numbers = #tpu.dot_dimension_numbers<[0], [0], [1], [1], [0, 1, 1, 1], [], []>, transpose_lhs_hint = false} : vector<128x32xf32>, vector<128x128xf32>, vector<32x128xf32> -> vector<32x128xf32>
    %swap3A_360 = arith.constant 0 : index
    %swap3A_361 = arith.constant 7168 : index
    %swap3A_362 = vector.load %arg4[%swap3A_360, %swap3A_361] : memref<32x10240xf32, #tpu.memory_space<vmem>>, vector<32x128xf32>
    tpu.vector_store %arg4[%swap3A_360, %swap3A_361], %dot_general3A_359 {strides = array<i32>} : memref<32x10240xf32, #tpu.memory_space<vmem>>, vector<32x128xf32>,
    %slice3A_363 = vector.extract_strided_slice %add3A_20 {offsets = [7296, 0], sizes = [128, 32], strides = [1, 1]} : vector<10240x32xf32> to vector<128x32xf32>
    %dot_general3A_364 = arith.constant dense<0.000000e+00> : vector<32x128xf32>
    %dot_general3A_365 = tpu.matmul %slice3A_363, %select_n3A, %dot_general3A_364 {dimension_numbers = #tpu.dot_dimension_numbers<[0], [0], [1], [1], [0, 1, 1, 1], [], []>, transpose_lhs_hint = false} : vector<128x32xf32>, vector<128x128xf32>, vector<32x128xf32> -> vector<32x128xf32>
    %swap3A_366 = arith.constant 0 : index
    %swap3A_367 = arith.constant 7296 : index
    %swap3A_368 = vector.load %arg4[%swap3A_366, %swap3A_367] : memref<32x10240xf32, #tpu.memory_space<vmem>>, vector<32x128xf32>
    tpu.vector_store %arg4[%swap3A_366, %swap3A_367], %dot_general3A_365 {strides = array<i32>} : memref<32x10240xf32, #tpu.memory_space<vmem>>, vector<32x128xf32>,
    %slice3A_369 = vector.extract_strided_slice %add3A_20 {offsets = [7424, 0], sizes = [128, 32], strides = [1, 1]} : vector<10240x32xf32> to vector<128x32xf32>
    %dot_general3A_370 = arith.constant dense<0.000000e+00> : vector<32x128xf32>
    %dot_general3A_371 = tpu.matmul %slice3A_369, %select_n3A, %dot_general3A_370 {dimension_numbers = #tpu.dot_dimension_numbers<[0], [0], [1], [1], [0, 1, 1, 1], [], []>, transpose_lhs_hint = false} : vector<128x32xf32>, vector<128x128xf32>, vector<32x128xf32> -> vector<32x128xf32>
    %swap3A_372 = arith.constant 0 : index
    %swap3A_373 = arith.constant 7424 : index
    %swap3A_374 = vector.load %arg4[%swap3A_372, %swap3A_373] : memref<32x10240xf32, #tpu.memory_space<vmem>>, vector<32x128xf32>
    tpu.vector_store %arg4[%swap3A_372, %swap3A_373], %dot_general3A_371 {strides = array<i32>} : memref<32x10240xf32, #tpu.memory_space<vmem>>, vector<32x128xf32>,
    %slice3A_375 = vector.extract_strided_slice %add3A_20 {offsets = [7552, 0], sizes = [128, 32], strides = [1, 1]} : vector<10240x32xf32> to vector<128x32xf32>
    %dot_general3A_376 = arith.constant dense<0.000000e+00> : vector<32x128xf32>
    %dot_general3A_377 = tpu.matmul %slice3A_375, %select_n3A, %dot_general3A_376 {dimension_numbers = #tpu.dot_dimension_numbers<[0], [0], [1], [1], [0, 1, 1, 1], [], []>, transpose_lhs_hint = false} : vector<128x32xf32>, vector<128x128xf32>, vector<32x128xf32> -> vector<32x128xf32>
    %swap3A_378 = arith.constant 0 : index
    %swap3A_379 = arith.constant 7552 : index
    %swap3A_380 = vector.load %arg4[%swap3A_378, %swap3A_379] : memref<32x10240xf32, #tpu.memory_space<vmem>>, vector<32x128xf32>
    tpu.vector_store %arg4[%swap3A_378, %swap3A_379], %dot_general3A_377 {strides = array<i32>} : memref<32x10240xf32, #tpu.memory_space<vmem>>, vector<32x128xf32>,
    %slice3A_381 = vector.extract_strided_slice %add3A_20 {offsets = [7680, 0], sizes = [128, 32], strides = [1, 1]} : vector<10240x32xf32> to vector<128x32xf32>
    %dot_general3A_382 = arith.constant dense<0.000000e+00> : vector<32x128xf32>
    %dot_general3A_383 = tpu.matmul %slice3A_381, %select_n3A, %dot_general3A_382 {dimension_numbers = #tpu.dot_dimension_numbers<[0], [0], [1], [1], [0, 1, 1, 1], [], []>, transpose_lhs_hint = false} : vector<128x32xf32>, vector<128x128xf32>, vector<32x128xf32> -> vector<32x128xf32>
    %swap3A_384 = arith.constant 0 : index
    %swap3A_385 = arith.constant 7680 : index
    %swap3A_386 = vector.load %arg4[%swap3A_384, %swap3A_385] : memref<32x10240xf32, #tpu.memory_space<vmem>>, vector<32x128xf32>
    tpu.vector_store %arg4[%swap3A_384, %swap3A_385], %dot_general3A_383 {strides = array<i32>} : memref<32x10240xf32, #tpu.memory_space<vmem>>, vector<32x128xf32>,
    %slice3A_387 = vector.extract_strided_slice %add3A_20 {offsets = [7808, 0], sizes = [128, 32], strides = [1, 1]} : vector<10240x32xf32> to vector<128x32xf32>
    %dot_general3A_388 = arith.constant dense<0.000000e+00> : vector<32x128xf32>
    %dot_general3A_389 = tpu.matmul %slice3A_387, %select_n3A, %dot_general3A_388 {dimension_numbers = #tpu.dot_dimension_numbers<[0], [0], [1], [1], [0, 1, 1, 1], [], []>, transpose_lhs_hint = false} : vector<128x32xf32>, vector<128x128xf32>, vector<32x128xf32> -> vector<32x128xf32>
    %swap3A_390 = arith.constant 0 : index
    %swap3A_391 = arith.constant 7808 : index
    %swap3A_392 = vector.load %arg4[%swap3A_390, %swap3A_391] : memref<32x10240xf32, #tpu.memory_space<vmem>>, vector<32x128xf32>
    tpu.vector_store %arg4[%swap3A_390, %swap3A_391], %dot_general3A_389 {strides = array<i32>} : memref<32x10240xf32, #tpu.memory_space<vmem>>, vector<32x128xf32>,
    %slice3A_393 = vector.extract_strided_slice %add3A_20 {offsets = [7936, 0], sizes = [128, 32], strides = [1, 1]} : vector<10240x32xf32> to vector<128x32xf32>
    %dot_general3A_394 = arith.constant dense<0.000000e+00> : vector<32x128xf32>
    %dot_general3A_395 = tpu.matmul %slice3A_393, %select_n3A, %dot_general3A_394 {dimension_numbers = #tpu.dot_dimension_numbers<[0], [0], [1], [1], [0, 1, 1, 1], [], []>, transpose_lhs_hint = false} : vector<128x32xf32>, vector<128x128xf32>, vector<32x128xf32> -> vector<32x128xf32>
    %swap3A_396 = arith.constant 0 : index
    %swap3A_397 = arith.constant 7936 : index
    %swap3A_398 = vector.load %arg4[%swap3A_396, %swap3A_397] : memref<32x10240xf32, #tpu.memory_space<vmem>>, vector<32x128xf32>
    tpu.vector_store %arg4[%swap3A_396, %swap3A_397], %dot_general3A_395 {strides = array<i32>} : memref<32x10240xf32, #tpu.memory_space<vmem>>, vector<32x128xf32>,
    %slice3A_399 = vector.extract_strided_slice %add3A_20 {offsets = [8064, 0], sizes = [128, 32], strides = [1, 1]} : vector<10240x32xf32> to vector<128x32xf32>
    %dot_general3A_400 = arith.constant dense<0.000000e+00> : vector<32x128xf32>
    %dot_general3A_401 = tpu.matmul %slice3A_399, %select_n3A, %dot_general3A_400 {dimension_numbers = #tpu.dot_dimension_numbers<[0], [0], [1], [1], [0, 1, 1, 1], [], []>, transpose_lhs_hint = false} : vector<128x32xf32>, vector<128x128xf32>, vector<32x128xf32> -> vector<32x128xf32>
    %swap3A_402 = arith.constant 0 : index
    %swap3A_403 = arith.constant 8064 : index
    %swap3A_404 = vector.load %arg4[%swap3A_402, %swap3A_403] : memref<32x10240xf32, #tpu.memory_space<vmem>>, vector<32x128xf32>
    tpu.vector_store %arg4[%swap3A_402, %swap3A_403], %dot_general3A_401 {strides = array<i32>} : memref<32x10240xf32, #tpu.memory_space<vmem>>, vector<32x128xf32>,
    %slice3A_405 = vector.extract_strided_slice %add3A_20 {offsets = [8192, 0], sizes = [128, 32], strides = [1, 1]} : vector<10240x32xf32> to vector<128x32xf32>
    %dot_general3A_406 = arith.constant dense<0.000000e+00> : vector<32x128xf32>
    %dot_general3A_407 = tpu.matmul %slice3A_405, %select_n3A, %dot_general3A_406 {dimension_numbers = #tpu.dot_dimension_numbers<[0], [0], [1], [1], [0, 1, 1, 1], [], []>, transpose_lhs_hint = false} : vector<128x32xf32>, vector<128x128xf32>, vector<32x128xf32> -> vector<32x128xf32>
    %swap3A_408 = arith.constant 0 : index
    %swap3A_409 = arith.constant 8192 : index
    %swap3A_410 = vector.load %arg4[%swap3A_408, %swap3A_409] : memref<32x10240xf32, #tpu.memory_space<vmem>>, vector<32x128xf32>
    tpu.vector_store %arg4[%swap3A_408, %swap3A_409], %dot_general3A_407 {strides = array<i32>} : memref<32x10240xf32, #tpu.memory_space<vmem>>, vector<32x128xf32>,
    %slice3A_411 = vector.extract_strided_slice %add3A_20 {offsets = [8320, 0], sizes = [128, 32], strides = [1, 1]} : vector<10240x32xf32> to vector<128x32xf32>
    %dot_general3A_412 = arith.constant dense<0.000000e+00> : vector<32x128xf32>
    %dot_general3A_413 = tpu.matmul %slice3A_411, %select_n3A, %dot_general3A_412 {dimension_numbers = #tpu.dot_dimension_numbers<[0], [0], [1], [1], [0, 1, 1, 1], [], []>, transpose_lhs_hint = false} : vector<128x32xf32>, vector<128x128xf32>, vector<32x128xf32> -> vector<32x128xf32>
    %swap3A_414 = arith.constant 0 : index
    %swap3A_415 = arith.constant 8320 : index
    %swap3A_416 = vector.load %arg4[%swap3A_414, %swap3A_415] : memref<32x10240xf32, #tpu.memory_space<vmem>>, vector<32x128xf32>
    tpu.vector_store %arg4[%swap3A_414, %swap3A_415], %dot_general3A_413 {strides = array<i32>} : memref<32x10240xf32, #tpu.memory_space<vmem>>, vector<32x128xf32>,
    %slice3A_417 = vector.extract_strided_slice %add3A_20 {offsets = [8448, 0], sizes = [128, 32], strides = [1, 1]} : vector<10240x32xf32> to vector<128x32xf32>
    %dot_general3A_418 = arith.constant dense<0.000000e+00> : vector<32x128xf32>
    %dot_general3A_419 = tpu.matmul %slice3A_417, %select_n3A, %dot_general3A_418 {dimension_numbers = #tpu.dot_dimension_numbers<[0], [0], [1], [1], [0, 1, 1, 1], [], []>, transpose_lhs_hint = false} : vector<128x32xf32>, vector<128x128xf32>, vector<32x128xf32> -> vector<32x128xf32>
    %swap3A_420 = arith.constant 0 : index
    %swap3A_421 = arith.constant 8448 : index
    %swap3A_422 = vector.load %arg4[%swap3A_420, %swap3A_421] : memref<32x10240xf32, #tpu.memory_space<vmem>>, vector<32x128xf32>
    tpu.vector_store %arg4[%swap3A_420, %swap3A_421], %dot_general3A_419 {strides = array<i32>} : memref<32x10240xf32, #tpu.memory_space<vmem>>, vector<32x128xf32>,
    %slice3A_423 = vector.extract_strided_slice %add3A_20 {offsets = [8576, 0], sizes = [128, 32], strides = [1, 1]} : vector<10240x32xf32> to vector<128x32xf32>
    %dot_general3A_424 = arith.constant dense<0.000000e+00> : vector<32x128xf32>
    %dot_general3A_425 = tpu.matmul %slice3A_423, %select_n3A, %dot_general3A_424 {dimension_numbers = #tpu.dot_dimension_numbers<[0], [0], [1], [1], [0, 1, 1, 1], [], []>, transpose_lhs_hint = false} : vector<128x32xf32>, vector<128x128xf32>, vector<32x128xf32> -> vector<32x128xf32>
    %swap3A_426 = arith.constant 0 : index
    %swap3A_427 = arith.constant 8576 : index
    %swap3A_428 = vector.load %arg4[%swap3A_426, %swap3A_427] : memref<32x10240xf32, #tpu.memory_space<vmem>>, vector<32x128xf32>
    tpu.vector_store %arg4[%swap3A_426, %swap3A_427], %dot_general3A_425 {strides = array<i32>} : memref<32x10240xf32, #tpu.memory_space<vmem>>, vector<32x128xf32>,
    %slice3A_429 = vector.extract_strided_slice %add3A_20 {offsets = [8704, 0], sizes = [128, 32], strides = [1, 1]} : vector<10240x32xf32> to vector<128x32xf32>
    %dot_general3A_430 = arith.constant dense<0.000000e+00> : vector<32x128xf32>
    %dot_general3A_431 = tpu.matmul %slice3A_429, %select_n3A, %dot_general3A_430 {dimension_numbers = #tpu.dot_dimension_numbers<[0], [0], [1], [1], [0, 1, 1, 1], [], []>, transpose_lhs_hint = false} : vector<128x32xf32>, vector<128x128xf32>, vector<32x128xf32> -> vector<32x128xf32>
    %swap3A_432 = arith.constant 0 : index
    %swap3A_433 = arith.constant 8704 : index
    %swap3A_434 = vector.load %arg4[%swap3A_432, %swap3A_433] : memref<32x10240xf32, #tpu.memory_space<vmem>>, vector<32x128xf32>
    tpu.vector_store %arg4[%swap3A_432, %swap3A_433], %dot_general3A_431 {strides = array<i32>} : memref<32x10240xf32, #tpu.memory_space<vmem>>, vector<32x128xf32>,
    %slice3A_435 = vector.extract_strided_slice %add3A_20 {offsets = [8832, 0], sizes = [128, 32], strides = [1, 1]} : vector<10240x32xf32> to vector<128x32xf32>
    %dot_general3A_436 = arith.constant dense<0.000000e+00> : vector<32x128xf32>
    %dot_general3A_437 = tpu.matmul %slice3A_435, %select_n3A, %dot_general3A_436 {dimension_numbers = #tpu.dot_dimension_numbers<[0], [0], [1], [1], [0, 1, 1, 1], [], []>, transpose_lhs_hint = false} : vector<128x32xf32>, vector<128x128xf32>, vector<32x128xf32> -> vector<32x128xf32>
    %swap3A_438 = arith.constant 0 : index
    %swap3A_439 = arith.constant 8832 : index
    %swap3A_440 = vector.load %arg4[%swap3A_438, %swap3A_439] : memref<32x10240xf32, #tpu.memory_space<vmem>>, vector<32x128xf32>
    tpu.vector_store %arg4[%swap3A_438, %swap3A_439], %dot_general3A_437 {strides = array<i32>} : memref<32x10240xf32, #tpu.memory_space<vmem>>, vector<32x128xf32>,
    %slice3A_441 = vector.extract_strided_slice %add3A_20 {offsets = [8960, 0], sizes = [128, 32], strides = [1, 1]} : vector<10240x32xf32> to vector<128x32xf32>
    %dot_general3A_442 = arith.constant dense<0.000000e+00> : vector<32x128xf32>
    %dot_general3A_443 = tpu.matmul %slice3A_441, %select_n3A, %dot_general3A_442 {dimension_numbers = #tpu.dot_dimension_numbers<[0], [0], [1], [1], [0, 1, 1, 1], [], []>, transpose_lhs_hint = false} : vector<128x32xf32>, vector<128x128xf32>, vector<32x128xf32> -> vector<32x128xf32>
    %swap3A_444 = arith.constant 0 : index
    %swap3A_445 = arith.constant 8960 : index
    %swap3A_446 = vector.load %arg4[%swap3A_444, %swap3A_445] : memref<32x10240xf32, #tpu.memory_space<vmem>>, vector<32x128xf32>
    tpu.vector_store %arg4[%swap3A_444, %swap3A_445], %dot_general3A_443 {strides = array<i32>} : memref<32x10240xf32, #tpu.memory_space<vmem>>, vector<32x128xf32>,
    %slice3A_447 = vector.extract_strided_slice %add3A_20 {offsets = [9088, 0], sizes = [128, 32], strides = [1, 1]} : vector<10240x32xf32> to vector<128x32xf32>
    %dot_general3A_448 = arith.constant dense<0.000000e+00> : vector<32x128xf32>
    %dot_general3A_449 = tpu.matmul %slice3A_447, %select_n3A, %dot_general3A_448 {dimension_numbers = #tpu.dot_dimension_numbers<[0], [0], [1], [1], [0, 1, 1, 1], [], []>, transpose_lhs_hint = false} : vector<128x32xf32>, vector<128x128xf32>, vector<32x128xf32> -> vector<32x128xf32>
    %swap3A_450 = arith.constant 0 : index
    %swap3A_451 = arith.constant 9088 : index
    %swap3A_452 = vector.load %arg4[%swap3A_450, %swap3A_451] : memref<32x10240xf32, #tpu.memory_space<vmem>>, vector<32x128xf32>
    tpu.vector_store %arg4[%swap3A_450, %swap3A_451], %dot_general3A_449 {strides = array<i32>} : memref<32x10240xf32, #tpu.memory_space<vmem>>, vector<32x128xf32>,
    %slice3A_453 = vector.extract_strided_slice %add3A_20 {offsets = [9216, 0], sizes = [128, 32], strides = [1, 1]} : vector<10240x32xf32> to vector<128x32xf32>
    %dot_general3A_454 = arith.constant dense<0.000000e+00> : vector<32x128xf32>
    %dot_general3A_455 = tpu.matmul %slice3A_453, %select_n3A, %dot_general3A_454 {dimension_numbers = #tpu.dot_dimension_numbers<[0], [0], [1], [1], [0, 1, 1, 1], [], []>, transpose_lhs_hint = false} : vector<128x32xf32>, vector<128x128xf32>, vector<32x128xf32> -> vector<32x128xf32>
    %swap3A_456 = arith.constant 0 : index
    %swap3A_457 = arith.constant 9216 : index
    %swap3A_458 = vector.load %arg4[%swap3A_456, %swap3A_457] : memref<32x10240xf32, #tpu.memory_space<vmem>>, vector<32x128xf32>
    tpu.vector_store %arg4[%swap3A_456, %swap3A_457], %dot_general3A_455 {strides = array<i32>} : memref<32x10240xf32, #tpu.memory_space<vmem>>, vector<32x128xf32>,
    %slice3A_459 = vector.extract_strided_slice %add3A_20 {offsets = [9344, 0], sizes = [128, 32], strides = [1, 1]} : vector<10240x32xf32> to vector<128x32xf32>
    %dot_general3A_460 = arith.constant dense<0.000000e+00> : vector<32x128xf32>
    %dot_general3A_461 = tpu.matmul %slice3A_459, %select_n3A, %dot_general3A_460 {dimension_numbers = #tpu.dot_dimension_numbers<[0], [0], [1], [1], [0, 1, 1, 1], [], []>, transpose_lhs_hint = false} : vector<128x32xf32>, vector<128x128xf32>, vector<32x128xf32> -> vector<32x128xf32>
    %swap3A_462 = arith.constant 0 : index
    %swap3A_463 = arith.constant 9344 : index
    %swap3A_464 = vector.load %arg4[%swap3A_462, %swap3A_463] : memref<32x10240xf32, #tpu.memory_space<vmem>>, vector<32x128xf32>
    tpu.vector_store %arg4[%swap3A_462, %swap3A_463], %dot_general3A_461 {strides = array<i32>} : memref<32x10240xf32, #tpu.memory_space<vmem>>, vector<32x128xf32>,
    %slice3A_465 = vector.extract_strided_slice %add3A_20 {offsets = [9472, 0], sizes = [128, 32], strides = [1, 1]} : vector<10240x32xf32> to vector<128x32xf32>
    %dot_general3A_466 = arith.constant dense<0.000000e+00> : vector<32x128xf32>
    %dot_general3A_467 = tpu.matmul %slice3A_465, %select_n3A, %dot_general3A_466 {dimension_numbers = #tpu.dot_dimension_numbers<[0], [0], [1], [1], [0, 1, 1, 1], [], []>, transpose_lhs_hint = false} : vector<128x32xf32>, vector<128x128xf32>, vector<32x128xf32> -> vector<32x128xf32>
    %swap3A_468 = arith.constant 0 : index
    %swap3A_469 = arith.constant 9472 : index
    %swap3A_470 = vector.load %arg4[%swap3A_468, %swap3A_469] : memref<32x10240xf32, #tpu.memory_space<vmem>>, vector<32x128xf32>
    tpu.vector_store %arg4[%swap3A_468, %swap3A_469], %dot_general3A_467 {strides = array<i32>} : memref<32x10240xf32, #tpu.memory_space<vmem>>, vector<32x128xf32>,
    %slice3A_471 = vector.extract_strided_slice %add3A_20 {offsets = [9600, 0], sizes = [128, 32], strides = [1, 1]} : vector<10240x32xf32> to vector<128x32xf32>
    %dot_general3A_472 = arith.constant dense<0.000000e+00> : vector<32x128xf32>
    %dot_general3A_473 = tpu.matmul %slice3A_471, %select_n3A, %dot_general3A_472 {dimension_numbers = #tpu.dot_dimension_numbers<[0], [0], [1], [1], [0, 1, 1, 1], [], []>, transpose_lhs_hint = false} : vector<128x32xf32>, vector<128x128xf32>, vector<32x128xf32> -> vector<32x128xf32>
    %swap3A_474 = arith.constant 0 : index
    %swap3A_475 = arith.constant 9600 : index
    %swap3A_476 = vector.load %arg4[%swap3A_474, %swap3A_475] : memref<32x10240xf32, #tpu.memory_space<vmem>>, vector<32x128xf32>
    tpu.vector_store %arg4[%swap3A_474, %swap3A_475], %dot_general3A_473 {strides = array<i32>} : memref<32x10240xf32, #tpu.memory_space<vmem>>, vector<32x128xf32>,
    %slice3A_477 = vector.extract_strided_slice %add3A_20 {offsets = [9728, 0], sizes = [128, 32], strides = [1, 1]} : vector<10240x32xf32> to vector<128x32xf32>
    %dot_general3A_478 = arith.constant dense<0.000000e+00> : vector<32x128xf32>
    %dot_general3A_479 = tpu.matmul %slice3A_477, %select_n3A, %dot_general3A_478 {dimension_numbers = #tpu.dot_dimension_numbers<[0], [0], [1], [1], [0, 1, 1, 1], [], []>, transpose_lhs_hint = false} : vector<128x32xf32>, vector<128x128xf32>, vector<32x128xf32> -> vector<32x128xf32>
    %swap3A_480 = arith.constant 0 : index
    %swap3A_481 = arith.constant 9728 : index
    %swap3A_482 = vector.load %arg4[%swap3A_480, %swap3A_481] : memref<32x10240xf32, #tpu.memory_space<vmem>>, vector<32x128xf32>
    tpu.vector_store %arg4[%swap3A_480, %swap3A_481], %dot_general3A_479 {strides = array<i32>} : memref<32x10240xf32, #tpu.memory_space<vmem>>, vector<32x128xf32>,
    %slice3A_483 = vector.extract_strided_slice %add3A_20 {offsets = [9856, 0], sizes = [128, 32], strides = [1, 1]} : vector<10240x32xf32> to vector<128x32xf32>
    %dot_general3A_484 = arith.constant dense<0.000000e+00> : vector<32x128xf32>
    %dot_general3A_485 = tpu.matmul %slice3A_483, %select_n3A, %dot_general3A_484 {dimension_numbers = #tpu.dot_dimension_numbers<[0], [0], [1], [1], [0, 1, 1, 1], [], []>, transpose_lhs_hint = false} : vector<128x32xf32>, vector<128x128xf32>, vector<32x128xf32> -> vector<32x128xf32>
    %swap3A_486 = arith.constant 0 : index
    %swap3A_487 = arith.constant 9856 : index
    %swap3A_488 = vector.load %arg4[%swap3A_486, %swap3A_487] : memref<32x10240xf32, #tpu.memory_space<vmem>>, vector<32x128xf32>
    tpu.vector_store %arg4[%swap3A_486, %swap3A_487], %dot_general3A_485 {strides = array<i32>} : memref<32x10240xf32, #tpu.memory_space<vmem>>, vector<32x128xf32>,
    %slice3A_489 = vector.extract_strided_slice %add3A_20 {offsets = [9984, 0], sizes = [128, 32], strides = [1, 1]} : vector<10240x32xf32> to vector<128x32xf32>
    %dot_general3A_490 = arith.constant dense<0.000000e+00> : vector<32x128xf32>
    %dot_general3A_491 = tpu.matmul %slice3A_489, %select_n3A, %dot_general3A_490 {dimension_numbers = #tpu.dot_dimension_numbers<[0], [0], [1], [1], [0, 1, 1, 1], [], []>, transpose_lhs_hint = false} : vector<128x32xf32>, vector<128x128xf32>, vector<32x128xf32> -> vector<32x128xf32>
    %swap3A_492 = arith.constant 0 : index
    %swap3A_493 = arith.constant 9984 : index
    %swap3A_494 = vector.load %arg4[%swap3A_492, %swap3A_493] : memref<32x10240xf32, #tpu.memory_space<vmem>>, vector<32x128xf32>
    tpu.vector_store %arg4[%swap3A_492, %swap3A_493], %dot_general3A_491 {strides = array<i32>} : memref<32x10240xf32, #tpu.memory_space<vmem>>, vector<32x128xf32>,
    %slice3A_495 = vector.extract_strided_slice %add3A_20 {offsets = [10112, 0], sizes = [128, 32], strides = [1, 1]} : vector<10240x32xf32> to vector<128x32xf32>
    %dot_general3A_496 = arith.constant dense<0.000000e+00> : vector<32x128xf32>
    %dot_general3A_497 = tpu.matmul %slice3A_495, %select_n3A, %dot_general3A_496 {dimension_numbers = #tpu.dot_dimension_numbers<[0], [0], [1], [1], [0, 1, 1, 1], [], []>, transpose_lhs_hint = false} : vector<128x32xf32>, vector<128x128xf32>, vector<32x128xf32> -> vector<32x128xf32>
    %swap3A_498 = arith.constant 0 : index
    %swap3A_499 = arith.constant 10112 : index
    %swap3A_500 = vector.load %arg4[%swap3A_498, %swap3A_499] : memref<32x10240xf32, #tpu.memory_space<vmem>>, vector<32x128xf32>
    tpu.vector_store %arg4[%swap3A_498, %swap3A_499], %dot_general3A_497 {strides = array<i32>} : memref<32x10240xf32, #tpu.memory_space<vmem>>, vector<32x128xf32>,
    return
  }
}

</mosaic_0001>

<sc_bundles>
// kernel: kernel.12.cloned.1.call-start
scs
__scs_entry_jumppad:
0x0: {  	(pc) =	sbr.rel $0x88, $3  }
0x1: {  	(tag) =	ssettag $0x0;
	lr =	simm.s32 $0x1  }
0x2: {  	[smem:$0x3F9B] =	sst lr;
	_ =	strace $0xD0000000  }
0x3: {  	_ = 	snop  }
0x4: {  	_ = 	snop  }
0x5: {  	_ = 	snop  }
0x6: {  	_ = 	snop  }
0x7: {  	_ = 	snop  }
__scs_overlays_trampoline_lowered:
0x8: {  	[smem:$0x3FAA] =	sst s0  }
0x9: {  	[smem:$0x3FAB] =	sst s1  }
0xa: {  	[smem:$0x3FAC] =	sst s2  }
0xb: {  	[smem:$0x3FAD] =	sst s3  }
0xc: {  	[smem:$0x3FAE] =	sst s4  }
0xd: {  	[smem:$0x3FAF] =	sst s5  }
0xe: {  	[smem:$0x3FB0] =	sst s6  }
0xf: {  	[smem:$0x3FB1] =	sst s7  }
0x10: {  	[smem:$0x3FB2] =	sst s8  }
0x11: {  	[smem:$0x3FB3] =	sst s9;
	s0 =	simm.s32 @!p0 $0x0  }
0x12: {  	s1 =	sld [smem:$0x3F99];
	s0 =	simm.s32 @p0 $0x1  }
0x13: {  	[smem:$0x3FB4] =	sst s0;
	s0 =	simm.s32 @!p1 $0x0  }
0x14: {  	s2 =	sld [smem:$0x3F98];
	s0 =	simm.s32 @p1 $0x1  }
0x15: {  	[smem:$0x3FB5] =	sst s0;
	s0 =	simm.s32 @!p2 $0x0  }
0x16: {  	s3 =	sld [smem:$0x3FDB];
	s0 =	simm.s32 @p2 $0x1  }
0x17: {  	s4 =	simm.s32 $0x1BF5;
	[smem:$0x3FB7] =	sst s0  }
0x18: {  	s0 =	sld [smem:$0x3F9A];
	_ =	swait.ge [sflag:s4], $0x0  }
0x19: {  	s7 =	sld [smem:$0x3F9B]  }
0x1a: {  	s8 =	sadd.s32 $0xFFFFE003, lr  }
0x1b: {  	s9 =	sadd.s32 $0xFFFFFEF7, lr;
	s5 =	simm.s32 $0xFFFFFFFF;
	p2 =	slt.u32 s8, $0xFFFFF086  }
0x1c: {  	p1 =	slt.u32 s9, $0xF7A;
	s5 =	simm.s32 @!p2 $0x0  }
0x1d: {  	s5 =	simm.s32 @p1 $0x1;
	p0 =	seq.s32 s7, s2  }
0x1e: {  	s7 =	smul.u32 @!p0 $0xF7A, s2;
	p2 =	seq.s32 @!p0 s5, $0x0  }
0x1f: {  	s9 =	smul.u32 $0xF7A, s1;
	s8 =	simm.s32 @!p0 $0x1BF5;
	p2 =	por !p2, p0  }
0x20: {  	[sflag:s8] =	ssyncset.s32 @!p0 $0xFFFFF086;
	s6 =	sadd.s32 @!p0 s3, s7;
	s7 =	simm.s32 @!p0 $0x108  }
0x21: {  	s3 =	sadd.s32 s3, s9;
	s6 =	sadd.s32 @!p0 $0x88, s6;
	s7 =	simm.s32 @p2 $0x1082  }
0x22: {  	[simem:s7], [sflag:s8] =	dma.local @!p0 [hbm:s6], $0xF7A  }
0x23: {  	s9 =	sor.u32 $0xD0000000, s2;
	s6 =	simm.s32 $0x108;
	_ =	swait.ge @!p0 [sflag:s8], $0x0  }
0x24: {  	s3 =	sadd.s32 $0x88, s3;
	s6 =	simm.s32 @!p1 $0x1082;
	[sflag:s4] =	ssyncset.s32 $0xFFFFF086  }
0x25: {  	[simem:s6], [sflag:s4] =	dma.local [hbm:s3], $0xF7A  }
0x26: {  	[smem:$0x3F9B] =	sst s1;
	(tag) =	ssettag s2;
	_ =	strace s9  }
0x27: {  	s1 =	sld [smem:$0x3FAB]  }
0x28: {  	s2 =	sld [smem:$0x3FAC]  }
0x29: {  	s4 =	sld [smem:$0x3FAE]  }
0x2a: {  	p0 =	seq.s32 s5, $0x0;
	s5 =	sld [smem:$0x3FAF]  }
0x2b: {  	s6 =	sld [smem:$0x3FB0]  }
0x2c: {  	s7 =	sld [smem:$0x3FB1]  }
0x2d: {  	s3 =	simm.s32 $0x108;
	s8 =	sld [smem:$0x3FB2]  }
0x2e: {  	s3 =	simm.s32 @!p0 $0x1082;
	s9 =	sld [smem:$0x3FB3]  }
0x2f: {  	lr =	sadd.s32 s0, s3;
	s0 =	sld [smem:$0x3FAA]  }
0x30: {  	s3 =	sld [smem:$0x3FAD]  }
0x31: {  	[smem:$0x3FB6] =	sst s10  }
0x32: {  	s10 =	sld [smem:$0x3FB4];
	_ =	sdelay $0x3  }
0x33: {  	p0 =	seq.s32 s10, $0x1;
	s10 =	sld [smem:$0x3FB6];
	_ =	sdelay $0x3  }
0x34: {  	[smem:$0x3FB6] =	sst s10  }
0x35: {  	s10 =	sld [smem:$0x3FB5];
	_ =	sdelay $0x3  }
0x36: {  	p1 =	seq.s32 s10, $0x1;
	s10 =	sld [smem:$0x3FB6];
	_ =	sdelay $0x3  }
0x37: {  	[smem:$0x3FB6] =	sst s10  }
0x38: {  	s10 =	sld [smem:$0x3FB7]  }
0x39: {  	_ = 	snop;
	(pc) =	sbr.ind lr, $3  }
0x3a: {  	_ = 	snop  }
0x3b: {  	_ = 	snop  }
0x3c: {  	p2 =	seq.s32 s10, $0x1;
	s10 =	sld [smem:$0x3FB6]  }
0x3d: {  	_ =	shalt  }
0x3e: {  	_ =	shalt  }
0x3f: {  	_ =	shalt  }
0x40: {  	_ =	shalt  }
0x41: {  	_ =	shalt  }
0x42: {  	_ =	shalt  }
0x43: {  	_ =	shalt  }
0x44: {  	_ =	shalt  }
0x45: {  	_ =	shalt  }
0x46: {  	_ =	shalt  }
0x47: {  	_ =	shalt  }
0x48: {  	_ =	shalt  }
0x49: {  	_ =	shalt  }
0x4a: {  	_ =	shalt  }
0x4b: {  	_ =	shalt  }
0x4c: {  	_ =	shalt  }
0x4d: {  	_ =	shalt  }
0x4e: {  	_ =	shalt  }
0x4f: {  	_ =	shalt  }
0x50: {  	_ =	shalt  }
0x51: {  	_ =	shalt  }
0x52: {  	_ =	shalt  }
0x53: {  	_ =	shalt  }
0x54: {  	_ =	shalt  }
0x55: {  	_ =	shalt  }
0x56: {  	_ =	shalt  }
0x57: {  	_ =	shalt  }
0x58: {  	_ =	shalt  }
0x59: {  	_ =	shalt  }
0x5a: {  	_ =	shalt  }
0x5b: {  	_ =	shalt  }
0x5c: {  	_ =	shalt  }
0x5d: {  	_ =	shalt  }
0x5e: {  	_ =	shalt  }
0x5f: {  	_ =	shalt  }
0x60: {  	_ =	shalt  }
0x61: {  	_ =	shalt  }
0x62: {  	_ =	shalt  }
0x63: {  	_ =	shalt  }
0x64: {  	_ =	shalt  }
0x65: {  	_ =	shalt  }
0x66: {  	_ =	shalt  }
0x67: {  	_ =	shalt  }
0x68: {  	_ =	shalt  }
0x69: {  	_ =	shalt  }
0x6a: {  	_ =	shalt  }
0x6b: {  	_ =	shalt  }
0x6c: {  	_ =	shalt  }
0x6d: {  	_ =	shalt  }
0x6e: {  	_ =	shalt  }
0x6f: {  	_ =	shalt  }
0x70: {  	_ =	shalt  }
0x71: {  	_ =	shalt  }
0x72: {  	_ =	shalt  }
0x73: {  	_ =	shalt  }
0x74: {  	_ =	shalt  }
0x75: {  	_ =	shalt  }
0x76: {  	_ =	shalt  }
0x77: {  	_ =	shalt  }
0x78: {  	_ =	shalt  }
0x79: {  	_ =	shalt  }
0x7a: {  	_ =	shalt  }
0x7b: {  	_ =	shalt  }
0x7c: {  	_ =	shalt  }
0x7d: {  	_ =	shalt  }
0x7e: {  	_ =	shalt  }
0x7f: {  	_ =	shalt  }
0x80: {  	_ =	shalt  }
0x81: {  	_ =	shalt  }
0x82: {  	_ =	shalt  }
0x83: {  	_ =	shalt  }
0x84: {  	_ =	shalt  }
0x85: {  	_ =	shalt  }
0x86: {  	_ =	shalt  }
0x87: {  	_ =	shalt  }
.Lfunc_end0:
.L_simem_size_0:
called_computation.1_lowered:
.L_overlay_start_0:
0x88: {  	s2 =	sld [smem:$0x3FD9]  }
0x89: {  	s3 =	sld [smem:$0x3FFE];
	_ =	sdelay $0x1  }
0x8a: {  	s1 =	srdreg.scid  }
0x8b: {  	s0 =	sand.u32 $0x1, s1  }
0x8c: {  	s16 =	sshll.u32 s0, $0xA;
	s2 =	sadd.s32 s3, s2  }
0x8d: {  	s2 =	sadd.s32 s2, s16  }
0x8e: {  	[smem:$0x3FC2] =	sst s2  }
0x8f: {  	_ = 	snop  }
0x90: {  	(tm) =	ssettm $0x1  }
0x91: {  	s17 =	sld [smem:$0x3FFB];
	_ =	sdelay $0x3  }
0x92: {  	_ =	strace s17  }
0x93: {  	s2 =	sld [smem:$0x3FFC];
	_ =	sdelay $0x3  }
0x94: {  	_ =	strace s2  }
0x95: {  	s2 =	sld [smem:$0x3FFD];
	_ =	sdelay $0x3  }
0x96: {  	_ =	strace s2  }
0x97: {  	_ =	strace $0x8FFFFFFF  }
0x98: {  	s18 =	sld [smem:$0x3FDB];
	_ =	sdelay $0x1  }
0x99: {  	s19 =	simm.s32 $_scs_section_size  }
0x9a: {  	s4 =	simm.s32 $_size__tile_overlayer_lowered;
	s5 =	simm.s32 $_tile_overlayer_lowered  }
0x9b: {  	s22 =	simm.s32 $0x1BFF;
	s21 =	sshll.u32 s5, $0x1;
	s2 =	sadd.s32 s19, s18  }
0x9c: {  	s6 =	simm.s32 $0x0;
	s20 =	sshll.u32 s4, $0x1;
	s4 =	sadd.s32 s21, s2  }
0x9d: {  	[timem:s6], [sflag:s22] =	dma.local [hbm:s4], s20  }
0x9e: {  	_ =	swait.ge [sflag:s22], s20  }
0x9f: {  	s3 =	ssub.s32 $0x0, s20;
	[sflag:s22] =	ssyncset.done $0x0  }
0xa0: {  	[sflag:s22] =	ssyncadd.s32 s3;
	_ =	sdelay $0x1  }
0xa1: {  	s23 =	simm.s32 $0x1B8B  }
0xa2: {  	_ =	swait.ge [sflag:s23], $0x1  }
0xa3: {  	[sflag:s23] =	ssyncset.done $0x0  }
0xa4: {  	s25 =	simm.s32 $0x1B8E;
	s24 =	sld [smem:$0x3FFE];
	[sflag:s23] =	ssyncadd.s32 $0xFFFFFFFF  }
0xa5: {  	s26 =	simm.s32 $execute0_lowered;
	[smem:$0x3FD2] =	sst s25  }
0xa6: {  	s4 =	sshll.u32 s26, $0x1;
	_ =	strace $0x80000049;
	[dreg:$0x1] =	wrdreg $0xFFFFFFFF  }
0xa7: {  	s28 =	simm.s32 $_size_execute0_lowered;
	s2 =	sadd.s32 s2, s4;
	[dreg:$0x0] =	wrdreg $0x0  }
0xa8: {  	s4 =	sshll.u32 s28, $0x1;
	[dreg:$0x2] =	wrdreg s2  }
0xa9: {  	[dreg:$0x3] =	wrdreg s4  }
0xaa: {  	[dreg:$0x4] =	wrdreg $0xC0  }
0xab: {  	_ =	task [dreg:s6], $0x5FFFF  }
0xac: {  	[dreg:$0x1] =	wrdreg $0xFFFFFFFF  }
0xad: {  	[dreg:$0x0] =	wrdreg $0x60  }
0xae: {  	[dreg:$0x2] =	wrdreg s24  }
0xaf: {  	[dreg:$0x3] =	wrdreg $0x90000  }
0xb0: {  	[dreg:$0x4] =	wrdreg $0x9  }
0xb1: {  	_ =	task.clear_ibuf [dreg:s6], $0x5FFFF;
	_ =	strace $0x90000049  }
0xb2: {  	s29 =	simm.s32 $0x9;
	_ =	strace $0x8000004B  }
0xb3: {  	_ =	swait.ge [sflag:s29], $0x1  }
0xb4: {  	[sflag:s29] =	ssyncadd.s32 $0xFFFFFFFF  }
0xb5: {  	_ =	strace $0x9000004B  }
0xb6: {  	_ =	sfence  }
0xb7: {  	s30 =	sld [smem:$0x0];
	_ =	sdelay $0x2  }
0xb8: {  	s31 =	sshll.u32 s1, $0xD;
	s1 =	sshrl.u32 s1, $0x2  }
0xb9: {  	s3 =	sand.u32 $0x4000, s31;
	s1 =	sadd.s32 s1, s30  }
0xba: {  	s0 =	sor.u32 s3, s0;
	s1 =	sshll.u32 s1, $0x11  }
0xbb: {  	s0 =	sor.u32 s1, s0  }
0xbc: {  	s0 =	sadd.s32 $0x8F2B, s0  }
0xbd: {  	[sflag:s0] =	ssyncadd.remote.s32 $0x1  }
0xbe: {  	_ =	sfence.sel $0xFFFF  }
0xbf: {  	[dreg:$0x0] =	wrdreg $0xFFFFFFFF;
	(pc) =	sbr.abs _section_cstart, $3  }
0xc0: {  	[dreg:$0x1] =	wrdreg $0xFFFFFFFF  }
0xc1: {  	_ =	task.clear_ibuf [dreg:s6], $0x2FFFF;
	_ =	strace $0x9FFFFFFF  }
0xc2: {  	(tm) =	ssettm $0x7FFFFFFF  }
0xc3: {  	_ =	shalt  }
tec
execute0_lowered:
.L_overlay_start_1:
0x0: {  	(tag) =	ssettag $0x1  }
0x1: {  	s6 =	rddreg [dreg:$0x0]  }
0x2: {  	s0 =	srdreg.scid;
	s2 =	rddreg [dreg:$0x1];
	s3 =	simm.s32 $0x0  }
0x3: {  	s14 =	simm.s32 $0x5000;
	s15 =	simm.s32 $0x1;
	s5 =	sand.u32 $0x1, s0  }
0x4: {  	s16 =	simm.s32 $0x2800;
	s0 =	stileid.u32;
	s8 =	smul.u32 $0x140000, s5  }
0x5: {  	s17 =	simm.s32 $0x80;
	[smem:$0x7FF] =	sst s3;
	s9 =	smul.u32 $0x14000, s0  }
0x6: {  	s4 =	sadd.s32 $0x17000, s6;
	s1 =	sshll.u32 s5, $0x4;
	s10 =	smul.u32 $0x50000, s0  }
0x7: {  	s5 =	ssub.s32 $0x2, s5;
	s18 =	sshll.u32 s0, $0x6;
	s1 =	sor.u32 s0, s1  }
0x8: {  	s30 =	sshrl.u32 s5, $0x1;
	s18 =	sor.u32 $0x1C01, s18;
	s7 =	smul.u32 $0x500, s1  }
0x9: {  	s1 =	rddreg [dreg:$0x2];
	_ =	strace $0x8000004A;
	s31 =	sshrl.u32 s10, $0x2  }
0xa: {  	s29 =	sadd.s32 s9, s8;
	s13 =	ssub.s32 s5, s30;
	s5 =	sadd.s32 s31, s2  }
0xb: {  	s13 =	smax.u32 s13, $0x1;
	s11 =	sadd.s32 s7, s6;
	s7 =	sshrl.u32 s29, $0x3  }
0xc: {  	s8 =	sadd.s32 $0xC000, s5;
	s9 =	sadd.s32 $0x10000, s5;
	s19 =	sshrl.u32 s5, $0x3  }
0xd: {  	s12 =	sadd.s32 s7, s6;
	s6 =	sadd.s32 $0x4000, s5;
	s7 =	sadd.s32 $0x8000, s5  }
0xe: {  	v0 =	vimm.f32 $0.0e+00;
	s10 =	sadd.s32 $0x3000, s11;
	s11 =	sadd.s32 $0xD000, s11;
	s12 =	sadd.s32 $0x3F000, s12  }
.LBB2_1:
0xf: {  	s20 =	simm.s32 $0x0;
	s21 =	simm.s32 $0x200  }
.LBB2_2:
0x10: {  	p0 =	sne.s32 s21, $0xFE00;
	[tilespmem:s20+$0x5070] =	vst v0  }
0x11: {  	[tilespmem:s20+$0x5000] =	vst v0  }
0x12: {  	[tilespmem:s20+$0x5010] =	vst v0  }
.Ltmp0:
0x13: {  	[tilespmem:s20+$0x5020] =	vst v0;
	(pc) =	sbr.rel @p0 .LBB2_2-.Ltmp0, $4  }
0x14: {  	[tilespmem:s20+$0x5030] =	vst v0  }
0x15: {  	[tilespmem:s20+$0x5040] =	vst v0  }
0x16: {  	[tilespmem:s20+$0x5050] =	vst v0  }
0x17: {  	[tilespmem:s20+$0x5060] =	vst v0;
	s20 =	sshra.s32 s21, $0x2;
	s21 =	sadd.s32 $0x200, s21  }
0x18: {  	[tilespmem:s20+$0x5070] =	vst v0  }
0x19: {  	[tilespmem:s20+$0x5000] =	vst v0  }
0x1a: {  	[tilespmem:s20+$0x5010] =	vst v0  }
0x1b: {  	[tilespmem:s20+$0x5020] =	vst v0  }
0x1c: {  	[tilespmem:s20+$0x5030] =	vst v0  }
0x1d: {  	[tilespmem:s20+$0x5040] =	vst v0  }
0x1e: {  	[tilespmem:s20+$0x5050] =	vst v0  }
0x1f: {  	[tilespmem:s20+$0x5060] =	vst v0  }
0x20: {  	[spmem:s5] =	stream.linear.scatter [tilespmem:s14], [sflag:$0x1], $0x4000, $0x38;
	[tilespmem:$0x1D000] =	vst v63  }
0x21: {  	_ =	swait.ge [sflag:s15], $0x4000  }
0x22: {  	[sflag:s15] =	ssyncset.done $0x0  }
0x23: {  	[sflag:s15] =	ssyncadd.s32 $0xFFFFC000  }
0x24: {  	[spmem:s6] =	stream.linear.scatter [tilespmem:s14], [sflag:$0x1], $0x4000, $0x38;
	[tilespmem:$0x1D000] =	vst v63  }
0x25: {  	_ =	swait.ge [sflag:s15], $0x4000  }
0x26: {  	[sflag:s15] =	ssyncset.done $0x0  }
0x27: {  	[sflag:s15] =	ssyncadd.s32 $0xFFFFC000  }
0x28: {  	[spmem:s7] =	stream.linear.scatter [tilespmem:s14], [sflag:$0x1], $0x4000, $0x38;
	[tilespmem:$0x1D000] =	vst v63  }
0x29: {  	_ =	swait.ge [sflag:s15], $0x4000  }
0x2a: {  	[sflag:s15] =	ssyncset.done $0x0  }
0x2b: {  	[sflag:s15] =	ssyncadd.s32 $0xFFFFC000  }
0x2c: {  	[spmem:s8] =	stream.linear.scatter [tilespmem:s14], [sflag:$0x1], $0x4000, $0x38;
	[tilespmem:$0x1D000] =	vst v63  }
0x2d: {  	_ =	swait.ge [sflag:s15], $0x4000  }
0x2e: {  	[sflag:s15] =	ssyncset.done $0x0  }
0x2f: {  	[sflag:s15] =	ssyncadd.s32 $0xFFFFC000  }
0x30: {  	[spmem:s9] =	stream.linear.scatter [tilespmem:s14], [sflag:$0x1], $0x4000, $0x38;
	[tilespmem:$0x1D000] =	vst v63  }
0x31: {  	_ =	swait.ge [sflag:s15], $0x4000  }
0x32: {  	[sflag:s15] =	ssyncset.done $0x0  }
0x33: {  	s29 =	simm.s32 $0x0;
	[sflag:s15] =	ssyncadd.s32 $0xFFFFC000  }
0x34: {  	[tilespmem:s29], [sflag:$0x1] =	stream.linear.gather [hbm4b:s10+s29], $0x2800, $0x38;
	[tilespmem:$0x1D000] =	vst v63  }
0x35: {  	_ =	swait.ge [sflag:s15], $0x2800  }
0x36: {  	[sflag:s15] =	ssyncset.done $0x0  }
0x37: {  	[sflag:s15] =	ssyncadd.s32 $0xFFFFD800  }
0x38: {  	[tilespmem:s16], [sflag:$0x1] =	stream.linear.gather [hbm4b:s11+s29], $0x2800, $0x38;
	[tilespmem:$0x1D000] =	vst v63  }
0x39: {  	_ =	swait.ge [sflag:s15], $0x2800  }
0x3a: {  	[sflag:s15] =	ssyncset.done $0x0  }
0x3b: {  	[sflag:s15] =	ssyncadd.s32 $0xFFFFD800  }
0x3c: {  	s30 =	simm.s32 $0x0;
	[bflag:$0x0] =	sbarrier.arrive $0xFFFF  }
0x3d: {  	[tilespmem:s14], [sflag:$0x1] =	stream.indirect.gather [hbm4b:s4+s17], $0x80, s30, s17, $0xb8;
	[tilespmem:$0x1D000] =	vst v63  }
0x3e: {  	_ =	swait.ge [sflag:s15], $0x4000  }
0x3f: {  	[sflag:s15] =	ssyncset.done $0x0  }
0x40: {  	s31 =	simm.s32 $0x2800;
	[sflag:s15] =	ssyncadd.s32 $0xFFFFC000  }
0x41: {  	[spmem:s2] =	stream.indirect.scatter.add.f32 [tilespmem:s14], [sflag:$0x1], $0x80, s31, s17, $0xb8;
	[tilespmem:$0x1D000] =	vst v63  }
0x42: {  	_ =	swait.ge [sflag:s15], $0x4000  }
0x43: {  	s20 =	simm.s32 $0x200;
	s21 =	simm.s32 $0x400;
	[sflag:s15] =	ssyncset.done $0x0  }
.LBB2_4:
0x44: {  	s22 =	sshra.s32 s20, $0x2  }
0x45: {  	[sflag:s15] =	ssyncadd.s32 $0xFFFFC000;
	s20 =	smov.u32 s21;
	s23 =	sadd.s32 $0x200, s21  }
0x46: {  	[tilespmem:s14], [sflag:$0x1] =	stream.indirect.gather [hbm4b:s4+s17], $0x80, s22, s17, $0xb8;
	[tilespmem:$0x1D000] =	vst v63  }
0x47: {  	p0 =	sne.s32 s21, $0x9E00;
	_ =	swait.ge [sflag:s15], $0x4000  }
.Ltmp1:
0x48: {  	[sflag:s15] =	ssyncset.done $0x0;
	(pc) =	sbr.rel @p0 .LBB2_4-.Ltmp1, $4  }
0x49: {  	s21 =	sadd.s32 $0x2800, s22;
	[sflag:s15] =	ssyncadd.s32 $0xFFFFC000  }
0x4a: {  	[spmem:s2] =	stream.indirect.scatter.add.f32 [tilespmem:s14], [sflag:$0x1], $0x80, s21, s17, $0xb8;
	[tilespmem:$0x1D000] =	vst v63  }
0x4b: {  	_ =	swait.ge [sflag:s15], $0x4000  }
0x4c: {  	s21 =	smov.u32 s23;
	[sflag:s15] =	ssyncset.done $0x0  }
0x4d: {  	s20 =	sshra.s32 s20, $0x2;
	[sflag:s15] =	ssyncadd.s32 $0xFFFFC000  }
0x4e: {  	[tilespmem:s14], [sflag:$0x1] =	stream.indirect.gather [hbm4b:s4+s17], $0x80, s20, s17, $0xb8;
	[tilespmem:$0x1D000] =	vst v63  }
0x4f: {  	_ =	swait.ge [sflag:s15], $0x4000  }
0x50: {  	[sflag:s15] =	ssyncset.done $0x0  }
0x51: {  	s20 =	sadd.s32 $0x2800, s20;
	[sflag:s15] =	ssyncadd.s32 $0xFFFFC000  }
0x52: {  	[spmem:s2] =	stream.indirect.scatter.add.f32 [tilespmem:s14], [sflag:$0x1], $0x80, s20, s17, $0xb8;
	[tilespmem:$0x1D000] =	vst v63  }
0x53: {  	_ =	swait.ge [sflag:s15], $0x4000  }
0x54: {  	s3 =	sadd.s32 $0x1, s3;
	[sflag:s15] =	ssyncset.done $0x0  }
0x55: {  	p0 =	sne.s32 s3, s13;
	[sflag:s15] =	ssyncadd.s32 $0xFFFFC000  }
.Ltmp2:
0x56: {  	[bflag:$0x0] =	sbarrier.arrive $0xFFFF;
	(pc) =	sbr.rel @p0 .LBB2_1-.Ltmp2, $4  }
0x57: {  	[hbm:s12], [sflag:s18] =	dma.local [spmem:s19], $0x2800  }
0x58: {  	_ =	swait.ge [sflag:s15], $0x2800  }
0x59: {  	[sflag:s15] =	ssyncset.done $0x0  }
0x5a: {  	[sflag:s15] =	ssyncadd.s32 $0xFFFFD800  }
0x5b: {  	_ =	sfence.sel $0x180000  }
0x5c: {  	[bflag:$0x0] =	sbarrier.arrive $0xFFFF  }
0x5d: {  	p0 =	sne.s32 s0, $0x0;
	_ =	strace $0x9000004A  }
0x5e: {  	s0 =	sadd.s32 @!p0 $0x100000, s1;
	[bflag:$0x2] =	sbarrier.arrive $0xFFFF  }
0x5f: {  	[sflag:s0] =	ssyncadd.tile.s32 @!p0 $0x1;
	_ =	shalt  }
.Lfunc_end2:
_tile_overlayer_lowered:
.L_overlay_start_2:
0x60: {  	(tag) =	ssettag $0x2  }
0x61: {  	s0 =	rddreg [dreg:$0x0];
	s2 =	stileid.u32  }
0x62: {  	s1 =	rddreg [dreg:$0x1];
	p0 =	sne.s32 s2, $0x0  }
0x63: {  	s3 =	rddreg [dreg:$0x2];
	[bflag:$0x3] =	sbarrier.arrive $0xFFFF;
	s2 =	simm.s32 @!p0 $0x1C01  }
0x64: {  	[timem:s3], [sflag:s2] =	dma.local @!p0 [hbm:s0], s1  }
0x65: {  	s0 =	simm.s32 @!p0 $0x1  }
0x66: {  	_ =	swait.ge @!p0 [sflag:s0], s1  }
0x67: {  	s1 =	ssub.s32 @!p0 $0x0, s1;
	[sflag:s0] =	ssyncset.done @!p0 $0x0  }
0x68: {  	[sflag:s0] =	ssyncadd.s32 @!p0 s1  }
0x69: {  	[bflag:$0x3] =	sbarrier.arrive $0xFFFF  }
0x6a: {  	_ =	shalt  }

// kernel: kernel.15.cloned.1.call-start
scs
__scs_entry_jumppad:
0x0: {  	(pc) =	sbr.rel $0x88, $3  }
0x1: {  	(tag) =	ssettag $0x0;
	lr =	simm.s32 $0x1  }
0x2: {  	[smem:$0x3F9B] =	sst lr;
	_ =	strace $0xD0000000  }
0x3: {  	_ = 	snop  }
0x4: {  	_ = 	snop  }
0x5: {  	_ = 	snop  }
0x6: {  	_ = 	snop  }
0x7: {  	_ = 	snop  }
__scs_overlays_trampoline_lowered:
0x8: {  	[smem:$0x3FAA] =	sst s0  }
0x9: {  	[smem:$0x3FAB] =	sst s1  }
0xa: {  	[smem:$0x3FAC] =	sst s2  }
0xb: {  	[smem:$0x3FAD] =	sst s3  }
0xc: {  	[smem:$0x3FAE] =	sst s4  }
0xd: {  	[smem:$0x3FAF] =	sst s5  }
0xe: {  	[smem:$0x3FB0] =	sst s6  }
0xf: {  	[smem:$0x3FB1] =	sst s7  }
0x10: {  	[smem:$0x3FB2] =	sst s8  }
0x11: {  	[smem:$0x3FB3] =	sst s9;
	s0 =	simm.s32 @!p0 $0x0  }
0x12: {  	s1 =	sld [smem:$0x3F99];
	s0 =	simm.s32 @p0 $0x1  }
0x13: {  	[smem:$0x3FB4] =	sst s0;
	s0 =	simm.s32 @!p1 $0x0  }
0x14: {  	s2 =	sld [smem:$0x3F98];
	s0 =	simm.s32 @p1 $0x1  }
0x15: {  	[smem:$0x3FB5] =	sst s0;
	s0 =	simm.s32 @!p2 $0x0  }
0x16: {  	s3 =	sld [smem:$0x3FDB];
	s0 =	simm.s32 @p2 $0x1  }
0x17: {  	s4 =	simm.s32 $0x1BF5;
	[smem:$0x3FB7] =	sst s0  }
0x18: {  	s0 =	sld [smem:$0x3F9A];
	_ =	swait.ge [sflag:s4], $0x0  }
0x19: {  	s7 =	sld [smem:$0x3F9B]  }
0x1a: {  	s8 =	sadd.s32 $0xFFFFE003, lr  }
0x1b: {  	s9 =	sadd.s32 $0xFFFFFEF7, lr;
	s5 =	simm.s32 $0xFFFFFFFF;
	p2 =	slt.u32 s8, $0xFFFFF086  }
0x1c: {  	p1 =	slt.u32 s9, $0xF7A;
	s5 =	simm.s32 @!p2 $0x0  }
0x1d: {  	s5 =	simm.s32 @p1 $0x1;
	p0 =	seq.s32 s7, s2  }
0x1e: {  	s7 =	smul.u32 @!p0 $0xF7A, s2;
	p2 =	seq.s32 @!p0 s5, $0x0  }
0x1f: {  	s9 =	smul.u32 $0xF7A, s1;
	s8 =	simm.s32 @!p0 $0x1BF5;
	p2 =	por !p2, p0  }
0x20: {  	[sflag:s8] =	ssyncset.s32 @!p0 $0xFFFFF086;
	s6 =	sadd.s32 @!p0 s3, s7;
	s7 =	simm.s32 @!p0 $0x108  }
0x21: {  	s3 =	sadd.s32 s3, s9;
	s6 =	sadd.s32 @!p0 $0x88, s6;
	s7 =	simm.s32 @p2 $0x1082  }
0x22: {  	[simem:s7], [sflag:s8] =	dma.local @!p0 [hbm:s6], $0xF7A  }
0x23: {  	s9 =	sor.u32 $0xD0000000, s2;
	s6 =	simm.s32 $0x108;
	_ =	swait.ge @!p0 [sflag:s8], $0x0  }
0x24: {  	s3 =	sadd.s32 $0x88, s3;
	s6 =	simm.s32 @!p1 $0x1082;
	[sflag:s4] =	ssyncset.s32 $0xFFFFF086  }
0x25: {  	[simem:s6], [sflag:s4] =	dma.local [hbm:s3], $0xF7A  }
0x26: {  	[smem:$0x3F9B] =	sst s1;
	(tag) =	ssettag s2;
	_ =	strace s9  }
0x27: {  	s1 =	sld [smem:$0x3FAB]  }
0x28: {  	s2 =	sld [smem:$0x3FAC]  }
0x29: {  	s4 =	sld [smem:$0x3FAE]  }
0x2a: {  	p0 =	seq.s32 s5, $0x0;
	s5 =	sld [smem:$0x3FAF]  }
0x2b: {  	s6 =	sld [smem:$0x3FB0]  }
0x2c: {  	s7 =	sld [smem:$0x3FB1]  }
0x2d: {  	s3 =	simm.s32 $0x108;
	s8 =	sld [smem:$0x3FB2]  }
0x2e: {  	s3 =	simm.s32 @!p0 $0x1082;
	s9 =	sld [smem:$0x3FB3]  }
0x2f: {  	lr =	sadd.s32 s0, s3;
	s0 =	sld [smem:$0x3FAA]  }
0x30: {  	s3 =	sld [smem:$0x3FAD]  }
0x31: {  	[smem:$0x3FB6] =	sst s10  }
0x32: {  	s10 =	sld [smem:$0x3FB4];
	_ =	sdelay $0x3  }
0x33: {  	p0 =	seq.s32 s10, $0x1;
	s10 =	sld [smem:$0x3FB6];
	_ =	sdelay $0x3  }
0x34: {  	[smem:$0x3FB6] =	sst s10  }
0x35: {  	s10 =	sld [smem:$0x3FB5];
	_ =	sdelay $0x3  }
0x36: {  	p1 =	seq.s32 s10, $0x1;
	s10 =	sld [smem:$0x3FB6];
	_ =	sdelay $0x3  }
0x37: {  	[smem:$0x3FB6] =	sst s10  }
0x38: {  	s10 =	sld [smem:$0x3FB7]  }
0x39: {  	_ = 	snop;
	(pc) =	sbr.ind lr, $3  }
0x3a: {  	_ = 	snop  }
0x3b: {  	_ = 	snop  }
0x3c: {  	p2 =	seq.s32 s10, $0x1;
	s10 =	sld [smem:$0x3FB6]  }
0x3d: {  	_ =	shalt  }
0x3e: {  	_ =	shalt  }
0x3f: {  	_ =	shalt  }
0x40: {  	_ =	shalt  }
0x41: {  	_ =	shalt  }
0x42: {  	_ =	shalt  }
0x43: {  	_ =	shalt  }
0x44: {  	_ =	shalt  }
0x45: {  	_ =	shalt  }
0x46: {  	_ =	shalt  }
0x47: {  	_ =	shalt  }
0x48: {  	_ =	shalt  }
0x49: {  	_ =	shalt  }
0x4a: {  	_ =	shalt  }
0x4b: {  	_ =	shalt  }
0x4c: {  	_ =	shalt  }
0x4d: {  	_ =	shalt  }
0x4e: {  	_ =	shalt  }
0x4f: {  	_ =	shalt  }
0x50: {  	_ =	shalt  }
0x51: {  	_ =	shalt  }
0x52: {  	_ =	shalt  }
0x53: {  	_ =	shalt  }
0x54: {  	_ =	shalt  }
0x55: {  	_ =	shalt  }
0x56: {  	_ =	shalt  }
0x57: {  	_ =	shalt  }
0x58: {  	_ =	shalt  }
0x59: {  	_ =	shalt  }
0x5a: {  	_ =	shalt  }
0x5b: {  	_ =	shalt  }
0x5c: {  	_ =	shalt  }
0x5d: {  	_ =	shalt  }
0x5e: {  	_ =	shalt  }
0x5f: {  	_ =	shalt  }
0x60: {  	_ =	shalt  }
0x61: {  	_ =	shalt  }
0x62: {  	_ =	shalt  }
0x63: {  	_ =	shalt  }
0x64: {  	_ =	shalt  }
0x65: {  	_ =	shalt  }
0x66: {  	_ =	shalt  }
0x67: {  	_ =	shalt  }
0x68: {  	_ =	shalt  }
0x69: {  	_ =	shalt  }
0x6a: {  	_ =	shalt  }
0x6b: {  	_ =	shalt  }
0x6c: {  	_ =	shalt  }
0x6d: {  	_ =	shalt  }
0x6e: {  	_ =	shalt  }
0x6f: {  	_ =	shalt  }
0x70: {  	_ =	shalt  }
0x71: {  	_ =	shalt  }
0x72: {  	_ =	shalt  }
0x73: {  	_ =	shalt  }
0x74: {  	_ =	shalt  }
0x75: {  	_ =	shalt  }
0x76: {  	_ =	shalt  }
0x77: {  	_ =	shalt  }
0x78: {  	_ =	shalt  }
0x79: {  	_ =	shalt  }
0x7a: {  	_ =	shalt  }
0x7b: {  	_ =	shalt  }
0x7c: {  	_ =	shalt  }
0x7d: {  	_ =	shalt  }
0x7e: {  	_ =	shalt  }
0x7f: {  	_ =	shalt  }
0x80: {  	_ =	shalt  }
0x81: {  	_ =	shalt  }
0x82: {  	_ =	shalt  }
0x83: {  	_ =	shalt  }
0x84: {  	_ =	shalt  }
0x85: {  	_ =	shalt  }
0x86: {  	_ =	shalt  }
0x87: {  	_ =	shalt  }
.Lfunc_end0:
.L_simem_size_0:
called_computation.2_lowered:
.L_overlay_start_0:
0x88: {  	s2 =	sld [smem:$0x3FD9]  }
0x89: {  	s3 =	sld [smem:$0x3FFE];
	_ =	sdelay $0x1  }
0x8a: {  	s1 =	srdreg.scid  }
0x8b: {  	s0 =	sand.u32 $0x1, s1  }
0x8c: {  	s16 =	sshll.u32 s0, $0xA;
	s2 =	sadd.s32 s3, s2  }
0x8d: {  	s2 =	sadd.s32 s2, s16  }
0x8e: {  	[smem:$0x3FC2] =	sst s2  }
0x8f: {  	_ = 	snop  }
0x90: {  	(tm) =	ssettm $0x1  }
0x91: {  	s17 =	sld [smem:$0x3FFB];
	_ =	sdelay $0x3  }
0x92: {  	_ =	strace s17  }
0x93: {  	s2 =	sld [smem:$0x3FFC];
	_ =	sdelay $0x3  }
0x94: {  	_ =	strace s2  }
0x95: {  	s2 =	sld [smem:$0x3FFD];
	_ =	sdelay $0x3  }
0x96: {  	_ =	strace s2  }
0x97: {  	_ =	strace $0x8FFFFFFF  }
0x98: {  	s18 =	sld [smem:$0x3FDB];
	_ =	sdelay $0x1  }
0x99: {  	s19 =	simm.s32 $_scs_section_size  }
0x9a: {  	s4 =	simm.s32 $_size__tile_overlayer_lowered;
	s5 =	simm.s32 $_tile_overlayer_lowered  }
0x9b: {  	s22 =	simm.s32 $0x1BFF;
	s21 =	sshll.u32 s5, $0x1;
	s2 =	sadd.s32 s19, s18  }
0x9c: {  	s6 =	simm.s32 $0x0;
	s20 =	sshll.u32 s4, $0x1;
	s4 =	sadd.s32 s21, s2  }
0x9d: {  	[timem:s6], [sflag:s22] =	dma.local [hbm:s4], s20  }
0x9e: {  	_ =	swait.ge [sflag:s22], s20  }
0x9f: {  	s3 =	ssub.s32 $0x0, s20;
	[sflag:s22] =	ssyncset.done $0x0  }
0xa0: {  	[sflag:s22] =	ssyncadd.s32 s3;
	_ =	sdelay $0x1  }
0xa1: {  	s23 =	simm.s32 $0x1B8B  }
0xa2: {  	_ =	swait.ge [sflag:s23], $0x1  }
0xa3: {  	[sflag:s23] =	ssyncset.done $0x0  }
0xa4: {  	s25 =	simm.s32 $0x1B8E;
	s24 =	sld [smem:$0x3FFE];
	[sflag:s23] =	ssyncadd.s32 $0xFFFFFFFF  }
0xa5: {  	s26 =	simm.s32 $execute0_lowered;
	[smem:$0x3FD2] =	sst s25  }
0xa6: {  	s4 =	sshll.u32 s26, $0x1;
	_ =	strace $0x8000004C;
	[dreg:$0x1] =	wrdreg $0xFFFFFFFF  }
0xa7: {  	s28 =	simm.s32 $_size_execute0_lowered;
	s2 =	sadd.s32 s2, s4;
	[dreg:$0x0] =	wrdreg $0x0  }
0xa8: {  	s4 =	sshll.u32 s28, $0x1;
	[dreg:$0x2] =	wrdreg s2  }
0xa9: {  	[dreg:$0x3] =	wrdreg s4  }
0xaa: {  	[dreg:$0x4] =	wrdreg $0xC0  }
0xab: {  	_ =	task [dreg:s6], $0x5FFFF  }
0xac: {  	[dreg:$0x1] =	wrdreg $0xFFFFFFFF  }
0xad: {  	[dreg:$0x0] =	wrdreg $0x60  }
0xae: {  	[dreg:$0x2] =	wrdreg s24  }
0xaf: {  	[dreg:$0x3] =	wrdreg $0x90000  }
0xb0: {  	[dreg:$0x4] =	wrdreg $0x9  }
0xb1: {  	_ =	task.clear_ibuf [dreg:s6], $0x5FFFF;
	_ =	strace $0x9000004C  }
0xb2: {  	s29 =	simm.s32 $0x9;
	_ =	strace $0x8000004E  }
0xb3: {  	_ =	swait.ge [sflag:s29], $0x1  }
0xb4: {  	[sflag:s29] =	ssyncadd.s32 $0xFFFFFFFF  }
0xb5: {  	_ =	strace $0x9000004E  }
0xb6: {  	_ =	sfence  }
0xb7: {  	s30 =	sld [smem:$0x0];
	_ =	sdelay $0x2  }
0xb8: {  	s31 =	sshll.u32 s1, $0xD;
	s1 =	sshrl.u32 s1, $0x2  }
0xb9: {  	s3 =	sand.u32 $0x4000, s31;
	s1 =	sadd.s32 s1, s30  }
0xba: {  	s0 =	sor.u32 s3, s0;
	s1 =	sshll.u32 s1, $0x11  }
0xbb: {  	s0 =	sor.u32 s1, s0  }
0xbc: {  	s0 =	sadd.s32 $0x8F2B, s0  }
0xbd: {  	[sflag:s0] =	ssyncadd.remote.s32 $0x1  }
0xbe: {  	_ =	sfence.sel $0xFFFF  }
0xbf: {  	[dreg:$0x0] =	wrdreg $0xFFFFFFFF;
	(pc) =	sbr.abs _section_cstart, $3  }
0xc0: {  	[dreg:$0x1] =	wrdreg $0xFFFFFFFF  }
0xc1: {  	_ =	task.clear_ibuf [dreg:s6], $0x2FFFF;
	_ =	strace $0x9FFFFFFF  }
0xc2: {  	(tm) =	ssettm $0x7FFFFFFF  }
0xc3: {  	_ =	shalt  }
tec
execute0_lowered:
.L_overlay_start_1:
0x0: {  	(tag) =	ssettag $0x1  }
0x1: {  	s6 =	rddreg [dreg:$0x0]  }
0x2: {  	s0 =	srdreg.scid;
	s2 =	rddreg [dreg:$0x1];
	s3 =	simm.s32 $0x0  }
0x3: {  	s14 =	simm.s32 $0x5000;
	s15 =	simm.s32 $0x1;
	s5 =	sand.u32 $0x1, s0  }
0x4: {  	s16 =	simm.s32 $0x2800;
	s0 =	stileid.u32;
	s8 =	smul.u32 $0x140000, s5  }
0x5: {  	s17 =	simm.s32 $0x80;
	[smem:$0x7FF] =	sst s3;
	s9 =	smul.u32 $0x14000, s0  }
0x6: {  	s4 =	sadd.s32 $0x17000, s6;
	s1 =	sshll.u32 s5, $0x4;
	s10 =	smul.u32 $0x50000, s0  }
0x7: {  	s5 =	ssub.s32 $0x2, s5;
	s18 =	sshll.u32 s0, $0x6;
	s1 =	sor.u32 s0, s1  }
0x8: {  	s30 =	sshrl.u32 s5, $0x1;
	s18 =	sor.u32 $0x1C01, s18;
	s7 =	smul.u32 $0x500, s1  }
0x9: {  	s1 =	rddreg [dreg:$0x2];
	_ =	strace $0x8000004D;
	s31 =	sshrl.u32 s10, $0x2  }
0xa: {  	s29 =	sadd.s32 s9, s8;
	s13 =	ssub.s32 s5, s30;
	s5 =	sadd.s32 s31, s2  }
0xb: {  	s13 =	smax.u32 s13, $0x1;
	s11 =	sadd.s32 s7, s6;
	s7 =	sshrl.u32 s29, $0x3  }
0xc: {  	s8 =	sadd.s32 $0xC000, s5;
	s9 =	sadd.s32 $0x10000, s5;
	s19 =	sshrl.u32 s5, $0x3  }
0xd: {  	s12 =	sadd.s32 s7, s6;
	s6 =	sadd.s32 $0x4000, s5;
	s7 =	sadd.s32 $0x8000, s5  }
0xe: {  	v0 =	vimm.f32 $0.0e+00;
	s10 =	sadd.s32 $0x3000, s11;
	s11 =	sadd.s32 $0xD000, s11;
	s12 =	sadd.s32 $0x3F000, s12  }
.LBB2_1:
0xf: {  	s20 =	simm.s32 $0x0;
	s21 =	simm.s32 $0x200  }
.LBB2_2:
0x10: {  	p0 =	sne.s32 s21, $0xFE00;
	[tilespmem:s20+$0x5070] =	vst v0  }
0x11: {  	[tilespmem:s20+$0x5000] =	vst v0  }
0x12: {  	[tilespmem:s20+$0x5010] =	vst v0  }
.Ltmp0:
0x13: {  	[tilespmem:s20+$0x5020] =	vst v0;
	(pc) =	sbr.rel @p0 .LBB2_2-.Ltmp0, $4  }
0x14: {  	[tilespmem:s20+$0x5030] =	vst v0  }
0x15: {  	[tilespmem:s20+$0x5040] =	vst v0  }
0x16: {  	[tilespmem:s20+$0x5050] =	vst v0  }
0x17: {  	[tilespmem:s20+$0x5060] =	vst v0;
	s20 =	sshra.s32 s21, $0x2;
	s21 =	sadd.s32 $0x200, s21  }
0x18: {  	[tilespmem:s20+$0x5070] =	vst v0  }
0x19: {  	[tilespmem:s20+$0x5000] =	vst v0  }
0x1a: {  	[tilespmem:s20+$0x5010] =	vst v0  }
0x1b: {  	[tilespmem:s20+$0x5020] =	vst v0  }
0x1c: {  	[tilespmem:s20+$0x5030] =	vst v0  }
0x1d: {  	[tilespmem:s20+$0x5040] =	vst v0  }
0x1e: {  	[tilespmem:s20+$0x5050] =	vst v0  }
0x1f: {  	[tilespmem:s20+$0x5060] =	vst v0  }
0x20: {  	[spmem:s5] =	stream.linear.scatter [tilespmem:s14], [sflag:$0x1], $0x4000, $0x38;
	[tilespmem:$0x1D000] =	vst v63  }
0x21: {  	_ =	swait.ge [sflag:s15], $0x4000  }
0x22: {  	[sflag:s15] =	ssyncset.done $0x0  }
0x23: {  	[sflag:s15] =	ssyncadd.s32 $0xFFFFC000  }
0x24: {  	[spmem:s6] =	stream.linear.scatter [tilespmem:s14], [sflag:$0x1], $0x4000, $0x38;
	[tilespmem:$0x1D000] =	vst v63  }
0x25: {  	_ =	swait.ge [sflag:s15], $0x4000  }
0x26: {  	[sflag:s15] =	ssyncset.done $0x0  }
0x27: {  	[sflag:s15] =	ssyncadd.s32 $0xFFFFC000  }
0x28: {  	[spmem:s7] =	stream.linear.scatter [tilespmem:s14], [sflag:$0x1], $0x4000, $0x38;
	[tilespmem:$0x1D000] =	vst v63  }
0x29: {  	_ =	swait.ge [sflag:s15], $0x4000  }
0x2a: {  	[sflag:s15] =	ssyncset.done $0x0  }
0x2b: {  	[sflag:s15] =	ssyncadd.s32 $0xFFFFC000  }
0x2c: {  	[spmem:s8] =	stream.linear.scatter [tilespmem:s14], [sflag:$0x1], $0x4000, $0x38;
	[tilespmem:$0x1D000] =	vst v63  }
0x2d: {  	_ =	swait.ge [sflag:s15], $0x4000  }
0x2e: {  	[sflag:s15] =	ssyncset.done $0x0  }
0x2f: {  	[sflag:s15] =	ssyncadd.s32 $0xFFFFC000  }
0x30: {  	[spmem:s9] =	stream.linear.scatter [tilespmem:s14], [sflag:$0x1], $0x4000, $0x38;
	[tilespmem:$0x1D000] =	vst v63  }
0x31: {  	_ =	swait.ge [sflag:s15], $0x4000  }
0x32: {  	[sflag:s15] =	ssyncset.done $0x0  }
0x33: {  	s29 =	simm.s32 $0x0;
	[sflag:s15] =	ssyncadd.s32 $0xFFFFC000  }
0x34: {  	[tilespmem:s29], [sflag:$0x1] =	stream.linear.gather [hbm4b:s10+s29], $0x2800, $0x38;
	[tilespmem:$0x1D000] =	vst v63  }
0x35: {  	_ =	swait.ge [sflag:s15], $0x2800  }
0x36: {  	[sflag:s15] =	ssyncset.done $0x0  }
0x37: {  	[sflag:s15] =	ssyncadd.s32 $0xFFFFD800  }
0x38: {  	[tilespmem:s16], [sflag:$0x1] =	stream.linear.gather [hbm4b:s11+s29], $0x2800, $0x38;
	[tilespmem:$0x1D000] =	vst v63  }
0x39: {  	_ =	swait.ge [sflag:s15], $0x2800  }
0x3a: {  	[sflag:s15] =	ssyncset.done $0x0  }
0x3b: {  	[sflag:s15] =	ssyncadd.s32 $0xFFFFD800  }
0x3c: {  	s30 =	simm.s32 $0x0;
	[bflag:$0x0] =	sbarrier.arrive $0xFFFF  }
0x3d: {  	[tilespmem:s14], [sflag:$0x1] =	stream.indirect.gather [hbm4b:s4+s17], $0x80, s30, s17, $0xb8;
	[tilespmem:$0x1D000] =	vst v63  }
0x3e: {  	_ =	swait.ge [sflag:s15], $0x4000  }
0x3f: {  	[sflag:s15] =	ssyncset.done $0x0  }
0x40: {  	s31 =	simm.s32 $0x2800;
	[sflag:s15] =	ssyncadd.s32 $0xFFFFC000  }
0x41: {  	[spmem:s2] =	stream.indirect.scatter.add.f32 [tilespmem:s14], [sflag:$0x1], $0x80, s31, s17, $0xb8;
	[tilespmem:$0x1D000] =	vst v63  }
0x42: {  	_ =	swait.ge [sflag:s15], $0x4000  }
0x43: {  	s20 =	simm.s32 $0x200;
	s21 =	simm.s32 $0x400;
	[sflag:s15] =	ssyncset.done $0x0  }
.LBB2_4:
0x44: {  	s22 =	sshra.s32 s20, $0x2  }
0x45: {  	[sflag:s15] =	ssyncadd.s32 $0xFFFFC000;
	s20 =	smov.u32 s21;
	s23 =	sadd.s32 $0x200, s21  }
0x46: {  	[tilespmem:s14], [sflag:$0x1] =	stream.indirect.gather [hbm4b:s4+s17], $0x80, s22, s17, $0xb8;
	[tilespmem:$0x1D000] =	vst v63  }
0x47: {  	p0 =	sne.s32 s21, $0x9E00;
	_ =	swait.ge [sflag:s15], $0x4000  }
.Ltmp1:
0x48: {  	[sflag:s15] =	ssyncset.done $0x0;
	(pc) =	sbr.rel @p0 .LBB2_4-.Ltmp1, $4  }
0x49: {  	s21 =	sadd.s32 $0x2800, s22;
	[sflag:s15] =	ssyncadd.s32 $0xFFFFC000  }
0x4a: {  	[spmem:s2] =	stream.indirect.scatter.add.f32 [tilespmem:s14], [sflag:$0x1], $0x80, s21, s17, $0xb8;
	[tilespmem:$0x1D000] =	vst v63  }
0x4b: {  	_ =	swait.ge [sflag:s15], $0x4000  }
0x4c: {  	s21 =	smov.u32 s23;
	[sflag:s15] =	ssyncset.done $0x0  }
0x4d: {  	s20 =	sshra.s32 s20, $0x2;
	[sflag:s15] =	ssyncadd.s32 $0xFFFFC000  }
0x4e: {  	[tilespmem:s14], [sflag:$0x1] =	stream.indirect.gather [hbm4b:s4+s17], $0x80, s20, s17, $0xb8;
	[tilespmem:$0x1D000] =	vst v63  }
0x4f: {  	_ =	swait.ge [sflag:s15], $0x4000  }
0x50: {  	[sflag:s15] =	ssyncset.done $0x0  }
0x51: {  	s20 =	sadd.s32 $0x2800, s20;
	[sflag:s15] =	ssyncadd.s32 $0xFFFFC000  }
0x52: {  	[spmem:s2] =	stream.indirect.scatter.add.f32 [tilespmem:s14], [sflag:$0x1], $0x80, s20, s17, $0xb8;
	[tilespmem:$0x1D000] =	vst v63  }
0x53: {  	_ =	swait.ge [sflag:s15], $0x4000  }
0x54: {  	s3 =	sadd.s32 $0x1, s3;
	[sflag:s15] =	ssyncset.done $0x0  }
0x55: {  	p0 =	sne.s32 s3, s13;
	[sflag:s15] =	ssyncadd.s32 $0xFFFFC000  }
.Ltmp2:
0x56: {  	[bflag:$0x0] =	sbarrier.arrive $0xFFFF;
	(pc) =	sbr.rel @p0 .LBB2_1-.Ltmp2, $4  }
0x57: {  	[hbm:s12], [sflag:s18] =	dma.local [spmem:s19], $0x2800  }
0x58: {  	_ =	swait.ge [sflag:s15], $0x2800  }
0x59: {  	[sflag:s15] =	ssyncset.done $0x0  }
0x5a: {  	[sflag:s15] =	ssyncadd.s32 $0xFFFFD800  }
0x5b: {  	_ =	sfence.sel $0x180000  }
0x5c: {  	[bflag:$0x0] =	sbarrier.arrive $0xFFFF  }
0x5d: {  	p0 =	sne.s32 s0, $0x0;
	_ =	strace $0x9000004D  }
0x5e: {  	s0 =	sadd.s32 @!p0 $0x100000, s1;
	[bflag:$0x2] =	sbarrier.arrive $0xFFFF  }
0x5f: {  	[sflag:s0] =	ssyncadd.tile.s32 @!p0 $0x1;
	_ =	shalt  }
.Lfunc_end2:
_tile_overlayer_lowered:
.L_overlay_start_2:
0x60: {  	(tag) =	ssettag $0x2  }
0x61: {  	s0 =	rddreg [dreg:$0x0];
	s2 =	stileid.u32  }
0x62: {  	s1 =	rddreg [dreg:$0x1];
	p0 =	sne.s32 s2, $0x0  }
0x63: {  	s3 =	rddreg [dreg:$0x2];
	[bflag:$0x3] =	sbarrier.arrive $0xFFFF;
	s2 =	simm.s32 @!p0 $0x1C01  }
0x64: {  	[timem:s3], [sflag:s2] =	dma.local @!p0 [hbm:s0], s1  }
0x65: {  	s0 =	simm.s32 @!p0 $0x1  }
0x66: {  	_ =	swait.ge @!p0 [sflag:s0], s1  }
0x67: {  	s1 =	ssub.s32 @!p0 $0x0, s1;
	[sflag:s0] =	ssyncset.done @!p0 $0x0  }
0x68: {  	[sflag:s0] =	ssyncadd.s32 @!p0 s1  }
0x69: {  	[bflag:$0x3] =	sbarrier.arrive $0xFFFF  }
0x6a: {  	_ =	shalt  }

// kernel: kernel.18.cloned.1.call-start
scs
__scs_entry_jumppad:
0x0: {  	(pc) =	sbr.rel $0x88, $3  }
0x1: {  	(tag) =	ssettag $0x0;
	lr =	simm.s32 $0x1  }
0x2: {  	[smem:$0x3F9B] =	sst lr;
	_ =	strace $0xD0000000  }
0x3: {  	_ = 	snop  }
0x4: {  	_ = 	snop  }
0x5: {  	_ = 	snop  }
0x6: {  	_ = 	snop  }
0x7: {  	_ = 	snop  }
__scs_overlays_trampoline_lowered:
0x8: {  	[smem:$0x3FAA] =	sst s0  }
0x9: {  	[smem:$0x3FAB] =	sst s1  }
0xa: {  	[smem:$0x3FAC] =	sst s2  }
0xb: {  	[smem:$0x3FAD] =	sst s3  }
0xc: {  	[smem:$0x3FAE] =	sst s4  }
0xd: {  	[smem:$0x3FAF] =	sst s5  }
0xe: {  	[smem:$0x3FB0] =	sst s6  }
0xf: {  	[smem:$0x3FB1] =	sst s7  }
0x10: {  	[smem:$0x3FB2] =	sst s8  }
0x11: {  	[smem:$0x3FB3] =	sst s9;
	s0 =	simm.s32 @!p0 $0x0  }
0x12: {  	s1 =	sld [smem:$0x3F99];
	s0 =	simm.s32 @p0 $0x1  }
0x13: {  	[smem:$0x3FB4] =	sst s0;
	s0 =	simm.s32 @!p1 $0x0  }
0x14: {  	s2 =	sld [smem:$0x3F98];
	s0 =	simm.s32 @p1 $0x1  }
0x15: {  	[smem:$0x3FB5] =	sst s0;
	s0 =	simm.s32 @!p2 $0x0  }
0x16: {  	s3 =	sld [smem:$0x3FDB];
	s0 =	simm.s32 @p2 $0x1  }
0x17: {  	s4 =	simm.s32 $0x1BF5;
	[smem:$0x3FB7] =	sst s0  }
0x18: {  	s0 =	sld [smem:$0x3F9A];
	_ =	swait.ge [sflag:s4], $0x0  }
0x19: {  	s7 =	sld [smem:$0x3F9B]  }
0x1a: {  	s8 =	sadd.s32 $0xFFFFE003, lr  }
0x1b: {  	s9 =	sadd.s32 $0xFFFFFEF7, lr;
	s5 =	simm.s32 $0xFFFFFFFF;
	p2 =	slt.u32 s8, $0xFFFFF086  }
0x1c: {  	p1 =	slt.u32 s9, $0xF7A;
	s5 =	simm.s32 @!p2 $0x0  }
0x1d: {  	s5 =	simm.s32 @p1 $0x1;
	p0 =	seq.s32 s7, s2  }
0x1e: {  	s7 =	smul.u32 @!p0 $0xF7A, s2;
	p2 =	seq.s32 @!p0 s5, $0x0  }
0x1f: {  	s9 =	smul.u32 $0xF7A, s1;
	s8 =	simm.s32 @!p0 $0x1BF5;
	p2 =	por !p2, p0  }
0x20: {  	[sflag:s8] =	ssyncset.s32 @!p0 $0xFFFFF086;
	s6 =	sadd.s32 @!p0 s3, s7;
	s7 =	simm.s32 @!p0 $0x108  }
0x21: {  	s3 =	sadd.s32 s3, s9;
	s6 =	sadd.s32 @!p0 $0x88, s6;
	s7 =	simm.s32 @p2 $0x1082  }
0x22: {  	[simem:s7], [sflag:s8] =	dma.local @!p0 [hbm:s6], $0xF7A  }
0x23: {  	s9 =	sor.u32 $0xD0000000, s2;
	s6 =	simm.s32 $0x108;
	_ =	swait.ge @!p0 [sflag:s8], $0x0  }
0x24: {  	s3 =	sadd.s32 $0x88, s3;
	s6 =	simm.s32 @!p1 $0x1082;
	[sflag:s4] =	ssyncset.s32 $0xFFFFF086  }
0x25: {  	[simem:s6], [sflag:s4] =	dma.local [hbm:s3], $0xF7A  }
0x26: {  	[smem:$0x3F9B] =	sst s1;
	(tag) =	ssettag s2;
	_ =	strace s9  }
0x27: {  	s1 =	sld [smem:$0x3FAB]  }
0x28: {  	s2 =	sld [smem:$0x3FAC]  }
0x29: {  	s4 =	sld [smem:$0x3FAE]  }
0x2a: {  	p0 =	seq.s32 s5, $0x0;
	s5 =	sld [smem:$0x3FAF]  }
0x2b: {  	s6 =	sld [smem:$0x3FB0]  }
0x2c: {  	s7 =	sld [smem:$0x3FB1]  }
0x2d: {  	s3 =	simm.s32 $0x108;
	s8 =	sld [smem:$0x3FB2]  }
0x2e: {  	s3 =	simm.s32 @!p0 $0x1082;
	s9 =	sld [smem:$0x3FB3]  }
0x2f: {  	lr =	sadd.s32 s0, s3;
	s0 =	sld [smem:$0x3FAA]  }
0x30: {  	s3 =	sld [smem:$0x3FAD]  }
0x31: {  	[smem:$0x3FB6] =	sst s10  }
0x32: {  	s10 =	sld [smem:$0x3FB4];
	_ =	sdelay $0x3  }
0x33: {  	p0 =	seq.s32 s10, $0x1;
	s10 =	sld [smem:$0x3FB6];
	_ =	sdelay $0x3  }
0x34: {  	[smem:$0x3FB6] =	sst s10  }
0x35: {  	s10 =	sld [smem:$0x3FB5];
	_ =	sdelay $0x3  }
0x36: {  	p1 =	seq.s32 s10, $0x1;
	s10 =	sld [smem:$0x3FB6];
	_ =	sdelay $0x3  }
0x37: {  	[smem:$0x3FB6] =	sst s10  }
0x38: {  	s10 =	sld [smem:$0x3FB7]  }
0x39: {  	_ = 	snop;
	(pc) =	sbr.ind lr, $3  }
0x3a: {  	_ = 	snop  }
0x3b: {  	_ = 	snop  }
0x3c: {  	p2 =	seq.s32 s10, $0x1;
	s10 =	sld [smem:$0x3FB6]  }
0x3d: {  	_ =	shalt  }
0x3e: {  	_ =	shalt  }
0x3f: {  	_ =	shalt  }
0x40: {  	_ =	shalt  }
0x41: {  	_ =	shalt  }
0x42: {  	_ =	shalt  }
0x43: {  	_ =	shalt  }
0x44: {  	_ =	shalt  }
0x45: {  	_ =	shalt  }
0x46: {  	_ =	shalt  }
0x47: {  	_ =	shalt  }
0x48: {  	_ =	shalt  }
0x49: {  	_ =	shalt  }
0x4a: {  	_ =	shalt  }
0x4b: {  	_ =	shalt  }
0x4c: {  	_ =	shalt  }
0x4d: {  	_ =	shalt  }
0x4e: {  	_ =	shalt  }
0x4f: {  	_ =	shalt  }
0x50: {  	_ =	shalt  }
0x51: {  	_ =	shalt  }
0x52: {  	_ =	shalt  }
0x53: {  	_ =	shalt  }
0x54: {  	_ =	shalt  }
0x55: {  	_ =	shalt  }
0x56: {  	_ =	shalt  }
0x57: {  	_ =	shalt  }
0x58: {  	_ =	shalt  }
0x59: {  	_ =	shalt  }
0x5a: {  	_ =	shalt  }
0x5b: {  	_ =	shalt  }
0x5c: {  	_ =	shalt  }
0x5d: {  	_ =	shalt  }
0x5e: {  	_ =	shalt  }
0x5f: {  	_ =	shalt  }
0x60: {  	_ =	shalt  }
0x61: {  	_ =	shalt  }
0x62: {  	_ =	shalt  }
0x63: {  	_ =	shalt  }
0x64: {  	_ =	shalt  }
0x65: {  	_ =	shalt  }
0x66: {  	_ =	shalt  }
0x67: {  	_ =	shalt  }
0x68: {  	_ =	shalt  }
0x69: {  	_ =	shalt  }
0x6a: {  	_ =	shalt  }
0x6b: {  	_ =	shalt  }
0x6c: {  	_ =	shalt  }
0x6d: {  	_ =	shalt  }
0x6e: {  	_ =	shalt  }
0x6f: {  	_ =	shalt  }
0x70: {  	_ =	shalt  }
0x71: {  	_ =	shalt  }
0x72: {  	_ =	shalt  }
0x73: {  	_ =	shalt  }
0x74: {  	_ =	shalt  }
0x75: {  	_ =	shalt  }
0x76: {  	_ =	shalt  }
0x77: {  	_ =	shalt  }
0x78: {  	_ =	shalt  }
0x79: {  	_ =	shalt  }
0x7a: {  	_ =	shalt  }
0x7b: {  	_ =	shalt  }
0x7c: {  	_ =	shalt  }
0x7d: {  	_ =	shalt  }
0x7e: {  	_ =	shalt  }
0x7f: {  	_ =	shalt  }
0x80: {  	_ =	shalt  }
0x81: {  	_ =	shalt  }
0x82: {  	_ =	shalt  }
0x83: {  	_ =	shalt  }
0x84: {  	_ =	shalt  }
0x85: {  	_ =	shalt  }
0x86: {  	_ =	shalt  }
0x87: {  	_ =	shalt  }
.Lfunc_end0:
.L_simem_size_0:
called_computation.3_lowered:
.L_overlay_start_0:
0x88: {  	s2 =	sld [smem:$0x3FD9]  }
0x89: {  	s3 =	sld [smem:$0x3FFE];
	_ =	sdelay $0x1  }
0x8a: {  	s1 =	srdreg.scid  }
0x8b: {  	s0 =	sand.u32 $0x1, s1  }
0x8c: {  	s16 =	sshll.u32 s0, $0xA;
	s2 =	sadd.s32 s3, s2  }
0x8d: {  	s2 =	sadd.s32 s2, s16  }
0x8e: {  	[smem:$0x3FC2] =	sst s2  }
0x8f: {  	_ = 	snop  }
0x90: {  	(tm) =	ssettm $0x1  }
0x91: {  	s17 =	sld [smem:$0x3FFB];
	_ =	sdelay $0x3  }
0x92: {  	_ =	strace s17  }
0x93: {  	s2 =	sld [smem:$0x3FFC];
	_ =	sdelay $0x3  }
0x94: {  	_ =	strace s2  }
0x95: {  	s2 =	sld [smem:$0x3FFD];
	_ =	sdelay $0x3  }
0x96: {  	_ =	strace s2  }
0x97: {  	_ =	strace $0x8FFFFFFF  }
0x98: {  	s18 =	sld [smem:$0x3FDB];
	_ =	sdelay $0x1  }
0x99: {  	s19 =	simm.s32 $_scs_section_size  }
0x9a: {  	s4 =	simm.s32 $_size__tile_overlayer_lowered;
	s5 =	simm.s32 $_tile_overlayer_lowered  }
0x9b: {  	s22 =	simm.s32 $0x1BFF;
	s21 =	sshll.u32 s5, $0x1;
	s2 =	sadd.s32 s19, s18  }
0x9c: {  	s6 =	simm.s32 $0x0;
	s20 =	sshll.u32 s4, $0x1;
	s4 =	sadd.s32 s21, s2  }
0x9d: {  	[timem:s6], [sflag:s22] =	dma.local [hbm:s4], s20  }
0x9e: {  	_ =	swait.ge [sflag:s22], s20  }
0x9f: {  	s3 =	ssub.s32 $0x0, s20;
	[sflag:s22] =	ssyncset.done $0x0  }
0xa0: {  	[sflag:s22] =	ssyncadd.s32 s3;
	_ =	sdelay $0x1  }
0xa1: {  	s23 =	simm.s32 $0x1B8B  }
0xa2: {  	_ =	swait.ge [sflag:s23], $0x1  }
0xa3: {  	[sflag:s23] =	ssyncset.done $0x0  }
0xa4: {  	s25 =	simm.s32 $0x1B8E;
	s24 =	sld [smem:$0x3FFE];
	[sflag:s23] =	ssyncadd.s32 $0xFFFFFFFF  }
0xa5: {  	s26 =	simm.s32 $execute0_lowered;
	[smem:$0x3FD2] =	sst s25  }
0xa6: {  	s4 =	sshll.u32 s26, $0x1;
	_ =	strace $0x8000004F;
	[dreg:$0x1] =	wrdreg $0xFFFFFFFF  }
0xa7: {  	s28 =	simm.s32 $_size_execute0_lowered;
	s2 =	sadd.s32 s2, s4;
	[dreg:$0x0] =	wrdreg $0x0  }
0xa8: {  	s4 =	sshll.u32 s28, $0x1;
	[dreg:$0x2] =	wrdreg s2  }
0xa9: {  	[dreg:$0x3] =	wrdreg s4  }
0xaa: {  	[dreg:$0x4] =	wrdreg $0xC0  }
0xab: {  	_ =	task [dreg:s6], $0x5FFFF  }
0xac: {  	[dreg:$0x1] =	wrdreg $0xFFFFFFFF  }
0xad: {  	[dreg:$0x0] =	wrdreg $0x60  }
0xae: {  	[dreg:$0x2] =	wrdreg s24  }
0xaf: {  	[dreg:$0x3] =	wrdreg $0x9  }
0xb0: {  	_ =	task.clear_ibuf [dreg:s6], $0x4FFFF;
	_ =	strace $0x9000004F  }
0xb1: {  	s29 =	simm.s32 $0x9;
	_ =	strace $0x80000051  }
0xb2: {  	_ =	swait.ge [sflag:s29], $0x1  }
0xb3: {  	[sflag:s29] =	ssyncadd.s32 $0xFFFFFFFF  }
0xb4: {  	_ =	strace $0x90000051  }
0xb5: {  	_ =	sfence  }
0xb6: {  	s30 =	sld [smem:$0x0];
	_ =	sdelay $0x2  }
0xb7: {  	s31 =	sshll.u32 s1, $0xD;
	s1 =	sshrl.u32 s1, $0x2  }
0xb8: {  	s3 =	sand.u32 $0x4000, s31;
	s1 =	sadd.s32 s1, s30  }
0xb9: {  	s0 =	sor.u32 s3, s0;
	s1 =	sshll.u32 s1, $0x11  }
0xba: {  	s0 =	sor.u32 s1, s0  }
0xbb: {  	s0 =	sadd.s32 $0x8F2B, s0  }
0xbc: {  	[sflag:s0] =	ssyncadd.remote.s32 $0x1  }
0xbd: {  	_ =	sfence.sel $0xFFFF  }
0xbe: {  	[dreg:$0x0] =	wrdreg $0xFFFFFFFF;
	(pc) =	sbr.abs _section_cstart, $3  }
0xbf: {  	[dreg:$0x1] =	wrdreg $0xFFFFFFFF  }
0xc0: {  	_ =	task.clear_ibuf [dreg:s6], $0x2FFFF;
	_ =	strace $0x9FFFFFFF  }
0xc1: {  	(tm) =	ssettm $0x7FFFFFFF  }
tec
execute0_lowered:
.L_overlay_start_1:
0x0: {  	(tag) =	ssettag $0x1  }
0x1: {  	s8 =	rddreg [dreg:$0x0]  }
0x2: {  	s0 =	rddreg [dreg:$0x1];
	s1 =	simm.s32 $0x0  }
0x3: {  	s2 =	srdreg.scid;
	s15 =	simm.s32 $0x1400;
	s16 =	simm.s32 $0x2800  }
0x4: {  	s17 =	simm.s32 $0x16800;
	s18 =	simm.s32 $0x0;
	[smem:$0x7FF] =	sst s1  }
0x5: {  	s4 =	sand.u32 $0x1, s2;
	s2 =	stileid.u32;
	s3 =	sadd.s32 $0x17000, s8  }
0x6: {  	s10 =	sadd.s32 $0x3000, s8;
	s11 =	sadd.s32 $0xD000, s8;
	s5 =	sshll.u32 s4, $0x4  }
0x7: {  	s12 =	sadd.s32 $0x21000, s8;
	s4 =	ssub.s32 $0x2, s4;
	s5 =	sor.u32 s2, s5  }
0x8: {  	s7 =	sadd.s32 $0x1C000, s8;
	s6 =	sshrl.u32 s4, $0x1;
	s13 =	smul.u32 $0x2800, s5  }
0x9: {  	_ =	strace $0x80000050;
	s9 =	smul.u32 $0x500, s5;
	s14 =	ssub.s32 s4, s6  }
0xa: {  	s6 =	sadd.s32 $0x19800, s8;
	s8 =	sadd.s32 $0x1E800, s8;
	s13 =	sshrl.u32 s13, $0x3  }
0xb: {  	s4 =	sadd.s32 s10, s9;
	s5 =	sadd.s32 s11, s9;
	s13 =	sadd.s32 $0x280, s13  }
0xc: {  	s9 =	sadd.s32 s12, s9;
	s10 =	sadd.s32 s10, s13;
	s11 =	sadd.s32 s11, s13  }
0xd: {  	v0 =	vimm.f32 $0.0e+00;
	s12 =	sadd.s32 s12, s13;
	s13 =	smax.u32 s14, $0x1;
	s14 =	simm.s32 $0x1  }
.LBB2_1:
0xe: {  	[tilespmem:s1], [sflag:$0x1] =	stream.linear.gather [hbm4b:s4+s1], $0x1400, $0x38;
	[tilespmem:$0x17C00] =	vst v63  }
0xf: {  	_ =	swait.ge [sflag:s14], $0x1400  }
0x10: {  	[sflag:s14] =	ssyncset.done $0x0  }
0x11: {  	[sflag:s14] =	ssyncadd.s32 $0xFFFFEC00  }
0x12: {  	[tilespmem:s15], [sflag:$0x1] =	stream.linear.gather [hbm4b:s5+s1], $0x1400, $0x38;
	[tilespmem:$0x17C00] =	vst v63  }
0x13: {  	_ =	swait.ge [sflag:s14], $0x1400  }
0x14: {  	[sflag:s14] =	ssyncset.done $0x0  }
0x15: {  	s19 =	simm.s32 $0x0;
	s20 =	simm.s32 $0x200;
	[sflag:s14] =	ssyncadd.s32 $0xFFFFEC00  }
.LBB2_2:
0x16: {  	p0 =	sne.s32 s20, $0x4E00;
	[tilespmem:s19+$0x16870] =	vst v0  }
0x17: {  	[tilespmem:s19+$0x16800] =	vst v0  }
0x18: {  	[tilespmem:s19+$0x16810] =	vst v0  }
.Ltmp0:
0x19: {  	[tilespmem:s19+$0x16820] =	vst v0;
	(pc) =	sbr.rel @p0 .LBB2_2-.Ltmp0, $4  }
0x1a: {  	[tilespmem:s19+$0x16830] =	vst v0  }
0x1b: {  	[tilespmem:s19+$0x16840] =	vst v0  }
0x1c: {  	[tilespmem:s19+$0x16850] =	vst v0  }
0x1d: {  	[tilespmem:s19+$0x16860] =	vst v0;
	s19 =	sshra.s32 s20, $0x2;
	s20 =	sadd.s32 $0x200, s20  }
0x1e: {  	[tilespmem:s19+$0x16870] =	vst v0  }
0x1f: {  	[tilespmem:s19+$0x16800] =	vst v0  }
0x20: {  	[tilespmem:s19+$0x16810] =	vst v0  }
0x21: {  	[tilespmem:s19+$0x16820] =	vst v0  }
0x22: {  	[tilespmem:s19+$0x16830] =	vst v0  }
0x23: {  	[tilespmem:s19+$0x16840] =	vst v0  }
0x24: {  	[tilespmem:s19+$0x16850] =	vst v0  }
0x25: {  	[tilespmem:s19+$0x16860] =	vst v0;
	s19 =	simm.s32 $0x0  }
0x26: {  	[tilespmem:s16], [sflag:$0x1] =	stream.linear.gather [hbm4b:s3+s19], $0x14000, $0x38;
	[tilespmem:$0x17C00] =	vst v63  }
0x27: {  	_ =	swait.ge [sflag:s14], $0x14000  }
0x28: {  	s20 =	simm.s32 $0x16800;
	[sflag:s14] =	ssyncset.done $0x0  }
0x29: {  	s21 =	simm.s32 $0x1400;
	s22 =	simm.s32 $0x0;
	[sflag:s14] =	ssyncadd.s32 $0xFFFEC000  }
.LBB2_4:
0x2a: {  	v2 =	vmov s19;
	_ =	sdelay $0x3  }
0x2b: {  	s23 =	simm.s32 $0x0  }
0x2c: {  	v4 =	vld.idx.msk [tilespmem:v2+s23+$0x0 ss:$0x1], $0xffff;
	_ =	sdelay $0x1  }
0x2d: {  	v3 =	vmov s21;
	_ =	sdelay $0x2  }
0x2e: {  	v5 =	vshll.u32 v4, $0x3  }
0x2f: {  	v1 =	vmov s20;
	s24 =	simm.s32 $0x40;
	v4 =	vand.u32 $0x7F, v4;
	v5 =	vand.u32 $0xFFFFFC00, v5  }
.LBB2_5:
0x30: {  	p0 =	sne.s32 s24, $0x1C0;
	v6 =	vld.idx.msk [tilespmem:v3+s23+$0x0 ss:$0x1], $0xffff;
	v4 =	vor.u32 v4, v5  }
0x31: {  	v5 =	vor.u32 $0x300, v4  }
0x32: {  	v7 =	vor.u32 $0x380, v4  }
0x33: {  	v8 =	vor.u32 $0x200, v4  }
0x34: {  	v10 =	vor.u32 $0x280, v4;
	v9 =	vld.idx.msk [tilespmem:v1+s23+$0x0 ss:$0x1], $0xffff  }
0x35: {  	v12 =	vor.u32 $0x100, v4;
	v11 =	vld.idx.msk [tilespmem:v4+s16+$0x0], $0xffff  }
0x36: {  	v14 =	vor.u32 $0x180, v4;
	v13 =	vshll.u32 v6, $0x3;
	v5 =	vld.idx.msk [tilespmem:v5+s16+$0x0], $0xffff  }
0x37: {  	v6 =	vand.u32 $0x7F, v6;
	v4 =	vor.u32 $0x80, v4;
	v13 =	vand.u32 $0xFFFFFC00, v13;
	v7 =	vld.idx.msk [tilespmem:v7+s16+$0x0], $0xffff  }
0x38: {  	v6 =	vor.u32 v6, v13;
	v8 =	vld.idx.msk [tilespmem:v8+s16+$0x0], $0xffff  }
0x39: {  	v13 =	vor.u32 $0x80, v6;
	v10 =	vld.idx.msk [tilespmem:v10+s16+$0x0], $0xffff  }
0x3a: {  	v15 =	vor.u32 $0x100, v6;
	v12 =	vld.idx.msk [tilespmem:v12+s16+$0x0], $0xffff  }
0x3b: {  	v16 =	vor.u32 $0x180, v6;
	v14 =	vld.idx.msk [tilespmem:v14+s16+$0x0], $0xffff  }
0x3c: {  	v17 =	vor.u32 $0x200, v6;
	v4 =	vld.idx.msk [tilespmem:v4+s16+$0x0], $0xffff  }
0x3d: {  	v19 =	vor.u32 $0x280, v6;
	v18 =	vld.idx.msk [tilespmem:v6+s16+$0x0], $0xffff  }
0x3e: {  	v20 =	vor.u32 $0x300, v6;
	v13 =	vld.idx.msk [tilespmem:v13+s16+$0x0], $0xffff  }
0x3f: {  	v6 =	vor.u32 $0x380, v6;
	v15 =	vld.idx.msk [tilespmem:v15+s16+$0x0], $0xffff  }
0x40: {  	v16 =	vld.idx.msk [tilespmem:v16+s16+$0x0], $0xffff  }
0x41: {  	v17 =	vld.idx.msk [tilespmem:v17+s16+$0x0], $0xffff  }
0x42: {  	v19 =	vld.idx.msk [tilespmem:v19+s16+$0x0], $0xffff  }
0x43: {  	v20 =	vld.idx.msk [tilespmem:v20+s16+$0x0], $0xffff  }
0x44: {  	v11 =	vmul.f32 v18, v11;
	v4 =	vmul.f32 v13, v4;
	v6 =	vld.idx.msk [tilespmem:v6+s16+$0x0], $0xffff  }
0x45: {  	v12 =	vmul.f32 v15, v12  }
0x46: {  	v9 =	vadd.f32 v11, v9;
	v4 =	vadd.f32 $0.0e+00, v4;
	v11 =	vmul.f32 v16, v14  }
0x47: {  	v8 =	vmul.f32 v17, v8  }
0x48: {  	v9 =	vadd.f32 v12, v9;
	v4 =	vadd.f32 v11, v4;
	v10 =	vmul.f32 v19, v10  }
0x49: {  	v5 =	vmul.f32 v20, v5  }
0x4a: {  	v8 =	vadd.f32 v8, v9;
	v4 =	vadd.f32 v10, v4;
	v6 =	vmul.f32 v6, v7;
	_ =	sdelay $0x1  }
0x4b: {  	v5 =	vadd.f32 v5, v8;
	v4 =	vadd.f32 v6, v4;
	_ =	sdelay $0x1  }
0x4c: {  	v4 =	vadd.f32 v4, v5;
	_ =	sdelay $0x1  }
0x4d: {  	[tilespmem:v1+s23+$0x0 ss:$0x1] =	vst.idx.msk $0xffff, v4;
	s23 =	sshra.s32 s24, $0x2  }
0x4e: {  	v4 =	vld.idx.msk [tilespmem:v2+s23+$0x0 ss:$0x1], $0xffff;
	_ =	sdelay $0x2  }
.Ltmp1:
0x4f: {  	(pc) =	sbr.rel @p0 .LBB2_5-.Ltmp1, $3  }
0x50: {  	_ =	sdelay $0x1  }
0x51: {  	v5 =	vshll.u32 v4, $0x3  }
0x52: {  	s24 =	sadd.s32 $0x40, s24;
	v4 =	vand.u32 $0x7F, v4;
	v5 =	vand.u32 $0xFFFFFC00, v5  }
0x53: {  	_ =	sdelay $0x2  }
0x54: {  	v2 =	vor.u32 v4, v5  }
0x55: {  	v3 =	vld.idx.msk [tilespmem:v3+s23+$0x0 ss:$0x1], $0xffff;
	v4 =	vor.u32 $0x300, v2  }
0x56: {  	v5 =	vor.u32 $0x380, v2  }
0x57: {  	v6 =	vor.u32 $0x200, v2  }
0x58: {  	v7 =	vld.idx.msk [tilespmem:v1+s23+$0x0 ss:$0x1], $0xffff;
	v8 =	vor.u32 $0x280, v2  }
0x59: {  	v10 =	vor.u32 $0x100, v2;
	v9 =	vld.idx.msk [tilespmem:v2+s16+$0x0], $0xffff  }
0x5a: {  	v12 =	vor.u32 $0x180, v2;
	v11 =	vshll.u32 v3, $0x3;
	v4 =	vld.idx.msk [tilespmem:v4+s16+$0x0], $0xffff  }
0x5b: {  	v3 =	vand.u32 $0x7F, v3;
	v2 =	vor.u32 $0x80, v2;
	v11 =	vand.u32 $0xFFFFFC00, v11;
	v5 =	vld.idx.msk [tilespmem:v5+s16+$0x0], $0xffff  }
0x5c: {  	v6 =	vld.idx.msk [tilespmem:v6+s16+$0x0], $0xffff;
	v3 =	vor.u32 v3, v11  }
0x5d: {  	v8 =	vld.idx.msk [tilespmem:v8+s16+$0x0], $0xffff;
	v11 =	vor.u32 $0x80, v3  }
0x5e: {  	v10 =	vld.idx.msk [tilespmem:v10+s16+$0x0], $0xffff;
	v13 =	vor.u32 $0x100, v3  }
0x5f: {  	v12 =	vld.idx.msk [tilespmem:v12+s16+$0x0], $0xffff;
	v14 =	vor.u32 $0x180, v3  }
0x60: {  	v15 =	vor.u32 $0x200, v3;
	v2 =	vld.idx.msk [tilespmem:v2+s16+$0x0], $0xffff  }
0x61: {  	v17 =	vor.u32 $0x280, v3;
	v16 =	vld.idx.msk [tilespmem:v3+s16+$0x0], $0xffff  }
0x62: {  	v18 =	vor.u32 $0x300, v3;
	v11 =	vld.idx.msk [tilespmem:v11+s16+$0x0], $0xffff  }
0x63: {  	v3 =	vor.u32 $0x380, v3;
	v13 =	vld.idx.msk [tilespmem:v13+s16+$0x0], $0xffff  }
0x64: {  	v14 =	vld.idx.msk [tilespmem:v14+s16+$0x0], $0xffff  }
0x65: {  	v15 =	vld.idx.msk [tilespmem:v15+s16+$0x0], $0xffff  }
0x66: {  	v17 =	vld.idx.msk [tilespmem:v17+s16+$0x0], $0xffff  }
0x67: {  	v18 =	vld.idx.msk [tilespmem:v18+s16+$0x0], $0xffff;
	v9 =	vmul.f32 v16, v9;
	v2 =	vmul.f32 v11, v2  }
0x68: {  	v3 =	vld.idx.msk [tilespmem:v3+s16+$0x0], $0xffff;
	v10 =	vmul.f32 v13, v10  }
0x69: {  	v63 =	vmul.f32 v14, v12;
	v7 =	vadd.f32 v9, v7;
	v2 =	vadd.f32 $0.0e+00, v2  }
0x6a: {  	v6 =	vmul.f32 v15, v6  }
0x6b: {  	v8 =	vmul.f32 v17, v8;
	v7 =	vadd.f32 v10, v7;
	v2 =	vadd.f32 v63, v2  }
0x6c: {  	v4 =	vmul.f32 v18, v4  }
0x6d: {  	s22 =	sadd.s32 $0x1, s22;
	v3 =	vmul.f32 v3, v5;
	v6 =	vadd.f32 v6, v7;
	v2 =	vadd.f32 v8, v2  }
0x6e: {  	p0 =	sne.s32 s22, $0x28  }
.Ltmp2:
0x6f: {  	v4 =	vadd.f32 v4, v6;
	v2 =	vadd.f32 v3, v2;
	(pc) =	sbr.rel @p0 .LBB2_4-.Ltmp2, $3  }
0x70: {  	_ = 	snop  }
0x71: {  	v2 =	vadd.f32 v2, v4;
	_ =	sdelay $0x1  }
0x72: {  	s20 =	sadd.s32 $0x80, s20;
	s21 =	sadd.s32 $0x80, s21;
	s19 =	sadd.s32 $0x80, s19;
	[tilespmem:v1+s23+$0x0 ss:$0x1] =	vst.idx.msk $0xffff, v2  }
0x73: {  	s19 =	simm.s32 $0x0  }
0x74: {  	[tilespmem:s16], [sflag:$0x1] =	stream.linear.gather [hbm4b:s6+s19], $0x14000, $0x38;
	[tilespmem:$0x17C00] =	vst v63  }
0x75: {  	_ =	swait.ge [sflag:s14], $0x14000  }
0x76: {  	s20 =	simm.s32 $0x16800;
	[sflag:s14] =	ssyncset.done $0x0  }
0x77: {  	s21 =	simm.s32 $0x1400;
	s22 =	simm.s32 $0x0;
	[sflag:s14] =	ssyncadd.s32 $0xFFFEC000  }
.LBB2_8:
0x78: {  	v2 =	vmov s19;
	_ =	sdelay $0x3  }
0x79: {  	s23 =	simm.s32 $0x0  }
0x7a: {  	v4 =	vld.idx.msk [tilespmem:v2+s23+$0x0 ss:$0x1], $0xffff;
	_ =	sdelay $0x1  }
0x7b: {  	v3 =	vmov s21;
	_ =	sdelay $0x2  }
0x7c: {  	v5 =	vshll.u32 v4, $0x3  }
0x7d: {  	v1 =	vmov s20;
	s24 =	simm.s32 $0x40;
	v4 =	vand.u32 $0x7F, v4;
	v5 =	vand.u32 $0xFFFFFC00, v5  }
.LBB2_9:
0x7e: {  	p0 =	sne.s32 s24, $0x1C0;
	v6 =	vld.idx.msk [tilespmem:v3+s23+$0x0 ss:$0x1], $0xffff;
	v4 =	vor.u32 v4, v5  }
0x7f: {  	v5 =	vor.u32 $0x300, v4  }
0x80: {  	v7 =	vor.u32 $0x380, v4  }
0x81: {  	v8 =	vor.u32 $0x200, v4  }
0x82: {  	v10 =	vor.u32 $0x280, v4;
	v9 =	vld.idx.msk [tilespmem:v1+s23+$0x0 ss:$0x1], $0xffff  }
0x83: {  	v12 =	vor.u32 $0x100, v4;
	v11 =	vld.idx.msk [tilespmem:v4+s16+$0x0], $0xffff  }
0x84: {  	v14 =	vor.u32 $0x180, v4;
	v13 =	vshll.u32 v6, $0x3;
	v5 =	vld.idx.msk [tilespmem:v5+s16+$0x0], $0xffff  }
0x85: {  	v6 =	vand.u32 $0x7F, v6;
	v4 =	vor.u32 $0x80, v4;
	v13 =	vand.u32 $0xFFFFFC00, v13;
	v7 =	vld.idx.msk [tilespmem:v7+s16+$0x0], $0xffff  }
0x86: {  	v6 =	vor.u32 v6, v13;
	v8 =	vld.idx.msk [tilespmem:v8+s16+$0x0], $0xffff  }
0x87: {  	v13 =	vor.u32 $0x80, v6;
	v10 =	vld.idx.msk [tilespmem:v10+s16+$0x0], $0xffff  }
0x88: {  	v15 =	vor.u32 $0x100, v6;
	v12 =	vld.idx.msk [tilespmem:v12+s16+$0x0], $0xffff  }
0x89: {  	v16 =	vor.u32 $0x180, v6;
	v14 =	vld.idx.msk [tilespmem:v14+s16+$0x0], $0xffff  }
0x8a: {  	v17 =	vor.u32 $0x200, v6;
	v4 =	vld.idx.msk [tilespmem:v4+s16+$0x0], $0xffff  }
0x8b: {  	v19 =	vor.u32 $0x280, v6;
	v18 =	vld.idx.msk [tilespmem:v6+s16+$0x0], $0xffff  }
0x8c: {  	v20 =	vor.u32 $0x300, v6;
	v13 =	vld.idx.msk [tilespmem:v13+s16+$0x0], $0xffff  }
0x8d: {  	v6 =	vor.u32 $0x380, v6;
	v15 =	vld.idx.msk [tilespmem:v15+s16+$0x0], $0xffff  }
0x8e: {  	v16 =	vld.idx.msk [tilespmem:v16+s16+$0x0], $0xffff  }
0x8f: {  	v17 =	vld.idx.msk [tilespmem:v17+s16+$0x0], $0xffff  }
0x90: {  	v19 =	vld.idx.msk [tilespmem:v19+s16+$0x0], $0xffff  }
0x91: {  	v20 =	vld.idx.msk [tilespmem:v20+s16+$0x0], $0xffff  }
0x92: {  	v11 =	vmul.f32 v18, v11;
	v4 =	vmul.f32 v13, v4;
	v6 =	vld.idx.msk [tilespmem:v6+s16+$0x0], $0xffff  }
0x93: {  	v12 =	vmul.f32 v15, v12  }
0x94: {  	v9 =	vadd.f32 v11, v9;
	v4 =	vadd.f32 $0.0e+00, v4;
	v11 =	vmul.f32 v16, v14  }
0x95: {  	v8 =	vmul.f32 v17, v8  }
0x96: {  	v9 =	vadd.f32 v12, v9;
	v4 =	vadd.f32 v11, v4;
	v10 =	vmul.f32 v19, v10  }
0x97: {  	v5 =	vmul.f32 v20, v5  }
0x98: {  	v8 =	vadd.f32 v8, v9;
	v4 =	vadd.f32 v10, v4;
	v6 =	vmul.f32 v6, v7;
	_ =	sdelay $0x1  }
0x99: {  	v5 =	vadd.f32 v5, v8;
	v4 =	vadd.f32 v6, v4;
	_ =	sdelay $0x1  }
0x9a: {  	v4 =	vadd.f32 v4, v5;
	_ =	sdelay $0x1  }
0x9b: {  	[tilespmem:v1+s23+$0x0 ss:$0x1] =	vst.idx.msk $0xffff, v4;
	s23 =	sshra.s32 s24, $0x2  }
0x9c: {  	v4 =	vld.idx.msk [tilespmem:v2+s23+$0x0 ss:$0x1], $0xffff;
	_ =	sdelay $0x2  }
.Ltmp3:
0x9d: {  	(pc) =	sbr.rel @p0 .LBB2_9-.Ltmp3, $3  }
0x9e: {  	_ =	sdelay $0x1  }
0x9f: {  	v5 =	vshll.u32 v4, $0x3  }
0xa0: {  	s24 =	sadd.s32 $0x40, s24;
	v4 =	vand.u32 $0x7F, v4;
	v5 =	vand.u32 $0xFFFFFC00, v5  }
0xa1: {  	_ =	sdelay $0x2  }
0xa2: {  	v2 =	vor.u32 v4, v5  }
0xa3: {  	v3 =	vld.idx.msk [tilespmem:v3+s23+$0x0 ss:$0x1], $0xffff;
	v4 =	vor.u32 $0x300, v2  }
0xa4: {  	v5 =	vor.u32 $0x380, v2  }
0xa5: {  	v6 =	vor.u32 $0x200, v2  }
0xa6: {  	v7 =	vld.idx.msk [tilespmem:v1+s23+$0x0 ss:$0x1], $0xffff;
	v8 =	vor.u32 $0x280, v2  }
0xa7: {  	v10 =	vor.u32 $0x100, v2;
	v9 =	vld.idx.msk [tilespmem:v2+s16+$0x0], $0xffff  }
0xa8: {  	v12 =	vor.u32 $0x180, v2;
	v11 =	vshll.u32 v3, $0x3;
	v4 =	vld.idx.msk [tilespmem:v4+s16+$0x0], $0xffff  }
0xa9: {  	v3 =	vand.u32 $0x7F, v3;
	v2 =	vor.u32 $0x80, v2;
	v11 =	vand.u32 $0xFFFFFC00, v11;
	v5 =	vld.idx.msk [tilespmem:v5+s16+$0x0], $0xffff  }
0xaa: {  	v6 =	vld.idx.msk [tilespmem:v6+s16+$0x0], $0xffff;
	v3 =	vor.u32 v3, v11  }
0xab: {  	v8 =	vld.idx.msk [tilespmem:v8+s16+$0x0], $0xffff;
	v11 =	vor.u32 $0x80, v3  }
0xac: {  	v10 =	vld.idx.msk [tilespmem:v10+s16+$0x0], $0xffff;
	v13 =	vor.u32 $0x100, v3  }
0xad: {  	v12 =	vld.idx.msk [tilespmem:v12+s16+$0x0], $0xffff;
	v14 =	vor.u32 $0x180, v3  }
0xae: {  	v15 =	vor.u32 $0x200, v3;
	v2 =	vld.idx.msk [tilespmem:v2+s16+$0x0], $0xffff  }
0xaf: {  	v17 =	vor.u32 $0x280, v3;
	v16 =	vld.idx.msk [tilespmem:v3+s16+$0x0], $0xffff  }
0xb0: {  	v18 =	vor.u32 $0x300, v3;
	v11 =	vld.idx.msk [tilespmem:v11+s16+$0x0], $0xffff  }
0xb1: {  	v3 =	vor.u32 $0x380, v3;
	v13 =	vld.idx.msk [tilespmem:v13+s16+$0x0], $0xffff  }
0xb2: {  	v14 =	vld.idx.msk [tilespmem:v14+s16+$0x0], $0xffff  }
0xb3: {  	v15 =	vld.idx.msk [tilespmem:v15+s16+$0x0], $0xffff  }
0xb4: {  	v17 =	vld.idx.msk [tilespmem:v17+s16+$0x0], $0xffff  }
0xb5: {  	v18 =	vld.idx.msk [tilespmem:v18+s16+$0x0], $0xffff;
	v9 =	vmul.f32 v16, v9;
	v2 =	vmul.f32 v11, v2  }
0xb6: {  	v3 =	vld.idx.msk [tilespmem:v3+s16+$0x0], $0xffff;
	v10 =	vmul.f32 v13, v10  }
0xb7: {  	v63 =	vmul.f32 v14, v12;
	v7 =	vadd.f32 v9, v7;
	v2 =	vadd.f32 $0.0e+00, v2  }
0xb8: {  	v6 =	vmul.f32 v15, v6  }
0xb9: {  	v8 =	vmul.f32 v17, v8;
	v7 =	vadd.f32 v10, v7;
	v2 =	vadd.f32 v63, v2  }
0xba: {  	v4 =	vmul.f32 v18, v4  }
0xbb: {  	s22 =	sadd.s32 $0x1, s22;
	v3 =	vmul.f32 v3, v5;
	v6 =	vadd.f32 v6, v7;
	v2 =	vadd.f32 v8, v2  }
0xbc: {  	p0 =	sne.s32 s22, $0x28  }
.Ltmp4:
0xbd: {  	v4 =	vadd.f32 v4, v6;
	v2 =	vadd.f32 v3, v2;
	(pc) =	sbr.rel @p0 .LBB2_8-.Ltmp4, $3  }
0xbe: {  	_ = 	snop  }
0xbf: {  	v2 =	vadd.f32 v2, v4;
	_ =	sdelay $0x1  }
0xc0: {  	s20 =	sadd.s32 $0x80, s20;
	s21 =	sadd.s32 $0x80, s21;
	s19 =	sadd.s32 $0x80, s19;
	[tilespmem:v1+s23+$0x0 ss:$0x1] =	vst.idx.msk $0xffff, v2  }
0xc1: {  	s19 =	simm.s32 $0x0  }
0xc2: {  	[tilespmem:s16], [sflag:$0x1] =	stream.linear.gather [hbm4b:s7+s19], $0x14000, $0x38;
	[tilespmem:$0x17C00] =	vst v63  }
0xc3: {  	_ =	swait.ge [sflag:s14], $0x14000  }
0xc4: {  	s20 =	simm.s32 $0x16800;
	[sflag:s14] =	ssyncset.done $0x0  }
0xc5: {  	s21 =	simm.s32 $0x1400;
	s22 =	simm.s32 $0x0;
	[sflag:s14] =	ssyncadd.s32 $0xFFFEC000  }
.LBB2_12:
0xc6: {  	v2 =	vmov s19;
	_ =	sdelay $0x3  }
0xc7: {  	s23 =	simm.s32 $0x0  }
0xc8: {  	v4 =	vld.idx.msk [tilespmem:v2+s23+$0x0 ss:$0x1], $0xffff;
	_ =	sdelay $0x1  }
0xc9: {  	v3 =	vmov s21;
	_ =	sdelay $0x2  }
0xca: {  	v5 =	vshll.u32 v4, $0x3  }
0xcb: {  	v1 =	vmov s20;
	s24 =	simm.s32 $0x40;
	v4 =	vand.u32 $0x7F, v4;
	v5 =	vand.u32 $0xFFFFFC00, v5  }
.LBB2_13:
0xcc: {  	p0 =	sne.s32 s24, $0x1C0;
	v6 =	vld.idx.msk [tilespmem:v3+s23+$0x0 ss:$0x1], $0xffff;
	v4 =	vor.u32 v4, v5  }
0xcd: {  	v5 =	vor.u32 $0x300, v4  }
0xce: {  	v7 =	vor.u32 $0x380, v4  }
0xcf: {  	v8 =	vor.u32 $0x200, v4  }
0xd0: {  	v10 =	vor.u32 $0x280, v4;
	v9 =	vld.idx.msk [tilespmem:v1+s23+$0x0 ss:$0x1], $0xffff  }
0xd1: {  	v12 =	vor.u32 $0x100, v4;
	v11 =	vld.idx.msk [tilespmem:v4+s16+$0x0], $0xffff  }
0xd2: {  	v14 =	vor.u32 $0x180, v4;
	v13 =	vshll.u32 v6, $0x3;
	v5 =	vld.idx.msk [tilespmem:v5+s16+$0x0], $0xffff  }
0xd3: {  	v6 =	vand.u32 $0x7F, v6;
	v4 =	vor.u32 $0x80, v4;
	v13 =	vand.u32 $0xFFFFFC00, v13;
	v7 =	vld.idx.msk [tilespmem:v7+s16+$0x0], $0xffff  }
0xd4: {  	v6 =	vor.u32 v6, v13;
	v8 =	vld.idx.msk [tilespmem:v8+s16+$0x0], $0xffff  }
0xd5: {  	v13 =	vor.u32 $0x80, v6;
	v10 =	vld.idx.msk [tilespmem:v10+s16+$0x0], $0xffff  }
0xd6: {  	v15 =	vor.u32 $0x100, v6;
	v12 =	vld.idx.msk [tilespmem:v12+s16+$0x0], $0xffff  }
0xd7: {  	v16 =	vor.u32 $0x180, v6;
	v14 =	vld.idx.msk [tilespmem:v14+s16+$0x0], $0xffff  }
0xd8: {  	v17 =	vor.u32 $0x200, v6;
	v4 =	vld.idx.msk [tilespmem:v4+s16+$0x0], $0xffff  }
0xd9: {  	v19 =	vor.u32 $0x280, v6;
	v18 =	vld.idx.msk [tilespmem:v6+s16+$0x0], $0xffff  }
0xda: {  	v20 =	vor.u32 $0x300, v6;
	v13 =	vld.idx.msk [tilespmem:v13+s16+$0x0], $0xffff  }
0xdb: {  	v6 =	vor.u32 $0x380, v6;
	v15 =	vld.idx.msk [tilespmem:v15+s16+$0x0], $0xffff  }
0xdc: {  	v16 =	vld.idx.msk [tilespmem:v16+s16+$0x0], $0xffff  }
0xdd: {  	v17 =	vld.idx.msk [tilespmem:v17+s16+$0x0], $0xffff  }
0xde: {  	v19 =	vld.idx.msk [tilespmem:v19+s16+$0x0], $0xffff  }
0xdf: {  	v20 =	vld.idx.msk [tilespmem:v20+s16+$0x0], $0xffff  }
0xe0: {  	v11 =	vmul.f32 v18, v11;
	v4 =	vmul.f32 v13, v4;
	v6 =	vld.idx.msk [tilespmem:v6+s16+$0x0], $0xffff  }
0xe1: {  	v12 =	vmul.f32 v15, v12  }
0xe2: {  	v9 =	vadd.f32 v11, v9;
	v4 =	vadd.f32 $0.0e+00, v4;
	v11 =	vmul.f32 v16, v14  }
0xe3: {  	v8 =	vmul.f32 v17, v8  }
0xe4: {  	v9 =	vadd.f32 v12, v9;
	v4 =	vadd.f32 v11, v4;
	v10 =	vmul.f32 v19, v10  }
0xe5: {  	v5 =	vmul.f32 v20, v5  }
0xe6: {  	v8 =	vadd.f32 v8, v9;
	v4 =	vadd.f32 v10, v4;
	v6 =	vmul.f32 v6, v7;
	_ =	sdelay $0x1  }
0xe7: {  	v5 =	vadd.f32 v5, v8;
	v4 =	vadd.f32 v6, v4;
	_ =	sdelay $0x1  }
0xe8: {  	v4 =	vadd.f32 v4, v5;
	_ =	sdelay $0x1  }
0xe9: {  	[tilespmem:v1+s23+$0x0 ss:$0x1] =	vst.idx.msk $0xffff, v4;
	s23 =	sshra.s32 s24, $0x2  }
0xea: {  	v4 =	vld.idx.msk [tilespmem:v2+s23+$0x0 ss:$0x1], $0xffff;
	_ =	sdelay $0x2  }
.Ltmp5:
0xeb: {  	(pc) =	sbr.rel @p0 .LBB2_13-.Ltmp5, $3  }
0xec: {  	_ =	sdelay $0x1  }
0xed: {  	v5 =	vshll.u32 v4, $0x3  }
0xee: {  	s24 =	sadd.s32 $0x40, s24;
	v4 =	vand.u32 $0x7F, v4;
	v5 =	vand.u32 $0xFFFFFC00, v5  }
0xef: {  	_ =	sdelay $0x2  }
0xf0: {  	v2 =	vor.u32 v4, v5  }
0xf1: {  	v3 =	vld.idx.msk [tilespmem:v3+s23+$0x0 ss:$0x1], $0xffff;
	v4 =	vor.u32 $0x300, v2  }
0xf2: {  	v5 =	vor.u32 $0x380, v2  }
0xf3: {  	v6 =	vor.u32 $0x200, v2  }
0xf4: {  	v7 =	vld.idx.msk [tilespmem:v1+s23+$0x0 ss:$0x1], $0xffff;
	v8 =	vor.u32 $0x280, v2  }
0xf5: {  	v10 =	vor.u32 $0x100, v2;
	v9 =	vld.idx.msk [tilespmem:v2+s16+$0x0], $0xffff  }
0xf6: {  	v12 =	vor.u32 $0x180, v2;
	v11 =	vshll.u32 v3, $0x3;
	v4 =	vld.idx.msk [tilespmem:v4+s16+$0x0], $0xffff  }
0xf7: {  	v3 =	vand.u32 $0x7F, v3;
	v2 =	vor.u32 $0x80, v2;
	v11 =	vand.u32 $0xFFFFFC00, v11;
	v5 =	vld.idx.msk [tilespmem:v5+s16+$0x0], $0xffff  }
0xf8: {  	v6 =	vld.idx.msk [tilespmem:v6+s16+$0x0], $0xffff;
	v3 =	vor.u32 v3, v11  }
0xf9: {  	v8 =	vld.idx.msk [tilespmem:v8+s16+$0x0], $0xffff;
	v11 =	vor.u32 $0x80, v3  }
0xfa: {  	v10 =	vld.idx.msk [tilespmem:v10+s16+$0x0], $0xffff;
	v13 =	vor.u32 $0x100, v3  }
0xfb: {  	v12 =	vld.idx.msk [tilespmem:v12+s16+$0x0], $0xffff;
	v14 =	vor.u32 $0x180, v3  }
0xfc: {  	v15 =	vor.u32 $0x200, v3;
	v2 =	vld.idx.msk [tilespmem:v2+s16+$0x0], $0xffff  }
0xfd: {  	v17 =	vor.u32 $0x280, v3;
	v16 =	vld.idx.msk [tilespmem:v3+s16+$0x0], $0xffff  }
0xfe: {  	v18 =	vor.u32 $0x300, v3;
	v11 =	vld.idx.msk [tilespmem:v11+s16+$0x0], $0xffff  }
0xff: {  	v3 =	vor.u32 $0x380, v3;
	v13 =	vld.idx.msk [tilespmem:v13+s16+$0x0], $0xffff  }
0x100: {  	v14 =	vld.idx.msk [tilespmem:v14+s16+$0x0], $0xffff  }
0x101: {  	v15 =	vld.idx.msk [tilespmem:v15+s16+$0x0], $0xffff  }
0x102: {  	v17 =	vld.idx.msk [tilespmem:v17+s16+$0x0], $0xffff  }
0x103: {  	v18 =	vld.idx.msk [tilespmem:v18+s16+$0x0], $0xffff;
	v9 =	vmul.f32 v16, v9;
	v2 =	vmul.f32 v11, v2  }
0x104: {  	v3 =	vld.idx.msk [tilespmem:v3+s16+$0x0], $0xffff;
	v10 =	vmul.f32 v13, v10  }
0x105: {  	v63 =	vmul.f32 v14, v12;
	v7 =	vadd.f32 v9, v7;
	v2 =	vadd.f32 $0.0e+00, v2  }
0x106: {  	v6 =	vmul.f32 v15, v6  }
0x107: {  	v8 =	vmul.f32 v17, v8;
	v7 =	vadd.f32 v10, v7;
	v2 =	vadd.f32 v63, v2  }
0x108: {  	v4 =	vmul.f32 v18, v4  }
0x109: {  	s22 =	sadd.s32 $0x1, s22;
	v3 =	vmul.f32 v3, v5;
	v6 =	vadd.f32 v6, v7;
	v2 =	vadd.f32 v8, v2  }
0x10a: {  	p0 =	sne.s32 s22, $0x28  }
.Ltmp6:
0x10b: {  	v4 =	vadd.f32 v4, v6;
	v2 =	vadd.f32 v3, v2;
	(pc) =	sbr.rel @p0 .LBB2_12-.Ltmp6, $3  }
0x10c: {  	_ = 	snop  }
0x10d: {  	v2 =	vadd.f32 v2, v4;
	_ =	sdelay $0x1  }
0x10e: {  	s20 =	sadd.s32 $0x80, s20;
	s21 =	sadd.s32 $0x80, s21;
	s19 =	sadd.s32 $0x80, s19;
	[tilespmem:v1+s23+$0x0 ss:$0x1] =	vst.idx.msk $0xffff, v2  }
0x10f: {  	s19 =	simm.s32 $0x0  }
0x110: {  	[tilespmem:s16], [sflag:$0x1] =	stream.linear.gather [hbm4b:s8+s19], $0x14000, $0x38;
	[tilespmem:$0x17C00] =	vst v63  }
0x111: {  	_ =	swait.ge [sflag:s14], $0x14000  }
0x112: {  	s20 =	simm.s32 $0x16800;
	[sflag:s14] =	ssyncset.done $0x0  }
0x113: {  	s21 =	simm.s32 $0x1400;
	s22 =	simm.s32 $0x0;
	[sflag:s14] =	ssyncadd.s32 $0xFFFEC000  }
.LBB2_16:
0x114: {  	v2 =	vmov s19;
	_ =	sdelay $0x3  }
0x115: {  	s23 =	simm.s32 $0x0  }
0x116: {  	v4 =	vld.idx.msk [tilespmem:v2+s23+$0x0 ss:$0x1], $0xffff;
	_ =	sdelay $0x1  }
0x117: {  	v3 =	vmov s21;
	_ =	sdelay $0x2  }
0x118: {  	v5 =	vshll.u32 v4, $0x3  }
0x119: {  	v1 =	vmov s20;
	s24 =	simm.s32 $0x40;
	v4 =	vand.u32 $0x7F, v4;
	v5 =	vand.u32 $0xFFFFFC00, v5  }
.LBB2_17:
0x11a: {  	p0 =	sne.s32 s24, $0x1C0;
	v6 =	vld.idx.msk [tilespmem:v3+s23+$0x0 ss:$0x1], $0xffff;
	v4 =	vor.u32 v4, v5  }
0x11b: {  	v5 =	vor.u32 $0x300, v4  }
0x11c: {  	v7 =	vor.u32 $0x380, v4  }
0x11d: {  	v8 =	vor.u32 $0x200, v4  }
0x11e: {  	v10 =	vor.u32 $0x280, v4;
	v9 =	vld.idx.msk [tilespmem:v1+s23+$0x0 ss:$0x1], $0xffff  }
0x11f: {  	v12 =	vor.u32 $0x100, v4;
	v11 =	vld.idx.msk [tilespmem:v4+s16+$0x0], $0xffff  }
0x120: {  	v14 =	vor.u32 $0x180, v4;
	v13 =	vshll.u32 v6, $0x3;
	v5 =	vld.idx.msk [tilespmem:v5+s16+$0x0], $0xffff  }
0x121: {  	v6 =	vand.u32 $0x7F, v6;
	v4 =	vor.u32 $0x80, v4;
	v13 =	vand.u32 $0xFFFFFC00, v13;
	v7 =	vld.idx.msk [tilespmem:v7+s16+$0x0], $0xffff  }
0x122: {  	v6 =	vor.u32 v6, v13;
	v8 =	vld.idx.msk [tilespmem:v8+s16+$0x0], $0xffff  }
0x123: {  	v13 =	vor.u32 $0x80, v6;
	v10 =	vld.idx.msk [tilespmem:v10+s16+$0x0], $0xffff  }
0x124: {  	v15 =	vor.u32 $0x100, v6;
	v12 =	vld.idx.msk [tilespmem:v12+s16+$0x0], $0xffff  }
0x125: {  	v16 =	vor.u32 $0x180, v6;
	v14 =	vld.idx.msk [tilespmem:v14+s16+$0x0], $0xffff  }
0x126: {  	v17 =	vor.u32 $0x200, v6;
	v4 =	vld.idx.msk [tilespmem:v4+s16+$0x0], $0xffff  }
0x127: {  	v19 =	vor.u32 $0x280, v6;
	v18 =	vld.idx.msk [tilespmem:v6+s16+$0x0], $0xffff  }
0x128: {  	v20 =	vor.u32 $0x300, v6;
	v13 =	vld.idx.msk [tilespmem:v13+s16+$0x0], $0xffff  }
0x129: {  	v6 =	vor.u32 $0x380, v6;
	v15 =	vld.idx.msk [tilespmem:v15+s16+$0x0], $0xffff  }
0x12a: {  	v16 =	vld.idx.msk [tilespmem:v16+s16+$0x0], $0xffff  }
0x12b: {  	v17 =	vld.idx.msk [tilespmem:v17+s16+$0x0], $0xffff  }
0x12c: {  	v19 =	vld.idx.msk [tilespmem:v19+s16+$0x0], $0xffff  }
0x12d: {  	v20 =	vld.idx.msk [tilespmem:v20+s16+$0x0], $0xffff  }
0x12e: {  	v11 =	vmul.f32 v18, v11;
	v4 =	vmul.f32 v13, v4;
	v6 =	vld.idx.msk [tilespmem:v6+s16+$0x0], $0xffff  }
0x12f: {  	v12 =	vmul.f32 v15, v12  }
0x130: {  	v9 =	vadd.f32 v11, v9;
	v4 =	vadd.f32 $0.0e+00, v4;
	v11 =	vmul.f32 v16, v14  }
0x131: {  	v8 =	vmul.f32 v17, v8  }
0x132: {  	v9 =	vadd.f32 v12, v9;
	v4 =	vadd.f32 v11, v4;
	v10 =	vmul.f32 v19, v10  }
0x133: {  	v5 =	vmul.f32 v20, v5  }
0x134: {  	v8 =	vadd.f32 v8, v9;
	v4 =	vadd.f32 v10, v4;
	v6 =	vmul.f32 v6, v7;
	_ =	sdelay $0x1  }
0x135: {  	v5 =	vadd.f32 v5, v8;
	v4 =	vadd.f32 v6, v4;
	_ =	sdelay $0x1  }
0x136: {  	v4 =	vadd.f32 v4, v5;
	_ =	sdelay $0x1  }
0x137: {  	[tilespmem:v1+s23+$0x0 ss:$0x1] =	vst.idx.msk $0xffff, v4;
	s23 =	sshra.s32 s24, $0x2  }
0x138: {  	v4 =	vld.idx.msk [tilespmem:v2+s23+$0x0 ss:$0x1], $0xffff;
	_ =	sdelay $0x2  }
.Ltmp7:
0x139: {  	(pc) =	sbr.rel @p0 .LBB2_17-.Ltmp7, $3  }
0x13a: {  	_ =	sdelay $0x1  }
0x13b: {  	v5 =	vshll.u32 v4, $0x3  }
0x13c: {  	s24 =	sadd.s32 $0x40, s24;
	v4 =	vand.u32 $0x7F, v4;
	v5 =	vand.u32 $0xFFFFFC00, v5  }
0x13d: {  	_ =	sdelay $0x2  }
0x13e: {  	v2 =	vor.u32 v4, v5  }
0x13f: {  	v3 =	vld.idx.msk [tilespmem:v3+s23+$0x0 ss:$0x1], $0xffff;
	v4 =	vor.u32 $0x300, v2  }
0x140: {  	v5 =	vor.u32 $0x380, v2  }
0x141: {  	v6 =	vor.u32 $0x200, v2  }
0x142: {  	v7 =	vld.idx.msk [tilespmem:v1+s23+$0x0 ss:$0x1], $0xffff;
	v8 =	vor.u32 $0x280, v2  }
0x143: {  	v10 =	vor.u32 $0x100, v2;
	v9 =	vld.idx.msk [tilespmem:v2+s16+$0x0], $0xffff  }
0x144: {  	v12 =	vor.u32 $0x180, v2;
	v11 =	vshll.u32 v3, $0x3;
	v4 =	vld.idx.msk [tilespmem:v4+s16+$0x0], $0xffff  }
0x145: {  	v3 =	vand.u32 $0x7F, v3;
	v2 =	vor.u32 $0x80, v2;
	v11 =	vand.u32 $0xFFFFFC00, v11;
	v5 =	vld.idx.msk [tilespmem:v5+s16+$0x0], $0xffff  }
0x146: {  	v6 =	vld.idx.msk [tilespmem:v6+s16+$0x0], $0xffff;
	v3 =	vor.u32 v3, v11  }
0x147: {  	v8 =	vld.idx.msk [tilespmem:v8+s16+$0x0], $0xffff;
	v11 =	vor.u32 $0x80, v3  }
0x148: {  	v10 =	vld.idx.msk [tilespmem:v10+s16+$0x0], $0xffff;
	v13 =	vor.u32 $0x100, v3  }
0x149: {  	v12 =	vld.idx.msk [tilespmem:v12+s16+$0x0], $0xffff;
	v14 =	vor.u32 $0x180, v3  }
0x14a: {  	v15 =	vor.u32 $0x200, v3;
	v2 =	vld.idx.msk [tilespmem:v2+s16+$0x0], $0xffff  }
0x14b: {  	v17 =	vor.u32 $0x280, v3;
	v16 =	vld.idx.msk [tilespmem:v3+s16+$0x0], $0xffff  }
0x14c: {  	v18 =	vor.u32 $0x300, v3;
	v11 =	vld.idx.msk [tilespmem:v11+s16+$0x0], $0xffff  }
0x14d: {  	v3 =	vor.u32 $0x380, v3;
	v13 =	vld.idx.msk [tilespmem:v13+s16+$0x0], $0xffff  }
0x14e: {  	v14 =	vld.idx.msk [tilespmem:v14+s16+$0x0], $0xffff  }
0x14f: {  	v15 =	vld.idx.msk [tilespmem:v15+s16+$0x0], $0xffff  }
0x150: {  	v17 =	vld.idx.msk [tilespmem:v17+s16+$0x0], $0xffff  }
0x151: {  	v18 =	vld.idx.msk [tilespmem:v18+s16+$0x0], $0xffff;
	v9 =	vmul.f32 v16, v9;
	v2 =	vmul.f32 v11, v2  }
0x152: {  	v3 =	vld.idx.msk [tilespmem:v3+s16+$0x0], $0xffff;
	v10 =	vmul.f32 v13, v10  }
0x153: {  	v63 =	vmul.f32 v14, v12;
	v7 =	vadd.f32 v9, v7;
	v2 =	vadd.f32 $0.0e+00, v2  }
0x154: {  	v6 =	vmul.f32 v15, v6  }
0x155: {  	v8 =	vmul.f32 v17, v8;
	v7 =	vadd.f32 v10, v7;
	v2 =	vadd.f32 v63, v2  }
0x156: {  	v4 =	vmul.f32 v18, v4  }
0x157: {  	s22 =	sadd.s32 $0x1, s22;
	v3 =	vmul.f32 v3, v5;
	v6 =	vadd.f32 v6, v7;
	v2 =	vadd.f32 v8, v2  }
0x158: {  	p0 =	sne.s32 s22, $0x28  }
.Ltmp8:
0x159: {  	v4 =	vadd.f32 v4, v6;
	v2 =	vadd.f32 v3, v2;
	(pc) =	sbr.rel @p0 .LBB2_16-.Ltmp8, $3  }
0x15a: {  	_ = 	snop  }
0x15b: {  	v2 =	vadd.f32 v2, v4;
	_ =	sdelay $0x1  }
0x15c: {  	s20 =	sadd.s32 $0x80, s20;
	s21 =	sadd.s32 $0x80, s21;
	s19 =	sadd.s32 $0x80, s19;
	[tilespmem:v1+s23+$0x0 ss:$0x1] =	vst.idx.msk $0xffff, v2  }
0x15d: {  	s19 =	simm.s32 $0x0  }
0x15e: {  	v4 =	vld [tilespmem:s19+$0x16800]  }
0x15f: {  	v6 =	vld [tilespmem:s19+$0x16810]  }
0x160: {  	v5 =	vld [tilespmem:s19+$0x16820]  }
0x161: {  	v2 =	vld [tilespmem:s19+$0x16830]  }
0x162: {  	v3 =	vld [tilespmem:s19+$0x16840]  }
0x163: {  	v1 =	vld [tilespmem:s19+$0x16850];
	v7 =	vsub.f32 $0.0e+00, v4  }
0x164: {  	s20 =	simm.s32 $0x200;
	v6 =	vsub.f32 $0.0e+00, v6;
	v4 =	vld [tilespmem:s19+$0x16860]  }
.LBB2_20:
0x165: {  	p0 =	sne.s32 s20, $0x4E00;
	v7 =	vmul.f32 $1.442695020e+00, v7;
	v5 =	vsub.f32 $0.0e+00, v5;
	v8 =	vld [tilespmem:s19+$0x16870]  }
0x166: {  	v6 =	vmul.f32 $1.442695020e+00, v6;
	v2 =	vsub.f32 $0.0e+00, v2  }
0x167: {  	v5 =	vmul.f32 $1.442695020e+00, v5;
	v3 =	vsub.f32 $0.0e+00, v3;
	(erf) = vpow2.f32 v7  }
0x168: {  	v2 =	vmul.f32 $1.442695020e+00, v2;
	v1 =	vsub.f32 $0.0e+00, v1;
	(erf) = vpow2.f32 v6  }
0x169: {  	v3 =	vmul.f32 $1.442695020e+00, v3;
	v4 =	vsub.f32 $0.0e+00, v4;
	(erf) = vpow2.f32 v5  }
0x16a: {  	v1 =	vmul.f32 $1.442695020e+00, v1;
	v5 =	vsub.f32 $0.0e+00, v8;
	(erf) = vpow2.f32 v2  }
0x16b: {  	v2 =	vmul.f32 $1.442695020e+00, v4;
	(erf) = vpow2.f32 v3  }
0x16c: {  	v3 =	vmul.f32 $1.442695020e+00, v5;
	(erf) = vpow2.f32 v1  }
0x16d: {  	(erf) = vpow2.f32 v2  }
0x16e: {  	(erf) = vpow2.f32 v3;
	_ =	sdelay $0x1  }
0x16f: {  	v1 =	vpop (erf)  }
0x170: {  	v4 =	vadd.f32 $1.000000000e+00, v1;
	v2 =	vpop (erf)  }
0x171: {  	v5 =	vadd.f32 $1.000000000e+00, v2;
	v3 =	vpop (erf)  }
0x172: {  	v6 =	vadd.f32 $1.000000000e+00, v3;
	(erf) = vrcp.f32 v4;
	v1 =	vpop (erf)  }
0x173: {  	v4 =	vadd.f32 $1.000000000e+00, v1;
	(erf) = vrcp.f32 v5;
	v2 =	vpop (erf)  }
0x174: {  	v5 =	vadd.f32 $1.000000000e+00, v2;
	(erf) = vrcp.f32 v6;
	v3 =	vpop (erf)  }
0x175: {  	v3 =	vadd.f32 $1.000000000e+00, v3;
	(erf) = vrcp.f32 v4;
	v1 =	vpop (erf)  }
0x176: {  	v1 =	vadd.f32 $1.000000000e+00, v1;
	(erf) = vrcp.f32 v5;
	v2 =	vpop (erf)  }
0x177: {  	v2 =	vadd.f32 $1.000000000e+00, v2;
	(erf) = vrcp.f32 v3  }
0x178: {  	(erf) = vrcp.f32 v1  }
0x179: {  	(erf) = vrcp.f32 v2;
	_ =	sdelay $0x1  }
0x17a: {  	v1 =	vpop (erf)  }
0x17b: {  	s21 =	sshra.s32 s20, $0x2;
	[tilespmem:s19+$0x16800] =	vst v1;
	v1 =	vpop (erf)  }
0x17c: {  	v4 =	vld [tilespmem:s21+$0x16800];
	[tilespmem:s19+$0x16810] =	vst v1;
	v1 =	vpop (erf)  }
0x17d: {  	v6 =	vld [tilespmem:s21+$0x16810];
	[tilespmem:s19+$0x16820] =	vst v1;
	v1 =	vpop (erf)  }
.Ltmp9:
0x17e: {  	v5 =	vld [tilespmem:s21+$0x16820];
	[tilespmem:s19+$0x16830] =	vst v1;
	v1 =	vpop (erf);
	(pc) =	sbr.rel @p0 .LBB2_20-.Ltmp9, $4  }
0x17f: {  	v2 =	vld [tilespmem:s21+$0x16830];
	[tilespmem:s19+$0x16840] =	vst v1;
	v1 =	vpop (erf)  }
0x180: {  	v3 =	vld [tilespmem:s21+$0x16840];
	[tilespmem:s19+$0x16850] =	vst v1;
	v8 =	vpop (erf)  }
0x181: {  	v7 =	vsub.f32 $0.0e+00, v4;
	v1 =	vld [tilespmem:s21+$0x16850];
	[tilespmem:s19+$0x16860] =	vst v8;
	v8 =	vpop (erf)  }
0x182: {  	s20 =	sadd.s32 $0x200, s20;
	v6 =	vsub.f32 $0.0e+00, v6;
	v4 =	vld [tilespmem:s21+$0x16860];
	[tilespmem:s19+$0x16870] =	vst v8;
	s19 =	smov.u32 s21  }
0x183: {  	v7 =	vmul.f32 $1.442695020e+00, v7  }
0x184: {  	v6 =	vmul.f32 $1.442695020e+00, v6  }
0x185: {  	v5 =	vsub.f32 $0.0e+00, v5;
	(erf) = vpow2.f32 v7  }
0x186: {  	v2 =	vsub.f32 $0.0e+00, v2;
	(erf) = vpow2.f32 v6  }
0x187: {  	v8 =	vld [tilespmem:s19+$0x16870];
	v5 =	vmul.f32 $1.442695020e+00, v5;
	v3 =	vsub.f32 $0.0e+00, v3  }
0x188: {  	v2 =	vmul.f32 $1.442695020e+00, v2;
	v1 =	vsub.f32 $0.0e+00, v1  }
0x189: {  	v3 =	vmul.f32 $1.442695020e+00, v3;
	v4 =	vsub.f32 $0.0e+00, v4;
	(erf) = vpow2.f32 v5  }
0x18a: {  	v1 =	vmul.f32 $1.442695020e+00, v1;
	(erf) = vpow2.f32 v2  }
0x18b: {  	v2 =	vmul.f32 $1.442695020e+00, v4;
	(erf) = vpow2.f32 v3  }
0x18c: {  	v63 =	vsub.f32 $0.0e+00, v8;
	_ =	sdelay $0x1  }
0x18d: {  	v3 =	vmul.f32 $1.442695020e+00, v63;
	(erf) = vpow2.f32 v1;
	v1 =	vpop (erf)  }
0x18e: {  	(erf) = vpow2.f32 v2;
	v1 =	vadd.f32 $1.000000000e+00, v1;
	v2 =	vpop (erf)  }
0x18f: {  	(erf) = vpow2.f32 v3;
	v2 =	vadd.f32 $1.000000000e+00, v2;
	_ =	sdelay $0x1  }
0x190: {  	v3 =	vpop (erf)  }
0x191: {  	v3 =	vadd.f32 $1.000000000e+00, v3;
	(erf) = vrcp.f32 v1;
	v1 =	vpop (erf)  }
0x192: {  	(erf) = vrcp.f32 v2;
	v1 =	vadd.f32 $1.000000000e+00, v1;
	v2 =	vpop (erf)  }
0x193: {  	v2 =	vadd.f32 $1.000000000e+00, v2;
	_ =	sdelay $0x1  }
0x194: {  	(erf) = vrcp.f32 v3;
	v3 =	vpop (erf)  }
0x195: {  	v3 =	vadd.f32 $1.000000000e+00, v3;
	(erf) = vrcp.f32 v1;
	v1 =	vpop (erf)  }
0x196: {  	(erf) = vrcp.f32 v2;
	v1 =	vadd.f32 $1.000000000e+00, v1;
	v2 =	vpop (erf)  }
0x197: {  	(erf) = vrcp.f32 v3;
	v2 =	vadd.f32 $1.000000000e+00, v2  }
0x198: {  	(erf) = vrcp.f32 v1  }
0x199: {  	(erf) = vrcp.f32 v2;
	_ =	sdelay $0x1  }
0x19a: {  	v1 =	vpop (erf)  }
0x19b: {  	[tilespmem:s19+$0x16800] =	vst v1;
	v1 =	vpop (erf)  }
0x19c: {  	[tilespmem:s19+$0x16810] =	vst v1;
	v1 =	vpop (erf)  }
0x19d: {  	[tilespmem:s19+$0x16820] =	vst v1;
	v1 =	vpop (erf)  }
0x19e: {  	[tilespmem:s19+$0x16830] =	vst v1;
	v1 =	vpop (erf)  }
0x19f: {  	[tilespmem:s19+$0x16840] =	vst v1;
	v1 =	vpop (erf)  }
0x1a0: {  	[tilespmem:s19+$0x16850] =	vst v1;
	v1 =	vpop (erf)  }
0x1a1: {  	[tilespmem:s19+$0x16860] =	vst v1;
	v1 =	vpop (erf)  }
0x1a2: {  	[tilespmem:s19+$0x16870] =	vst v1  }
0x1a3: {  	s31 =	simm.s32 $0x0;
	[bflag:$0x0] =	sbarrier.arrive $0xFFFF  }
0x1a4: {  	[hbm4b:s9+s31] =	stream.linear.scatter [tilespmem:s17], [sflag:$0x1], $0x1400, $0x38;
	[tilespmem:$0x17C00] =	vst v63  }
0x1a5: {  	_ =	swait.ge [sflag:s14], $0x1400  }
0x1a6: {  	[sflag:s14] =	ssyncset.done $0x0  }
0x1a7: {  	[sflag:s14] =	ssyncadd.s32 $0xFFFFEC00  }
0x1a8: {  	[tilespmem:s31], [sflag:$0x1] =	stream.linear.gather [hbm4b:s10+s31], $0x1400, $0x38;
	[tilespmem:$0x17C00] =	vst v63  }
0x1a9: {  	_ =	swait.ge [sflag:s14], $0x1400  }
0x1aa: {  	[sflag:s14] =	ssyncset.done $0x0  }
0x1ab: {  	[sflag:s14] =	ssyncadd.s32 $0xFFFFEC00  }
0x1ac: {  	[tilespmem:s15], [sflag:$0x1] =	stream.linear.gather [hbm4b:s11+s31], $0x1400, $0x38;
	[tilespmem:$0x17C00] =	vst v63  }
0x1ad: {  	_ =	swait.ge [sflag:s14], $0x1400  }
0x1ae: {  	[sflag:s14] =	ssyncset.done $0x0  }
0x1af: {  	s20 =	simm.s32 $0x200;
	s19 =	simm.s32 $0x0;
	[sflag:s14] =	ssyncadd.s32 $0xFFFFEC00  }
.LBB2_22:
0x1b0: {  	p0 =	sne.s32 s20, $0x4E00;
	[tilespmem:s19+$0x16870] =	vst v0  }
0x1b1: {  	[tilespmem:s19+$0x16800] =	vst v0  }
0x1b2: {  	[tilespmem:s19+$0x16810] =	vst v0  }
.Ltmp10:
0x1b3: {  	[tilespmem:s19+$0x16820] =	vst v0;
	(pc) =	sbr.rel @p0 .LBB2_22-.Ltmp10, $4  }
0x1b4: {  	[tilespmem:s19+$0x16830] =	vst v0  }
0x1b5: {  	[tilespmem:s19+$0x16840] =	vst v0  }
0x1b6: {  	[tilespmem:s19+$0x16850] =	vst v0  }
0x1b7: {  	[tilespmem:s19+$0x16860] =	vst v0;
	s19 =	sshra.s32 s20, $0x2;
	s20 =	sadd.s32 $0x200, s20  }
0x1b8: {  	[tilespmem:s19+$0x16870] =	vst v0  }
0x1b9: {  	[tilespmem:s19+$0x16800] =	vst v0  }
0x1ba: {  	[tilespmem:s19+$0x16810] =	vst v0  }
0x1bb: {  	[tilespmem:s19+$0x16820] =	vst v0  }
0x1bc: {  	[tilespmem:s19+$0x16830] =	vst v0  }
0x1bd: {  	[tilespmem:s19+$0x16840] =	vst v0  }
0x1be: {  	[tilespmem:s19+$0x16850] =	vst v0  }
0x1bf: {  	[tilespmem:s19+$0x16860] =	vst v0;
	s19 =	simm.s32 $0x0  }
0x1c0: {  	[tilespmem:s16], [sflag:$0x1] =	stream.linear.gather [hbm4b:s3+s19], $0x14000, $0x38;
	[tilespmem:$0x17C00] =	vst v63  }
0x1c1: {  	_ =	swait.ge [sflag:s14], $0x14000  }
0x1c2: {  	s20 =	simm.s32 $0x16800;
	[sflag:s14] =	ssyncset.done $0x0  }
0x1c3: {  	s21 =	simm.s32 $0x1400;
	s22 =	simm.s32 $0x0;
	[sflag:s14] =	ssyncadd.s32 $0xFFFEC000  }
.LBB2_24:
0x1c4: {  	v2 =	vmov s19;
	_ =	sdelay $0x3  }
0x1c5: {  	s23 =	simm.s32 $0x0  }
0x1c6: {  	v4 =	vld.idx.msk [tilespmem:v2+s23+$0x0 ss:$0x1], $0xffff;
	_ =	sdelay $0x1  }
0x1c7: {  	v3 =	vmov s21;
	_ =	sdelay $0x2  }
0x1c8: {  	v5 =	vshll.u32 v4, $0x3  }
0x1c9: {  	v1 =	vmov s20;
	s24 =	simm.s32 $0x40;
	v4 =	vand.u32 $0x7F, v4;
	v5 =	vand.u32 $0xFFFFFC00, v5  }
.LBB2_25:
0x1ca: {  	p0 =	sne.s32 s24, $0x1C0;
	v6 =	vld.idx.msk [tilespmem:v3+s23+$0x0 ss:$0x1], $0xffff;
	v4 =	vor.u32 v4, v5  }
0x1cb: {  	v5 =	vor.u32 $0x300, v4  }
0x1cc: {  	v7 =	vor.u32 $0x380, v4  }
0x1cd: {  	v8 =	vor.u32 $0x200, v4  }
0x1ce: {  	v10 =	vor.u32 $0x280, v4;
	v9 =	vld.idx.msk [tilespmem:v1+s23+$0x0 ss:$0x1], $0xffff  }
0x1cf: {  	v12 =	vor.u32 $0x100, v4;
	v11 =	vld.idx.msk [tilespmem:v4+s16+$0x0], $0xffff  }
0x1d0: {  	v14 =	vor.u32 $0x180, v4;
	v13 =	vshll.u32 v6, $0x3;
	v5 =	vld.idx.msk [tilespmem:v5+s16+$0x0], $0xffff  }
0x1d1: {  	v6 =	vand.u32 $0x7F, v6;
	v4 =	vor.u32 $0x80, v4;
	v13 =	vand.u32 $0xFFFFFC00, v13;
	v7 =	vld.idx.msk [tilespmem:v7+s16+$0x0], $0xffff  }
0x1d2: {  	v6 =	vor.u32 v6, v13;
	v8 =	vld.idx.msk [tilespmem:v8+s16+$0x0], $0xffff  }
0x1d3: {  	v13 =	vor.u32 $0x80, v6;
	v10 =	vld.idx.msk [tilespmem:v10+s16+$0x0], $0xffff  }
0x1d4: {  	v15 =	vor.u32 $0x100, v6;
	v12 =	vld.idx.msk [tilespmem:v12+s16+$0x0], $0xffff  }
0x1d5: {  	v16 =	vor.u32 $0x180, v6;
	v14 =	vld.idx.msk [tilespmem:v14+s16+$0x0], $0xffff  }
0x1d6: {  	v17 =	vor.u32 $0x200, v6;
	v4 =	vld.idx.msk [tilespmem:v4+s16+$0x0], $0xffff  }
0x1d7: {  	v19 =	vor.u32 $0x280, v6;
	v18 =	vld.idx.msk [tilespmem:v6+s16+$0x0], $0xffff  }
0x1d8: {  	v20 =	vor.u32 $0x300, v6;
	v13 =	vld.idx.msk [tilespmem:v13+s16+$0x0], $0xffff  }
0x1d9: {  	v6 =	vor.u32 $0x380, v6;
	v15 =	vld.idx.msk [tilespmem:v15+s16+$0x0], $0xffff  }
0x1da: {  	v16 =	vld.idx.msk [tilespmem:v16+s16+$0x0], $0xffff  }
0x1db: {  	v17 =	vld.idx.msk [tilespmem:v17+s16+$0x0], $0xffff  }
0x1dc: {  	v19 =	vld.idx.msk [tilespmem:v19+s16+$0x0], $0xffff  }
0x1dd: {  	v20 =	vld.idx.msk [tilespmem:v20+s16+$0x0], $0xffff  }
0x1de: {  	v11 =	vmul.f32 v18, v11;
	v4 =	vmul.f32 v13, v4;
	v6 =	vld.idx.msk [tilespmem:v6+s16+$0x0], $0xffff  }
0x1df: {  	v12 =	vmul.f32 v15, v12  }
0x1e0: {  	v9 =	vadd.f32 v11, v9;
	v4 =	vadd.f32 $0.0e+00, v4;
	v11 =	vmul.f32 v16, v14  }
0x1e1: {  	v8 =	vmul.f32 v17, v8  }
0x1e2: {  	v9 =	vadd.f32 v12, v9;
	v4 =	vadd.f32 v11, v4;
	v10 =	vmul.f32 v19, v10  }
0x1e3: {  	v5 =	vmul.f32 v20, v5  }
0x1e4: {  	v8 =	vadd.f32 v8, v9;
	v4 =	vadd.f32 v10, v4;
	v6 =	vmul.f32 v6, v7;
	_ =	sdelay $0x1  }
0x1e5: {  	v5 =	vadd.f32 v5, v8;
	v4 =	vadd.f32 v6, v4;
	_ =	sdelay $0x1  }
0x1e6: {  	v4 =	vadd.f32 v4, v5;
	_ =	sdelay $0x1  }
0x1e7: {  	[tilespmem:v1+s23+$0x0 ss:$0x1] =	vst.idx.msk $0xffff, v4;
	s23 =	sshra.s32 s24, $0x2  }
0x1e8: {  	v4 =	vld.idx.msk [tilespmem:v2+s23+$0x0 ss:$0x1], $0xffff;
	_ =	sdelay $0x2  }
.Ltmp11:
0x1e9: {  	(pc) =	sbr.rel @p0 .LBB2_25-.Ltmp11, $3  }
0x1ea: {  	_ =	sdelay $0x1  }
0x1eb: {  	v5 =	vshll.u32 v4, $0x3  }
0x1ec: {  	s24 =	sadd.s32 $0x40, s24;
	v4 =	vand.u32 $0x7F, v4;
	v5 =	vand.u32 $0xFFFFFC00, v5  }
0x1ed: {  	_ =	sdelay $0x2  }
0x1ee: {  	v2 =	vor.u32 v4, v5  }
0x1ef: {  	v3 =	vld.idx.msk [tilespmem:v3+s23+$0x0 ss:$0x1], $0xffff;
	v4 =	vor.u32 $0x300, v2  }
0x1f0: {  	v5 =	vor.u32 $0x380, v2  }
0x1f1: {  	v6 =	vor.u32 $0x200, v2  }
0x1f2: {  	v7 =	vld.idx.msk [tilespmem:v1+s23+$0x0 ss:$0x1], $0xffff;
	v8 =	vor.u32 $0x280, v2  }
0x1f3: {  	v10 =	vor.u32 $0x100, v2;
	v9 =	vld.idx.msk [tilespmem:v2+s16+$0x0], $0xffff  }
0x1f4: {  	v12 =	vor.u32 $0x180, v2;
	v11 =	vshll.u32 v3, $0x3;
	v4 =	vld.idx.msk [tilespmem:v4+s16+$0x0], $0xffff  }
0x1f5: {  	v3 =	vand.u32 $0x7F, v3;
	v2 =	vor.u32 $0x80, v2;
	v11 =	vand.u32 $0xFFFFFC00, v11;
	v5 =	vld.idx.msk [tilespmem:v5+s16+$0x0], $0xffff  }
0x1f6: {  	v6 =	vld.idx.msk [tilespmem:v6+s16+$0x0], $0xffff;
	v3 =	vor.u32 v3, v11  }
0x1f7: {  	v8 =	vld.idx.msk [tilespmem:v8+s16+$0x0], $0xffff;
	v11 =	vor.u32 $0x80, v3  }
0x1f8: {  	v10 =	vld.idx.msk [tilespmem:v10+s16+$0x0], $0xffff;
	v13 =	vor.u32 $0x100, v3  }
0x1f9: {  	v12 =	vld.idx.msk [tilespmem:v12+s16+$0x0], $0xffff;
	v14 =	vor.u32 $0x180, v3  }
0x1fa: {  	v15 =	vor.u32 $0x200, v3;
	v2 =	vld.idx.msk [tilespmem:v2+s16+$0x0], $0xffff  }
0x1fb: {  	v17 =	vor.u32 $0x280, v3;
	v16 =	vld.idx.msk [tilespmem:v3+s16+$0x0], $0xffff  }
0x1fc: {  	v18 =	vor.u32 $0x300, v3;
	v11 =	vld.idx.msk [tilespmem:v11+s16+$0x0], $0xffff  }
0x1fd: {  	v3 =	vor.u32 $0x380, v3;
	v13 =	vld.idx.msk [tilespmem:v13+s16+$0x0], $0xffff  }
0x1fe: {  	v14 =	vld.idx.msk [tilespmem:v14+s16+$0x0], $0xffff  }
0x1ff: {  	v15 =	vld.idx.msk [tilespmem:v15+s16+$0x0], $0xffff  }
0x200: {  	v17 =	vld.idx.msk [tilespmem:v17+s16+$0x0], $0xffff  }
0x201: {  	v18 =	vld.idx.msk [tilespmem:v18+s16+$0x0], $0xffff;
	v9 =	vmul.f32 v16, v9;
	v2 =	vmul.f32 v11, v2  }
0x202: {  	v3 =	vld.idx.msk [tilespmem:v3+s16+$0x0], $0xffff;
	v10 =	vmul.f32 v13, v10  }
0x203: {  	v63 =	vmul.f32 v14, v12;
	v7 =	vadd.f32 v9, v7;
	v2 =	vadd.f32 $0.0e+00, v2  }
0x204: {  	v6 =	vmul.f32 v15, v6  }
0x205: {  	v8 =	vmul.f32 v17, v8;
	v7 =	vadd.f32 v10, v7;
	v2 =	vadd.f32 v63, v2  }
0x206: {  	v4 =	vmul.f32 v18, v4  }
0x207: {  	s22 =	sadd.s32 $0x1, s22;
	v3 =	vmul.f32 v3, v5;
	v6 =	vadd.f32 v6, v7;
	v2 =	vadd.f32 v8, v2  }
0x208: {  	p0 =	sne.s32 s22, $0x28  }
.Ltmp12:
0x209: {  	v4 =	vadd.f32 v4, v6;
	v2 =	vadd.f32 v3, v2;
	(pc) =	sbr.rel @p0 .LBB2_24-.Ltmp12, $3  }
0x20a: {  	_ = 	snop  }
0x20b: {  	v2 =	vadd.f32 v2, v4;
	_ =	sdelay $0x1  }
0x20c: {  	s20 =	sadd.s32 $0x80, s20;
	s21 =	sadd.s32 $0x80, s21;
	s19 =	sadd.s32 $0x80, s19;
	[tilespmem:v1+s23+$0x0 ss:$0x1] =	vst.idx.msk $0xffff, v2  }
0x20d: {  	s19 =	simm.s32 $0x0  }
0x20e: {  	[tilespmem:s16], [sflag:$0x1] =	stream.linear.gather [hbm4b:s6+s19], $0x14000, $0x38;
	[tilespmem:$0x17C00] =	vst v63  }
0x20f: {  	_ =	swait.ge [sflag:s14], $0x14000  }
0x210: {  	s20 =	simm.s32 $0x16800;
	[sflag:s14] =	ssyncset.done $0x0  }
0x211: {  	s21 =	simm.s32 $0x1400;
	s22 =	simm.s32 $0x0;
	[sflag:s14] =	ssyncadd.s32 $0xFFFEC000  }
.LBB2_28:
0x212: {  	v2 =	vmov s19;
	_ =	sdelay $0x3  }
0x213: {  	s23 =	simm.s32 $0x0  }
0x214: {  	v4 =	vld.idx.msk [tilespmem:v2+s23+$0x0 ss:$0x1], $0xffff;
	_ =	sdelay $0x1  }
0x215: {  	v3 =	vmov s21;
	_ =	sdelay $0x2  }
0x216: {  	v5 =	vshll.u32 v4, $0x3  }
0x217: {  	v1 =	vmov s20;
	s24 =	simm.s32 $0x40;
	v4 =	vand.u32 $0x7F, v4;
	v5 =	vand.u32 $0xFFFFFC00, v5  }
.LBB2_29:
0x218: {  	p0 =	sne.s32 s24, $0x1C0;
	v6 =	vld.idx.msk [tilespmem:v3+s23+$0x0 ss:$0x1], $0xffff;
	v4 =	vor.u32 v4, v5  }
0x219: {  	v5 =	vor.u32 $0x300, v4  }
0x21a: {  	v7 =	vor.u32 $0x380, v4  }
0x21b: {  	v8 =	vor.u32 $0x200, v4  }
0x21c: {  	v10 =	vor.u32 $0x280, v4;
	v9 =	vld.idx.msk [tilespmem:v1+s23+$0x0 ss:$0x1], $0xffff  }
0x21d: {  	v12 =	vor.u32 $0x100, v4;
	v11 =	vld.idx.msk [tilespmem:v4+s16+$0x0], $0xffff  }
0x21e: {  	v14 =	vor.u32 $0x180, v4;
	v13 =	vshll.u32 v6, $0x3;
	v5 =	vld.idx.msk [tilespmem:v5+s16+$0x0], $0xffff  }
0x21f: {  	v6 =	vand.u32 $0x7F, v6;
	v4 =	vor.u32 $0x80, v4;
	v13 =	vand.u32 $0xFFFFFC00, v13;
	v7 =	vld.idx.msk [tilespmem:v7+s16+$0x0], $0xffff  }
0x220: {  	v6 =	vor.u32 v6, v13;
	v8 =	vld.idx.msk [tilespmem:v8+s16+$0x0], $0xffff  }
0x221: {  	v13 =	vor.u32 $0x80, v6;
	v10 =	vld.idx.msk [tilespmem:v10+s16+$0x0], $0xffff  }
0x222: {  	v15 =	vor.u32 $0x100, v6;
	v12 =	vld.idx.msk [tilespmem:v12+s16+$0x0], $0xffff  }
0x223: {  	v16 =	vor.u32 $0x180, v6;
	v14 =	vld.idx.msk [tilespmem:v14+s16+$0x0], $0xffff  }
0x224: {  	v17 =	vor.u32 $0x200, v6;
	v4 =	vld.idx.msk [tilespmem:v4+s16+$0x0], $0xffff  }
0x225: {  	v19 =	vor.u32 $0x280, v6;
	v18 =	vld.idx.msk [tilespmem:v6+s16+$0x0], $0xffff  }
0x226: {  	v20 =	vor.u32 $0x300, v6;
	v13 =	vld.idx.msk [tilespmem:v13+s16+$0x0], $0xffff  }
0x227: {  	v6 =	vor.u32 $0x380, v6;
	v15 =	vld.idx.msk [tilespmem:v15+s16+$0x0], $0xffff  }
0x228: {  	v16 =	vld.idx.msk [tilespmem:v16+s16+$0x0], $0xffff  }
0x229: {  	v17 =	vld.idx.msk [tilespmem:v17+s16+$0x0], $0xffff  }
0x22a: {  	v19 =	vld.idx.msk [tilespmem:v19+s16+$0x0], $0xffff  }
0x22b: {  	v20 =	vld.idx.msk [tilespmem:v20+s16+$0x0], $0xffff  }
0x22c: {  	v11 =	vmul.f32 v18, v11;
	v4 =	vmul.f32 v13, v4;
	v6 =	vld.idx.msk [tilespmem:v6+s16+$0x0], $0xffff  }
0x22d: {  	v12 =	vmul.f32 v15, v12  }
0x22e: {  	v9 =	vadd.f32 v11, v9;
	v4 =	vadd.f32 $0.0e+00, v4;
	v11 =	vmul.f32 v16, v14  }
0x22f: {  	v8 =	vmul.f32 v17, v8  }
0x230: {  	v9 =	vadd.f32 v12, v9;
	v4 =	vadd.f32 v11, v4;
	v10 =	vmul.f32 v19, v10  }
0x231: {  	v5 =	vmul.f32 v20, v5  }
0x232: {  	v8 =	vadd.f32 v8, v9;
	v4 =	vadd.f32 v10, v4;
	v6 =	vmul.f32 v6, v7;
	_ =	sdelay $0x1  }
0x233: {  	v5 =	vadd.f32 v5, v8;
	v4 =	vadd.f32 v6, v4;
	_ =	sdelay $0x1  }
0x234: {  	v4 =	vadd.f32 v4, v5;
	_ =	sdelay $0x1  }
0x235: {  	[tilespmem:v1+s23+$0x0 ss:$0x1] =	vst.idx.msk $0xffff, v4;
	s23 =	sshra.s32 s24, $0x2  }
0x236: {  	v4 =	vld.idx.msk [tilespmem:v2+s23+$0x0 ss:$0x1], $0xffff;
	_ =	sdelay $0x2  }
.Ltmp13:
0x237: {  	(pc) =	sbr.rel @p0 .LBB2_29-.Ltmp13, $3  }
0x238: {  	_ =	sdelay $0x1  }
0x239: {  	v5 =	vshll.u32 v4, $0x3  }
0x23a: {  	s24 =	sadd.s32 $0x40, s24;
	v4 =	vand.u32 $0x7F, v4;
	v5 =	vand.u32 $0xFFFFFC00, v5  }
0x23b: {  	_ =	sdelay $0x2  }
0x23c: {  	v2 =	vor.u32 v4, v5  }
0x23d: {  	v3 =	vld.idx.msk [tilespmem:v3+s23+$0x0 ss:$0x1], $0xffff;
	v4 =	vor.u32 $0x300, v2  }
0x23e: {  	v5 =	vor.u32 $0x380, v2  }
0x23f: {  	v6 =	vor.u32 $0x200, v2  }
0x240: {  	v7 =	vld.idx.msk [tilespmem:v1+s23+$0x0 ss:$0x1], $0xffff;
	v8 =	vor.u32 $0x280, v2  }
0x241: {  	v10 =	vor.u32 $0x100, v2;
	v9 =	vld.idx.msk [tilespmem:v2+s16+$0x0], $0xffff  }
0x242: {  	v12 =	vor.u32 $0x180, v2;
	v11 =	vshll.u32 v3, $0x3;
	v4 =	vld.idx.msk [tilespmem:v4+s16+$0x0], $0xffff  }
0x243: {  	v3 =	vand.u32 $0x7F, v3;
	v2 =	vor.u32 $0x80, v2;
	v11 =	vand.u32 $0xFFFFFC00, v11;
	v5 =	vld.idx.msk [tilespmem:v5+s16+$0x0], $0xffff  }
0x244: {  	v6 =	vld.idx.msk [tilespmem:v6+s16+$0x0], $0xffff;
	v3 =	vor.u32 v3, v11  }
0x245: {  	v8 =	vld.idx.msk [tilespmem:v8+s16+$0x0], $0xffff;
	v11 =	vor.u32 $0x80, v3  }
0x246: {  	v10 =	vld.idx.msk [tilespmem:v10+s16+$0x0], $0xffff;
	v13 =	vor.u32 $0x100, v3  }
0x247: {  	v12 =	vld.idx.msk [tilespmem:v12+s16+$0x0], $0xffff;
	v14 =	vor.u32 $0x180, v3  }
0x248: {  	v15 =	vor.u32 $0x200, v3;
	v2 =	vld.idx.msk [tilespmem:v2+s16+$0x0], $0xffff  }
0x249: {  	v17 =	vor.u32 $0x280, v3;
	v16 =	vld.idx.msk [tilespmem:v3+s16+$0x0], $0xffff  }
0x24a: {  	v18 =	vor.u32 $0x300, v3;
	v11 =	vld.idx.msk [tilespmem:v11+s16+$0x0], $0xffff  }
0x24b: {  	v3 =	vor.u32 $0x380, v3;
	v13 =	vld.idx.msk [tilespmem:v13+s16+$0x0], $0xffff  }
0x24c: {  	v14 =	vld.idx.msk [tilespmem:v14+s16+$0x0], $0xffff  }
0x24d: {  	v15 =	vld.idx.msk [tilespmem:v15+s16+$0x0], $0xffff  }
0x24e: {  	v17 =	vld.idx.msk [tilespmem:v17+s16+$0x0], $0xffff  }
0x24f: {  	v18 =	vld.idx.msk [tilespmem:v18+s16+$0x0], $0xffff;
	v9 =	vmul.f32 v16, v9;
	v2 =	vmul.f32 v11, v2  }
0x250: {  	v3 =	vld.idx.msk [tilespmem:v3+s16+$0x0], $0xffff;
	v10 =	vmul.f32 v13, v10  }
0x251: {  	v63 =	vmul.f32 v14, v12;
	v7 =	vadd.f32 v9, v7;
	v2 =	vadd.f32 $0.0e+00, v2  }
0x252: {  	v6 =	vmul.f32 v15, v6  }
0x253: {  	v8 =	vmul.f32 v17, v8;
	v7 =	vadd.f32 v10, v7;
	v2 =	vadd.f32 v63, v2  }
0x254: {  	v4 =	vmul.f32 v18, v4  }
0x255: {  	s22 =	sadd.s32 $0x1, s22;
	v3 =	vmul.f32 v3, v5;
	v6 =	vadd.f32 v6, v7;
	v2 =	vadd.f32 v8, v2  }
0x256: {  	p0 =	sne.s32 s22, $0x28  }
.Ltmp14:
0x257: {  	v4 =	vadd.f32 v4, v6;
	v2 =	vadd.f32 v3, v2;
	(pc) =	sbr.rel @p0 .LBB2_28-.Ltmp14, $3  }
0x258: {  	_ = 	snop  }
0x259: {  	v2 =	vadd.f32 v2, v4;
	_ =	sdelay $0x1  }
0x25a: {  	s20 =	sadd.s32 $0x80, s20;
	s21 =	sadd.s32 $0x80, s21;
	s19 =	sadd.s32 $0x80, s19;
	[tilespmem:v1+s23+$0x0 ss:$0x1] =	vst.idx.msk $0xffff, v2  }
0x25b: {  	s19 =	simm.s32 $0x0  }
0x25c: {  	[tilespmem:s16], [sflag:$0x1] =	stream.linear.gather [hbm4b:s7+s19], $0x14000, $0x38;
	[tilespmem:$0x17C00] =	vst v63  }
0x25d: {  	_ =	swait.ge [sflag:s14], $0x14000  }
0x25e: {  	s20 =	simm.s32 $0x16800;
	[sflag:s14] =	ssyncset.done $0x0  }
0x25f: {  	s21 =	simm.s32 $0x1400;
	s22 =	simm.s32 $0x0;
	[sflag:s14] =	ssyncadd.s32 $0xFFFEC000  }
.LBB2_32:
0x260: {  	v2 =	vmov s19;
	_ =	sdelay $0x3  }
0x261: {  	s23 =	simm.s32 $0x0  }
0x262: {  	v4 =	vld.idx.msk [tilespmem:v2+s23+$0x0 ss:$0x1], $0xffff;
	_ =	sdelay $0x1  }
0x263: {  	v3 =	vmov s21;
	_ =	sdelay $0x2  }
0x264: {  	v5 =	vshll.u32 v4, $0x3  }
0x265: {  	v1 =	vmov s20;
	s24 =	simm.s32 $0x40;
	v4 =	vand.u32 $0x7F, v4;
	v5 =	vand.u32 $0xFFFFFC00, v5  }
.LBB2_33:
0x266: {  	p0 =	sne.s32 s24, $0x1C0;
	v6 =	vld.idx.msk [tilespmem:v3+s23+$0x0 ss:$0x1], $0xffff;
	v4 =	vor.u32 v4, v5  }
0x267: {  	v5 =	vor.u32 $0x300, v4  }
0x268: {  	v7 =	vor.u32 $0x380, v4  }
0x269: {  	v8 =	vor.u32 $0x200, v4  }
0x26a: {  	v10 =	vor.u32 $0x280, v4;
	v9 =	vld.idx.msk [tilespmem:v1+s23+$0x0 ss:$0x1], $0xffff  }
0x26b: {  	v12 =	vor.u32 $0x100, v4;
	v11 =	vld.idx.msk [tilespmem:v4+s16+$0x0], $0xffff  }
0x26c: {  	v14 =	vor.u32 $0x180, v4;
	v13 =	vshll.u32 v6, $0x3;
	v5 =	vld.idx.msk [tilespmem:v5+s16+$0x0], $0xffff  }
0x26d: {  	v6 =	vand.u32 $0x7F, v6;
	v4 =	vor.u32 $0x80, v4;
	v13 =	vand.u32 $0xFFFFFC00, v13;
	v7 =	vld.idx.msk [tilespmem:v7+s16+$0x0], $0xffff  }
0x26e: {  	v6 =	vor.u32 v6, v13;
	v8 =	vld.idx.msk [tilespmem:v8+s16+$0x0], $0xffff  }
0x26f: {  	v13 =	vor.u32 $0x80, v6;
	v10 =	vld.idx.msk [tilespmem:v10+s16+$0x0], $0xffff  }
0x270: {  	v15 =	vor.u32 $0x100, v6;
	v12 =	vld.idx.msk [tilespmem:v12+s16+$0x0], $0xffff  }
0x271: {  	v16 =	vor.u32 $0x180, v6;
	v14 =	vld.idx.msk [tilespmem:v14+s16+$0x0], $0xffff  }
0x272: {  	v17 =	vor.u32 $0x200, v6;
	v4 =	vld.idx.msk [tilespmem:v4+s16+$0x0], $0xffff  }
0x273: {  	v19 =	vor.u32 $0x280, v6;
	v18 =	vld.idx.msk [tilespmem:v6+s16+$0x0], $0xffff  }
0x274: {  	v20 =	vor.u32 $0x300, v6;
	v13 =	vld.idx.msk [tilespmem:v13+s16+$0x0], $0xffff  }
0x275: {  	v6 =	vor.u32 $0x380, v6;
	v15 =	vld.idx.msk [tilespmem:v15+s16+$0x0], $0xffff  }
0x276: {  	v16 =	vld.idx.msk [tilespmem:v16+s16+$0x0], $0xffff  }
0x277: {  	v17 =	vld.idx.msk [tilespmem:v17+s16+$0x0], $0xffff  }
0x278: {  	v19 =	vld.idx.msk [tilespmem:v19+s16+$0x0], $0xffff  }
0x279: {  	v20 =	vld.idx.msk [tilespmem:v20+s16+$0x0], $0xffff  }
0x27a: {  	v11 =	vmul.f32 v18, v11;
	v4 =	vmul.f32 v13, v4;
	v6 =	vld.idx.msk [tilespmem:v6+s16+$0x0], $0xffff  }
0x27b: {  	v12 =	vmul.f32 v15, v12  }
0x27c: {  	v9 =	vadd.f32 v11, v9;
	v4 =	vadd.f32 $0.0e+00, v4;
	v11 =	vmul.f32 v16, v14  }
0x27d: {  	v8 =	vmul.f32 v17, v8  }
0x27e: {  	v9 =	vadd.f32 v12, v9;
	v4 =	vadd.f32 v11, v4;
	v10 =	vmul.f32 v19, v10  }
0x27f: {  	v5 =	vmul.f32 v20, v5  }
0x280: {  	v8 =	vadd.f32 v8, v9;
	v4 =	vadd.f32 v10, v4;
	v6 =	vmul.f32 v6, v7;
	_ =	sdelay $0x1  }
0x281: {  	v5 =	vadd.f32 v5, v8;
	v4 =	vadd.f32 v6, v4;
	_ =	sdelay $0x1  }
0x282: {  	v4 =	vadd.f32 v4, v5;
	_ =	sdelay $0x1  }
0x283: {  	[tilespmem:v1+s23+$0x0 ss:$0x1] =	vst.idx.msk $0xffff, v4;
	s23 =	sshra.s32 s24, $0x2  }
0x284: {  	v4 =	vld.idx.msk [tilespmem:v2+s23+$0x0 ss:$0x1], $0xffff;
	_ =	sdelay $0x2  }
.Ltmp15:
0x285: {  	(pc) =	sbr.rel @p0 .LBB2_33-.Ltmp15, $3  }
0x286: {  	_ =	sdelay $0x1  }
0x287: {  	v5 =	vshll.u32 v4, $0x3  }
0x288: {  	s24 =	sadd.s32 $0x40, s24;
	v4 =	vand.u32 $0x7F, v4;
	v5 =	vand.u32 $0xFFFFFC00, v5  }
0x289: {  	_ =	sdelay $0x2  }
0x28a: {  	v2 =	vor.u32 v4, v5  }
0x28b: {  	v3 =	vld.idx.msk [tilespmem:v3+s23+$0x0 ss:$0x1], $0xffff;
	v4 =	vor.u32 $0x300, v2  }
0x28c: {  	v5 =	vor.u32 $0x380, v2  }
0x28d: {  	v6 =	vor.u32 $0x200, v2  }
0x28e: {  	v7 =	vld.idx.msk [tilespmem:v1+s23+$0x0 ss:$0x1], $0xffff;
	v8 =	vor.u32 $0x280, v2  }
0x28f: {  	v10 =	vor.u32 $0x100, v2;
	v9 =	vld.idx.msk [tilespmem:v2+s16+$0x0], $0xffff  }
0x290: {  	v12 =	vor.u32 $0x180, v2;
	v11 =	vshll.u32 v3, $0x3;
	v4 =	vld.idx.msk [tilespmem:v4+s16+$0x0], $0xffff  }
0x291: {  	v3 =	vand.u32 $0x7F, v3;
	v2 =	vor.u32 $0x80, v2;
	v11 =	vand.u32 $0xFFFFFC00, v11;
	v5 =	vld.idx.msk [tilespmem:v5+s16+$0x0], $0xffff  }
0x292: {  	v6 =	vld.idx.msk [tilespmem:v6+s16+$0x0], $0xffff;
	v3 =	vor.u32 v3, v11  }
0x293: {  	v8 =	vld.idx.msk [tilespmem:v8+s16+$0x0], $0xffff;
	v11 =	vor.u32 $0x80, v3  }
0x294: {  	v10 =	vld.idx.msk [tilespmem:v10+s16+$0x0], $0xffff;
	v13 =	vor.u32 $0x100, v3  }
0x295: {  	v12 =	vld.idx.msk [tilespmem:v12+s16+$0x0], $0xffff;
	v14 =	vor.u32 $0x180, v3  }
0x296: {  	v15 =	vor.u32 $0x200, v3;
	v2 =	vld.idx.msk [tilespmem:v2+s16+$0x0], $0xffff  }
0x297: {  	v17 =	vor.u32 $0x280, v3;
	v16 =	vld.idx.msk [tilespmem:v3+s16+$0x0], $0xffff  }
0x298: {  	v18 =	vor.u32 $0x300, v3;
	v11 =	vld.idx.msk [tilespmem:v11+s16+$0x0], $0xffff  }
0x299: {  	v3 =	vor.u32 $0x380, v3;
	v13 =	vld.idx.msk [tilespmem:v13+s16+$0x0], $0xffff  }
0x29a: {  	v14 =	vld.idx.msk [tilespmem:v14+s16+$0x0], $0xffff  }
0x29b: {  	v15 =	vld.idx.msk [tilespmem:v15+s16+$0x0], $0xffff  }
0x29c: {  	v17 =	vld.idx.msk [tilespmem:v17+s16+$0x0], $0xffff  }
0x29d: {  	v18 =	vld.idx.msk [tilespmem:v18+s16+$0x0], $0xffff;
	v9 =	vmul.f32 v16, v9;
	v2 =	vmul.f32 v11, v2  }
0x29e: {  	v3 =	vld.idx.msk [tilespmem:v3+s16+$0x0], $0xffff;
	v10 =	vmul.f32 v13, v10  }
0x29f: {  	v63 =	vmul.f32 v14, v12;
	v7 =	vadd.f32 v9, v7;
	v2 =	vadd.f32 $0.0e+00, v2  }
0x2a0: {  	v6 =	vmul.f32 v15, v6  }
0x2a1: {  	v8 =	vmul.f32 v17, v8;
	v7 =	vadd.f32 v10, v7;
	v2 =	vadd.f32 v63, v2  }
0x2a2: {  	v4 =	vmul.f32 v18, v4  }
0x2a3: {  	s22 =	sadd.s32 $0x1, s22;
	v3 =	vmul.f32 v3, v5;
	v6 =	vadd.f32 v6, v7;
	v2 =	vadd.f32 v8, v2  }
0x2a4: {  	p0 =	sne.s32 s22, $0x28  }
.Ltmp16:
0x2a5: {  	v4 =	vadd.f32 v4, v6;
	v2 =	vadd.f32 v3, v2;
	(pc) =	sbr.rel @p0 .LBB2_32-.Ltmp16, $3  }
0x2a6: {  	_ = 	snop  }
0x2a7: {  	v2 =	vadd.f32 v2, v4;
	_ =	sdelay $0x1  }
0x2a8: {  	s20 =	sadd.s32 $0x80, s20;
	s21 =	sadd.s32 $0x80, s21;
	s19 =	sadd.s32 $0x80, s19;
	[tilespmem:v1+s23+$0x0 ss:$0x1] =	vst.idx.msk $0xffff, v2  }
0x2a9: {  	s19 =	simm.s32 $0x0  }
0x2aa: {  	[tilespmem:s16], [sflag:$0x1] =	stream.linear.gather [hbm4b:s8+s19], $0x14000, $0x38;
	[tilespmem:$0x17C00] =	vst v63  }
0x2ab: {  	_ =	swait.ge [sflag:s14], $0x14000  }
0x2ac: {  	s20 =	simm.s32 $0x16800;
	[sflag:s14] =	ssyncset.done $0x0  }
0x2ad: {  	s21 =	simm.s32 $0x1400;
	s22 =	simm.s32 $0x0;
	[sflag:s14] =	ssyncadd.s32 $0xFFFEC000  }
.LBB2_36:
0x2ae: {  	v2 =	vmov s19;
	_ =	sdelay $0x3  }
0x2af: {  	s23 =	simm.s32 $0x0  }
0x2b0: {  	v4 =	vld.idx.msk [tilespmem:v2+s23+$0x0 ss:$0x1], $0xffff;
	_ =	sdelay $0x1  }
0x2b1: {  	v3 =	vmov s21;
	_ =	sdelay $0x2  }
0x2b2: {  	v5 =	vshll.u32 v4, $0x3  }
0x2b3: {  	v1 =	vmov s20;
	s24 =	simm.s32 $0x40;
	v4 =	vand.u32 $0x7F, v4;
	v5 =	vand.u32 $0xFFFFFC00, v5  }
.LBB2_37:
0x2b4: {  	p0 =	sne.s32 s24, $0x1C0;
	v6 =	vld.idx.msk [tilespmem:v3+s23+$0x0 ss:$0x1], $0xffff;
	v4 =	vor.u32 v4, v5  }
0x2b5: {  	v5 =	vor.u32 $0x300, v4  }
0x2b6: {  	v7 =	vor.u32 $0x380, v4  }
0x2b7: {  	v8 =	vor.u32 $0x200, v4  }
0x2b8: {  	v10 =	vor.u32 $0x280, v4;
	v9 =	vld.idx.msk [tilespmem:v1+s23+$0x0 ss:$0x1], $0xffff  }
0x2b9: {  	v12 =	vor.u32 $0x100, v4;
	v11 =	vld.idx.msk [tilespmem:v4+s16+$0x0], $0xffff  }
0x2ba: {  	v14 =	vor.u32 $0x180, v4;
	v13 =	vshll.u32 v6, $0x3;
	v5 =	vld.idx.msk [tilespmem:v5+s16+$0x0], $0xffff  }
0x2bb: {  	v6 =	vand.u32 $0x7F, v6;
	v4 =	vor.u32 $0x80, v4;
	v13 =	vand.u32 $0xFFFFFC00, v13;
	v7 =	vld.idx.msk [tilespmem:v7+s16+$0x0], $0xffff  }
0x2bc: {  	v6 =	vor.u32 v6, v13;
	v8 =	vld.idx.msk [tilespmem:v8+s16+$0x0], $0xffff  }
0x2bd: {  	v13 =	vor.u32 $0x80, v6;
	v10 =	vld.idx.msk [tilespmem:v10+s16+$0x0], $0xffff  }
0x2be: {  	v15 =	vor.u32 $0x100, v6;
	v12 =	vld.idx.msk [tilespmem:v12+s16+$0x0], $0xffff  }
0x2bf: {  	v16 =	vor.u32 $0x180, v6;
	v14 =	vld.idx.msk [tilespmem:v14+s16+$0x0], $0xffff  }
0x2c0: {  	v17 =	vor.u32 $0x200, v6;
	v4 =	vld.idx.msk [tilespmem:v4+s16+$0x0], $0xffff  }
0x2c1: {  	v19 =	vor.u32 $0x280, v6;
	v18 =	vld.idx.msk [tilespmem:v6+s16+$0x0], $0xffff  }
0x2c2: {  	v20 =	vor.u32 $0x300, v6;
	v13 =	vld.idx.msk [tilespmem:v13+s16+$0x0], $0xffff  }
0x2c3: {  	v6 =	vor.u32 $0x380, v6;
	v15 =	vld.idx.msk [tilespmem:v15+s16+$0x0], $0xffff  }
0x2c4: {  	v16 =	vld.idx.msk [tilespmem:v16+s16+$0x0], $0xffff  }
0x2c5: {  	v17 =	vld.idx.msk [tilespmem:v17+s16+$0x0], $0xffff  }
0x2c6: {  	v19 =	vld.idx.msk [tilespmem:v19+s16+$0x0], $0xffff  }
0x2c7: {  	v20 =	vld.idx.msk [tilespmem:v20+s16+$0x0], $0xffff  }
0x2c8: {  	v11 =	vmul.f32 v18, v11;
	v4 =	vmul.f32 v13, v4;
	v6 =	vld.idx.msk [tilespmem:v6+s16+$0x0], $0xffff  }
0x2c9: {  	v12 =	vmul.f32 v15, v12  }
0x2ca: {  	v9 =	vadd.f32 v11, v9;
	v4 =	vadd.f32 $0.0e+00, v4;
	v11 =	vmul.f32 v16, v14  }
0x2cb: {  	v8 =	vmul.f32 v17, v8  }
0x2cc: {  	v9 =	vadd.f32 v12, v9;
	v4 =	vadd.f32 v11, v4;
	v10 =	vmul.f32 v19, v10  }
0x2cd: {  	v5 =	vmul.f32 v20, v5  }
0x2ce: {  	v8 =	vadd.f32 v8, v9;
	v4 =	vadd.f32 v10, v4;
	v6 =	vmul.f32 v6, v7;
	_ =	sdelay $0x1  }
0x2cf: {  	v5 =	vadd.f32 v5, v8;
	v4 =	vadd.f32 v6, v4;
	_ =	sdelay $0x1  }
0x2d0: {  	v4 =	vadd.f32 v4, v5;
	_ =	sdelay $0x1  }
0x2d1: {  	[tilespmem:v1+s23+$0x0 ss:$0x1] =	vst.idx.msk $0xffff, v4;
	s23 =	sshra.s32 s24, $0x2  }
0x2d2: {  	v4 =	vld.idx.msk [tilespmem:v2+s23+$0x0 ss:$0x1], $0xffff;
	_ =	sdelay $0x2  }
.Ltmp17:
0x2d3: {  	(pc) =	sbr.rel @p0 .LBB2_37-.Ltmp17, $3  }
0x2d4: {  	_ =	sdelay $0x1  }
0x2d5: {  	v5 =	vshll.u32 v4, $0x3  }
0x2d6: {  	s24 =	sadd.s32 $0x40, s24;
	v4 =	vand.u32 $0x7F, v4;
	v5 =	vand.u32 $0xFFFFFC00, v5  }
0x2d7: {  	_ =	sdelay $0x2  }
0x2d8: {  	v2 =	vor.u32 v4, v5  }
0x2d9: {  	v3 =	vld.idx.msk [tilespmem:v3+s23+$0x0 ss:$0x1], $0xffff;
	v4 =	vor.u32 $0x300, v2  }
0x2da: {  	v5 =	vor.u32 $0x380, v2  }
0x2db: {  	v6 =	vor.u32 $0x200, v2  }
0x2dc: {  	v7 =	vld.idx.msk [tilespmem:v1+s23+$0x0 ss:$0x1], $0xffff;
	v8 =	vor.u32 $0x280, v2  }
0x2dd: {  	v10 =	vor.u32 $0x100, v2;
	v9 =	vld.idx.msk [tilespmem:v2+s16+$0x0], $0xffff  }
0x2de: {  	v12 =	vor.u32 $0x180, v2;
	v11 =	vshll.u32 v3, $0x3;
	v4 =	vld.idx.msk [tilespmem:v4+s16+$0x0], $0xffff  }
0x2df: {  	v3 =	vand.u32 $0x7F, v3;
	v2 =	vor.u32 $0x80, v2;
	v11 =	vand.u32 $0xFFFFFC00, v11;
	v5 =	vld.idx.msk [tilespmem:v5+s16+$0x0], $0xffff  }
0x2e0: {  	v6 =	vld.idx.msk [tilespmem:v6+s16+$0x0], $0xffff;
	v3 =	vor.u32 v3, v11  }
0x2e1: {  	v8 =	vld.idx.msk [tilespmem:v8+s16+$0x0], $0xffff;
	v11 =	vor.u32 $0x80, v3  }
0x2e2: {  	v10 =	vld.idx.msk [tilespmem:v10+s16+$0x0], $0xffff;
	v13 =	vor.u32 $0x100, v3  }
0x2e3: {  	v12 =	vld.idx.msk [tilespmem:v12+s16+$0x0], $0xffff;
	v14 =	vor.u32 $0x180, v3  }
0x2e4: {  	v15 =	vor.u32 $0x200, v3;
	v2 =	vld.idx.msk [tilespmem:v2+s16+$0x0], $0xffff  }
0x2e5: {  	v17 =	vor.u32 $0x280, v3;
	v16 =	vld.idx.msk [tilespmem:v3+s16+$0x0], $0xffff  }
0x2e6: {  	v18 =	vor.u32 $0x300, v3;
	v11 =	vld.idx.msk [tilespmem:v11+s16+$0x0], $0xffff  }
0x2e7: {  	v3 =	vor.u32 $0x380, v3;
	v13 =	vld.idx.msk [tilespmem:v13+s16+$0x0], $0xffff  }
0x2e8: {  	v14 =	vld.idx.msk [tilespmem:v14+s16+$0x0], $0xffff  }
0x2e9: {  	v15 =	vld.idx.msk [tilespmem:v15+s16+$0x0], $0xffff  }
0x2ea: {  	v17 =	vld.idx.msk [tilespmem:v17+s16+$0x0], $0xffff  }
0x2eb: {  	v18 =	vld.idx.msk [tilespmem:v18+s16+$0x0], $0xffff;
	v9 =	vmul.f32 v16, v9;
	v2 =	vmul.f32 v11, v2  }
0x2ec: {  	v3 =	vld.idx.msk [tilespmem:v3+s16+$0x0], $0xffff;
	v10 =	vmul.f32 v13, v10  }
0x2ed: {  	v63 =	vmul.f32 v14, v12;
	v7 =	vadd.f32 v9, v7;
	v2 =	vadd.f32 $0.0e+00, v2  }
0x2ee: {  	v6 =	vmul.f32 v15, v6  }
0x2ef: {  	v8 =	vmul.f32 v17, v8;
	v7 =	vadd.f32 v10, v7;
	v2 =	vadd.f32 v63, v2  }
0x2f0: {  	v4 =	vmul.f32 v18, v4  }
0x2f1: {  	s22 =	sadd.s32 $0x1, s22;
	v3 =	vmul.f32 v3, v5;
	v6 =	vadd.f32 v6, v7;
	v2 =	vadd.f32 v8, v2  }
0x2f2: {  	p0 =	sne.s32 s22, $0x28  }
.Ltmp18:
0x2f3: {  	v4 =	vadd.f32 v4, v6;
	v2 =	vadd.f32 v3, v2;
	(pc) =	sbr.rel @p0 .LBB2_36-.Ltmp18, $3  }
0x2f4: {  	_ = 	snop  }
0x2f5: {  	v2 =	vadd.f32 v2, v4;
	_ =	sdelay $0x1  }
0x2f6: {  	s20 =	sadd.s32 $0x80, s20;
	s21 =	sadd.s32 $0x80, s21;
	s19 =	sadd.s32 $0x80, s19;
	[tilespmem:v1+s23+$0x0 ss:$0x1] =	vst.idx.msk $0xffff, v2  }
0x2f7: {  	s19 =	simm.s32 $0x0  }
0x2f8: {  	v4 =	vld [tilespmem:s19+$0x16800]  }
0x2f9: {  	v6 =	vld [tilespmem:s19+$0x16810]  }
0x2fa: {  	v5 =	vld [tilespmem:s19+$0x16820]  }
0x2fb: {  	v2 =	vld [tilespmem:s19+$0x16830]  }
0x2fc: {  	v3 =	vld [tilespmem:s19+$0x16840]  }
0x2fd: {  	v1 =	vld [tilespmem:s19+$0x16850];
	v7 =	vsub.f32 $0.0e+00, v4  }
0x2fe: {  	s20 =	simm.s32 $0x200;
	v6 =	vsub.f32 $0.0e+00, v6;
	v4 =	vld [tilespmem:s19+$0x16860]  }
.LBB2_40:
0x2ff: {  	p0 =	sne.s32 s20, $0x4E00;
	v7 =	vmul.f32 $1.442695020e+00, v7;
	v5 =	vsub.f32 $0.0e+00, v5;
	v8 =	vld [tilespmem:s19+$0x16870]  }
0x300: {  	v6 =	vmul.f32 $1.442695020e+00, v6;
	v2 =	vsub.f32 $0.0e+00, v2  }
0x301: {  	v5 =	vmul.f32 $1.442695020e+00, v5;
	v3 =	vsub.f32 $0.0e+00, v3;
	(erf) = vpow2.f32 v7  }
0x302: {  	v2 =	vmul.f32 $1.442695020e+00, v2;
	v1 =	vsub.f32 $0.0e+00, v1;
	(erf) = vpow2.f32 v6  }
0x303: {  	v3 =	vmul.f32 $1.442695020e+00, v3;
	v4 =	vsub.f32 $0.0e+00, v4;
	(erf) = vpow2.f32 v5  }
0x304: {  	v1 =	vmul.f32 $1.442695020e+00, v1;
	v5 =	vsub.f32 $0.0e+00, v8;
	(erf) = vpow2.f32 v2  }
0x305: {  	v2 =	vmul.f32 $1.442695020e+00, v4;
	(erf) = vpow2.f32 v3  }
0x306: {  	v3 =	vmul.f32 $1.442695020e+00, v5;
	(erf) = vpow2.f32 v1  }
0x307: {  	(erf) = vpow2.f32 v2  }
0x308: {  	(erf) = vpow2.f32 v3;
	_ =	sdelay $0x1  }
0x309: {  	v1 =	vpop (erf)  }
0x30a: {  	v4 =	vadd.f32 $1.000000000e+00, v1;
	v2 =	vpop (erf)  }
0x30b: {  	v5 =	vadd.f32 $1.000000000e+00, v2;
	v3 =	vpop (erf)  }
0x30c: {  	v6 =	vadd.f32 $1.000000000e+00, v3;
	(erf) = vrcp.f32 v4;
	v1 =	vpop (erf)  }
0x30d: {  	v4 =	vadd.f32 $1.000000000e+00, v1;
	(erf) = vrcp.f32 v5;
	v2 =	vpop (erf)  }
0x30e: {  	v5 =	vadd.f32 $1.000000000e+00, v2;
	(erf) = vrcp.f32 v6;
	v3 =	vpop (erf)  }
0x30f: {  	v3 =	vadd.f32 $1.000000000e+00, v3;
	(erf) = vrcp.f32 v4;
	v1 =	vpop (erf)  }
0x310: {  	v1 =	vadd.f32 $1.000000000e+00, v1;
	(erf) = vrcp.f32 v5;
	v2 =	vpop (erf)  }
0x311: {  	v2 =	vadd.f32 $1.000000000e+00, v2;
	(erf) = vrcp.f32 v3  }
0x312: {  	(erf) = vrcp.f32 v1  }
0x313: {  	(erf) = vrcp.f32 v2;
	_ =	sdelay $0x1  }
0x314: {  	v1 =	vpop (erf)  }
0x315: {  	s21 =	sshra.s32 s20, $0x2;
	[tilespmem:s19+$0x16800] =	vst v1;
	v1 =	vpop (erf)  }
0x316: {  	v4 =	vld [tilespmem:s21+$0x16800];
	[tilespmem:s19+$0x16810] =	vst v1;
	v1 =	vpop (erf)  }
0x317: {  	v6 =	vld [tilespmem:s21+$0x16810];
	[tilespmem:s19+$0x16820] =	vst v1;
	v1 =	vpop (erf)  }
.Ltmp19:
0x318: {  	v5 =	vld [tilespmem:s21+$0x16820];
	[tilespmem:s19+$0x16830] =	vst v1;
	v1 =	vpop (erf);
	(pc) =	sbr.rel @p0 .LBB2_40-.Ltmp19, $4  }
0x319: {  	v2 =	vld [tilespmem:s21+$0x16830];
	[tilespmem:s19+$0x16840] =	vst v1;
	v1 =	vpop (erf)  }
0x31a: {  	v3 =	vld [tilespmem:s21+$0x16840];
	[tilespmem:s19+$0x16850] =	vst v1;
	v8 =	vpop (erf)  }
0x31b: {  	v7 =	vsub.f32 $0.0e+00, v4;
	v1 =	vld [tilespmem:s21+$0x16850];
	[tilespmem:s19+$0x16860] =	vst v8;
	v8 =	vpop (erf)  }
0x31c: {  	s20 =	sadd.s32 $0x200, s20;
	v6 =	vsub.f32 $0.0e+00, v6;
	v4 =	vld [tilespmem:s21+$0x16860];
	[tilespmem:s19+$0x16870] =	vst v8;
	s19 =	smov.u32 s21  }
0x31d: {  	v7 =	vmul.f32 $1.442695020e+00, v7  }
0x31e: {  	v6 =	vmul.f32 $1.442695020e+00, v6  }
0x31f: {  	v5 =	vsub.f32 $0.0e+00, v5;
	(erf) = vpow2.f32 v7  }
0x320: {  	v2 =	vsub.f32 $0.0e+00, v2;
	(erf) = vpow2.f32 v6  }
0x321: {  	v8 =	vld [tilespmem:s19+$0x16870];
	v5 =	vmul.f32 $1.442695020e+00, v5;
	v3 =	vsub.f32 $0.0e+00, v3  }
0x322: {  	v2 =	vmul.f32 $1.442695020e+00, v2;
	v1 =	vsub.f32 $0.0e+00, v1  }
0x323: {  	v3 =	vmul.f32 $1.442695020e+00, v3;
	v4 =	vsub.f32 $0.0e+00, v4;
	(erf) = vpow2.f32 v5  }
0x324: {  	v1 =	vmul.f32 $1.442695020e+00, v1;
	(erf) = vpow2.f32 v2  }
0x325: {  	v2 =	vmul.f32 $1.442695020e+00, v4;
	(erf) = vpow2.f32 v3  }
0x326: {  	v63 =	vsub.f32 $0.0e+00, v8;
	_ =	sdelay $0x1  }
0x327: {  	v3 =	vmul.f32 $1.442695020e+00, v63;
	(erf) = vpow2.f32 v1;
	v1 =	vpop (erf)  }
0x328: {  	(erf) = vpow2.f32 v2;
	v1 =	vadd.f32 $1.000000000e+00, v1;
	v2 =	vpop (erf)  }
0x329: {  	(erf) = vpow2.f32 v3;
	v2 =	vadd.f32 $1.000000000e+00, v2;
	_ =	sdelay $0x1  }
0x32a: {  	v3 =	vpop (erf)  }
0x32b: {  	v3 =	vadd.f32 $1.000000000e+00, v3;
	(erf) = vrcp.f32 v1;
	v1 =	vpop (erf)  }
0x32c: {  	(erf) = vrcp.f32 v2;
	v1 =	vadd.f32 $1.000000000e+00, v1;
	v2 =	vpop (erf)  }
0x32d: {  	v2 =	vadd.f32 $1.000000000e+00, v2;
	_ =	sdelay $0x1  }
0x32e: {  	(erf) = vrcp.f32 v3;
	v3 =	vpop (erf)  }
0x32f: {  	v3 =	vadd.f32 $1.000000000e+00, v3;
	(erf) = vrcp.f32 v1;
	v1 =	vpop (erf)  }
0x330: {  	(erf) = vrcp.f32 v2;
	v1 =	vadd.f32 $1.000000000e+00, v1;
	v2 =	vpop (erf)  }
0x331: {  	(erf) = vrcp.f32 v3;
	v2 =	vadd.f32 $1.000000000e+00, v2  }
0x332: {  	(erf) = vrcp.f32 v1  }
0x333: {  	(erf) = vrcp.f32 v2;
	_ =	sdelay $0x1  }
0x334: {  	v1 =	vpop (erf)  }
0x335: {  	[tilespmem:s19+$0x16800] =	vst v1;
	v1 =	vpop (erf)  }
0x336: {  	[tilespmem:s19+$0x16810] =	vst v1;
	v1 =	vpop (erf)  }
0x337: {  	[tilespmem:s19+$0x16820] =	vst v1;
	v1 =	vpop (erf)  }
0x338: {  	[tilespmem:s19+$0x16830] =	vst v1;
	v1 =	vpop (erf)  }
0x339: {  	[tilespmem:s19+$0x16840] =	vst v1;
	v1 =	vpop (erf)  }
0x33a: {  	[tilespmem:s19+$0x16850] =	vst v1;
	v1 =	vpop (erf)  }
0x33b: {  	s18 =	sadd.s32 $0x1, s18;
	[tilespmem:s19+$0x16860] =	vst v1;
	v1 =	vpop (erf)  }
0x33c: {  	p0 =	sne.s32 s18, s13;
	[tilespmem:s19+$0x16870] =	vst v1  }
.Ltmp20:
0x33d: {  	[bflag:$0x0] =	sbarrier.arrive $0xFFFF;
	(pc) =	sbr.rel @p0 .LBB2_1-.Ltmp20, $4  }
0x33e: {  	[hbm4b:s12+s1] =	stream.linear.scatter [tilespmem:s17], [sflag:$0x1], $0x1400, $0x38;
	[tilespmem:$0x17C00] =	vst v63  }
0x33f: {  	_ =	swait.ge [sflag:s14], $0x1400  }
0x340: {  	[sflag:s14] =	ssyncset.done $0x0  }
0x341: {  	[sflag:s14] =	ssyncadd.s32 $0xFFFFEC00  }
0x342: {  	_ =	sfence.sel $0x180000  }
0x343: {  	[bflag:$0x0] =	sbarrier.arrive $0xFFFF  }
0x344: {  	p0 =	sne.s32 s2, $0x0;
	_ =	strace $0x90000050  }
0x345: {  	s0 =	sadd.s32 @!p0 $0x100000, s0;
	[bflag:$0x2] =	sbarrier.arrive $0xFFFF  }
0x346: {  	[sflag:s0] =	ssyncadd.tile.s32 @!p0 $0x1;
	_ =	shalt  }
.Lfunc_end2:
_tile_overlayer_lowered:
.L_overlay_start_2:
0x347: {  	(tag) =	ssettag $0x2  }
0x348: {  	s0 =	rddreg [dreg:$0x0];
	s2 =	stileid.u32  }
0x349: {  	s1 =	rddreg [dreg:$0x1];
	p0 =	sne.s32 s2, $0x0  }
0x34a: {  	s3 =	rddreg [dreg:$0x2];
	[bflag:$0x3] =	sbarrier.arrive $0xFFFF;
	s2 =	simm.s32 @!p0 $0x1C01  }
0x34b: {  	[timem:s3], [sflag:s2] =	dma.local @!p0 [hbm:s0], s1  }
0x34c: {  	s0 =	simm.s32 @!p0 $0x1  }
0x34d: {  	_ =	swait.ge @!p0 [sflag:s0], s1  }
0x34e: {  	s1 =	ssub.s32 @!p0 $0x0, s1;
	[sflag:s0] =	ssyncset.done @!p0 $0x0  }
0x34f: {  	[sflag:s0] =	ssyncadd.s32 @!p0 s1  }
0x350: {  	[bflag:$0x3] =	sbarrier.arrive $0xFFFF  }
0x351: {  	_ =	shalt  }

// kernel: kernel.9.cloned.1.call-start
scs
__scs_entry_jumppad:
0x0: {  	(pc) =	sbr.rel $0x88, $3  }
0x1: {  	(tag) =	ssettag $0x0;
	lr =	simm.s32 $0x1  }
0x2: {  	[smem:$0x3F9B] =	sst lr;
	_ =	strace $0xD0000000  }
0x3: {  	_ = 	snop  }
0x4: {  	_ = 	snop  }
0x5: {  	_ = 	snop  }
0x6: {  	_ = 	snop  }
0x7: {  	_ = 	snop  }
__scs_overlays_trampoline_lowered:
0x8: {  	[smem:$0x3FAA] =	sst s0  }
0x9: {  	[smem:$0x3FAB] =	sst s1  }
0xa: {  	[smem:$0x3FAC] =	sst s2  }
0xb: {  	[smem:$0x3FAD] =	sst s3  }
0xc: {  	[smem:$0x3FAE] =	sst s4  }
0xd: {  	[smem:$0x3FAF] =	sst s5  }
0xe: {  	[smem:$0x3FB0] =	sst s6  }
0xf: {  	[smem:$0x3FB1] =	sst s7  }
0x10: {  	[smem:$0x3FB2] =	sst s8  }
0x11: {  	[smem:$0x3FB3] =	sst s9;
	s0 =	simm.s32 @!p0 $0x0  }
0x12: {  	s1 =	sld [smem:$0x3F99];
	s0 =	simm.s32 @p0 $0x1  }
0x13: {  	[smem:$0x3FB4] =	sst s0;
	s0 =	simm.s32 @!p1 $0x0  }
0x14: {  	s2 =	sld [smem:$0x3F98];
	s0 =	simm.s32 @p1 $0x1  }
0x15: {  	[smem:$0x3FB5] =	sst s0;
	s0 =	simm.s32 @!p2 $0x0  }
0x16: {  	s3 =	sld [smem:$0x3FDB];
	s0 =	simm.s32 @p2 $0x1  }
0x17: {  	s4 =	simm.s32 $0x1BF5;
	[smem:$0x3FB7] =	sst s0  }
0x18: {  	s0 =	sld [smem:$0x3F9A];
	_ =	swait.ge [sflag:s4], $0x0  }
0x19: {  	s7 =	sld [smem:$0x3F9B]  }
0x1a: {  	s8 =	sadd.s32 $0xFFFFE003, lr  }
0x1b: {  	s9 =	sadd.s32 $0xFFFFFEF7, lr;
	s5 =	simm.s32 $0xFFFFFFFF;
	p2 =	slt.u32 s8, $0xFFFFF086  }
0x1c: {  	p1 =	slt.u32 s9, $0xF7A;
	s5 =	simm.s32 @!p2 $0x0  }
0x1d: {  	s5 =	simm.s32 @p1 $0x1;
	p0 =	seq.s32 s7, s2  }
0x1e: {  	s7 =	smul.u32 @!p0 $0xF7A, s2;
	p2 =	seq.s32 @!p0 s5, $0x0  }
0x1f: {  	s9 =	smul.u32 $0xF7A, s1;
	s8 =	simm.s32 @!p0 $0x1BF5;
	p2 =	por !p2, p0  }
0x20: {  	[sflag:s8] =	ssyncset.s32 @!p0 $0xFFFFF086;
	s6 =	sadd.s32 @!p0 s3, s7;
	s7 =	simm.s32 @!p0 $0x108  }
0x21: {  	s3 =	sadd.s32 s3, s9;
	s6 =	sadd.s32 @!p0 $0x88, s6;
	s7 =	simm.s32 @p2 $0x1082  }
0x22: {  	[simem:s7], [sflag:s8] =	dma.local @!p0 [hbm:s6], $0xF7A  }
0x23: {  	s9 =	sor.u32 $0xD0000000, s2;
	s6 =	simm.s32 $0x108;
	_ =	swait.ge @!p0 [sflag:s8], $0x0  }
0x24: {  	s3 =	sadd.s32 $0x88, s3;
	s6 =	simm.s32 @!p1 $0x1082;
	[sflag:s4] =	ssyncset.s32 $0xFFFFF086  }
0x25: {  	[simem:s6], [sflag:s4] =	dma.local [hbm:s3], $0xF7A  }
0x26: {  	[smem:$0x3F9B] =	sst s1;
	(tag) =	ssettag s2;
	_ =	strace s9  }
0x27: {  	s1 =	sld [smem:$0x3FAB]  }
0x28: {  	s2 =	sld [smem:$0x3FAC]  }
0x29: {  	s4 =	sld [smem:$0x3FAE]  }
0x2a: {  	p0 =	seq.s32 s5, $0x0;
	s5 =	sld [smem:$0x3FAF]  }
0x2b: {  	s6 =	sld [smem:$0x3FB0]  }
0x2c: {  	s7 =	sld [smem:$0x3FB1]  }
0x2d: {  	s3 =	simm.s32 $0x108;
	s8 =	sld [smem:$0x3FB2]  }
0x2e: {  	s3 =	simm.s32 @!p0 $0x1082;
	s9 =	sld [smem:$0x3FB3]  }
0x2f: {  	lr =	sadd.s32 s0, s3;
	s0 =	sld [smem:$0x3FAA]  }
0x30: {  	s3 =	sld [smem:$0x3FAD]  }
0x31: {  	[smem:$0x3FB6] =	sst s10  }
0x32: {  	s10 =	sld [smem:$0x3FB4];
	_ =	sdelay $0x3  }
0x33: {  	p0 =	seq.s32 s10, $0x1;
	s10 =	sld [smem:$0x3FB6];
	_ =	sdelay $0x3  }
0x34: {  	[smem:$0x3FB6] =	sst s10  }
0x35: {  	s10 =	sld [smem:$0x3FB5];
	_ =	sdelay $0x3  }
0x36: {  	p1 =	seq.s32 s10, $0x1;
	s10 =	sld [smem:$0x3FB6];
	_ =	sdelay $0x3  }
0x37: {  	[smem:$0x3FB6] =	sst s10  }
0x38: {  	s10 =	sld [smem:$0x3FB7]  }
0x39: {  	_ = 	snop;
	(pc) =	sbr.ind lr, $3  }
0x3a: {  	_ = 	snop  }
0x3b: {  	_ = 	snop  }
0x3c: {  	p2 =	seq.s32 s10, $0x1;
	s10 =	sld [smem:$0x3FB6]  }
0x3d: {  	_ =	shalt  }
0x3e: {  	_ =	shalt  }
0x3f: {  	_ =	shalt  }
0x40: {  	_ =	shalt  }
0x41: {  	_ =	shalt  }
0x42: {  	_ =	shalt  }
0x43: {  	_ =	shalt  }
0x44: {  	_ =	shalt  }
0x45: {  	_ =	shalt  }
0x46: {  	_ =	shalt  }
0x47: {  	_ =	shalt  }
0x48: {  	_ =	shalt  }
0x49: {  	_ =	shalt  }
0x4a: {  	_ =	shalt  }
0x4b: {  	_ =	shalt  }
0x4c: {  	_ =	shalt  }
0x4d: {  	_ =	shalt  }
0x4e: {  	_ =	shalt  }
0x4f: {  	_ =	shalt  }
0x50: {  	_ =	shalt  }
0x51: {  	_ =	shalt  }
0x52: {  	_ =	shalt  }
0x53: {  	_ =	shalt  }
0x54: {  	_ =	shalt  }
0x55: {  	_ =	shalt  }
0x56: {  	_ =	shalt  }
0x57: {  	_ =	shalt  }
0x58: {  	_ =	shalt  }
0x59: {  	_ =	shalt  }
0x5a: {  	_ =	shalt  }
0x5b: {  	_ =	shalt  }
0x5c: {  	_ =	shalt  }
0x5d: {  	_ =	shalt  }
0x5e: {  	_ =	shalt  }
0x5f: {  	_ =	shalt  }
0x60: {  	_ =	shalt  }
0x61: {  	_ =	shalt  }
0x62: {  	_ =	shalt  }
0x63: {  	_ =	shalt  }
0x64: {  	_ =	shalt  }
0x65: {  	_ =	shalt  }
0x66: {  	_ =	shalt  }
0x67: {  	_ =	shalt  }
0x68: {  	_ =	shalt  }
0x69: {  	_ =	shalt  }
0x6a: {  	_ =	shalt  }
0x6b: {  	_ =	shalt  }
0x6c: {  	_ =	shalt  }
0x6d: {  	_ =	shalt  }
0x6e: {  	_ =	shalt  }
0x6f: {  	_ =	shalt  }
0x70: {  	_ =	shalt  }
0x71: {  	_ =	shalt  }
0x72: {  	_ =	shalt  }
0x73: {  	_ =	shalt  }
0x74: {  	_ =	shalt  }
0x75: {  	_ =	shalt  }
0x76: {  	_ =	shalt  }
0x77: {  	_ =	shalt  }
0x78: {  	_ =	shalt  }
0x79: {  	_ =	shalt  }
0x7a: {  	_ =	shalt  }
0x7b: {  	_ =	shalt  }
0x7c: {  	_ =	shalt  }
0x7d: {  	_ =	shalt  }
0x7e: {  	_ =	shalt  }
0x7f: {  	_ =	shalt  }
0x80: {  	_ =	shalt  }
0x81: {  	_ =	shalt  }
0x82: {  	_ =	shalt  }
0x83: {  	_ =	shalt  }
0x84: {  	_ =	shalt  }
0x85: {  	_ =	shalt  }
0x86: {  	_ =	shalt  }
0x87: {  	_ =	shalt  }
.Lfunc_end0:
.L_simem_size_0:
called_computation_lowered:
.L_overlay_start_0:
0x88: {  	s2 =	sld [smem:$0x3FD9]  }
0x89: {  	s3 =	sld [smem:$0x3FFE];
	_ =	sdelay $0x1  }
0x8a: {  	s1 =	srdreg.scid  }
0x8b: {  	s0 =	sand.u32 $0x1, s1  }
0x8c: {  	s16 =	sshll.u32 s0, $0xA;
	s2 =	sadd.s32 s3, s2  }
0x8d: {  	s2 =	sadd.s32 s2, s16  }
0x8e: {  	[smem:$0x3FC2] =	sst s2  }
0x8f: {  	_ = 	snop  }
0x90: {  	(tm) =	ssettm $0x1  }
0x91: {  	s17 =	sld [smem:$0x3FFB];
	_ =	sdelay $0x3  }
0x92: {  	_ =	strace s17  }
0x93: {  	s2 =	sld [smem:$0x3FFC];
	_ =	sdelay $0x3  }
0x94: {  	_ =	strace s2  }
0x95: {  	s2 =	sld [smem:$0x3FFD];
	_ =	sdelay $0x3  }
0x96: {  	_ =	strace s2  }
0x97: {  	_ =	strace $0x8FFFFFFF  }
0x98: {  	s18 =	sld [smem:$0x3FDB];
	_ =	sdelay $0x1  }
0x99: {  	s19 =	simm.s32 $_scs_section_size  }
0x9a: {  	s4 =	simm.s32 $_size__tile_overlayer_lowered;
	s5 =	simm.s32 $_tile_overlayer_lowered  }
0x9b: {  	s22 =	simm.s32 $0x1BFF;
	s21 =	sshll.u32 s5, $0x1;
	s2 =	sadd.s32 s19, s18  }
0x9c: {  	s6 =	simm.s32 $0x0;
	s20 =	sshll.u32 s4, $0x1;
	s4 =	sadd.s32 s21, s2  }
0x9d: {  	[timem:s6], [sflag:s22] =	dma.local [hbm:s4], s20  }
0x9e: {  	_ =	swait.ge [sflag:s22], s20  }
0x9f: {  	s3 =	ssub.s32 $0x0, s20;
	[sflag:s22] =	ssyncset.done $0x0  }
0xa0: {  	[sflag:s22] =	ssyncadd.s32 s3;
	_ =	sdelay $0x1  }
0xa1: {  	s23 =	simm.s32 $0x1B8B  }
0xa2: {  	_ =	swait.ge [sflag:s23], $0x1  }
0xa3: {  	[sflag:s23] =	ssyncset.done $0x0  }
0xa4: {  	s25 =	simm.s32 $0x1B8E;
	s24 =	sld [smem:$0x3FFE];
	[sflag:s23] =	ssyncadd.s32 $0xFFFFFFFF  }
0xa5: {  	s26 =	simm.s32 $execute0_lowered;
	[smem:$0x3FD2] =	sst s25  }
0xa6: {  	s4 =	sshll.u32 s26, $0x1;
	_ =	strace $0x80000046;
	[dreg:$0x1] =	wrdreg $0xFFFFFFFF  }
0xa7: {  	s28 =	simm.s32 $_size_execute0_lowered;
	s2 =	sadd.s32 s2, s4;
	[dreg:$0x0] =	wrdreg $0x0  }
0xa8: {  	s4 =	sshll.u32 s28, $0x1;
	[dreg:$0x2] =	wrdreg s2  }
0xa9: {  	[dreg:$0x3] =	wrdreg s4  }
0xaa: {  	[dreg:$0x4] =	wrdreg $0xC0  }
0xab: {  	_ =	task [dreg:s6], $0x5FFFF  }
0xac: {  	[dreg:$0x1] =	wrdreg $0xFFFFFFFF  }
0xad: {  	[dreg:$0x0] =	wrdreg $0x60  }
0xae: {  	[dreg:$0x2] =	wrdreg s24  }
0xaf: {  	[dreg:$0x3] =	wrdreg $0x9  }
0xb0: {  	_ =	task.clear_ibuf [dreg:s6], $0x4FFFF;
	_ =	strace $0x90000046  }
0xb1: {  	s29 =	simm.s32 $0x9;
	_ =	strace $0x80000048  }
0xb2: {  	_ =	swait.ge [sflag:s29], $0x1  }
0xb3: {  	[sflag:s29] =	ssyncadd.s32 $0xFFFFFFFF  }
0xb4: {  	_ =	strace $0x90000048  }
0xb5: {  	_ =	sfence  }
0xb6: {  	s30 =	sld [smem:$0x0];
	_ =	sdelay $0x2  }
0xb7: {  	s31 =	sshll.u32 s1, $0xD;
	s1 =	sshrl.u32 s1, $0x2  }
0xb8: {  	s3 =	sand.u32 $0x4000, s31;
	s1 =	sadd.s32 s1, s30  }
0xb9: {  	s0 =	sor.u32 s3, s0;
	s1 =	sshll.u32 s1, $0x11  }
0xba: {  	s0 =	sor.u32 s1, s0  }
0xbb: {  	s0 =	sadd.s32 $0x8F2B, s0  }
0xbc: {  	[sflag:s0] =	ssyncadd.remote.s32 $0x1  }
0xbd: {  	_ =	sfence.sel $0xFFFF  }
0xbe: {  	[dreg:$0x0] =	wrdreg $0xFFFFFFFF;
	(pc) =	sbr.abs _section_cstart, $3  }
0xbf: {  	[dreg:$0x1] =	wrdreg $0xFFFFFFFF  }
0xc0: {  	_ =	task.clear_ibuf [dreg:s6], $0x2FFFF;
	_ =	strace $0x9FFFFFFF  }
0xc1: {  	(tm) =	ssettm $0x7FFFFFFF  }
tec
execute0_lowered:
.L_overlay_start_1:
0x0: {  	(tag) =	ssettag $0x1  }
0x1: {  	s0 =	srdreg.scid  }
0x2: {  	s4 =	rddreg [dreg:$0x0];
	s3 =	sand.u32 $0x1, s0  }
0x3: {  	s1 =	stileid.u32;
	s7 =	simm.s32 $0x2800;
	s2 =	sshll.u32 s3, $0x4  }
0x4: {  	s0 =	rddreg [dreg:$0x1];
	s3 =	ssub.s32 $0x2, s3;
	s5 =	sor.u32 s1, s2  }
0x5: {  	s2 =	simm.s32 $0x0;
	s6 =	sshrl.u32 s3, $0x1;
	s5 =	smul.u32 $0x500, s5  }
0x6: {  	s8 =	simm.s32 $0x0;
	[smem:$0x7FF] =	sst s2;
	s31 =	ssub.s32 s3, s6  }
0x7: {  	s6 =	simm.s32 $0x1;
	_ =	strace $0x80000047;
	s4 =	sadd.s32 s5, s4  }
0x8: {  	v0 =	vimm.f32 $0.0e+00;
	v1 =	vimm.f32 $1.000000000e+00;
	s5 =	smax.u32 s31, $0x1;
	s3 =	sadd.s32 $0xD000, s4;
	s4 =	sadd.s32 $0x17000, s4  }
.LBB2_1:
0x9: {  	[tilespmem:s2], [sflag:$0x1] =	stream.linear.gather [hbm4b:s3+s2], $0x2800, $0x38;
	[tilespmem:$0x5000] =	vst v63  }
0xa: {  	_ =	swait.ge [sflag:s6], $0x2800  }
0xb: {  	[sflag:s6] =	ssyncset.done $0x0  }
0xc: {  	s9 =	simm.s32 $0x0;
	s10 =	simm.s32 $0x200;
	[sflag:s6] =	ssyncadd.s32 $0xFFFFD800  }
.LBB2_2:
0xd: {  	p0 =	sne.s32 s10, $0x9E00;
	[tilespmem:s9+$0x2870] =	vst v0  }
0xe: {  	[tilespmem:s9+$0x2800] =	vst v0  }
0xf: {  	[tilespmem:s9+$0x2810] =	vst v0  }
.Ltmp0:
0x10: {  	[tilespmem:s9+$0x2820] =	vst v0;
	(pc) =	sbr.rel @p0 .LBB2_2-.Ltmp0, $4  }
0x11: {  	[tilespmem:s9+$0x2830] =	vst v0  }
0x12: {  	[tilespmem:s9+$0x2840] =	vst v0  }
0x13: {  	[tilespmem:s9+$0x2850] =	vst v0  }
0x14: {  	[tilespmem:s9+$0x2860] =	vst v0;
	s9 =	sshra.s32 s10, $0x2;
	s10 =	sadd.s32 $0x200, s10  }
0x15: {  	[tilespmem:s9+$0x2870] =	vst v0  }
0x16: {  	[tilespmem:s9+$0x2800] =	vst v0  }
0x17: {  	[tilespmem:s9+$0x2810] =	vst v0  }
0x18: {  	[tilespmem:s9+$0x2820] =	vst v0  }
0x19: {  	[tilespmem:s9+$0x2830] =	vst v0  }
0x1a: {  	[tilespmem:s9+$0x2840] =	vst v0  }
0x1b: {  	[tilespmem:s9+$0x2850] =	vst v0  }
0x1c: {  	[tilespmem:s9+$0x2860] =	vst v0;
	s9 =	simm.s32 $0x1C0  }
.LBB2_4:
0x1d: {  	s10 =	sshra.s32 s9, $0x2  }
0x1e: {  	v2 =	vld [tilespmem:s10+$0xFFFFFF90];
	_ =	sdelay $0x7  }
0x1f: {  	[tilespmem:v2+s7+$0x0] =	vst.idx.add.f32.msk $0xffff, v1  }
0x20: {  	v2 =	vld [tilespmem:s10+$0xFFFFFFA0];
	_ =	sdelay $0x7  }
0x21: {  	[tilespmem:v2+s7+$0x0] =	vst.idx.add.f32.msk $0xffff, v1  }
0x22: {  	v2 =	vld [tilespmem:s10+$0xFFFFFFB0];
	_ =	sdelay $0x7  }
0x23: {  	[tilespmem:v2+s7+$0x0] =	vst.idx.add.f32.msk $0xffff, v1  }
0x24: {  	v2 =	vld [tilespmem:s10+$0xFFFFFFC0];
	_ =	sdelay $0x7  }
0x25: {  	[tilespmem:v2+s7+$0x0] =	vst.idx.add.f32.msk $0xffff, v1  }
0x26: {  	v2 =	vld [tilespmem:s10+$0xFFFFFFD0];
	_ =	sdelay $0x7  }
0x27: {  	[tilespmem:v2+s7+$0x0] =	vst.idx.add.f32.msk $0xffff, v1  }
0x28: {  	v2 =	vld [tilespmem:s10+$0xFFFFFFE0];
	_ =	sdelay $0x7  }
0x29: {  	[tilespmem:v2+s7+$0x0] =	vst.idx.add.f32.msk $0xffff, v1  }
0x2a: {  	v2 =	vld [tilespmem:s10+$0xFFFFFFF0];
	_ =	sdelay $0x7  }
0x2b: {  	[tilespmem:v2+s7+$0x0] =	vst.idx.add.f32.msk $0xffff, v1  }
0x2c: {  	v2 =	vld [tilespmem:s10+$0x0];
	_ =	sdelay $0x2  }
0x2d: {  	p0 =	sne.s32 s9, $0x9FC0  }
.Ltmp1:
0x2e: {  	_ = 	snop;
	(pc) =	sbr.rel @p0 .LBB2_4-.Ltmp1, $2  }
0x2f: {  	_ =	sdelay $0x2  }
0x30: {  	s9 =	sadd.s32 $0x200, s9;
	[tilespmem:v2+s7+$0x0] =	vst.idx.add.f32.msk $0xffff, v1  }
0x31: {  	s8 =	sadd.s32 $0x1, s8  }
0x32: {  	p0 =	sne.s32 s8, s5  }
.Ltmp2:
0x33: {  	[bflag:$0x0] =	sbarrier.arrive $0xFFFF;
	(pc) =	sbr.rel @p0 .LBB2_1-.Ltmp2, $4  }
0x34: {  	[hbm4b:s4+s2] =	stream.linear.scatter [tilespmem:s7], [sflag:$0x1], $0x2800, $0x38;
	[tilespmem:$0x5000] =	vst v63  }
0x35: {  	_ =	swait.ge [sflag:s6], $0x2800  }
0x36: {  	[sflag:s6] =	ssyncset.done $0x0  }
0x37: {  	[sflag:s6] =	ssyncadd.s32 $0xFFFFD800  }
0x38: {  	_ =	sfence.sel $0x180000  }
0x39: {  	[bflag:$0x0] =	sbarrier.arrive $0xFFFF  }
0x3a: {  	p0 =	sne.s32 s1, $0x0;
	_ =	strace $0x90000047  }
0x3b: {  	s0 =	sadd.s32 @!p0 $0x100000, s0;
	[bflag:$0x2] =	sbarrier.arrive $0xFFFF  }
0x3c: {  	[sflag:s0] =	ssyncadd.tile.s32 @!p0 $0x1;
	_ =	shalt  }
.Lfunc_end2:
_tile_overlayer_lowered:
.L_overlay_start_2:
0x3d: {  	(tag) =	ssettag $0x2  }
0x3e: {  	s0 =	rddreg [dreg:$0x0];
	s2 =	stileid.u32  }
0x3f: {  	s1 =	rddreg [dreg:$0x1];
	p0 =	sne.s32 s2, $0x0  }
0x40: {  	s3 =	rddreg [dreg:$0x2];
	[bflag:$0x3] =	sbarrier.arrive $0xFFFF;
	s2 =	simm.s32 @!p0 $0x1C01  }
0x41: {  	[timem:s3], [sflag:s2] =	dma.local @!p0 [hbm:s0], s1  }
0x42: {  	s0 =	simm.s32 @!p0 $0x1  }
0x43: {  	_ =	swait.ge @!p0 [sflag:s0], s1  }
0x44: {  	s1 =	ssub.s32 @!p0 $0x0, s1;
	[sflag:s0] =	ssyncset.done @!p0 $0x0  }
0x45: {  	[sflag:s0] =	ssyncadd.s32 @!p0 s1  }
0x46: {  	[bflag:$0x3] =	sbarrier.arrive $0xFFFF  }
0x47: {  	_ =	shalt  }

</sc_bundles>
